<compile_context>
chip_gen: v7x
topology: tpu7x:2x2x1
jax: 0.10.2.dev20260603
libtpu: 0.0.44.dev20260713+nightly
codegen_flags: <defaults>
</compile_context>

<pallas_src>
import functools

import jax
import jax.numpy as jnp
from jax import lax
from jax.experimental import pallas as pl
from jax.experimental.pallas import tpu as pltpu
from jax.experimental.pallas import tpu_sc as plsc

D = 128
DW = D // 2
L = 16
CHUNK = 80
NBUF = 4

_GATHER_DNUMS = lax.GatherDimensionNumbers(
    offset_dims=(), collapsed_slice_dims=(0,), start_index_map=(0,))


def _xlane(v, idx):
    return lax.gather(v, idx[:, None], _GATHER_DNUMS, (1,),
                      mode=lax.GatherScatterMode.PROMISE_IN_BOUNDS)


@functools.cache
def _build(n_edges: int):
    info = plsc.get_sparse_core_info()
    nw = info.num_cores * info.num_subcores
    per_w = n_edges // nw
    n_chunks = per_w // CHUNK
    assert CHUNK % L == 0 and per_w % CHUNK == 0 and n_chunks >= 2 * NBUF
    mesh = plsc.VectorSubcoreMesh(core_axis_name="c", subcore_axis_name="s")

    scratch = (
        [pltpu.VMEM((CHUNK,), jnp.int32) for _ in range(2 * NBUF)]
        + [x for _ in range(NBUF)
           for x in (pltpu.VMEM((CHUNK, DW), jnp.int32),
                     pltpu.VMEM((CHUNK, DW), jnp.int32))]
        + [pltpu.VMEM((CHUNK,), jnp.float32) for _ in range(NBUF)]
        + [pltpu.VMEM((CHUNK, L), jnp.float32)]
        + [pltpu.SemaphoreType.DMA] * (5 * NBUF)
    )

    @functools.partial(
        pl.kernel,
        mesh=mesh,
        out_type=jax.ShapeDtypeStruct((n_edges,), jnp.float32),
        scratch_types=scratch,
        compiler_params=pltpu.CompilerParams(use_tc_tiling_on_sc=False),
    )
    def dot_scores(src_hbm, dst_hbm, h_hbm, hpk_hbm, out_hbm, *sc):
        idx_refs = sc[0:2 * NBUF]
        row_refs = sc[2 * NBUF:4 * NBUF]
        out_refs = sc[4 * NBUF:5 * NBUF]
        acc_v = sc[5 * NBUF]
        sems = sc[5 * NBUF + 1:]
        ibufs = tuple((idx_refs[2 * b], idx_refs[2 * b + 1],
                       sems[2 * b], sems[2 * b + 1]) for b in range(NBUF))
        rbufs = tuple((row_refs[2 * b], row_refs[2 * b + 1],
                       sems[2 * NBUF + 2 * b], sems[2 * NBUF + 2 * b + 1])
                      for b in range(NBUF))
        obufs = tuple((out_refs[b], sems[4 * NBUF + b]) for b in range(NBUF))

        wid = lax.axis_index("s") * info.num_cores + lax.axis_index("c")
        base = wid * per_w
        lane = lax.iota(jnp.int32, L)

        def issue_idx(c, b):
            i_s, i_d, s_s, s_d = ibufs[b]
            off = base + c * CHUNK
            pltpu.async_copy(src_hbm.at[pl.ds(off, CHUNK)], i_s, s_s)
            pltpu.async_copy(dst_hbm.at[pl.ds(off, CHUNK)], i_d, s_d)

        def wait_idx(b):
            i_s, i_d, s_s, s_d = ibufs[b]
            dummy = src_hbm.at[pl.ds(0, CHUNK)]
            pltpu.make_async_copy(dummy, i_s, s_s).wait()
            pltpu.make_async_copy(dummy, i_d, s_d).wait()

        def issue_rows(b):
            i_s, i_d, _, _ = ibufs[b]
            r_s, r_d, s_s, s_d = rbufs[b]
            pltpu.async_copy(hpk_hbm.at[i_s], r_s, s_s)
            pltpu.async_copy(hpk_hbm.at[i_d], r_d, s_d)

        def wait_rows(b):
            i_s, i_d, _, _ = ibufs[b]
            r_s, r_d, s_s, s_d = rbufs[b]
            pltpu.make_async_copy(hpk_hbm.at[i_s], r_s, s_s).wait()
            pltpu.make_async_copy(hpk_hbm.at[i_d], r_d, s_d).wait()

        def wait_out(b):
            o_v, s_o = obufs[b]
            dummy = out_hbm.at[pl.ds(0, CHUNK)]
            pltpu.make_async_copy(o_v, dummy, s_o).wait()

        perms = [lane ^ o for o in (1, 2, 4, 8)]
        keeps = [(lane & o) == 0 for o in (1, 2, 4, 8)]

        def process(c, b):
            r_s, r_d, _, _ = rbufs[b]
            o_v, s_o = obufs[b]

            wait_rows(b)

            @pl.when(c + NBUF - 1 < n_chunks)
            def _():
                nb = (b + NBUF - 1) % NBUF
                wait_idx(nb)
                issue_rows(nb)

            @pl.when(c + NBUF < n_chunks)
            def _():
                issue_idx(c + NBUF, b)

            @pl.when(c >= NBUF)
            def _():
                wait_out(b)

            @plsc.parallel_loop(0, CHUNK)
            def edge_body(row):
                acc = None
                for k in range(DW // L):
                    a = r_s[row, pl.ds(k * L, L)]
                    b = r_d[row, pl.ds(k * L, L)]
                    bc = lax.bitcast_convert_type
                    a_lo = bc(a << 16, jnp.float32)
                    a_hi = bc(a, jnp.float32)
                    b_lo = bc(b << 16, jnp.float32)
                    b_hi = bc(b, jnp.float32)
                    term = a_lo * b_lo + a_hi * b_hi
                    acc = term if acc is None else acc + term
                acc_v[row, 0:L] = acc

            @plsc.parallel_loop(0, CHUNK // L)
            def group_body(g):
                e0 = g * L
                stack = []
                for e in range(L):
                    lvl, vec = 0, acc_v[e0 + e, 0:L]
                    while stack and stack[-1][0] == lvl:
                        _, prev = stack.pop()
                        bu = prev + _xlane(prev, perms[lvl])
                        bv = vec + _xlane(vec, perms[lvl])
                        vec = jnp.where(keeps[lvl], bu, bv)
                        lvl += 1
                    stack.append((lvl, vec))
                o_v[pl.ds(e0, L)] = stack[0][1]

            pltpu.async_copy(o_v, out_hbm.at[pl.ds(base + c * CHUNK, CHUNK)],
                             s_o)

        for c in range(NBUF):
            issue_idx(c, c)
        for c in range(NBUF - 1):
            wait_idx(c)
            issue_rows(c)

        def trip_body(p, _):
            for r in range(NBUF):
                process(NBUF * p + r, r)
            return 0

        n_full = n_chunks // NBUF
        lax.fori_loop(0, n_full, trip_body, 0)
        for c in range(NBUF * n_full, n_chunks):
            process(c, c % NBUF)
        for c in range(n_chunks - NBUF, n_chunks):
            wait_out(c % NBUF)

    return dot_scores


def kernel(h, edge_index):
    n_edges = edge_index.shape[1]
    idx = edge_index.astype(jnp.int32)
    hb = h.astype(jnp.bfloat16)
    hpk = lax.bitcast_convert_type(
        jnp.stack([hb[:, :DW], hb[:, DW:]], axis=2), jnp.int32)
    return _build(n_edges)(idx[0], idx[1], h, hpk)

# --- scband reference (transcript-rebuilt; emitter-appended) ---
"""Pipeline reference for scband-dot-predictor-78159814853165 (READ-ONLY COPY).

The authoritative reference and input builder live on the scoring server;
editing this copy changes nothing except your own understanding.
"""

import jax, jax.numpy as jnp
import numpy as np


def setup_inputs(seed: int = 0) -> dict:
    key = jax.random.key(seed)
    k1, k2 = jax.random.split(key)
    h = jax.random.normal(k1, (10000, 128), dtype=jnp.float32)
    edge_index = jax.random.randint(k2, (2, 320000), 0, 10000, dtype=jnp.int64)
    return {"h": h, "edge_index": edge_index}


def reference(h, edge_index):
    # DGL u_dot_v: for each edge (u, v), score = <h[u], h[v]>
    src = edge_index[0]
    dst = edge_index[1]
    h_src = jnp.take(h, src, axis=0)
    h_dst = jnp.take(h, dst, axis=0)
    score = jnp.sum(h_src * h_dst, axis=-1)
    return score

if __name__ == "__main__":
    import jax
    _d = setup_inputs()
    print(jax.jit(kernel)(*tuple(_d.values())))

</pallas_src>

<mosaic_0001>
#map = affine_map<(d0, d1) -> (0)>
#map1 = affine_map<(d0, d1) -> (0, 0)>
module attributes {stable_mosaic.version = 14 : i64} {
  func.func @dot_scores(%arg0: i32, %arg1: i32, %arg2: memref<320000xi32, #tpu.memory_space<hbm>>, %arg3: memref<320000xi32, #tpu.memory_space<hbm>>, %arg4: memref<10000x128xf32, #tpu.memory_space<hbm>>, %arg5: memref<10000x64xi32, #tpu.memory_space<hbm>>, %arg6: memref<320000xf32, #tpu.memory_space<hbm>>, %arg7: memref<80xi32, #tpu.memory_space<vmem>>, %arg8: memref<80xi32, #tpu.memory_space<vmem>>, %arg9: memref<80xi32, #tpu.memory_space<vmem>>, %arg10: memref<80xi32, #tpu.memory_space<vmem>>, %arg11: memref<80xi32, #tpu.memory_space<vmem>>, %arg12: memref<80xi32, #tpu.memory_space<vmem>>, %arg13: memref<80xi32, #tpu.memory_space<vmem>>, %arg14: memref<80xi32, #tpu.memory_space<vmem>>, %arg15: memref<80x64xi32, #tpu.memory_space<vmem>>, %arg16: memref<80x64xi32, #tpu.memory_space<vmem>>, %arg17: memref<80x64xi32, #tpu.memory_space<vmem>>, %arg18: memref<80x64xi32, #tpu.memory_space<vmem>>, %arg19: memref<80x64xi32, #tpu.memory_space<vmem>>, %arg20: memref<80x64xi32, #tpu.memory_space<vmem>>, %arg21: memref<80x64xi32, #tpu.memory_space<vmem>>, %arg22: memref<80x64xi32, #tpu.memory_space<vmem>>, %arg23: memref<80xf32, #tpu.memory_space<vmem>>, %arg24: memref<80xf32, #tpu.memory_space<vmem>>, %arg25: memref<80xf32, #tpu.memory_space<vmem>>, %arg26: memref<80xf32, #tpu.memory_space<vmem>>, %arg27: memref<80x16xf32, #tpu.memory_space<vmem>>, %arg28: memref<!tpu.dma_semaphore, #tpu.memory_space<semaphore_mem>>, %arg29: memref<!tpu.dma_semaphore, #tpu.memory_space<semaphore_mem>>, %arg30: memref<!tpu.dma_semaphore, #tpu.memory_space<semaphore_mem>>, %arg31: memref<!tpu.dma_semaphore, #tpu.memory_space<semaphore_mem>>, %arg32: memref<!tpu.dma_semaphore, #tpu.memory_space<semaphore_mem>>, %arg33: memref<!tpu.dma_semaphore, #tpu.memory_space<semaphore_mem>>, %arg34: memref<!tpu.dma_semaphore, #tpu.memory_space<semaphore_mem>>, %arg35: memref<!tpu.dma_semaphore, #tpu.memory_space<semaphore_mem>>, %arg36: memref<!tpu.dma_semaphore, #tpu.memory_space<semaphore_mem>>, %arg37: memref<!tpu.dma_semaphore, #tpu.memory_space<semaphore_mem>>, %arg38: memref<!tpu.dma_semaphore, #tpu.memory_space<semaphore_mem>>, %arg39: memref<!tpu.dma_semaphore, #tpu.memory_space<semaphore_mem>>, %arg40: memref<!tpu.dma_semaphore, #tpu.memory_space<semaphore_mem>>, %arg41: memref<!tpu.dma_semaphore, #tpu.memory_space<semaphore_mem>>, %arg42: memref<!tpu.dma_semaphore, #tpu.memory_space<semaphore_mem>>, %arg43: memref<!tpu.dma_semaphore, #tpu.memory_space<semaphore_mem>>, %arg44: memref<!tpu.dma_semaphore, #tpu.memory_space<semaphore_mem>>, %arg45: memref<!tpu.dma_semaphore, #tpu.memory_space<semaphore_mem>>, %arg46: memref<!tpu.dma_semaphore, #tpu.memory_space<semaphore_mem>>, %arg47: memref<!tpu.dma_semaphore, #tpu.memory_space<semaphore_mem>>) attributes {dimension_semantics = [#tpu.dimension_semantics<core_parallel>, #tpu.dimension_semantics<subcore_parallel>], iteration_bounds = array<i64: 2, 16>, scalar_prefetch = 0 : i64, scratch_operands = 41 : i64, tpu.core_type = #tpu.core_type<sc_vector_subcore>, window_params = [{transform_indices = #map}, {transform_indices = #map}, {transform_indices = #map1}, {transform_indices = #map1}, {transform_indices = #map}]} {
    %mul3A = arith.constant 2 : i32
    %mul3A_0 = arith.muli %arg1, %mul3A : i32
    %add3A = arith.addi %mul3A_0, %arg0 : i32
    %mul3A_1 = arith.constant 10000 : i32
    %mul3A_2 = arith.muli %add3A, %mul3A_1 : i32
    %iota3A = tpu.iota {dimensions = array<i32: 0>} : vector<16xi32>
    %xor3A = arith.constant 1 : i32
    %xor3A_3 = vector.broadcast %xor3A : i32 to vector<16xi32>
    %xor3A_4 = arith.xori %iota3A, %xor3A_3 : vector<16xi32>
    %xor3A_5 = arith.constant 2 : i32
    %xor3A_6 = vector.broadcast %xor3A_5 : i32 to vector<16xi32>
    %xor3A_7 = arith.xori %iota3A, %xor3A_6 : vector<16xi32>
    %xor3A_8 = arith.constant 4 : i32
    %xor3A_9 = vector.broadcast %xor3A_8 : i32 to vector<16xi32>
    %xor3A_10 = arith.xori %iota3A, %xor3A_9 : vector<16xi32>
    %xor3A_11 = arith.constant 8 : i32
    %xor3A_12 = vector.broadcast %xor3A_11 : i32 to vector<16xi32>
    %xor3A_13 = arith.xori %iota3A, %xor3A_12 : vector<16xi32>
    %and3A = arith.constant 1 : i32
    %and3A_14 = vector.broadcast %and3A : i32 to vector<16xi32>
    %and3A_15 = arith.andi %iota3A, %and3A_14 : vector<16xi32>
    %eq3A = arith.constant 0 : i32
    %eq3A_16 = vector.broadcast %eq3A : i32 to vector<16xi32>
    %eq3A_17 = arith.cmpi eq, %and3A_15, %eq3A_16 : vector<16xi32>
    %and3A_18 = arith.constant 2 : i32
    %and3A_19 = vector.broadcast %and3A_18 : i32 to vector<16xi32>
    %and3A_20 = arith.andi %iota3A, %and3A_19 : vector<16xi32>
    %eq3A_21 = arith.constant 0 : i32
    %eq3A_22 = vector.broadcast %eq3A_21 : i32 to vector<16xi32>
    %eq3A_23 = arith.cmpi eq, %and3A_20, %eq3A_22 : vector<16xi32>
    %and3A_24 = arith.constant 4 : i32
    %and3A_25 = vector.broadcast %and3A_24 : i32 to vector<16xi32>
    %and3A_26 = arith.andi %iota3A, %and3A_25 : vector<16xi32>
    %eq3A_27 = arith.constant 0 : i32
    %eq3A_28 = vector.broadcast %eq3A_27 : i32 to vector<16xi32>
    %eq3A_29 = arith.cmpi eq, %and3A_26, %eq3A_28 : vector<16xi32>
    %and3A_30 = arith.constant 8 : i32
    %and3A_31 = vector.broadcast %and3A_30 : i32 to vector<16xi32>
    %and3A_32 = arith.andi %iota3A, %and3A_31 : vector<16xi32>
    %eq3A_33 = arith.constant 0 : i32
    %eq3A_34 = vector.broadcast %eq3A_33 : i32 to vector<16xi32>
    %eq3A_35 = arith.cmpi eq, %and3A_32, %eq3A_34 : vector<16xi32>
    %add3A_36 = arith.constant 0 : i32
    %add3A_37 = arith.addi %mul3A_2, %add3A_36 : i32
    %dma_start3A = tpu.memref_slice %arg2[%add3A_37] : memref<320000xi32, #tpu.memory_space<hbm>> -> memref<80xi32, #tpu.memory_space<hbm>>
    %dma_start3A_38 = tpu.memref_slice %arg2[%add3A_37] : memref<320000xi32, #tpu.memory_space<hbm>> -> memref<80xi32, #tpu.memory_space<hbm>>
    tpu.enqueue_dma source(%dma_start3A_38 : memref<80xi32, #tpu.memory_space<hbm>>) target(%arg7 : memref<80xi32, #tpu.memory_space<vmem>>) target_semaphore(%arg28 : memref<!tpu.dma_semaphore, #tpu.memory_space<semaphore_mem>>)
    %dma_start3A_39 = tpu.memref_slice %arg3[%add3A_37] : memref<320000xi32, #tpu.memory_space<hbm>> -> memref<80xi32, #tpu.memory_space<hbm>>
    %dma_start3A_40 = tpu.memref_slice %arg3[%add3A_37] : memref<320000xi32, #tpu.memory_space<hbm>> -> memref<80xi32, #tpu.memory_space<hbm>>
    tpu.enqueue_dma source(%dma_start3A_40 : memref<80xi32, #tpu.memory_space<hbm>>) target(%arg8 : memref<80xi32, #tpu.memory_space<vmem>>) target_semaphore(%arg29 : memref<!tpu.dma_semaphore, #tpu.memory_space<semaphore_mem>>)
    %add3A_41 = arith.constant 80 : i32
    %add3A_42 = arith.addi %mul3A_2, %add3A_41 : i32
    %dma_start3A_43 = tpu.memref_slice %arg2[%add3A_42] : memref<320000xi32, #tpu.memory_space<hbm>> -> memref<80xi32, #tpu.memory_space<hbm>>
    %dma_start3A_44 = tpu.memref_slice %arg2[%add3A_42] : memref<320000xi32, #tpu.memory_space<hbm>> -> memref<80xi32, #tpu.memory_space<hbm>>
    tpu.enqueue_dma source(%dma_start3A_44 : memref<80xi32, #tpu.memory_space<hbm>>) target(%arg9 : memref<80xi32, #tpu.memory_space<vmem>>) target_semaphore(%arg30 : memref<!tpu.dma_semaphore, #tpu.memory_space<semaphore_mem>>)
    %dma_start3A_45 = tpu.memref_slice %arg3[%add3A_42] : memref<320000xi32, #tpu.memory_space<hbm>> -> memref<80xi32, #tpu.memory_space<hbm>>
    %dma_start3A_46 = tpu.memref_slice %arg3[%add3A_42] : memref<320000xi32, #tpu.memory_space<hbm>> -> memref<80xi32, #tpu.memory_space<hbm>>
    tpu.enqueue_dma source(%dma_start3A_46 : memref<80xi32, #tpu.memory_space<hbm>>) target(%arg10 : memref<80xi32, #tpu.memory_space<vmem>>) target_semaphore(%arg31 : memref<!tpu.dma_semaphore, #tpu.memory_space<semaphore_mem>>)
    %add3A_47 = arith.constant 160 : i32
    %add3A_48 = arith.addi %mul3A_2, %add3A_47 : i32
    %dma_start3A_49 = tpu.memref_slice %arg2[%add3A_48] : memref<320000xi32, #tpu.memory_space<hbm>> -> memref<80xi32, #tpu.memory_space<hbm>>
    %dma_start3A_50 = tpu.memref_slice %arg2[%add3A_48] : memref<320000xi32, #tpu.memory_space<hbm>> -> memref<80xi32, #tpu.memory_space<hbm>>
    tpu.enqueue_dma source(%dma_start3A_50 : memref<80xi32, #tpu.memory_space<hbm>>) target(%arg11 : memref<80xi32, #tpu.memory_space<vmem>>) target_semaphore(%arg32 : memref<!tpu.dma_semaphore, #tpu.memory_space<semaphore_mem>>)
    %dma_start3A_51 = tpu.memref_slice %arg3[%add3A_48] : memref<320000xi32, #tpu.memory_space<hbm>> -> memref<80xi32, #tpu.memory_space<hbm>>
    %dma_start3A_52 = tpu.memref_slice %arg3[%add3A_48] : memref<320000xi32, #tpu.memory_space<hbm>> -> memref<80xi32, #tpu.memory_space<hbm>>
    tpu.enqueue_dma source(%dma_start3A_52 : memref<80xi32, #tpu.memory_space<hbm>>) target(%arg12 : memref<80xi32, #tpu.memory_space<vmem>>) target_semaphore(%arg33 : memref<!tpu.dma_semaphore, #tpu.memory_space<semaphore_mem>>)
    %add3A_53 = arith.constant 240 : i32
    %add3A_54 = arith.addi %mul3A_2, %add3A_53 : i32
    %dma_start3A_55 = tpu.memref_slice %arg2[%add3A_54] : memref<320000xi32, #tpu.memory_space<hbm>> -> memref<80xi32, #tpu.memory_space<hbm>>
    %dma_start3A_56 = tpu.memref_slice %arg2[%add3A_54] : memref<320000xi32, #tpu.memory_space<hbm>> -> memref<80xi32, #tpu.memory_space<hbm>>
    tpu.enqueue_dma source(%dma_start3A_56 : memref<80xi32, #tpu.memory_space<hbm>>) target(%arg13 : memref<80xi32, #tpu.memory_space<vmem>>) target_semaphore(%arg34 : memref<!tpu.dma_semaphore, #tpu.memory_space<semaphore_mem>>)
    %dma_start3A_57 = tpu.memref_slice %arg3[%add3A_54] : memref<320000xi32, #tpu.memory_space<hbm>> -> memref<80xi32, #tpu.memory_space<hbm>>
    %dma_start3A_58 = tpu.memref_slice %arg3[%add3A_54] : memref<320000xi32, #tpu.memory_space<hbm>> -> memref<80xi32, #tpu.memory_space<hbm>>
    tpu.enqueue_dma source(%dma_start3A_58 : memref<80xi32, #tpu.memory_space<hbm>>) target(%arg14 : memref<80xi32, #tpu.memory_space<vmem>>) target_semaphore(%arg35 : memref<!tpu.dma_semaphore, #tpu.memory_space<semaphore_mem>>)
    %dma_wait3A = arith.constant 0 : i32
    %dma_wait3A_59 = tpu.memref_slice %arg2[%dma_wait3A] : memref<320000xi32, #tpu.memory_space<hbm>> -> memref<80xi32, #tpu.memory_space<hbm>>
    %dma_wait3A_60 = arith.constant 0 : i32
    %dma_wait3A_61 = tpu.memref_slice %arg2[%dma_wait3A_60] : memref<320000xi32, #tpu.memory_space<hbm>> -> memref<80xi32, #tpu.memory_space<hbm>>
    tpu.wait_dma2 semaphore(%arg28 : memref<!tpu.dma_semaphore, #tpu.memory_space<semaphore_mem>>) src(%dma_wait3A_61 : memref<80xi32, #tpu.memory_space<hbm>>) dst(%arg7 : memref<80xi32, #tpu.memory_space<vmem>>)
    %dma_wait3A_62 = arith.constant 0 : i32
    %dma_wait3A_63 = tpu.memref_slice %arg2[%dma_wait3A_62] : memref<320000xi32, #tpu.memory_space<hbm>> -> memref<80xi32, #tpu.memory_space<hbm>>
    %dma_wait3A_64 = arith.constant 0 : i32
    %dma_wait3A_65 = tpu.memref_slice %arg2[%dma_wait3A_64] : memref<320000xi32, #tpu.memory_space<hbm>> -> memref<80xi32, #tpu.memory_space<hbm>>
    tpu.wait_dma2 semaphore(%arg29 : memref<!tpu.dma_semaphore, #tpu.memory_space<semaphore_mem>>) src(%dma_wait3A_65 : memref<80xi32, #tpu.memory_space<hbm>>) dst(%arg8 : memref<80xi32, #tpu.memory_space<vmem>>)
    %dma_start3A_66 = arith.constant 0 : i32
    %dma_start3A_67 = arith.constant 0 : i32
    %dma_start3A_68 = tpu.memref_slice %arg5[%dma_start3A_66, %dma_start3A_67] : memref<10000x64xi32, #tpu.memory_space<hbm>> -> memref<10000x64xi32, #tpu.memory_space<hbm>>
    tpu.enqueue_indirect_dma source(%dma_start3A_68 : memref<10000x64xi32, #tpu.memory_space<hbm>>) target(%arg15 : memref<80x64xi32, #tpu.memory_space<vmem>>) offsets(%arg7 : memref<80xi32, #tpu.memory_space<vmem>>) semaphore(%arg36 : memref<!tpu.dma_semaphore, #tpu.memory_space<semaphore_mem>>)
    %dma_start3A_69 = arith.constant 0 : i32
    %dma_start3A_70 = arith.constant 0 : i32
    %dma_start3A_71 = tpu.memref_slice %arg5[%dma_start3A_69, %dma_start3A_70] : memref<10000x64xi32, #tpu.memory_space<hbm>> -> memref<10000x64xi32, #tpu.memory_space<hbm>>
    tpu.enqueue_indirect_dma source(%dma_start3A_71 : memref<10000x64xi32, #tpu.memory_space<hbm>>) target(%arg16 : memref<80x64xi32, #tpu.memory_space<vmem>>) offsets(%arg8 : memref<80xi32, #tpu.memory_space<vmem>>) semaphore(%arg37 : memref<!tpu.dma_semaphore, #tpu.memory_space<semaphore_mem>>)
    %dma_wait3A_72 = arith.constant 0 : i32
    %dma_wait3A_73 = tpu.memref_slice %arg2[%dma_wait3A_72] : memref<320000xi32, #tpu.memory_space<hbm>> -> memref<80xi32, #tpu.memory_space<hbm>>
    %dma_wait3A_74 = arith.constant 0 : i32
    %dma_wait3A_75 = tpu.memref_slice %arg2[%dma_wait3A_74] : memref<320000xi32, #tpu.memory_space<hbm>> -> memref<80xi32, #tpu.memory_space<hbm>>
    tpu.wait_dma2 semaphore(%arg30 : memref<!tpu.dma_semaphore, #tpu.memory_space<semaphore_mem>>) src(%dma_wait3A_75 : memref<80xi32, #tpu.memory_space<hbm>>) dst(%arg9 : memref<80xi32, #tpu.memory_space<vmem>>)
    %dma_wait3A_76 = arith.constant 0 : i32
    %dma_wait3A_77 = tpu.memref_slice %arg2[%dma_wait3A_76] : memref<320000xi32, #tpu.memory_space<hbm>> -> memref<80xi32, #tpu.memory_space<hbm>>
    %dma_wait3A_78 = arith.constant 0 : i32
    %dma_wait3A_79 = tpu.memref_slice %arg2[%dma_wait3A_78] : memref<320000xi32, #tpu.memory_space<hbm>> -> memref<80xi32, #tpu.memory_space<hbm>>
    tpu.wait_dma2 semaphore(%arg31 : memref<!tpu.dma_semaphore, #tpu.memory_space<semaphore_mem>>) src(%dma_wait3A_79 : memref<80xi32, #tpu.memory_space<hbm>>) dst(%arg10 : memref<80xi32, #tpu.memory_space<vmem>>)
    %dma_start3A_80 = arith.constant 0 : i32
    %dma_start3A_81 = arith.constant 0 : i32
    %dma_start3A_82 = tpu.memref_slice %arg5[%dma_start3A_80, %dma_start3A_81] : memref<10000x64xi32, #tpu.memory_space<hbm>> -> memref<10000x64xi32, #tpu.memory_space<hbm>>
    tpu.enqueue_indirect_dma source(%dma_start3A_82 : memref<10000x64xi32, #tpu.memory_space<hbm>>) target(%arg17 : memref<80x64xi32, #tpu.memory_space<vmem>>) offsets(%arg9 : memref<80xi32, #tpu.memory_space<vmem>>) semaphore(%arg38 : memref<!tpu.dma_semaphore, #tpu.memory_space<semaphore_mem>>)
    %dma_start3A_83 = arith.constant 0 : i32
    %dma_start3A_84 = arith.constant 0 : i32
    %dma_start3A_85 = tpu.memref_slice %arg5[%dma_start3A_83, %dma_start3A_84] : memref<10000x64xi32, #tpu.memory_space<hbm>> -> memref<10000x64xi32, #tpu.memory_space<hbm>>
    tpu.enqueue_indirect_dma source(%dma_start3A_85 : memref<10000x64xi32, #tpu.memory_space<hbm>>) target(%arg18 : memref<80x64xi32, #tpu.memory_space<vmem>>) offsets(%arg10 : memref<80xi32, #tpu.memory_space<vmem>>) semaphore(%arg39 : memref<!tpu.dma_semaphore, #tpu.memory_space<semaphore_mem>>)
    %dma_wait3A_86 = arith.constant 0 : i32
    %dma_wait3A_87 = tpu.memref_slice %arg2[%dma_wait3A_86] : memref<320000xi32, #tpu.memory_space<hbm>> -> memref<80xi32, #tpu.memory_space<hbm>>
    %dma_wait3A_88 = arith.constant 0 : i32
    %dma_wait3A_89 = tpu.memref_slice %arg2[%dma_wait3A_88] : memref<320000xi32, #tpu.memory_space<hbm>> -> memref<80xi32, #tpu.memory_space<hbm>>
    tpu.wait_dma2 semaphore(%arg32 : memref<!tpu.dma_semaphore, #tpu.memory_space<semaphore_mem>>) src(%dma_wait3A_89 : memref<80xi32, #tpu.memory_space<hbm>>) dst(%arg11 : memref<80xi32, #tpu.memory_space<vmem>>)
    %dma_wait3A_90 = arith.constant 0 : i32
    %dma_wait3A_91 = tpu.memref_slice %arg2[%dma_wait3A_90] : memref<320000xi32, #tpu.memory_space<hbm>> -> memref<80xi32, #tpu.memory_space<hbm>>
    %dma_wait3A_92 = arith.constant 0 : i32
    %dma_wait3A_93 = tpu.memref_slice %arg2[%dma_wait3A_92] : memref<320000xi32, #tpu.memory_space<hbm>> -> memref<80xi32, #tpu.memory_space<hbm>>
    tpu.wait_dma2 semaphore(%arg33 : memref<!tpu.dma_semaphore, #tpu.memory_space<semaphore_mem>>) src(%dma_wait3A_93 : memref<80xi32, #tpu.memory_space<hbm>>) dst(%arg12 : memref<80xi32, #tpu.memory_space<vmem>>)
    %dma_start3A_94 = arith.constant 0 : i32
    %dma_start3A_95 = arith.constant 0 : i32
    %dma_start3A_96 = tpu.memref_slice %arg5[%dma_start3A_94, %dma_start3A_95] : memref<10000x64xi32, #tpu.memory_space<hbm>> -> memref<10000x64xi32, #tpu.memory_space<hbm>>
    tpu.enqueue_indirect_dma source(%dma_start3A_96 : memref<10000x64xi32, #tpu.memory_space<hbm>>) target(%arg19 : memref<80x64xi32, #tpu.memory_space<vmem>>) offsets(%arg11 : memref<80xi32, #tpu.memory_space<vmem>>) semaphore(%arg40 : memref<!tpu.dma_semaphore, #tpu.memory_space<semaphore_mem>>)
    %dma_start3A_97 = arith.constant 0 : i32
    %dma_start3A_98 = arith.constant 0 : i32
    %dma_start3A_99 = tpu.memref_slice %arg5[%dma_start3A_97, %dma_start3A_98] : memref<10000x64xi32, #tpu.memory_space<hbm>> -> memref<10000x64xi32, #tpu.memory_space<hbm>>
    tpu.enqueue_indirect_dma source(%dma_start3A_99 : memref<10000x64xi32, #tpu.memory_space<hbm>>) target(%arg20 : memref<80x64xi32, #tpu.memory_space<vmem>>) offsets(%arg12 : memref<80xi32, #tpu.memory_space<vmem>>) semaphore(%arg41 : memref<!tpu.dma_semaphore, #tpu.memory_space<semaphore_mem>>)
    %scan3A = arith.constant 0 : i32
    %scan3A_100 = arith.constant 0 : i32
    %scan3A_101 = arith.constant 31 : i32
    %scan3A_102 = arith.addi %scan3A_100, %scan3A_101 : i32
    %scan3A_103 = arith.constant 1 : i32
    %scan3A_104 = scf.for %scan3A_141 = %scan3A_100 to %scan3A_102 step %scan3A_103 iter_args(%scan3A_142 = %scan3A) -> (i32)  : i32 {
      %mul3A_143 = arith.constant 4 : i32
      %mul3A_144 = arith.muli %mul3A_143, %scan3A_141 : i32
      %add3A_145 = arith.constant 0 : i32
      %add3A_146 = arith.addi %mul3A_144, %add3A_145 : i32
      %dma_wait3A_147 = arith.constant 0 : i32
      %dma_wait3A_148 = arith.constant 0 : i32
      %dma_wait3A_149 = tpu.memref_slice %arg5[%dma_wait3A_147, %dma_wait3A_148] : memref<10000x64xi32, #tpu.memory_space<hbm>> -> memref<10000x64xi32, #tpu.memory_space<hbm>>
      tpu.wait_indirect_dma semaphore(%arg36 : memref<!tpu.dma_semaphore, #tpu.memory_space<semaphore_mem>>) src(%dma_wait3A_149 : memref<10000x64xi32, #tpu.memory_space<hbm>>) dst(%arg15 : memref<80x64xi32, #tpu.memory_space<vmem>>)
      %dma_wait3A_150 = arith.constant 0 : i32
      %dma_wait3A_151 = arith.constant 0 : i32
      %dma_wait3A_152 = tpu.memref_slice %arg5[%dma_wait3A_150, %dma_wait3A_151] : memref<10000x64xi32, #tpu.memory_space<hbm>> -> memref<10000x64xi32, #tpu.memory_space<hbm>>
      tpu.wait_indirect_dma semaphore(%arg37 : memref<!tpu.dma_semaphore, #tpu.memory_space<semaphore_mem>>) src(%dma_wait3A_152 : memref<10000x64xi32, #tpu.memory_space<hbm>>) dst(%arg16 : memref<80x64xi32, #tpu.memory_space<vmem>>)
      %add3A_153 = arith.constant 4 : i32
      %add3A_154 = arith.addi %add3A_146, %add3A_153 : i32
      %sub3A = arith.constant 1 : i32
      %sub3A_155 = arith.subi %add3A_154, %sub3A : i32
      %lt3A = arith.constant 125 : i32
      %lt3A_156 = arith.cmpi slt, %sub3A_155, %lt3A : i32
      %convert_element_type3A = arith.extui %lt3A_156 : i1 to i32
      %cond3A = arith.constant 0 : i32
      %cond3A_157 = arith.cmpi ne, %convert_element_type3A, %cond3A : i32
      scf.if %cond3A_157 {
        %dma_wait3A_307 = arith.constant 0 : i32
        %dma_wait3A_308 = tpu.memref_slice %arg2[%dma_wait3A_307] : memref<320000xi32, #tpu.memory_space<hbm>> -> memref<80xi32, #tpu.memory_space<hbm>>
        %dma_wait3A_309 = arith.constant 0 : i32
        %dma_wait3A_310 = tpu.memref_slice %arg2[%dma_wait3A_309] : memref<320000xi32, #tpu.memory_space<hbm>> -> memref<80xi32, #tpu.memory_space<hbm>>
        tpu.wait_dma2 semaphore(%arg34 : memref<!tpu.dma_semaphore, #tpu.memory_space<semaphore_mem>>) src(%dma_wait3A_310 : memref<80xi32, #tpu.memory_space<hbm>>) dst(%arg13 : memref<80xi32, #tpu.memory_space<vmem>>)
        %dma_wait3A_311 = arith.constant 0 : i32
        %dma_wait3A_312 = tpu.memref_slice %arg2[%dma_wait3A_311] : memref<320000xi32, #tpu.memory_space<hbm>> -> memref<80xi32, #tpu.memory_space<hbm>>
        %dma_wait3A_313 = arith.constant 0 : i32
        %dma_wait3A_314 = tpu.memref_slice %arg2[%dma_wait3A_313] : memref<320000xi32, #tpu.memory_space<hbm>> -> memref<80xi32, #tpu.memory_space<hbm>>
        tpu.wait_dma2 semaphore(%arg35 : memref<!tpu.dma_semaphore, #tpu.memory_space<semaphore_mem>>) src(%dma_wait3A_314 : memref<80xi32, #tpu.memory_space<hbm>>) dst(%arg14 : memref<80xi32, #tpu.memory_space<vmem>>)
        %dma_start3A_315 = arith.constant 0 : i32
        %dma_start3A_316 = arith.constant 0 : i32
        %dma_start3A_317 = tpu.memref_slice %arg5[%dma_start3A_315, %dma_start3A_316] : memref<10000x64xi32, #tpu.memory_space<hbm>> -> memref<10000x64xi32, #tpu.memory_space<hbm>>
        tpu.enqueue_indirect_dma source(%dma_start3A_317 : memref<10000x64xi32, #tpu.memory_space<hbm>>) target(%arg21 : memref<80x64xi32, #tpu.memory_space<vmem>>) offsets(%arg13 : memref<80xi32, #tpu.memory_space<vmem>>) semaphore(%arg42 : memref<!tpu.dma_semaphore, #tpu.memory_space<semaphore_mem>>)
        %dma_start3A_318 = arith.constant 0 : i32
        %dma_start3A_319 = arith.constant 0 : i32
        %dma_start3A_320 = tpu.memref_slice %arg5[%dma_start3A_318, %dma_start3A_319] : memref<10000x64xi32, #tpu.memory_space<hbm>> -> memref<10000x64xi32, #tpu.memory_space<hbm>>
        tpu.enqueue_indirect_dma source(%dma_start3A_320 : memref<10000x64xi32, #tpu.memory_space<hbm>>) target(%arg22 : memref<80x64xi32, #tpu.memory_space<vmem>>) offsets(%arg14 : memref<80xi32, #tpu.memory_space<vmem>>) semaphore(%arg43 : memref<!tpu.dma_semaphore, #tpu.memory_space<semaphore_mem>>)
      } else {
      }
      %add3A_158 = arith.constant 4 : i32
      %add3A_159 = arith.addi %add3A_146, %add3A_158 : i32
      %lt3A_160 = arith.constant 125 : i32
      %lt3A_161 = arith.cmpi slt, %add3A_159, %lt3A_160 : i32
      %convert_element_type3A_162 = arith.extui %lt3A_161 : i1 to i32
      %cond3A_163 = arith.constant 0 : i32
      %cond3A_164 = arith.cmpi ne, %convert_element_type3A_162, %cond3A_163 : i32
      scf.if %cond3A_164 {
        %add3A_307 = arith.constant 4 : i32
        %add3A_308 = arith.addi %add3A_146, %add3A_307 : i32
        %mul3A_309 = arith.constant 80 : i32
        %mul3A_310 = arith.muli %add3A_308, %mul3A_309 : i32
        %add3A_311 = arith.addi %mul3A_2, %mul3A_310 : i32
        %dma_start3A_312 = tpu.memref_slice %arg2[%add3A_311] : memref<320000xi32, #tpu.memory_space<hbm>> -> memref<80xi32, #tpu.memory_space<hbm>>
        %dma_start3A_313 = tpu.memref_slice %arg2[%add3A_311] : memref<320000xi32, #tpu.memory_space<hbm>> -> memref<80xi32, #tpu.memory_space<hbm>>
        tpu.enqueue_dma source(%dma_start3A_313 : memref<80xi32, #tpu.memory_space<hbm>>) target(%arg7 : memref<80xi32, #tpu.memory_space<vmem>>) target_semaphore(%arg28 : memref<!tpu.dma_semaphore, #tpu.memory_space<semaphore_mem>>)
        %dma_start3A_314 = tpu.memref_slice %arg3[%add3A_311] : memref<320000xi32, #tpu.memory_space<hbm>> -> memref<80xi32, #tpu.memory_space<hbm>>
        %dma_start3A_315 = tpu.memref_slice %arg3[%add3A_311] : memref<320000xi32, #tpu.memory_space<hbm>> -> memref<80xi32, #tpu.memory_space<hbm>>
        tpu.enqueue_dma source(%dma_start3A_315 : memref<80xi32, #tpu.memory_space<hbm>>) target(%arg8 : memref<80xi32, #tpu.memory_space<vmem>>) target_semaphore(%arg29 : memref<!tpu.dma_semaphore, #tpu.memory_space<semaphore_mem>>)
      } else {
      }
      %ge3A = arith.constant 4 : i32
      %ge3A_165 = arith.cmpi sge, %add3A_146, %ge3A : i32
      %convert_element_type3A_166 = arith.extui %ge3A_165 : i1 to i32
      %cond3A_167 = arith.constant 0 : i32
      %cond3A_168 = arith.cmpi ne, %convert_element_type3A_166, %cond3A_167 : i32
      scf.if %cond3A_168 {
        %dma_wait3A_307 = arith.constant 0 : i32
        %dma_wait3A_308 = tpu.memref_slice %arg6[%dma_wait3A_307] : memref<320000xf32, #tpu.memory_space<hbm>> -> memref<80xf32, #tpu.memory_space<hbm>>
        %dma_wait3A_309 = arith.constant 0 : i32
        %dma_wait3A_310 = tpu.memref_slice %arg6[%dma_wait3A_309] : memref<320000xf32, #tpu.memory_space<hbm>> -> memref<80xf32, #tpu.memory_space<hbm>>
        tpu.wait_dma2 semaphore(%arg44 : memref<!tpu.dma_semaphore, #tpu.memory_space<semaphore_mem>>) src(%arg23 : memref<80xf32, #tpu.memory_space<vmem>>) dst(%dma_wait3A_310 : memref<80xf32, #tpu.memory_space<hbm>>)
      } else {
      }
      %parallel_loop3A_169 = arith.constant 0 : i32
      %parallel_loop3A_170 = arith.constant 80 : i32
      %parallel_loop3A_171 = arith.constant 1 : i32
      scf.for %parallel_loop3A_307 = %parallel_loop3A_169 to %parallel_loop3A_170 step %parallel_loop3A_171  : i32 {
        %parallel_loop3A_308 = arith.index_cast %parallel_loop3A_307 : i32 to index
        %parallel_loop3A_309 = arith.constant 0 : index
        %parallel_loop3A_310 = tpu.vector_load %arg15[%parallel_loop3A_308, %parallel_loop3A_309] {strides = array<i32>} : memref<80x64xi32, #tpu.memory_space<vmem>>, vector<1x16xi32>,
        %parallel_loop3A_311 = vector.shape_cast %parallel_loop3A_310 : vector<1x16xi32> to vector<16xi32>
        %parallel_loop3A_312 = arith.index_cast %parallel_loop3A_307 : i32 to index
        %parallel_loop3A_313 = arith.constant 0 : index
        %parallel_loop3A_314 = tpu.vector_load %arg16[%parallel_loop3A_312, %parallel_loop3A_313] {strides = array<i32>} : memref<80x64xi32, #tpu.memory_space<vmem>>, vector<1x16xi32>,
        %parallel_loop3A_315 = vector.shape_cast %parallel_loop3A_314 : vector<1x16xi32> to vector<16xi32>
        %parallel_loop3A_316 = arith.constant 16 : i32
        %parallel_loop3A_317 = vector.broadcast %parallel_loop3A_316 : i32 to vector<16xi32>
        %parallel_loop3A_318 = arith.shli %parallel_loop3A_311, %parallel_loop3A_317 : vector<16xi32>
        %parallel_loop3A_319 = tpu.bitcast %parallel_loop3A_318 : vector<16xi32> -> vector<16xf32>
        %parallel_loop3A_320 = tpu.bitcast %parallel_loop3A_311 : vector<16xi32> -> vector<16xf32>
        %parallel_loop3A_321 = arith.constant 16 : i32
        %parallel_loop3A_322 = vector.broadcast %parallel_loop3A_321 : i32 to vector<16xi32>
        %parallel_loop3A_323 = arith.shli %parallel_loop3A_315, %parallel_loop3A_322 : vector<16xi32>
        %parallel_loop3A_324 = tpu.bitcast %parallel_loop3A_323 : vector<16xi32> -> vector<16xf32>
        %parallel_loop3A_325 = tpu.bitcast %parallel_loop3A_315 : vector<16xi32> -> vector<16xf32>
        %parallel_loop3A_326 = arith.mulf %parallel_loop3A_319, %parallel_loop3A_324 : vector<16xf32>
        %parallel_loop3A_327 = arith.mulf %parallel_loop3A_320, %parallel_loop3A_325 : vector<16xf32>
        %parallel_loop3A_328 = arith.addf %parallel_loop3A_326, %parallel_loop3A_327 : vector<16xf32>
        %parallel_loop3A_329 = arith.index_cast %parallel_loop3A_307 : i32 to index
        %parallel_loop3A_330 = arith.constant 16 : index
        %parallel_loop3A_331 = tpu.vector_load %arg15[%parallel_loop3A_329, %parallel_loop3A_330] {strides = array<i32>} : memref<80x64xi32, #tpu.memory_space<vmem>>, vector<1x16xi32>,
        %parallel_loop3A_332 = vector.shape_cast %parallel_loop3A_331 : vector<1x16xi32> to vector<16xi32>
        %parallel_loop3A_333 = arith.index_cast %parallel_loop3A_307 : i32 to index
        %parallel_loop3A_334 = arith.constant 16 : index
        %parallel_loop3A_335 = tpu.vector_load %arg16[%parallel_loop3A_333, %parallel_loop3A_334] {strides = array<i32>} : memref<80x64xi32, #tpu.memory_space<vmem>>, vector<1x16xi32>,
        %parallel_loop3A_336 = vector.shape_cast %parallel_loop3A_335 : vector<1x16xi32> to vector<16xi32>
        %parallel_loop3A_337 = arith.constant 16 : i32
        %parallel_loop3A_338 = vector.broadcast %parallel_loop3A_337 : i32 to vector<16xi32>
        %parallel_loop3A_339 = arith.shli %parallel_loop3A_332, %parallel_loop3A_338 : vector<16xi32>
        %parallel_loop3A_340 = tpu.bitcast %parallel_loop3A_339 : vector<16xi32> -> vector<16xf32>
        %parallel_loop3A_341 = tpu.bitcast %parallel_loop3A_332 : vector<16xi32> -> vector<16xf32>
        %parallel_loop3A_342 = arith.constant 16 : i32
        %parallel_loop3A_343 = vector.broadcast %parallel_loop3A_342 : i32 to vector<16xi32>
        %parallel_loop3A_344 = arith.shli %parallel_loop3A_336, %parallel_loop3A_343 : vector<16xi32>
        %parallel_loop3A_345 = tpu.bitcast %parallel_loop3A_344 : vector<16xi32> -> vector<16xf32>
        %parallel_loop3A_346 = tpu.bitcast %parallel_loop3A_336 : vector<16xi32> -> vector<16xf32>
        %parallel_loop3A_347 = arith.mulf %parallel_loop3A_340, %parallel_loop3A_345 : vector<16xf32>
        %parallel_loop3A_348 = arith.mulf %parallel_loop3A_341, %parallel_loop3A_346 : vector<16xf32>
        %parallel_loop3A_349 = arith.addf %parallel_loop3A_347, %parallel_loop3A_348 : vector<16xf32>
        %parallel_loop3A_350 = arith.addf %parallel_loop3A_328, %parallel_loop3A_349 : vector<16xf32>
        %parallel_loop3A_351 = arith.index_cast %parallel_loop3A_307 : i32 to index
        %parallel_loop3A_352 = arith.constant 32 : index
        %parallel_loop3A_353 = tpu.vector_load %arg15[%parallel_loop3A_351, %parallel_loop3A_352] {strides = array<i32>} : memref<80x64xi32, #tpu.memory_space<vmem>>, vector<1x16xi32>,
        %parallel_loop3A_354 = vector.shape_cast %parallel_loop3A_353 : vector<1x16xi32> to vector<16xi32>
        %parallel_loop3A_355 = arith.index_cast %parallel_loop3A_307 : i32 to index
        %parallel_loop3A_356 = arith.constant 32 : index
        %parallel_loop3A_357 = tpu.vector_load %arg16[%parallel_loop3A_355, %parallel_loop3A_356] {strides = array<i32>} : memref<80x64xi32, #tpu.memory_space<vmem>>, vector<1x16xi32>,
        %parallel_loop3A_358 = vector.shape_cast %parallel_loop3A_357 : vector<1x16xi32> to vector<16xi32>
        %parallel_loop3A_359 = arith.constant 16 : i32
        %parallel_loop3A_360 = vector.broadcast %parallel_loop3A_359 : i32 to vector<16xi32>
        %parallel_loop3A_361 = arith.shli %parallel_loop3A_354, %parallel_loop3A_360 : vector<16xi32>
        %parallel_loop3A_362 = tpu.bitcast %parallel_loop3A_361 : vector<16xi32> -> vector<16xf32>
        %parallel_loop3A_363 = tpu.bitcast %parallel_loop3A_354 : vector<16xi32> -> vector<16xf32>
        %parallel_loop3A_364 = arith.constant 16 : i32
        %parallel_loop3A_365 = vector.broadcast %parallel_loop3A_364 : i32 to vector<16xi32>
        %parallel_loop3A_366 = arith.shli %parallel_loop3A_358, %parallel_loop3A_365 : vector<16xi32>
        %parallel_loop3A_367 = tpu.bitcast %parallel_loop3A_366 : vector<16xi32> -> vector<16xf32>
        %parallel_loop3A_368 = tpu.bitcast %parallel_loop3A_358 : vector<16xi32> -> vector<16xf32>
        %parallel_loop3A_369 = arith.mulf %parallel_loop3A_362, %parallel_loop3A_367 : vector<16xf32>
        %parallel_loop3A_370 = arith.mulf %parallel_loop3A_363, %parallel_loop3A_368 : vector<16xf32>
        %parallel_loop3A_371 = arith.addf %parallel_loop3A_369, %parallel_loop3A_370 : vector<16xf32>
        %parallel_loop3A_372 = arith.addf %parallel_loop3A_350, %parallel_loop3A_371 : vector<16xf32>
        %parallel_loop3A_373 = arith.index_cast %parallel_loop3A_307 : i32 to index
        %parallel_loop3A_374 = arith.constant 48 : index
        %parallel_loop3A_375 = tpu.vector_load %arg15[%parallel_loop3A_373, %parallel_loop3A_374] {strides = array<i32>} : memref<80x64xi32, #tpu.memory_space<vmem>>, vector<1x16xi32>,
        %parallel_loop3A_376 = vector.shape_cast %parallel_loop3A_375 : vector<1x16xi32> to vector<16xi32>
        %parallel_loop3A_377 = arith.index_cast %parallel_loop3A_307 : i32 to index
        %parallel_loop3A_378 = arith.constant 48 : index
        %parallel_loop3A_379 = tpu.vector_load %arg16[%parallel_loop3A_377, %parallel_loop3A_378] {strides = array<i32>} : memref<80x64xi32, #tpu.memory_space<vmem>>, vector<1x16xi32>,
        %parallel_loop3A_380 = vector.shape_cast %parallel_loop3A_379 : vector<1x16xi32> to vector<16xi32>
        %parallel_loop3A_381 = arith.constant 16 : i32
        %parallel_loop3A_382 = vector.broadcast %parallel_loop3A_381 : i32 to vector<16xi32>
        %parallel_loop3A_383 = arith.shli %parallel_loop3A_376, %parallel_loop3A_382 : vector<16xi32>
        %parallel_loop3A_384 = tpu.bitcast %parallel_loop3A_383 : vector<16xi32> -> vector<16xf32>
        %parallel_loop3A_385 = tpu.bitcast %parallel_loop3A_376 : vector<16xi32> -> vector<16xf32>
        %parallel_loop3A_386 = arith.constant 16 : i32
        %parallel_loop3A_387 = vector.broadcast %parallel_loop3A_386 : i32 to vector<16xi32>
        %parallel_loop3A_388 = arith.shli %parallel_loop3A_380, %parallel_loop3A_387 : vector<16xi32>
        %parallel_loop3A_389 = tpu.bitcast %parallel_loop3A_388 : vector<16xi32> -> vector<16xf32>
        %parallel_loop3A_390 = tpu.bitcast %parallel_loop3A_380 : vector<16xi32> -> vector<16xf32>
        %parallel_loop3A_391 = arith.mulf %parallel_loop3A_384, %parallel_loop3A_389 : vector<16xf32>
        %parallel_loop3A_392 = arith.mulf %parallel_loop3A_385, %parallel_loop3A_390 : vector<16xf32>
        %parallel_loop3A_393 = arith.addf %parallel_loop3A_391, %parallel_loop3A_392 : vector<16xf32>
        %parallel_loop3A_394 = arith.addf %parallel_loop3A_372, %parallel_loop3A_393 : vector<16xf32>
        %parallel_loop3A_395 = arith.index_cast %parallel_loop3A_307 : i32 to index
        %parallel_loop3A_396 = arith.constant 0 : index
        %parallel_loop3A_397 = tpu.vector_load %arg27[%parallel_loop3A_395, %parallel_loop3A_396] {strides = array<i32>} : memref<80x16xf32, #tpu.memory_space<vmem>>, vector<1x16xf32>,
        %parallel_loop3A_398 = vector.shape_cast %parallel_loop3A_397 : vector<1x16xf32> to vector<16xf32>
        %parallel_loop3A_399 = vector.shape_cast %parallel_loop3A_394 : vector<16xf32> to vector<1x16xf32>
        tpu.vector_store %arg27[%parallel_loop3A_395, %parallel_loop3A_396], %parallel_loop3A_399 {strides = array<i32>} : memref<80x16xf32, #tpu.memory_space<vmem>>, vector<1x16xf32>,
      } {sc.loop_unroll_factor = 1 : i64, sc.parallel_access}
      %parallel_loop3A_172 = arith.constant 0 : i32
      %parallel_loop3A_173 = arith.constant 5 : i32
      %parallel_loop3A_174 = arith.constant 1 : i32
      scf.for %parallel_loop3A_307 = %parallel_loop3A_172 to %parallel_loop3A_173 step %parallel_loop3A_174  : i32 {
        %parallel_loop3A_308 = arith.constant 16 : i32
        %parallel_loop3A_309 = arith.muli %parallel_loop3A_307, %parallel_loop3A_308 : i32
        %parallel_loop3A_310 = arith.constant 0 : i32
        %parallel_loop3A_311 = arith.addi %parallel_loop3A_309, %parallel_loop3A_310 : i32
        %parallel_loop3A_312 = arith.index_cast %parallel_loop3A_311 : i32 to index
        %parallel_loop3A_313 = arith.constant 0 : index
        %parallel_loop3A_314 = tpu.vector_load %arg27[%parallel_loop3A_312, %parallel_loop3A_313] {strides = array<i32>} : memref<80x16xf32, #tpu.memory_space<vmem>>, vector<1x16xf32>,
        %parallel_loop3A_315 = vector.shape_cast %parallel_loop3A_314 : vector<1x16xf32> to vector<16xf32>
        %parallel_loop3A_316 = arith.constant 1 : i32
        %parallel_loop3A_317 = arith.addi %parallel_loop3A_309, %parallel_loop3A_316 : i32
        %parallel_loop3A_318 = arith.index_cast %parallel_loop3A_317 : i32 to index
        %parallel_loop3A_319 = arith.constant 0 : index
        %parallel_loop3A_320 = tpu.vector_load %arg27[%parallel_loop3A_318, %parallel_loop3A_319] {strides = array<i32>} : memref<80x16xf32, #tpu.memory_space<vmem>>, vector<1x16xf32>,
        %parallel_loop3A_321 = vector.shape_cast %parallel_loop3A_320 : vector<1x16xf32> to vector<16xf32>
        %parallel_loop3A_322 = vector.shape_cast %xor3A_4 : vector<16xi32> to vector<16x1xi32>
        %parallel_loop3A_323 = vector.shape_cast %parallel_loop3A_322 : vector<16x1xi32> to vector<16xi32>
        %parallel_loop3A_324 = tpu.dynamic_gather %parallel_loop3A_315[%parallel_loop3A_323] in [0] : vector<16xf32>, vector<16xi32> -> vector<16xf32>
        %parallel_loop3A_325 = arith.addf %parallel_loop3A_315, %parallel_loop3A_324 : vector<16xf32>
        %parallel_loop3A_326 = vector.shape_cast %xor3A_4 : vector<16xi32> to vector<16x1xi32>
        %parallel_loop3A_327 = vector.shape_cast %parallel_loop3A_326 : vector<16x1xi32> to vector<16xi32>
        %parallel_loop3A_328 = tpu.dynamic_gather %parallel_loop3A_321[%parallel_loop3A_327] in [0] : vector<16xf32>, vector<16xi32> -> vector<16xf32>
        %parallel_loop3A_329 = arith.addf %parallel_loop3A_321, %parallel_loop3A_328 : vector<16xf32>
        %parallel_loop3A_330 = arith.select %eq3A_17, %parallel_loop3A_325, %parallel_loop3A_329 : vector<16xi1>, vector<16xf32>
        %parallel_loop3A_331 = arith.constant 2 : i32
        %parallel_loop3A_332 = arith.addi %parallel_loop3A_309, %parallel_loop3A_331 : i32
        %parallel_loop3A_333 = arith.index_cast %parallel_loop3A_332 : i32 to index
        %parallel_loop3A_334 = arith.constant 0 : index
        %parallel_loop3A_335 = tpu.vector_load %arg27[%parallel_loop3A_333, %parallel_loop3A_334] {strides = array<i32>} : memref<80x16xf32, #tpu.memory_space<vmem>>, vector<1x16xf32>,
        %parallel_loop3A_336 = vector.shape_cast %parallel_loop3A_335 : vector<1x16xf32> to vector<16xf32>
        %parallel_loop3A_337 = arith.constant 3 : i32
        %parallel_loop3A_338 = arith.addi %parallel_loop3A_309, %parallel_loop3A_337 : i32
        %parallel_loop3A_339 = arith.index_cast %parallel_loop3A_338 : i32 to index
        %parallel_loop3A_340 = arith.constant 0 : index
        %parallel_loop3A_341 = tpu.vector_load %arg27[%parallel_loop3A_339, %parallel_loop3A_340] {strides = array<i32>} : memref<80x16xf32, #tpu.memory_space<vmem>>, vector<1x16xf32>,
        %parallel_loop3A_342 = vector.shape_cast %parallel_loop3A_341 : vector<1x16xf32> to vector<16xf32>
        %parallel_loop3A_343 = vector.shape_cast %xor3A_4 : vector<16xi32> to vector<16x1xi32>
        %parallel_loop3A_344 = vector.shape_cast %parallel_loop3A_343 : vector<16x1xi32> to vector<16xi32>
        %parallel_loop3A_345 = tpu.dynamic_gather %parallel_loop3A_336[%parallel_loop3A_344] in [0] : vector<16xf32>, vector<16xi32> -> vector<16xf32>
        %parallel_loop3A_346 = arith.addf %parallel_loop3A_336, %parallel_loop3A_345 : vector<16xf32>
        %parallel_loop3A_347 = vector.shape_cast %xor3A_4 : vector<16xi32> to vector<16x1xi32>
        %parallel_loop3A_348 = vector.shape_cast %parallel_loop3A_347 : vector<16x1xi32> to vector<16xi32>
        %parallel_loop3A_349 = tpu.dynamic_gather %parallel_loop3A_342[%parallel_loop3A_348] in [0] : vector<16xf32>, vector<16xi32> -> vector<16xf32>
        %parallel_loop3A_350 = arith.addf %parallel_loop3A_342, %parallel_loop3A_349 : vector<16xf32>
        %parallel_loop3A_351 = arith.select %eq3A_17, %parallel_loop3A_346, %parallel_loop3A_350 : vector<16xi1>, vector<16xf32>
        %parallel_loop3A_352 = vector.shape_cast %xor3A_7 : vector<16xi32> to vector<16x1xi32>
        %parallel_loop3A_353 = vector.shape_cast %parallel_loop3A_352 : vector<16x1xi32> to vector<16xi32>
        %parallel_loop3A_354 = tpu.dynamic_gather %parallel_loop3A_330[%parallel_loop3A_353] in [0] : vector<16xf32>, vector<16xi32> -> vector<16xf32>
        %parallel_loop3A_355 = arith.addf %parallel_loop3A_330, %parallel_loop3A_354 : vector<16xf32>
        %parallel_loop3A_356 = vector.shape_cast %xor3A_7 : vector<16xi32> to vector<16x1xi32>
        %parallel_loop3A_357 = vector.shape_cast %parallel_loop3A_356 : vector<16x1xi32> to vector<16xi32>
        %parallel_loop3A_358 = tpu.dynamic_gather %parallel_loop3A_351[%parallel_loop3A_357] in [0] : vector<16xf32>, vector<16xi32> -> vector<16xf32>
        %parallel_loop3A_359 = arith.addf %parallel_loop3A_351, %parallel_loop3A_358 : vector<16xf32>
        %parallel_loop3A_360 = arith.select %eq3A_23, %parallel_loop3A_355, %parallel_loop3A_359 : vector<16xi1>, vector<16xf32>
        %parallel_loop3A_361 = arith.constant 4 : i32
        %parallel_loop3A_362 = arith.addi %parallel_loop3A_309, %parallel_loop3A_361 : i32
        %parallel_loop3A_363 = arith.index_cast %parallel_loop3A_362 : i32 to index
        %parallel_loop3A_364 = arith.constant 0 : index
        %parallel_loop3A_365 = tpu.vector_load %arg27[%parallel_loop3A_363, %parallel_loop3A_364] {strides = array<i32>} : memref<80x16xf32, #tpu.memory_space<vmem>>, vector<1x16xf32>,
        %parallel_loop3A_366 = vector.shape_cast %parallel_loop3A_365 : vector<1x16xf32> to vector<16xf32>
        %parallel_loop3A_367 = arith.constant 5 : i32
        %parallel_loop3A_368 = arith.addi %parallel_loop3A_309, %parallel_loop3A_367 : i32
        %parallel_loop3A_369 = arith.index_cast %parallel_loop3A_368 : i32 to index
        %parallel_loop3A_370 = arith.constant 0 : index
        %parallel_loop3A_371 = tpu.vector_load %arg27[%parallel_loop3A_369, %parallel_loop3A_370] {strides = array<i32>} : memref<80x16xf32, #tpu.memory_space<vmem>>, vector<1x16xf32>,
        %parallel_loop3A_372 = vector.shape_cast %parallel_loop3A_371 : vector<1x16xf32> to vector<16xf32>
        %parallel_loop3A_373 = vector.shape_cast %xor3A_4 : vector<16xi32> to vector<16x1xi32>
        %parallel_loop3A_374 = vector.shape_cast %parallel_loop3A_373 : vector<16x1xi32> to vector<16xi32>
        %parallel_loop3A_375 = tpu.dynamic_gather %parallel_loop3A_366[%parallel_loop3A_374] in [0] : vector<16xf32>, vector<16xi32> -> vector<16xf32>
        %parallel_loop3A_376 = arith.addf %parallel_loop3A_366, %parallel_loop3A_375 : vector<16xf32>
        %parallel_loop3A_377 = vector.shape_cast %xor3A_4 : vector<16xi32> to vector<16x1xi32>
        %parallel_loop3A_378 = vector.shape_cast %parallel_loop3A_377 : vector<16x1xi32> to vector<16xi32>
        %parallel_loop3A_379 = tpu.dynamic_gather %parallel_loop3A_372[%parallel_loop3A_378] in [0] : vector<16xf32>, vector<16xi32> -> vector<16xf32>
        %parallel_loop3A_380 = arith.addf %parallel_loop3A_372, %parallel_loop3A_379 : vector<16xf32>
        %parallel_loop3A_381 = arith.select %eq3A_17, %parallel_loop3A_376, %parallel_loop3A_380 : vector<16xi1>, vector<16xf32>
        %parallel_loop3A_382 = arith.constant 6 : i32
        %parallel_loop3A_383 = arith.addi %parallel_loop3A_309, %parallel_loop3A_382 : i32
        %parallel_loop3A_384 = arith.index_cast %parallel_loop3A_383 : i32 to index
        %parallel_loop3A_385 = arith.constant 0 : index
        %parallel_loop3A_386 = tpu.vector_load %arg27[%parallel_loop3A_384, %parallel_loop3A_385] {strides = array<i32>} : memref<80x16xf32, #tpu.memory_space<vmem>>, vector<1x16xf32>,
        %parallel_loop3A_387 = vector.shape_cast %parallel_loop3A_386 : vector<1x16xf32> to vector<16xf32>
        %parallel_loop3A_388 = arith.constant 7 : i32
        %parallel_loop3A_389 = arith.addi %parallel_loop3A_309, %parallel_loop3A_388 : i32
        %parallel_loop3A_390 = arith.index_cast %parallel_loop3A_389 : i32 to index
        %parallel_loop3A_391 = arith.constant 0 : index
        %parallel_loop3A_392 = tpu.vector_load %arg27[%parallel_loop3A_390, %parallel_loop3A_391] {strides = array<i32>} : memref<80x16xf32, #tpu.memory_space<vmem>>, vector<1x16xf32>,
        %parallel_loop3A_393 = vector.shape_cast %parallel_loop3A_392 : vector<1x16xf32> to vector<16xf32>
        %parallel_loop3A_394 = vector.shape_cast %xor3A_4 : vector<16xi32> to vector<16x1xi32>
        %parallel_loop3A_395 = vector.shape_cast %parallel_loop3A_394 : vector<16x1xi32> to vector<16xi32>
        %parallel_loop3A_396 = tpu.dynamic_gather %parallel_loop3A_387[%parallel_loop3A_395] in [0] : vector<16xf32>, vector<16xi32> -> vector<16xf32>
        %parallel_loop3A_397 = arith.addf %parallel_loop3A_387, %parallel_loop3A_396 : vector<16xf32>
        %parallel_loop3A_398 = vector.shape_cast %xor3A_4 : vector<16xi32> to vector<16x1xi32>
        %parallel_loop3A_399 = vector.shape_cast %parallel_loop3A_398 : vector<16x1xi32> to vector<16xi32>
        %parallel_loop3A_400 = tpu.dynamic_gather %parallel_loop3A_393[%parallel_loop3A_399] in [0] : vector<16xf32>, vector<16xi32> -> vector<16xf32>
        %parallel_loop3A_401 = arith.addf %parallel_loop3A_393, %parallel_loop3A_400 : vector<16xf32>
        %parallel_loop3A_402 = arith.select %eq3A_17, %parallel_loop3A_397, %parallel_loop3A_401 : vector<16xi1>, vector<16xf32>
        %parallel_loop3A_403 = vector.shape_cast %xor3A_7 : vector<16xi32> to vector<16x1xi32>
        %parallel_loop3A_404 = vector.shape_cast %parallel_loop3A_403 : vector<16x1xi32> to vector<16xi32>
        %parallel_loop3A_405 = tpu.dynamic_gather %parallel_loop3A_381[%parallel_loop3A_404] in [0] : vector<16xf32>, vector<16xi32> -> vector<16xf32>
        %parallel_loop3A_406 = arith.addf %parallel_loop3A_381, %parallel_loop3A_405 : vector<16xf32>
        %parallel_loop3A_407 = vector.shape_cast %xor3A_7 : vector<16xi32> to vector<16x1xi32>
        %parallel_loop3A_408 = vector.shape_cast %parallel_loop3A_407 : vector<16x1xi32> to vector<16xi32>
        %parallel_loop3A_409 = tpu.dynamic_gather %parallel_loop3A_402[%parallel_loop3A_408] in [0] : vector<16xf32>, vector<16xi32> -> vector<16xf32>
        %parallel_loop3A_410 = arith.addf %parallel_loop3A_402, %parallel_loop3A_409 : vector<16xf32>
        %parallel_loop3A_411 = arith.select %eq3A_23, %parallel_loop3A_406, %parallel_loop3A_410 : vector<16xi1>, vector<16xf32>
        %parallel_loop3A_412 = vector.shape_cast %xor3A_10 : vector<16xi32> to vector<16x1xi32>
        %parallel_loop3A_413 = vector.shape_cast %parallel_loop3A_412 : vector<16x1xi32> to vector<16xi32>
        %parallel_loop3A_414 = tpu.dynamic_gather %parallel_loop3A_360[%parallel_loop3A_413] in [0] : vector<16xf32>, vector<16xi32> -> vector<16xf32>
        %parallel_loop3A_415 = arith.addf %parallel_loop3A_360, %parallel_loop3A_414 : vector<16xf32>
        %parallel_loop3A_416 = vector.shape_cast %xor3A_10 : vector<16xi32> to vector<16x1xi32>
        %parallel_loop3A_417 = vector.shape_cast %parallel_loop3A_416 : vector<16x1xi32> to vector<16xi32>
        %parallel_loop3A_418 = tpu.dynamic_gather %parallel_loop3A_411[%parallel_loop3A_417] in [0] : vector<16xf32>, vector<16xi32> -> vector<16xf32>
        %parallel_loop3A_419 = arith.addf %parallel_loop3A_411, %parallel_loop3A_418 : vector<16xf32>
        %parallel_loop3A_420 = arith.select %eq3A_29, %parallel_loop3A_415, %parallel_loop3A_419 : vector<16xi1>, vector<16xf32>
        %parallel_loop3A_421 = arith.constant 8 : i32
        %parallel_loop3A_422 = arith.addi %parallel_loop3A_309, %parallel_loop3A_421 : i32
        %parallel_loop3A_423 = arith.index_cast %parallel_loop3A_422 : i32 to index
        %parallel_loop3A_424 = arith.constant 0 : index
        %parallel_loop3A_425 = tpu.vector_load %arg27[%parallel_loop3A_423, %parallel_loop3A_424] {strides = array<i32>} : memref<80x16xf32, #tpu.memory_space<vmem>>, vector<1x16xf32>,
        %parallel_loop3A_426 = vector.shape_cast %parallel_loop3A_425 : vector<1x16xf32> to vector<16xf32>
        %parallel_loop3A_427 = arith.constant 9 : i32
        %parallel_loop3A_428 = arith.addi %parallel_loop3A_309, %parallel_loop3A_427 : i32
        %parallel_loop3A_429 = arith.index_cast %parallel_loop3A_428 : i32 to index
        %parallel_loop3A_430 = arith.constant 0 : index
        %parallel_loop3A_431 = tpu.vector_load %arg27[%parallel_loop3A_429, %parallel_loop3A_430] {strides = array<i32>} : memref<80x16xf32, #tpu.memory_space<vmem>>, vector<1x16xf32>,
        %parallel_loop3A_432 = vector.shape_cast %parallel_loop3A_431 : vector<1x16xf32> to vector<16xf32>
        %parallel_loop3A_433 = vector.shape_cast %xor3A_4 : vector<16xi32> to vector<16x1xi32>
        %parallel_loop3A_434 = vector.shape_cast %parallel_loop3A_433 : vector<16x1xi32> to vector<16xi32>
        %parallel_loop3A_435 = tpu.dynamic_gather %parallel_loop3A_426[%parallel_loop3A_434] in [0] : vector<16xf32>, vector<16xi32> -> vector<16xf32>
        %parallel_loop3A_436 = arith.addf %parallel_loop3A_426, %parallel_loop3A_435 : vector<16xf32>
        %parallel_loop3A_437 = vector.shape_cast %xor3A_4 : vector<16xi32> to vector<16x1xi32>
        %parallel_loop3A_438 = vector.shape_cast %parallel_loop3A_437 : vector<16x1xi32> to vector<16xi32>
        %parallel_loop3A_439 = tpu.dynamic_gather %parallel_loop3A_432[%parallel_loop3A_438] in [0] : vector<16xf32>, vector<16xi32> -> vector<16xf32>
        %parallel_loop3A_440 = arith.addf %parallel_loop3A_432, %parallel_loop3A_439 : vector<16xf32>
        %parallel_loop3A_441 = arith.select %eq3A_17, %parallel_loop3A_436, %parallel_loop3A_440 : vector<16xi1>, vector<16xf32>
        %parallel_loop3A_442 = arith.constant 10 : i32
        %parallel_loop3A_443 = arith.addi %parallel_loop3A_309, %parallel_loop3A_442 : i32
        %parallel_loop3A_444 = arith.index_cast %parallel_loop3A_443 : i32 to index
        %parallel_loop3A_445 = arith.constant 0 : index
        %parallel_loop3A_446 = tpu.vector_load %arg27[%parallel_loop3A_444, %parallel_loop3A_445] {strides = array<i32>} : memref<80x16xf32, #tpu.memory_space<vmem>>, vector<1x16xf32>,
        %parallel_loop3A_447 = vector.shape_cast %parallel_loop3A_446 : vector<1x16xf32> to vector<16xf32>
        %parallel_loop3A_448 = arith.constant 11 : i32
        %parallel_loop3A_449 = arith.addi %parallel_loop3A_309, %parallel_loop3A_448 : i32
        %parallel_loop3A_450 = arith.index_cast %parallel_loop3A_449 : i32 to index
        %parallel_loop3A_451 = arith.constant 0 : index
        %parallel_loop3A_452 = tpu.vector_load %arg27[%parallel_loop3A_450, %parallel_loop3A_451] {strides = array<i32>} : memref<80x16xf32, #tpu.memory_space<vmem>>, vector<1x16xf32>,
        %parallel_loop3A_453 = vector.shape_cast %parallel_loop3A_452 : vector<1x16xf32> to vector<16xf32>
        %parallel_loop3A_454 = vector.shape_cast %xor3A_4 : vector<16xi32> to vector<16x1xi32>
        %parallel_loop3A_455 = vector.shape_cast %parallel_loop3A_454 : vector<16x1xi32> to vector<16xi32>
        %parallel_loop3A_456 = tpu.dynamic_gather %parallel_loop3A_447[%parallel_loop3A_455] in [0] : vector<16xf32>, vector<16xi32> -> vector<16xf32>
        %parallel_loop3A_457 = arith.addf %parallel_loop3A_447, %parallel_loop3A_456 : vector<16xf32>
        %parallel_loop3A_458 = vector.shape_cast %xor3A_4 : vector<16xi32> to vector<16x1xi32>
        %parallel_loop3A_459 = vector.shape_cast %parallel_loop3A_458 : vector<16x1xi32> to vector<16xi32>
        %parallel_loop3A_460 = tpu.dynamic_gather %parallel_loop3A_453[%parallel_loop3A_459] in [0] : vector<16xf32>, vector<16xi32> -> vector<16xf32>
        %parallel_loop3A_461 = arith.addf %parallel_loop3A_453, %parallel_loop3A_460 : vector<16xf32>
        %parallel_loop3A_462 = arith.select %eq3A_17, %parallel_loop3A_457, %parallel_loop3A_461 : vector<16xi1>, vector<16xf32>
        %parallel_loop3A_463 = vector.shape_cast %xor3A_7 : vector<16xi32> to vector<16x1xi32>
        %parallel_loop3A_464 = vector.shape_cast %parallel_loop3A_463 : vector<16x1xi32> to vector<16xi32>
        %parallel_loop3A_465 = tpu.dynamic_gather %parallel_loop3A_441[%parallel_loop3A_464] in [0] : vector<16xf32>, vector<16xi32> -> vector<16xf32>
        %parallel_loop3A_466 = arith.addf %parallel_loop3A_441, %parallel_loop3A_465 : vector<16xf32>
        %parallel_loop3A_467 = vector.shape_cast %xor3A_7 : vector<16xi32> to vector<16x1xi32>
        %parallel_loop3A_468 = vector.shape_cast %parallel_loop3A_467 : vector<16x1xi32> to vector<16xi32>
        %parallel_loop3A_469 = tpu.dynamic_gather %parallel_loop3A_462[%parallel_loop3A_468] in [0] : vector<16xf32>, vector<16xi32> -> vector<16xf32>
        %parallel_loop3A_470 = arith.addf %parallel_loop3A_462, %parallel_loop3A_469 : vector<16xf32>
        %parallel_loop3A_471 = arith.select %eq3A_23, %parallel_loop3A_466, %parallel_loop3A_470 : vector<16xi1>, vector<16xf32>
        %parallel_loop3A_472 = arith.constant 12 : i32
        %parallel_loop3A_473 = arith.addi %parallel_loop3A_309, %parallel_loop3A_472 : i32
        %parallel_loop3A_474 = arith.index_cast %parallel_loop3A_473 : i32 to index
        %parallel_loop3A_475 = arith.constant 0 : index
        %parallel_loop3A_476 = tpu.vector_load %arg27[%parallel_loop3A_474, %parallel_loop3A_475] {strides = array<i32>} : memref<80x16xf32, #tpu.memory_space<vmem>>, vector<1x16xf32>,
        %parallel_loop3A_477 = vector.shape_cast %parallel_loop3A_476 : vector<1x16xf32> to vector<16xf32>
        %parallel_loop3A_478 = arith.constant 13 : i32
        %parallel_loop3A_479 = arith.addi %parallel_loop3A_309, %parallel_loop3A_478 : i32
        %parallel_loop3A_480 = arith.index_cast %parallel_loop3A_479 : i32 to index
        %parallel_loop3A_481 = arith.constant 0 : index
        %parallel_loop3A_482 = tpu.vector_load %arg27[%parallel_loop3A_480, %parallel_loop3A_481] {strides = array<i32>} : memref<80x16xf32, #tpu.memory_space<vmem>>, vector<1x16xf32>,
        %parallel_loop3A_483 = vector.shape_cast %parallel_loop3A_482 : vector<1x16xf32> to vector<16xf32>
        %parallel_loop3A_484 = vector.shape_cast %xor3A_4 : vector<16xi32> to vector<16x1xi32>
        %parallel_loop3A_485 = vector.shape_cast %parallel_loop3A_484 : vector<16x1xi32> to vector<16xi32>
        %parallel_loop3A_486 = tpu.dynamic_gather %parallel_loop3A_477[%parallel_loop3A_485] in [0] : vector<16xf32>, vector<16xi32> -> vector<16xf32>
        %parallel_loop3A_487 = arith.addf %parallel_loop3A_477, %parallel_loop3A_486 : vector<16xf32>
        %parallel_loop3A_488 = vector.shape_cast %xor3A_4 : vector<16xi32> to vector<16x1xi32>
        %parallel_loop3A_489 = vector.shape_cast %parallel_loop3A_488 : vector<16x1xi32> to vector<16xi32>
        %parallel_loop3A_490 = tpu.dynamic_gather %parallel_loop3A_483[%parallel_loop3A_489] in [0] : vector<16xf32>, vector<16xi32> -> vector<16xf32>
        %parallel_loop3A_491 = arith.addf %parallel_loop3A_483, %parallel_loop3A_490 : vector<16xf32>
        %parallel_loop3A_492 = arith.select %eq3A_17, %parallel_loop3A_487, %parallel_loop3A_491 : vector<16xi1>, vector<16xf32>
        %parallel_loop3A_493 = arith.constant 14 : i32
        %parallel_loop3A_494 = arith.addi %parallel_loop3A_309, %parallel_loop3A_493 : i32
        %parallel_loop3A_495 = arith.index_cast %parallel_loop3A_494 : i32 to index
        %parallel_loop3A_496 = arith.constant 0 : index
        %parallel_loop3A_497 = tpu.vector_load %arg27[%parallel_loop3A_495, %parallel_loop3A_496] {strides = array<i32>} : memref<80x16xf32, #tpu.memory_space<vmem>>, vector<1x16xf32>,
        %parallel_loop3A_498 = vector.shape_cast %parallel_loop3A_497 : vector<1x16xf32> to vector<16xf32>
        %parallel_loop3A_499 = arith.constant 15 : i32
        %parallel_loop3A_500 = arith.addi %parallel_loop3A_309, %parallel_loop3A_499 : i32
        %parallel_loop3A_501 = arith.index_cast %parallel_loop3A_500 : i32 to index
        %parallel_loop3A_502 = arith.constant 0 : index
        %parallel_loop3A_503 = tpu.vector_load %arg27[%parallel_loop3A_501, %parallel_loop3A_502] {strides = array<i32>} : memref<80x16xf32, #tpu.memory_space<vmem>>, vector<1x16xf32>,
        %parallel_loop3A_504 = vector.shape_cast %parallel_loop3A_503 : vector<1x16xf32> to vector<16xf32>
        %parallel_loop3A_505 = vector.shape_cast %xor3A_4 : vector<16xi32> to vector<16x1xi32>
        %parallel_loop3A_506 = vector.shape_cast %parallel_loop3A_505 : vector<16x1xi32> to vector<16xi32>
        %parallel_loop3A_507 = tpu.dynamic_gather %parallel_loop3A_498[%parallel_loop3A_506] in [0] : vector<16xf32>, vector<16xi32> -> vector<16xf32>
        %parallel_loop3A_508 = arith.addf %parallel_loop3A_498, %parallel_loop3A_507 : vector<16xf32>
        %parallel_loop3A_509 = vector.shape_cast %xor3A_4 : vector<16xi32> to vector<16x1xi32>
        %parallel_loop3A_510 = vector.shape_cast %parallel_loop3A_509 : vector<16x1xi32> to vector<16xi32>
        %parallel_loop3A_511 = tpu.dynamic_gather %parallel_loop3A_504[%parallel_loop3A_510] in [0] : vector<16xf32>, vector<16xi32> -> vector<16xf32>
        %parallel_loop3A_512 = arith.addf %parallel_loop3A_504, %parallel_loop3A_511 : vector<16xf32>
        %parallel_loop3A_513 = arith.select %eq3A_17, %parallel_loop3A_508, %parallel_loop3A_512 : vector<16xi1>, vector<16xf32>
        %parallel_loop3A_514 = vector.shape_cast %xor3A_7 : vector<16xi32> to vector<16x1xi32>
        %parallel_loop3A_515 = vector.shape_cast %parallel_loop3A_514 : vector<16x1xi32> to vector<16xi32>
        %parallel_loop3A_516 = tpu.dynamic_gather %parallel_loop3A_492[%parallel_loop3A_515] in [0] : vector<16xf32>, vector<16xi32> -> vector<16xf32>
        %parallel_loop3A_517 = arith.addf %parallel_loop3A_492, %parallel_loop3A_516 : vector<16xf32>
        %parallel_loop3A_518 = vector.shape_cast %xor3A_7 : vector<16xi32> to vector<16x1xi32>
        %parallel_loop3A_519 = vector.shape_cast %parallel_loop3A_518 : vector<16x1xi32> to vector<16xi32>
        %parallel_loop3A_520 = tpu.dynamic_gather %parallel_loop3A_513[%parallel_loop3A_519] in [0] : vector<16xf32>, vector<16xi32> -> vector<16xf32>
        %parallel_loop3A_521 = arith.addf %parallel_loop3A_513, %parallel_loop3A_520 : vector<16xf32>
        %parallel_loop3A_522 = arith.select %eq3A_23, %parallel_loop3A_517, %parallel_loop3A_521 : vector<16xi1>, vector<16xf32>
        %parallel_loop3A_523 = vector.shape_cast %xor3A_10 : vector<16xi32> to vector<16x1xi32>
        %parallel_loop3A_524 = vector.shape_cast %parallel_loop3A_523 : vector<16x1xi32> to vector<16xi32>
        %parallel_loop3A_525 = tpu.dynamic_gather %parallel_loop3A_471[%parallel_loop3A_524] in [0] : vector<16xf32>, vector<16xi32> -> vector<16xf32>
        %parallel_loop3A_526 = arith.addf %parallel_loop3A_471, %parallel_loop3A_525 : vector<16xf32>
        %parallel_loop3A_527 = vector.shape_cast %xor3A_10 : vector<16xi32> to vector<16x1xi32>
        %parallel_loop3A_528 = vector.shape_cast %parallel_loop3A_527 : vector<16x1xi32> to vector<16xi32>
        %parallel_loop3A_529 = tpu.dynamic_gather %parallel_loop3A_522[%parallel_loop3A_528] in [0] : vector<16xf32>, vector<16xi32> -> vector<16xf32>
        %parallel_loop3A_530 = arith.addf %parallel_loop3A_522, %parallel_loop3A_529 : vector<16xf32>
        %parallel_loop3A_531 = arith.select %eq3A_29, %parallel_loop3A_526, %parallel_loop3A_530 : vector<16xi1>, vector<16xf32>
        %parallel_loop3A_532 = vector.shape_cast %xor3A_13 : vector<16xi32> to vector<16x1xi32>
        %parallel_loop3A_533 = vector.shape_cast %parallel_loop3A_532 : vector<16x1xi32> to vector<16xi32>
        %parallel_loop3A_534 = tpu.dynamic_gather %parallel_loop3A_420[%parallel_loop3A_533] in [0] : vector<16xf32>, vector<16xi32> -> vector<16xf32>
        %parallel_loop3A_535 = arith.addf %parallel_loop3A_420, %parallel_loop3A_534 : vector<16xf32>
        %parallel_loop3A_536 = vector.shape_cast %xor3A_13 : vector<16xi32> to vector<16x1xi32>
        %parallel_loop3A_537 = vector.shape_cast %parallel_loop3A_536 : vector<16x1xi32> to vector<16xi32>
        %parallel_loop3A_538 = tpu.dynamic_gather %parallel_loop3A_531[%parallel_loop3A_537] in [0] : vector<16xf32>, vector<16xi32> -> vector<16xf32>
        %parallel_loop3A_539 = arith.addf %parallel_loop3A_531, %parallel_loop3A_538 : vector<16xf32>
        %parallel_loop3A_540 = arith.select %eq3A_35, %parallel_loop3A_535, %parallel_loop3A_539 : vector<16xi1>, vector<16xf32>
        %parallel_loop3A_541 = arith.index_cast %parallel_loop3A_309 : i32 to index
        %parallel_loop3A_542 = tpu.vector_load %arg23[%parallel_loop3A_541] {strides = array<i32>} : memref<80xf32, #tpu.memory_space<vmem>>, vector<16xf32>,
        %parallel_loop3A_543 = vector.shape_cast %parallel_loop3A_542 : vector<16xf32> to vector<16xf32>
        %parallel_loop3A_544 = vector.shape_cast %parallel_loop3A_540 : vector<16xf32> to vector<16xf32>
        tpu.vector_store %arg23[%parallel_loop3A_541], %parallel_loop3A_544 {strides = array<i32>} : memref<80xf32, #tpu.memory_space<vmem>>, vector<16xf32>,
      } {sc.loop_unroll_factor = 1 : i64, sc.parallel_access}
      %mul3A_175 = arith.constant 80 : i32
      %mul3A_176 = arith.muli %add3A_146, %mul3A_175 : i32
      %add3A_177 = arith.addi %mul3A_2, %mul3A_176 : i32
      %dma_start3A_178 = tpu.memref_slice %arg6[%add3A_177] : memref<320000xf32, #tpu.memory_space<hbm>> -> memref<80xf32, #tpu.memory_space<hbm>>
      %dma_start3A_179 = tpu.memref_slice %arg6[%add3A_177] : memref<320000xf32, #tpu.memory_space<hbm>> -> memref<80xf32, #tpu.memory_space<hbm>>
      tpu.enqueue_dma source(%arg23 : memref<80xf32, #tpu.memory_space<vmem>>) target(%dma_start3A_179 : memref<80xf32, #tpu.memory_space<hbm>>) target_semaphore(%arg44 : memref<!tpu.dma_semaphore, #tpu.memory_space<semaphore_mem>>)
      %mul3A_180 = arith.constant 4 : i32
      %mul3A_181 = arith.muli %mul3A_180, %scan3A_141 : i32
      %add3A_182 = arith.constant 1 : i32
      %add3A_183 = arith.addi %mul3A_181, %add3A_182 : i32
      %dma_wait3A_184 = arith.constant 0 : i32
      %dma_wait3A_185 = arith.constant 0 : i32
      %dma_wait3A_186 = tpu.memref_slice %arg5[%dma_wait3A_184, %dma_wait3A_185] : memref<10000x64xi32, #tpu.memory_space<hbm>> -> memref<10000x64xi32, #tpu.memory_space<hbm>>
      tpu.wait_indirect_dma semaphore(%arg38 : memref<!tpu.dma_semaphore, #tpu.memory_space<semaphore_mem>>) src(%dma_wait3A_186 : memref<10000x64xi32, #tpu.memory_space<hbm>>) dst(%arg17 : memref<80x64xi32, #tpu.memory_space<vmem>>)
      %dma_wait3A_187 = arith.constant 0 : i32
      %dma_wait3A_188 = arith.constant 0 : i32
      %dma_wait3A_189 = tpu.memref_slice %arg5[%dma_wait3A_187, %dma_wait3A_188] : memref<10000x64xi32, #tpu.memory_space<hbm>> -> memref<10000x64xi32, #tpu.memory_space<hbm>>
      tpu.wait_indirect_dma semaphore(%arg39 : memref<!tpu.dma_semaphore, #tpu.memory_space<semaphore_mem>>) src(%dma_wait3A_189 : memref<10000x64xi32, #tpu.memory_space<hbm>>) dst(%arg18 : memref<80x64xi32, #tpu.memory_space<vmem>>)
      %add3A_190 = arith.constant 4 : i32
      %add3A_191 = arith.addi %add3A_183, %add3A_190 : i32
      %sub3A_192 = arith.constant 1 : i32
      %sub3A_193 = arith.subi %add3A_191, %sub3A_192 : i32
      %lt3A_194 = arith.constant 125 : i32
      %lt3A_195 = arith.cmpi slt, %sub3A_193, %lt3A_194 : i32
      %convert_element_type3A_196 = arith.extui %lt3A_195 : i1 to i32
      %cond3A_197 = arith.constant 0 : i32
      %cond3A_198 = arith.cmpi ne, %convert_element_type3A_196, %cond3A_197 : i32
      scf.if %cond3A_198 {
        %dma_wait3A_307 = arith.constant 0 : i32
        %dma_wait3A_308 = tpu.memref_slice %arg2[%dma_wait3A_307] : memref<320000xi32, #tpu.memory_space<hbm>> -> memref<80xi32, #tpu.memory_space<hbm>>
        %dma_wait3A_309 = arith.constant 0 : i32
        %dma_wait3A_310 = tpu.memref_slice %arg2[%dma_wait3A_309] : memref<320000xi32, #tpu.memory_space<hbm>> -> memref<80xi32, #tpu.memory_space<hbm>>
        tpu.wait_dma2 semaphore(%arg28 : memref<!tpu.dma_semaphore, #tpu.memory_space<semaphore_mem>>) src(%dma_wait3A_310 : memref<80xi32, #tpu.memory_space<hbm>>) dst(%arg7 : memref<80xi32, #tpu.memory_space<vmem>>)
        %dma_wait3A_311 = arith.constant 0 : i32
        %dma_wait3A_312 = tpu.memref_slice %arg2[%dma_wait3A_311] : memref<320000xi32, #tpu.memory_space<hbm>> -> memref<80xi32, #tpu.memory_space<hbm>>
        %dma_wait3A_313 = arith.constant 0 : i32
        %dma_wait3A_314 = tpu.memref_slice %arg2[%dma_wait3A_313] : memref<320000xi32, #tpu.memory_space<hbm>> -> memref<80xi32, #tpu.memory_space<hbm>>
        tpu.wait_dma2 semaphore(%arg29 : memref<!tpu.dma_semaphore, #tpu.memory_space<semaphore_mem>>) src(%dma_wait3A_314 : memref<80xi32, #tpu.memory_space<hbm>>) dst(%arg8 : memref<80xi32, #tpu.memory_space<vmem>>)
        %dma_start3A_315 = arith.constant 0 : i32
        %dma_start3A_316 = arith.constant 0 : i32
        %dma_start3A_317 = tpu.memref_slice %arg5[%dma_start3A_315, %dma_start3A_316] : memref<10000x64xi32, #tpu.memory_space<hbm>> -> memref<10000x64xi32, #tpu.memory_space<hbm>>
        tpu.enqueue_indirect_dma source(%dma_start3A_317 : memref<10000x64xi32, #tpu.memory_space<hbm>>) target(%arg15 : memref<80x64xi32, #tpu.memory_space<vmem>>) offsets(%arg7 : memref<80xi32, #tpu.memory_space<vmem>>) semaphore(%arg36 : memref<!tpu.dma_semaphore, #tpu.memory_space<semaphore_mem>>)
        %dma_start3A_318 = arith.constant 0 : i32
        %dma_start3A_319 = arith.constant 0 : i32
        %dma_start3A_320 = tpu.memref_slice %arg5[%dma_start3A_318, %dma_start3A_319] : memref<10000x64xi32, #tpu.memory_space<hbm>> -> memref<10000x64xi32, #tpu.memory_space<hbm>>
        tpu.enqueue_indirect_dma source(%dma_start3A_320 : memref<10000x64xi32, #tpu.memory_space<hbm>>) target(%arg16 : memref<80x64xi32, #tpu.memory_space<vmem>>) offsets(%arg8 : memref<80xi32, #tpu.memory_space<vmem>>) semaphore(%arg37 : memref<!tpu.dma_semaphore, #tpu.memory_space<semaphore_mem>>)
      } else {
      }
      %add3A_199 = arith.constant 4 : i32
      %add3A_200 = arith.addi %add3A_183, %add3A_199 : i32
      %lt3A_201 = arith.constant 125 : i32
      %lt3A_202 = arith.cmpi slt, %add3A_200, %lt3A_201 : i32
      %convert_element_type3A_203 = arith.extui %lt3A_202 : i1 to i32
      %cond3A_204 = arith.constant 0 : i32
      %cond3A_205 = arith.cmpi ne, %convert_element_type3A_203, %cond3A_204 : i32
      scf.if %cond3A_205 {
        %add3A_307 = arith.constant 4 : i32
        %add3A_308 = arith.addi %add3A_183, %add3A_307 : i32
        %mul3A_309 = arith.constant 80 : i32
        %mul3A_310 = arith.muli %add3A_308, %mul3A_309 : i32
        %add3A_311 = arith.addi %mul3A_2, %mul3A_310 : i32
        %dma_start3A_312 = tpu.memref_slice %arg2[%add3A_311] : memref<320000xi32, #tpu.memory_space<hbm>> -> memref<80xi32, #tpu.memory_space<hbm>>
        %dma_start3A_313 = tpu.memref_slice %arg2[%add3A_311] : memref<320000xi32, #tpu.memory_space<hbm>> -> memref<80xi32, #tpu.memory_space<hbm>>
        tpu.enqueue_dma source(%dma_start3A_313 : memref<80xi32, #tpu.memory_space<hbm>>) target(%arg9 : memref<80xi32, #tpu.memory_space<vmem>>) target_semaphore(%arg30 : memref<!tpu.dma_semaphore, #tpu.memory_space<semaphore_mem>>)
        %dma_start3A_314 = tpu.memref_slice %arg3[%add3A_311] : memref<320000xi32, #tpu.memory_space<hbm>> -> memref<80xi32, #tpu.memory_space<hbm>>
        %dma_start3A_315 = tpu.memref_slice %arg3[%add3A_311] : memref<320000xi32, #tpu.memory_space<hbm>> -> memref<80xi32, #tpu.memory_space<hbm>>
        tpu.enqueue_dma source(%dma_start3A_315 : memref<80xi32, #tpu.memory_space<hbm>>) target(%arg10 : memref<80xi32, #tpu.memory_space<vmem>>) target_semaphore(%arg31 : memref<!tpu.dma_semaphore, #tpu.memory_space<semaphore_mem>>)
      } else {
      }
      %ge3A_206 = arith.constant 4 : i32
      %ge3A_207 = arith.cmpi sge, %add3A_183, %ge3A_206 : i32
      %convert_element_type3A_208 = arith.extui %ge3A_207 : i1 to i32
      %cond3A_209 = arith.constant 0 : i32
      %cond3A_210 = arith.cmpi ne, %convert_element_type3A_208, %cond3A_209 : i32
      scf.if %cond3A_210 {
        %dma_wait3A_307 = arith.constant 0 : i32
        %dma_wait3A_308 = tpu.memref_slice %arg6[%dma_wait3A_307] : memref<320000xf32, #tpu.memory_space<hbm>> -> memref<80xf32, #tpu.memory_space<hbm>>
        %dma_wait3A_309 = arith.constant 0 : i32
        %dma_wait3A_310 = tpu.memref_slice %arg6[%dma_wait3A_309] : memref<320000xf32, #tpu.memory_space<hbm>> -> memref<80xf32, #tpu.memory_space<hbm>>
        tpu.wait_dma2 semaphore(%arg45 : memref<!tpu.dma_semaphore, #tpu.memory_space<semaphore_mem>>) src(%arg24 : memref<80xf32, #tpu.memory_space<vmem>>) dst(%dma_wait3A_310 : memref<80xf32, #tpu.memory_space<hbm>>)
      } else {
      }
      %parallel_loop3A_211 = arith.constant 0 : i32
      %parallel_loop3A_212 = arith.constant 80 : i32
      %parallel_loop3A_213 = arith.constant 1 : i32
      scf.for %parallel_loop3A_307 = %parallel_loop3A_211 to %parallel_loop3A_212 step %parallel_loop3A_213  : i32 {
        %parallel_loop3A_308 = arith.index_cast %parallel_loop3A_307 : i32 to index
        %parallel_loop3A_309 = arith.constant 0 : index
        %parallel_loop3A_310 = tpu.vector_load %arg17[%parallel_loop3A_308, %parallel_loop3A_309] {strides = array<i32>} : memref<80x64xi32, #tpu.memory_space<vmem>>, vector<1x16xi32>,
        %parallel_loop3A_311 = vector.shape_cast %parallel_loop3A_310 : vector<1x16xi32> to vector<16xi32>
        %parallel_loop3A_312 = arith.index_cast %parallel_loop3A_307 : i32 to index
        %parallel_loop3A_313 = arith.constant 0 : index
        %parallel_loop3A_314 = tpu.vector_load %arg18[%parallel_loop3A_312, %parallel_loop3A_313] {strides = array<i32>} : memref<80x64xi32, #tpu.memory_space<vmem>>, vector<1x16xi32>,
        %parallel_loop3A_315 = vector.shape_cast %parallel_loop3A_314 : vector<1x16xi32> to vector<16xi32>
        %parallel_loop3A_316 = arith.constant 16 : i32
        %parallel_loop3A_317 = vector.broadcast %parallel_loop3A_316 : i32 to vector<16xi32>
        %parallel_loop3A_318 = arith.shli %parallel_loop3A_311, %parallel_loop3A_317 : vector<16xi32>
        %parallel_loop3A_319 = tpu.bitcast %parallel_loop3A_318 : vector<16xi32> -> vector<16xf32>
        %parallel_loop3A_320 = tpu.bitcast %parallel_loop3A_311 : vector<16xi32> -> vector<16xf32>
        %parallel_loop3A_321 = arith.constant 16 : i32
        %parallel_loop3A_322 = vector.broadcast %parallel_loop3A_321 : i32 to vector<16xi32>
        %parallel_loop3A_323 = arith.shli %parallel_loop3A_315, %parallel_loop3A_322 : vector<16xi32>
        %parallel_loop3A_324 = tpu.bitcast %parallel_loop3A_323 : vector<16xi32> -> vector<16xf32>
        %parallel_loop3A_325 = tpu.bitcast %parallel_loop3A_315 : vector<16xi32> -> vector<16xf32>
        %parallel_loop3A_326 = arith.mulf %parallel_loop3A_319, %parallel_loop3A_324 : vector<16xf32>
        %parallel_loop3A_327 = arith.mulf %parallel_loop3A_320, %parallel_loop3A_325 : vector<16xf32>
        %parallel_loop3A_328 = arith.addf %parallel_loop3A_326, %parallel_loop3A_327 : vector<16xf32>
        %parallel_loop3A_329 = arith.index_cast %parallel_loop3A_307 : i32 to index
        %parallel_loop3A_330 = arith.constant 16 : index
        %parallel_loop3A_331 = tpu.vector_load %arg17[%parallel_loop3A_329, %parallel_loop3A_330] {strides = array<i32>} : memref<80x64xi32, #tpu.memory_space<vmem>>, vector<1x16xi32>,
        %parallel_loop3A_332 = vector.shape_cast %parallel_loop3A_331 : vector<1x16xi32> to vector<16xi32>
        %parallel_loop3A_333 = arith.index_cast %parallel_loop3A_307 : i32 to index
        %parallel_loop3A_334 = arith.constant 16 : index
        %parallel_loop3A_335 = tpu.vector_load %arg18[%parallel_loop3A_333, %parallel_loop3A_334] {strides = array<i32>} : memref<80x64xi32, #tpu.memory_space<vmem>>, vector<1x16xi32>,
        %parallel_loop3A_336 = vector.shape_cast %parallel_loop3A_335 : vector<1x16xi32> to vector<16xi32>
        %parallel_loop3A_337 = arith.constant 16 : i32
        %parallel_loop3A_338 = vector.broadcast %parallel_loop3A_337 : i32 to vector<16xi32>
        %parallel_loop3A_339 = arith.shli %parallel_loop3A_332, %parallel_loop3A_338 : vector<16xi32>
        %parallel_loop3A_340 = tpu.bitcast %parallel_loop3A_339 : vector<16xi32> -> vector<16xf32>
        %parallel_loop3A_341 = tpu.bitcast %parallel_loop3A_332 : vector<16xi32> -> vector<16xf32>
        %parallel_loop3A_342 = arith.constant 16 : i32
        %parallel_loop3A_343 = vector.broadcast %parallel_loop3A_342 : i32 to vector<16xi32>
        %parallel_loop3A_344 = arith.shli %parallel_loop3A_336, %parallel_loop3A_343 : vector<16xi32>
        %parallel_loop3A_345 = tpu.bitcast %parallel_loop3A_344 : vector<16xi32> -> vector<16xf32>
        %parallel_loop3A_346 = tpu.bitcast %parallel_loop3A_336 : vector<16xi32> -> vector<16xf32>
        %parallel_loop3A_347 = arith.mulf %parallel_loop3A_340, %parallel_loop3A_345 : vector<16xf32>
        %parallel_loop3A_348 = arith.mulf %parallel_loop3A_341, %parallel_loop3A_346 : vector<16xf32>
        %parallel_loop3A_349 = arith.addf %parallel_loop3A_347, %parallel_loop3A_348 : vector<16xf32>
        %parallel_loop3A_350 = arith.addf %parallel_loop3A_328, %parallel_loop3A_349 : vector<16xf32>
        %parallel_loop3A_351 = arith.index_cast %parallel_loop3A_307 : i32 to index
        %parallel_loop3A_352 = arith.constant 32 : index
        %parallel_loop3A_353 = tpu.vector_load %arg17[%parallel_loop3A_351, %parallel_loop3A_352] {strides = array<i32>} : memref<80x64xi32, #tpu.memory_space<vmem>>, vector<1x16xi32>,
        %parallel_loop3A_354 = vector.shape_cast %parallel_loop3A_353 : vector<1x16xi32> to vector<16xi32>
        %parallel_loop3A_355 = arith.index_cast %parallel_loop3A_307 : i32 to index
        %parallel_loop3A_356 = arith.constant 32 : index
        %parallel_loop3A_357 = tpu.vector_load %arg18[%parallel_loop3A_355, %parallel_loop3A_356] {strides = array<i32>} : memref<80x64xi32, #tpu.memory_space<vmem>>, vector<1x16xi32>,
        %parallel_loop3A_358 = vector.shape_cast %parallel_loop3A_357 : vector<1x16xi32> to vector<16xi32>
        %parallel_loop3A_359 = arith.constant 16 : i32
        %parallel_loop3A_360 = vector.broadcast %parallel_loop3A_359 : i32 to vector<16xi32>
        %parallel_loop3A_361 = arith.shli %parallel_loop3A_354, %parallel_loop3A_360 : vector<16xi32>
        %parallel_loop3A_362 = tpu.bitcast %parallel_loop3A_361 : vector<16xi32> -> vector<16xf32>
        %parallel_loop3A_363 = tpu.bitcast %parallel_loop3A_354 : vector<16xi32> -> vector<16xf32>
        %parallel_loop3A_364 = arith.constant 16 : i32
        %parallel_loop3A_365 = vector.broadcast %parallel_loop3A_364 : i32 to vector<16xi32>
        %parallel_loop3A_366 = arith.shli %parallel_loop3A_358, %parallel_loop3A_365 : vector<16xi32>
        %parallel_loop3A_367 = tpu.bitcast %parallel_loop3A_366 : vector<16xi32> -> vector<16xf32>
        %parallel_loop3A_368 = tpu.bitcast %parallel_loop3A_358 : vector<16xi32> -> vector<16xf32>
        %parallel_loop3A_369 = arith.mulf %parallel_loop3A_362, %parallel_loop3A_367 : vector<16xf32>
        %parallel_loop3A_370 = arith.mulf %parallel_loop3A_363, %parallel_loop3A_368 : vector<16xf32>
        %parallel_loop3A_371 = arith.addf %parallel_loop3A_369, %parallel_loop3A_370 : vector<16xf32>
        %parallel_loop3A_372 = arith.addf %parallel_loop3A_350, %parallel_loop3A_371 : vector<16xf32>
        %parallel_loop3A_373 = arith.index_cast %parallel_loop3A_307 : i32 to index
        %parallel_loop3A_374 = arith.constant 48 : index
        %parallel_loop3A_375 = tpu.vector_load %arg17[%parallel_loop3A_373, %parallel_loop3A_374] {strides = array<i32>} : memref<80x64xi32, #tpu.memory_space<vmem>>, vector<1x16xi32>,
        %parallel_loop3A_376 = vector.shape_cast %parallel_loop3A_375 : vector<1x16xi32> to vector<16xi32>
        %parallel_loop3A_377 = arith.index_cast %parallel_loop3A_307 : i32 to index
        %parallel_loop3A_378 = arith.constant 48 : index
        %parallel_loop3A_379 = tpu.vector_load %arg18[%parallel_loop3A_377, %parallel_loop3A_378] {strides = array<i32>} : memref<80x64xi32, #tpu.memory_space<vmem>>, vector<1x16xi32>,
        %parallel_loop3A_380 = vector.shape_cast %parallel_loop3A_379 : vector<1x16xi32> to vector<16xi32>
        %parallel_loop3A_381 = arith.constant 16 : i32
        %parallel_loop3A_382 = vector.broadcast %parallel_loop3A_381 : i32 to vector<16xi32>
        %parallel_loop3A_383 = arith.shli %parallel_loop3A_376, %parallel_loop3A_382 : vector<16xi32>
        %parallel_loop3A_384 = tpu.bitcast %parallel_loop3A_383 : vector<16xi32> -> vector<16xf32>
        %parallel_loop3A_385 = tpu.bitcast %parallel_loop3A_376 : vector<16xi32> -> vector<16xf32>
        %parallel_loop3A_386 = arith.constant 16 : i32
        %parallel_loop3A_387 = vector.broadcast %parallel_loop3A_386 : i32 to vector<16xi32>
        %parallel_loop3A_388 = arith.shli %parallel_loop3A_380, %parallel_loop3A_387 : vector<16xi32>
        %parallel_loop3A_389 = tpu.bitcast %parallel_loop3A_388 : vector<16xi32> -> vector<16xf32>
        %parallel_loop3A_390 = tpu.bitcast %parallel_loop3A_380 : vector<16xi32> -> vector<16xf32>
        %parallel_loop3A_391 = arith.mulf %parallel_loop3A_384, %parallel_loop3A_389 : vector<16xf32>
        %parallel_loop3A_392 = arith.mulf %parallel_loop3A_385, %parallel_loop3A_390 : vector<16xf32>
        %parallel_loop3A_393 = arith.addf %parallel_loop3A_391, %parallel_loop3A_392 : vector<16xf32>
        %parallel_loop3A_394 = arith.addf %parallel_loop3A_372, %parallel_loop3A_393 : vector<16xf32>
        %parallel_loop3A_395 = arith.index_cast %parallel_loop3A_307 : i32 to index
        %parallel_loop3A_396 = arith.constant 0 : index
        %parallel_loop3A_397 = tpu.vector_load %arg27[%parallel_loop3A_395, %parallel_loop3A_396] {strides = array<i32>} : memref<80x16xf32, #tpu.memory_space<vmem>>, vector<1x16xf32>,
        %parallel_loop3A_398 = vector.shape_cast %parallel_loop3A_397 : vector<1x16xf32> to vector<16xf32>
        %parallel_loop3A_399 = vector.shape_cast %parallel_loop3A_394 : vector<16xf32> to vector<1x16xf32>
        tpu.vector_store %arg27[%parallel_loop3A_395, %parallel_loop3A_396], %parallel_loop3A_399 {strides = array<i32>} : memref<80x16xf32, #tpu.memory_space<vmem>>, vector<1x16xf32>,
      } {sc.loop_unroll_factor = 1 : i64, sc.parallel_access}
      %parallel_loop3A_214 = arith.constant 0 : i32
      %parallel_loop3A_215 = arith.constant 5 : i32
      %parallel_loop3A_216 = arith.constant 1 : i32
      scf.for %parallel_loop3A_307 = %parallel_loop3A_214 to %parallel_loop3A_215 step %parallel_loop3A_216  : i32 {
        %parallel_loop3A_308 = arith.constant 16 : i32
        %parallel_loop3A_309 = arith.muli %parallel_loop3A_307, %parallel_loop3A_308 : i32
        %parallel_loop3A_310 = arith.constant 0 : i32
        %parallel_loop3A_311 = arith.addi %parallel_loop3A_309, %parallel_loop3A_310 : i32
        %parallel_loop3A_312 = arith.index_cast %parallel_loop3A_311 : i32 to index
        %parallel_loop3A_313 = arith.constant 0 : index
        %parallel_loop3A_314 = tpu.vector_load %arg27[%parallel_loop3A_312, %parallel_loop3A_313] {strides = array<i32>} : memref<80x16xf32, #tpu.memory_space<vmem>>, vector<1x16xf32>,
        %parallel_loop3A_315 = vector.shape_cast %parallel_loop3A_314 : vector<1x16xf32> to vector<16xf32>
        %parallel_loop3A_316 = arith.constant 1 : i32
        %parallel_loop3A_317 = arith.addi %parallel_loop3A_309, %parallel_loop3A_316 : i32
        %parallel_loop3A_318 = arith.index_cast %parallel_loop3A_317 : i32 to index
        %parallel_loop3A_319 = arith.constant 0 : index
        %parallel_loop3A_320 = tpu.vector_load %arg27[%parallel_loop3A_318, %parallel_loop3A_319] {strides = array<i32>} : memref<80x16xf32, #tpu.memory_space<vmem>>, vector<1x16xf32>,
        %parallel_loop3A_321 = vector.shape_cast %parallel_loop3A_320 : vector<1x16xf32> to vector<16xf32>
        %parallel_loop3A_322 = vector.shape_cast %xor3A_4 : vector<16xi32> to vector<16x1xi32>
        %parallel_loop3A_323 = vector.shape_cast %parallel_loop3A_322 : vector<16x1xi32> to vector<16xi32>
        %parallel_loop3A_324 = tpu.dynamic_gather %parallel_loop3A_315[%parallel_loop3A_323] in [0] : vector<16xf32>, vector<16xi32> -> vector<16xf32>
        %parallel_loop3A_325 = arith.addf %parallel_loop3A_315, %parallel_loop3A_324 : vector<16xf32>
        %parallel_loop3A_326 = vector.shape_cast %xor3A_4 : vector<16xi32> to vector<16x1xi32>
        %parallel_loop3A_327 = vector.shape_cast %parallel_loop3A_326 : vector<16x1xi32> to vector<16xi32>
        %parallel_loop3A_328 = tpu.dynamic_gather %parallel_loop3A_321[%parallel_loop3A_327] in [0] : vector<16xf32>, vector<16xi32> -> vector<16xf32>
        %parallel_loop3A_329 = arith.addf %parallel_loop3A_321, %parallel_loop3A_328 : vector<16xf32>
        %parallel_loop3A_330 = arith.select %eq3A_17, %parallel_loop3A_325, %parallel_loop3A_329 : vector<16xi1>, vector<16xf32>
        %parallel_loop3A_331 = arith.constant 2 : i32
        %parallel_loop3A_332 = arith.addi %parallel_loop3A_309, %parallel_loop3A_331 : i32
        %parallel_loop3A_333 = arith.index_cast %parallel_loop3A_332 : i32 to index
        %parallel_loop3A_334 = arith.constant 0 : index
        %parallel_loop3A_335 = tpu.vector_load %arg27[%parallel_loop3A_333, %parallel_loop3A_334] {strides = array<i32>} : memref<80x16xf32, #tpu.memory_space<vmem>>, vector<1x16xf32>,
        %parallel_loop3A_336 = vector.shape_cast %parallel_loop3A_335 : vector<1x16xf32> to vector<16xf32>
        %parallel_loop3A_337 = arith.constant 3 : i32
        %parallel_loop3A_338 = arith.addi %parallel_loop3A_309, %parallel_loop3A_337 : i32
        %parallel_loop3A_339 = arith.index_cast %parallel_loop3A_338 : i32 to index
        %parallel_loop3A_340 = arith.constant 0 : index
        %parallel_loop3A_341 = tpu.vector_load %arg27[%parallel_loop3A_339, %parallel_loop3A_340] {strides = array<i32>} : memref<80x16xf32, #tpu.memory_space<vmem>>, vector<1x16xf32>,
        %parallel_loop3A_342 = vector.shape_cast %parallel_loop3A_341 : vector<1x16xf32> to vector<16xf32>
        %parallel_loop3A_343 = vector.shape_cast %xor3A_4 : vector<16xi32> to vector<16x1xi32>
        %parallel_loop3A_344 = vector.shape_cast %parallel_loop3A_343 : vector<16x1xi32> to vector<16xi32>
        %parallel_loop3A_345 = tpu.dynamic_gather %parallel_loop3A_336[%parallel_loop3A_344] in [0] : vector<16xf32>, vector<16xi32> -> vector<16xf32>
        %parallel_loop3A_346 = arith.addf %parallel_loop3A_336, %parallel_loop3A_345 : vector<16xf32>
        %parallel_loop3A_347 = vector.shape_cast %xor3A_4 : vector<16xi32> to vector<16x1xi32>
        %parallel_loop3A_348 = vector.shape_cast %parallel_loop3A_347 : vector<16x1xi32> to vector<16xi32>
        %parallel_loop3A_349 = tpu.dynamic_gather %parallel_loop3A_342[%parallel_loop3A_348] in [0] : vector<16xf32>, vector<16xi32> -> vector<16xf32>
        %parallel_loop3A_350 = arith.addf %parallel_loop3A_342, %parallel_loop3A_349 : vector<16xf32>
        %parallel_loop3A_351 = arith.select %eq3A_17, %parallel_loop3A_346, %parallel_loop3A_350 : vector<16xi1>, vector<16xf32>
        %parallel_loop3A_352 = vector.shape_cast %xor3A_7 : vector<16xi32> to vector<16x1xi32>
        %parallel_loop3A_353 = vector.shape_cast %parallel_loop3A_352 : vector<16x1xi32> to vector<16xi32>
        %parallel_loop3A_354 = tpu.dynamic_gather %parallel_loop3A_330[%parallel_loop3A_353] in [0] : vector<16xf32>, vector<16xi32> -> vector<16xf32>
        %parallel_loop3A_355 = arith.addf %parallel_loop3A_330, %parallel_loop3A_354 : vector<16xf32>
        %parallel_loop3A_356 = vector.shape_cast %xor3A_7 : vector<16xi32> to vector<16x1xi32>
        %parallel_loop3A_357 = vector.shape_cast %parallel_loop3A_356 : vector<16x1xi32> to vector<16xi32>
        %parallel_loop3A_358 = tpu.dynamic_gather %parallel_loop3A_351[%parallel_loop3A_357] in [0] : vector<16xf32>, vector<16xi32> -> vector<16xf32>
        %parallel_loop3A_359 = arith.addf %parallel_loop3A_351, %parallel_loop3A_358 : vector<16xf32>
        %parallel_loop3A_360 = arith.select %eq3A_23, %parallel_loop3A_355, %parallel_loop3A_359 : vector<16xi1>, vector<16xf32>
        %parallel_loop3A_361 = arith.constant 4 : i32
        %parallel_loop3A_362 = arith.addi %parallel_loop3A_309, %parallel_loop3A_361 : i32
        %parallel_loop3A_363 = arith.index_cast %parallel_loop3A_362 : i32 to index
        %parallel_loop3A_364 = arith.constant 0 : index
        %parallel_loop3A_365 = tpu.vector_load %arg27[%parallel_loop3A_363, %parallel_loop3A_364] {strides = array<i32>} : memref<80x16xf32, #tpu.memory_space<vmem>>, vector<1x16xf32>,
        %parallel_loop3A_366 = vector.shape_cast %parallel_loop3A_365 : vector<1x16xf32> to vector<16xf32>
        %parallel_loop3A_367 = arith.constant 5 : i32
        %parallel_loop3A_368 = arith.addi %parallel_loop3A_309, %parallel_loop3A_367 : i32
        %parallel_loop3A_369 = arith.index_cast %parallel_loop3A_368 : i32 to index
        %parallel_loop3A_370 = arith.constant 0 : index
        %parallel_loop3A_371 = tpu.vector_load %arg27[%parallel_loop3A_369, %parallel_loop3A_370] {strides = array<i32>} : memref<80x16xf32, #tpu.memory_space<vmem>>, vector<1x16xf32>,
        %parallel_loop3A_372 = vector.shape_cast %parallel_loop3A_371 : vector<1x16xf32> to vector<16xf32>
        %parallel_loop3A_373 = vector.shape_cast %xor3A_4 : vector<16xi32> to vector<16x1xi32>
        %parallel_loop3A_374 = vector.shape_cast %parallel_loop3A_373 : vector<16x1xi32> to vector<16xi32>
        %parallel_loop3A_375 = tpu.dynamic_gather %parallel_loop3A_366[%parallel_loop3A_374] in [0] : vector<16xf32>, vector<16xi32> -> vector<16xf32>
        %parallel_loop3A_376 = arith.addf %parallel_loop3A_366, %parallel_loop3A_375 : vector<16xf32>
        %parallel_loop3A_377 = vector.shape_cast %xor3A_4 : vector<16xi32> to vector<16x1xi32>
        %parallel_loop3A_378 = vector.shape_cast %parallel_loop3A_377 : vector<16x1xi32> to vector<16xi32>
        %parallel_loop3A_379 = tpu.dynamic_gather %parallel_loop3A_372[%parallel_loop3A_378] in [0] : vector<16xf32>, vector<16xi32> -> vector<16xf32>
        %parallel_loop3A_380 = arith.addf %parallel_loop3A_372, %parallel_loop3A_379 : vector<16xf32>
        %parallel_loop3A_381 = arith.select %eq3A_17, %parallel_loop3A_376, %parallel_loop3A_380 : vector<16xi1>, vector<16xf32>
        %parallel_loop3A_382 = arith.constant 6 : i32
        %parallel_loop3A_383 = arith.addi %parallel_loop3A_309, %parallel_loop3A_382 : i32
        %parallel_loop3A_384 = arith.index_cast %parallel_loop3A_383 : i32 to index
        %parallel_loop3A_385 = arith.constant 0 : index
        %parallel_loop3A_386 = tpu.vector_load %arg27[%parallel_loop3A_384, %parallel_loop3A_385] {strides = array<i32>} : memref<80x16xf32, #tpu.memory_space<vmem>>, vector<1x16xf32>,
        %parallel_loop3A_387 = vector.shape_cast %parallel_loop3A_386 : vector<1x16xf32> to vector<16xf32>
        %parallel_loop3A_388 = arith.constant 7 : i32
        %parallel_loop3A_389 = arith.addi %parallel_loop3A_309, %parallel_loop3A_388 : i32
        %parallel_loop3A_390 = arith.index_cast %parallel_loop3A_389 : i32 to index
        %parallel_loop3A_391 = arith.constant 0 : index
        %parallel_loop3A_392 = tpu.vector_load %arg27[%parallel_loop3A_390, %parallel_loop3A_391] {strides = array<i32>} : memref<80x16xf32, #tpu.memory_space<vmem>>, vector<1x16xf32>,
        %parallel_loop3A_393 = vector.shape_cast %parallel_loop3A_392 : vector<1x16xf32> to vector<16xf32>
        %parallel_loop3A_394 = vector.shape_cast %xor3A_4 : vector<16xi32> to vector<16x1xi32>
        %parallel_loop3A_395 = vector.shape_cast %parallel_loop3A_394 : vector<16x1xi32> to vector<16xi32>
        %parallel_loop3A_396 = tpu.dynamic_gather %parallel_loop3A_387[%parallel_loop3A_395] in [0] : vector<16xf32>, vector<16xi32> -> vector<16xf32>
        %parallel_loop3A_397 = arith.addf %parallel_loop3A_387, %parallel_loop3A_396 : vector<16xf32>
        %parallel_loop3A_398 = vector.shape_cast %xor3A_4 : vector<16xi32> to vector<16x1xi32>
        %parallel_loop3A_399 = vector.shape_cast %parallel_loop3A_398 : vector<16x1xi32> to vector<16xi32>
        %parallel_loop3A_400 = tpu.dynamic_gather %parallel_loop3A_393[%parallel_loop3A_399] in [0] : vector<16xf32>, vector<16xi32> -> vector<16xf32>
        %parallel_loop3A_401 = arith.addf %parallel_loop3A_393, %parallel_loop3A_400 : vector<16xf32>
        %parallel_loop3A_402 = arith.select %eq3A_17, %parallel_loop3A_397, %parallel_loop3A_401 : vector<16xi1>, vector<16xf32>
        %parallel_loop3A_403 = vector.shape_cast %xor3A_7 : vector<16xi32> to vector<16x1xi32>
        %parallel_loop3A_404 = vector.shape_cast %parallel_loop3A_403 : vector<16x1xi32> to vector<16xi32>
        %parallel_loop3A_405 = tpu.dynamic_gather %parallel_loop3A_381[%parallel_loop3A_404] in [0] : vector<16xf32>, vector<16xi32> -> vector<16xf32>
        %parallel_loop3A_406 = arith.addf %parallel_loop3A_381, %parallel_loop3A_405 : vector<16xf32>
        %parallel_loop3A_407 = vector.shape_cast %xor3A_7 : vector<16xi32> to vector<16x1xi32>
        %parallel_loop3A_408 = vector.shape_cast %parallel_loop3A_407 : vector<16x1xi32> to vector<16xi32>
        %parallel_loop3A_409 = tpu.dynamic_gather %parallel_loop3A_402[%parallel_loop3A_408] in [0] : vector<16xf32>, vector<16xi32> -> vector<16xf32>
        %parallel_loop3A_410 = arith.addf %parallel_loop3A_402, %parallel_loop3A_409 : vector<16xf32>
        %parallel_loop3A_411 = arith.select %eq3A_23, %parallel_loop3A_406, %parallel_loop3A_410 : vector<16xi1>, vector<16xf32>
        %parallel_loop3A_412 = vector.shape_cast %xor3A_10 : vector<16xi32> to vector<16x1xi32>
        %parallel_loop3A_413 = vector.shape_cast %parallel_loop3A_412 : vector<16x1xi32> to vector<16xi32>
        %parallel_loop3A_414 = tpu.dynamic_gather %parallel_loop3A_360[%parallel_loop3A_413] in [0] : vector<16xf32>, vector<16xi32> -> vector<16xf32>
        %parallel_loop3A_415 = arith.addf %parallel_loop3A_360, %parallel_loop3A_414 : vector<16xf32>
        %parallel_loop3A_416 = vector.shape_cast %xor3A_10 : vector<16xi32> to vector<16x1xi32>
        %parallel_loop3A_417 = vector.shape_cast %parallel_loop3A_416 : vector<16x1xi32> to vector<16xi32>
        %parallel_loop3A_418 = tpu.dynamic_gather %parallel_loop3A_411[%parallel_loop3A_417] in [0] : vector<16xf32>, vector<16xi32> -> vector<16xf32>
        %parallel_loop3A_419 = arith.addf %parallel_loop3A_411, %parallel_loop3A_418 : vector<16xf32>
        %parallel_loop3A_420 = arith.select %eq3A_29, %parallel_loop3A_415, %parallel_loop3A_419 : vector<16xi1>, vector<16xf32>
        %parallel_loop3A_421 = arith.constant 8 : i32
        %parallel_loop3A_422 = arith.addi %parallel_loop3A_309, %parallel_loop3A_421 : i32
        %parallel_loop3A_423 = arith.index_cast %parallel_loop3A_422 : i32 to index
        %parallel_loop3A_424 = arith.constant 0 : index
        %parallel_loop3A_425 = tpu.vector_load %arg27[%parallel_loop3A_423, %parallel_loop3A_424] {strides = array<i32>} : memref<80x16xf32, #tpu.memory_space<vmem>>, vector<1x16xf32>,
        %parallel_loop3A_426 = vector.shape_cast %parallel_loop3A_425 : vector<1x16xf32> to vector<16xf32>
        %parallel_loop3A_427 = arith.constant 9 : i32
        %parallel_loop3A_428 = arith.addi %parallel_loop3A_309, %parallel_loop3A_427 : i32
        %parallel_loop3A_429 = arith.index_cast %parallel_loop3A_428 : i32 to index
        %parallel_loop3A_430 = arith.constant 0 : index
        %parallel_loop3A_431 = tpu.vector_load %arg27[%parallel_loop3A_429, %parallel_loop3A_430] {strides = array<i32>} : memref<80x16xf32, #tpu.memory_space<vmem>>, vector<1x16xf32>,
        %parallel_loop3A_432 = vector.shape_cast %parallel_loop3A_431 : vector<1x16xf32> to vector<16xf32>
        %parallel_loop3A_433 = vector.shape_cast %xor3A_4 : vector<16xi32> to vector<16x1xi32>
        %parallel_loop3A_434 = vector.shape_cast %parallel_loop3A_433 : vector<16x1xi32> to vector<16xi32>
        %parallel_loop3A_435 = tpu.dynamic_gather %parallel_loop3A_426[%parallel_loop3A_434] in [0] : vector<16xf32>, vector<16xi32> -> vector<16xf32>
        %parallel_loop3A_436 = arith.addf %parallel_loop3A_426, %parallel_loop3A_435 : vector<16xf32>
        %parallel_loop3A_437 = vector.shape_cast %xor3A_4 : vector<16xi32> to vector<16x1xi32>
        %parallel_loop3A_438 = vector.shape_cast %parallel_loop3A_437 : vector<16x1xi32> to vector<16xi32>
        %parallel_loop3A_439 = tpu.dynamic_gather %parallel_loop3A_432[%parallel_loop3A_438] in [0] : vector<16xf32>, vector<16xi32> -> vector<16xf32>
        %parallel_loop3A_440 = arith.addf %parallel_loop3A_432, %parallel_loop3A_439 : vector<16xf32>
        %parallel_loop3A_441 = arith.select %eq3A_17, %parallel_loop3A_436, %parallel_loop3A_440 : vector<16xi1>, vector<16xf32>
        %parallel_loop3A_442 = arith.constant 10 : i32
        %parallel_loop3A_443 = arith.addi %parallel_loop3A_309, %parallel_loop3A_442 : i32
        %parallel_loop3A_444 = arith.index_cast %parallel_loop3A_443 : i32 to index
        %parallel_loop3A_445 = arith.constant 0 : index
        %parallel_loop3A_446 = tpu.vector_load %arg27[%parallel_loop3A_444, %parallel_loop3A_445] {strides = array<i32>} : memref<80x16xf32, #tpu.memory_space<vmem>>, vector<1x16xf32>,
        %parallel_loop3A_447 = vector.shape_cast %parallel_loop3A_446 : vector<1x16xf32> to vector<16xf32>
        %parallel_loop3A_448 = arith.constant 11 : i32
        %parallel_loop3A_449 = arith.addi %parallel_loop3A_309, %parallel_loop3A_448 : i32
        %parallel_loop3A_450 = arith.index_cast %parallel_loop3A_449 : i32 to index
        %parallel_loop3A_451 = arith.constant 0 : index
        %parallel_loop3A_452 = tpu.vector_load %arg27[%parallel_loop3A_450, %parallel_loop3A_451] {strides = array<i32>} : memref<80x16xf32, #tpu.memory_space<vmem>>, vector<1x16xf32>,
        %parallel_loop3A_453 = vector.shape_cast %parallel_loop3A_452 : vector<1x16xf32> to vector<16xf32>
        %parallel_loop3A_454 = vector.shape_cast %xor3A_4 : vector<16xi32> to vector<16x1xi32>
        %parallel_loop3A_455 = vector.shape_cast %parallel_loop3A_454 : vector<16x1xi32> to vector<16xi32>
        %parallel_loop3A_456 = tpu.dynamic_gather %parallel_loop3A_447[%parallel_loop3A_455] in [0] : vector<16xf32>, vector<16xi32> -> vector<16xf32>
        %parallel_loop3A_457 = arith.addf %parallel_loop3A_447, %parallel_loop3A_456 : vector<16xf32>
        %parallel_loop3A_458 = vector.shape_cast %xor3A_4 : vector<16xi32> to vector<16x1xi32>
        %parallel_loop3A_459 = vector.shape_cast %parallel_loop3A_458 : vector<16x1xi32> to vector<16xi32>
        %parallel_loop3A_460 = tpu.dynamic_gather %parallel_loop3A_453[%parallel_loop3A_459] in [0] : vector<16xf32>, vector<16xi32> -> vector<16xf32>
        %parallel_loop3A_461 = arith.addf %parallel_loop3A_453, %parallel_loop3A_460 : vector<16xf32>
        %parallel_loop3A_462 = arith.select %eq3A_17, %parallel_loop3A_457, %parallel_loop3A_461 : vector<16xi1>, vector<16xf32>
        %parallel_loop3A_463 = vector.shape_cast %xor3A_7 : vector<16xi32> to vector<16x1xi32>
        %parallel_loop3A_464 = vector.shape_cast %parallel_loop3A_463 : vector<16x1xi32> to vector<16xi32>
        %parallel_loop3A_465 = tpu.dynamic_gather %parallel_loop3A_441[%parallel_loop3A_464] in [0] : vector<16xf32>, vector<16xi32> -> vector<16xf32>
        %parallel_loop3A_466 = arith.addf %parallel_loop3A_441, %parallel_loop3A_465 : vector<16xf32>
        %parallel_loop3A_467 = vector.shape_cast %xor3A_7 : vector<16xi32> to vector<16x1xi32>
        %parallel_loop3A_468 = vector.shape_cast %parallel_loop3A_467 : vector<16x1xi32> to vector<16xi32>
        %parallel_loop3A_469 = tpu.dynamic_gather %parallel_loop3A_462[%parallel_loop3A_468] in [0] : vector<16xf32>, vector<16xi32> -> vector<16xf32>
        %parallel_loop3A_470 = arith.addf %parallel_loop3A_462, %parallel_loop3A_469 : vector<16xf32>
        %parallel_loop3A_471 = arith.select %eq3A_23, %parallel_loop3A_466, %parallel_loop3A_470 : vector<16xi1>, vector<16xf32>
        %parallel_loop3A_472 = arith.constant 12 : i32
        %parallel_loop3A_473 = arith.addi %parallel_loop3A_309, %parallel_loop3A_472 : i32
        %parallel_loop3A_474 = arith.index_cast %parallel_loop3A_473 : i32 to index
        %parallel_loop3A_475 = arith.constant 0 : index
        %parallel_loop3A_476 = tpu.vector_load %arg27[%parallel_loop3A_474, %parallel_loop3A_475] {strides = array<i32>} : memref<80x16xf32, #tpu.memory_space<vmem>>, vector<1x16xf32>,
        %parallel_loop3A_477 = vector.shape_cast %parallel_loop3A_476 : vector<1x16xf32> to vector<16xf32>
        %parallel_loop3A_478 = arith.constant 13 : i32
        %parallel_loop3A_479 = arith.addi %parallel_loop3A_309, %parallel_loop3A_478 : i32
        %parallel_loop3A_480 = arith.index_cast %parallel_loop3A_479 : i32 to index
        %parallel_loop3A_481 = arith.constant 0 : index
        %parallel_loop3A_482 = tpu.vector_load %arg27[%parallel_loop3A_480, %parallel_loop3A_481] {strides = array<i32>} : memref<80x16xf32, #tpu.memory_space<vmem>>, vector<1x16xf32>,
        %parallel_loop3A_483 = vector.shape_cast %parallel_loop3A_482 : vector<1x16xf32> to vector<16xf32>
        %parallel_loop3A_484 = vector.shape_cast %xor3A_4 : vector<16xi32> to vector<16x1xi32>
        %parallel_loop3A_485 = vector.shape_cast %parallel_loop3A_484 : vector<16x1xi32> to vector<16xi32>
        %parallel_loop3A_486 = tpu.dynamic_gather %parallel_loop3A_477[%parallel_loop3A_485] in [0] : vector<16xf32>, vector<16xi32> -> vector<16xf32>
        %parallel_loop3A_487 = arith.addf %parallel_loop3A_477, %parallel_loop3A_486 : vector<16xf32>
        %parallel_loop3A_488 = vector.shape_cast %xor3A_4 : vector<16xi32> to vector<16x1xi32>
        %parallel_loop3A_489 = vector.shape_cast %parallel_loop3A_488 : vector<16x1xi32> to vector<16xi32>
        %parallel_loop3A_490 = tpu.dynamic_gather %parallel_loop3A_483[%parallel_loop3A_489] in [0] : vector<16xf32>, vector<16xi32> -> vector<16xf32>
        %parallel_loop3A_491 = arith.addf %parallel_loop3A_483, %parallel_loop3A_490 : vector<16xf32>
        %parallel_loop3A_492 = arith.select %eq3A_17, %parallel_loop3A_487, %parallel_loop3A_491 : vector<16xi1>, vector<16xf32>
        %parallel_loop3A_493 = arith.constant 14 : i32
        %parallel_loop3A_494 = arith.addi %parallel_loop3A_309, %parallel_loop3A_493 : i32
        %parallel_loop3A_495 = arith.index_cast %parallel_loop3A_494 : i32 to index
        %parallel_loop3A_496 = arith.constant 0 : index
        %parallel_loop3A_497 = tpu.vector_load %arg27[%parallel_loop3A_495, %parallel_loop3A_496] {strides = array<i32>} : memref<80x16xf32, #tpu.memory_space<vmem>>, vector<1x16xf32>,
        %parallel_loop3A_498 = vector.shape_cast %parallel_loop3A_497 : vector<1x16xf32> to vector<16xf32>
        %parallel_loop3A_499 = arith.constant 15 : i32
        %parallel_loop3A_500 = arith.addi %parallel_loop3A_309, %parallel_loop3A_499 : i32
        %parallel_loop3A_501 = arith.index_cast %parallel_loop3A_500 : i32 to index
        %parallel_loop3A_502 = arith.constant 0 : index
        %parallel_loop3A_503 = tpu.vector_load %arg27[%parallel_loop3A_501, %parallel_loop3A_502] {strides = array<i32>} : memref<80x16xf32, #tpu.memory_space<vmem>>, vector<1x16xf32>,
        %parallel_loop3A_504 = vector.shape_cast %parallel_loop3A_503 : vector<1x16xf32> to vector<16xf32>
        %parallel_loop3A_505 = vector.shape_cast %xor3A_4 : vector<16xi32> to vector<16x1xi32>
        %parallel_loop3A_506 = vector.shape_cast %parallel_loop3A_505 : vector<16x1xi32> to vector<16xi32>
        %parallel_loop3A_507 = tpu.dynamic_gather %parallel_loop3A_498[%parallel_loop3A_506] in [0] : vector<16xf32>, vector<16xi32> -> vector<16xf32>
        %parallel_loop3A_508 = arith.addf %parallel_loop3A_498, %parallel_loop3A_507 : vector<16xf32>
        %parallel_loop3A_509 = vector.shape_cast %xor3A_4 : vector<16xi32> to vector<16x1xi32>
        %parallel_loop3A_510 = vector.shape_cast %parallel_loop3A_509 : vector<16x1xi32> to vector<16xi32>
        %parallel_loop3A_511 = tpu.dynamic_gather %parallel_loop3A_504[%parallel_loop3A_510] in [0] : vector<16xf32>, vector<16xi32> -> vector<16xf32>
        %parallel_loop3A_512 = arith.addf %parallel_loop3A_504, %parallel_loop3A_511 : vector<16xf32>
        %parallel_loop3A_513 = arith.select %eq3A_17, %parallel_loop3A_508, %parallel_loop3A_512 : vector<16xi1>, vector<16xf32>
        %parallel_loop3A_514 = vector.shape_cast %xor3A_7 : vector<16xi32> to vector<16x1xi32>
        %parallel_loop3A_515 = vector.shape_cast %parallel_loop3A_514 : vector<16x1xi32> to vector<16xi32>
        %parallel_loop3A_516 = tpu.dynamic_gather %parallel_loop3A_492[%parallel_loop3A_515] in [0] : vector<16xf32>, vector<16xi32> -> vector<16xf32>
        %parallel_loop3A_517 = arith.addf %parallel_loop3A_492, %parallel_loop3A_516 : vector<16xf32>
        %parallel_loop3A_518 = vector.shape_cast %xor3A_7 : vector<16xi32> to vector<16x1xi32>
        %parallel_loop3A_519 = vector.shape_cast %parallel_loop3A_518 : vector<16x1xi32> to vector<16xi32>
        %parallel_loop3A_520 = tpu.dynamic_gather %parallel_loop3A_513[%parallel_loop3A_519] in [0] : vector<16xf32>, vector<16xi32> -> vector<16xf32>
        %parallel_loop3A_521 = arith.addf %parallel_loop3A_513, %parallel_loop3A_520 : vector<16xf32>
        %parallel_loop3A_522 = arith.select %eq3A_23, %parallel_loop3A_517, %parallel_loop3A_521 : vector<16xi1>, vector<16xf32>
        %parallel_loop3A_523 = vector.shape_cast %xor3A_10 : vector<16xi32> to vector<16x1xi32>
        %parallel_loop3A_524 = vector.shape_cast %parallel_loop3A_523 : vector<16x1xi32> to vector<16xi32>
        %parallel_loop3A_525 = tpu.dynamic_gather %parallel_loop3A_471[%parallel_loop3A_524] in [0] : vector<16xf32>, vector<16xi32> -> vector<16xf32>
        %parallel_loop3A_526 = arith.addf %parallel_loop3A_471, %parallel_loop3A_525 : vector<16xf32>
        %parallel_loop3A_527 = vector.shape_cast %xor3A_10 : vector<16xi32> to vector<16x1xi32>
        %parallel_loop3A_528 = vector.shape_cast %parallel_loop3A_527 : vector<16x1xi32> to vector<16xi32>
        %parallel_loop3A_529 = tpu.dynamic_gather %parallel_loop3A_522[%parallel_loop3A_528] in [0] : vector<16xf32>, vector<16xi32> -> vector<16xf32>
        %parallel_loop3A_530 = arith.addf %parallel_loop3A_522, %parallel_loop3A_529 : vector<16xf32>
        %parallel_loop3A_531 = arith.select %eq3A_29, %parallel_loop3A_526, %parallel_loop3A_530 : vector<16xi1>, vector<16xf32>
        %parallel_loop3A_532 = vector.shape_cast %xor3A_13 : vector<16xi32> to vector<16x1xi32>
        %parallel_loop3A_533 = vector.shape_cast %parallel_loop3A_532 : vector<16x1xi32> to vector<16xi32>
        %parallel_loop3A_534 = tpu.dynamic_gather %parallel_loop3A_420[%parallel_loop3A_533] in [0] : vector<16xf32>, vector<16xi32> -> vector<16xf32>
        %parallel_loop3A_535 = arith.addf %parallel_loop3A_420, %parallel_loop3A_534 : vector<16xf32>
        %parallel_loop3A_536 = vector.shape_cast %xor3A_13 : vector<16xi32> to vector<16x1xi32>
        %parallel_loop3A_537 = vector.shape_cast %parallel_loop3A_536 : vector<16x1xi32> to vector<16xi32>
        %parallel_loop3A_538 = tpu.dynamic_gather %parallel_loop3A_531[%parallel_loop3A_537] in [0] : vector<16xf32>, vector<16xi32> -> vector<16xf32>
        %parallel_loop3A_539 = arith.addf %parallel_loop3A_531, %parallel_loop3A_538 : vector<16xf32>
        %parallel_loop3A_540 = arith.select %eq3A_35, %parallel_loop3A_535, %parallel_loop3A_539 : vector<16xi1>, vector<16xf32>
        %parallel_loop3A_541 = arith.index_cast %parallel_loop3A_309 : i32 to index
        %parallel_loop3A_542 = tpu.vector_load %arg24[%parallel_loop3A_541] {strides = array<i32>} : memref<80xf32, #tpu.memory_space<vmem>>, vector<16xf32>,
        %parallel_loop3A_543 = vector.shape_cast %parallel_loop3A_542 : vector<16xf32> to vector<16xf32>
        %parallel_loop3A_544 = vector.shape_cast %parallel_loop3A_540 : vector<16xf32> to vector<16xf32>
        tpu.vector_store %arg24[%parallel_loop3A_541], %parallel_loop3A_544 {strides = array<i32>} : memref<80xf32, #tpu.memory_space<vmem>>, vector<16xf32>,
      } {sc.loop_unroll_factor = 1 : i64, sc.parallel_access}
      %mul3A_217 = arith.constant 80 : i32
      %mul3A_218 = arith.muli %add3A_183, %mul3A_217 : i32
      %add3A_219 = arith.addi %mul3A_2, %mul3A_218 : i32
      %dma_start3A_220 = tpu.memref_slice %arg6[%add3A_219] : memref<320000xf32, #tpu.memory_space<hbm>> -> memref<80xf32, #tpu.memory_space<hbm>>
      %dma_start3A_221 = tpu.memref_slice %arg6[%add3A_219] : memref<320000xf32, #tpu.memory_space<hbm>> -> memref<80xf32, #tpu.memory_space<hbm>>
      tpu.enqueue_dma source(%arg24 : memref<80xf32, #tpu.memory_space<vmem>>) target(%dma_start3A_221 : memref<80xf32, #tpu.memory_space<hbm>>) target_semaphore(%arg45 : memref<!tpu.dma_semaphore, #tpu.memory_space<semaphore_mem>>)
      %mul3A_222 = arith.constant 4 : i32
      %mul3A_223 = arith.muli %mul3A_222, %scan3A_141 : i32
      %add3A_224 = arith.constant 2 : i32
      %add3A_225 = arith.addi %mul3A_223, %add3A_224 : i32
      %dma_wait3A_226 = arith.constant 0 : i32
      %dma_wait3A_227 = arith.constant 0 : i32
      %dma_wait3A_228 = tpu.memref_slice %arg5[%dma_wait3A_226, %dma_wait3A_227] : memref<10000x64xi32, #tpu.memory_space<hbm>> -> memref<10000x64xi32, #tpu.memory_space<hbm>>
      tpu.wait_indirect_dma semaphore(%arg40 : memref<!tpu.dma_semaphore, #tpu.memory_space<semaphore_mem>>) src(%dma_wait3A_228 : memref<10000x64xi32, #tpu.memory_space<hbm>>) dst(%arg19 : memref<80x64xi32, #tpu.memory_space<vmem>>)
      %dma_wait3A_229 = arith.constant 0 : i32
      %dma_wait3A_230 = arith.constant 0 : i32
      %dma_wait3A_231 = tpu.memref_slice %arg5[%dma_wait3A_229, %dma_wait3A_230] : memref<10000x64xi32, #tpu.memory_space<hbm>> -> memref<10000x64xi32, #tpu.memory_space<hbm>>
      tpu.wait_indirect_dma semaphore(%arg41 : memref<!tpu.dma_semaphore, #tpu.memory_space<semaphore_mem>>) src(%dma_wait3A_231 : memref<10000x64xi32, #tpu.memory_space<hbm>>) dst(%arg20 : memref<80x64xi32, #tpu.memory_space<vmem>>)
      %add3A_232 = arith.constant 4 : i32
      %add3A_233 = arith.addi %add3A_225, %add3A_232 : i32
      %sub3A_234 = arith.constant 1 : i32
      %sub3A_235 = arith.subi %add3A_233, %sub3A_234 : i32
      %lt3A_236 = arith.constant 125 : i32
      %lt3A_237 = arith.cmpi slt, %sub3A_235, %lt3A_236 : i32
      %convert_element_type3A_238 = arith.extui %lt3A_237 : i1 to i32
      %cond3A_239 = arith.constant 0 : i32
      %cond3A_240 = arith.cmpi ne, %convert_element_type3A_238, %cond3A_239 : i32
      scf.if %cond3A_240 {
        %dma_wait3A_307 = arith.constant 0 : i32
        %dma_wait3A_308 = tpu.memref_slice %arg2[%dma_wait3A_307] : memref<320000xi32, #tpu.memory_space<hbm>> -> memref<80xi32, #tpu.memory_space<hbm>>
        %dma_wait3A_309 = arith.constant 0 : i32
        %dma_wait3A_310 = tpu.memref_slice %arg2[%dma_wait3A_309] : memref<320000xi32, #tpu.memory_space<hbm>> -> memref<80xi32, #tpu.memory_space<hbm>>
        tpu.wait_dma2 semaphore(%arg30 : memref<!tpu.dma_semaphore, #tpu.memory_space<semaphore_mem>>) src(%dma_wait3A_310 : memref<80xi32, #tpu.memory_space<hbm>>) dst(%arg9 : memref<80xi32, #tpu.memory_space<vmem>>)
        %dma_wait3A_311 = arith.constant 0 : i32
        %dma_wait3A_312 = tpu.memref_slice %arg2[%dma_wait3A_311] : memref<320000xi32, #tpu.memory_space<hbm>> -> memref<80xi32, #tpu.memory_space<hbm>>
        %dma_wait3A_313 = arith.constant 0 : i32
        %dma_wait3A_314 = tpu.memref_slice %arg2[%dma_wait3A_313] : memref<320000xi32, #tpu.memory_space<hbm>> -> memref<80xi32, #tpu.memory_space<hbm>>
        tpu.wait_dma2 semaphore(%arg31 : memref<!tpu.dma_semaphore, #tpu.memory_space<semaphore_mem>>) src(%dma_wait3A_314 : memref<80xi32, #tpu.memory_space<hbm>>) dst(%arg10 : memref<80xi32, #tpu.memory_space<vmem>>)
        %dma_start3A_315 = arith.constant 0 : i32
        %dma_start3A_316 = arith.constant 0 : i32
        %dma_start3A_317 = tpu.memref_slice %arg5[%dma_start3A_315, %dma_start3A_316] : memref<10000x64xi32, #tpu.memory_space<hbm>> -> memref<10000x64xi32, #tpu.memory_space<hbm>>
        tpu.enqueue_indirect_dma source(%dma_start3A_317 : memref<10000x64xi32, #tpu.memory_space<hbm>>) target(%arg17 : memref<80x64xi32, #tpu.memory_space<vmem>>) offsets(%arg9 : memref<80xi32, #tpu.memory_space<vmem>>) semaphore(%arg38 : memref<!tpu.dma_semaphore, #tpu.memory_space<semaphore_mem>>)
        %dma_start3A_318 = arith.constant 0 : i32
        %dma_start3A_319 = arith.constant 0 : i32
        %dma_start3A_320 = tpu.memref_slice %arg5[%dma_start3A_318, %dma_start3A_319] : memref<10000x64xi32, #tpu.memory_space<hbm>> -> memref<10000x64xi32, #tpu.memory_space<hbm>>
        tpu.enqueue_indirect_dma source(%dma_start3A_320 : memref<10000x64xi32, #tpu.memory_space<hbm>>) target(%arg18 : memref<80x64xi32, #tpu.memory_space<vmem>>) offsets(%arg10 : memref<80xi32, #tpu.memory_space<vmem>>) semaphore(%arg39 : memref<!tpu.dma_semaphore, #tpu.memory_space<semaphore_mem>>)
      } else {
      }
      %add3A_241 = arith.constant 4 : i32
      %add3A_242 = arith.addi %add3A_225, %add3A_241 : i32
      %lt3A_243 = arith.constant 125 : i32
      %lt3A_244 = arith.cmpi slt, %add3A_242, %lt3A_243 : i32
      %convert_element_type3A_245 = arith.extui %lt3A_244 : i1 to i32
      %cond3A_246 = arith.constant 0 : i32
      %cond3A_247 = arith.cmpi ne, %convert_element_type3A_245, %cond3A_246 : i32
      scf.if %cond3A_247 {
        %add3A_307 = arith.constant 4 : i32
        %add3A_308 = arith.addi %add3A_225, %add3A_307 : i32
        %mul3A_309 = arith.constant 80 : i32
        %mul3A_310 = arith.muli %add3A_308, %mul3A_309 : i32
        %add3A_311 = arith.addi %mul3A_2, %mul3A_310 : i32
        %dma_start3A_312 = tpu.memref_slice %arg2[%add3A_311] : memref<320000xi32, #tpu.memory_space<hbm>> -> memref<80xi32, #tpu.memory_space<hbm>>
        %dma_start3A_313 = tpu.memref_slice %arg2[%add3A_311] : memref<320000xi32, #tpu.memory_space<hbm>> -> memref<80xi32, #tpu.memory_space<hbm>>
        tpu.enqueue_dma source(%dma_start3A_313 : memref<80xi32, #tpu.memory_space<hbm>>) target(%arg11 : memref<80xi32, #tpu.memory_space<vmem>>) target_semaphore(%arg32 : memref<!tpu.dma_semaphore, #tpu.memory_space<semaphore_mem>>)
        %dma_start3A_314 = tpu.memref_slice %arg3[%add3A_311] : memref<320000xi32, #tpu.memory_space<hbm>> -> memref<80xi32, #tpu.memory_space<hbm>>
        %dma_start3A_315 = tpu.memref_slice %arg3[%add3A_311] : memref<320000xi32, #tpu.memory_space<hbm>> -> memref<80xi32, #tpu.memory_space<hbm>>
        tpu.enqueue_dma source(%dma_start3A_315 : memref<80xi32, #tpu.memory_space<hbm>>) target(%arg12 : memref<80xi32, #tpu.memory_space<vmem>>) target_semaphore(%arg33 : memref<!tpu.dma_semaphore, #tpu.memory_space<semaphore_mem>>)
      } else {
      }
      %ge3A_248 = arith.constant 4 : i32
      %ge3A_249 = arith.cmpi sge, %add3A_225, %ge3A_248 : i32
      %convert_element_type3A_250 = arith.extui %ge3A_249 : i1 to i32
      %cond3A_251 = arith.constant 0 : i32
      %cond3A_252 = arith.cmpi ne, %convert_element_type3A_250, %cond3A_251 : i32
      scf.if %cond3A_252 {
        %dma_wait3A_307 = arith.constant 0 : i32
        %dma_wait3A_308 = tpu.memref_slice %arg6[%dma_wait3A_307] : memref<320000xf32, #tpu.memory_space<hbm>> -> memref<80xf32, #tpu.memory_space<hbm>>
        %dma_wait3A_309 = arith.constant 0 : i32
        %dma_wait3A_310 = tpu.memref_slice %arg6[%dma_wait3A_309] : memref<320000xf32, #tpu.memory_space<hbm>> -> memref<80xf32, #tpu.memory_space<hbm>>
        tpu.wait_dma2 semaphore(%arg46 : memref<!tpu.dma_semaphore, #tpu.memory_space<semaphore_mem>>) src(%arg25 : memref<80xf32, #tpu.memory_space<vmem>>) dst(%dma_wait3A_310 : memref<80xf32, #tpu.memory_space<hbm>>)
      } else {
      }
      %parallel_loop3A_253 = arith.constant 0 : i32
      %parallel_loop3A_254 = arith.constant 80 : i32
      %parallel_loop3A_255 = arith.constant 1 : i32
      scf.for %parallel_loop3A_307 = %parallel_loop3A_253 to %parallel_loop3A_254 step %parallel_loop3A_255  : i32 {
        %parallel_loop3A_308 = arith.index_cast %parallel_loop3A_307 : i32 to index
        %parallel_loop3A_309 = arith.constant 0 : index
        %parallel_loop3A_310 = tpu.vector_load %arg19[%parallel_loop3A_308, %parallel_loop3A_309] {strides = array<i32>} : memref<80x64xi32, #tpu.memory_space<vmem>>, vector<1x16xi32>,
        %parallel_loop3A_311 = vector.shape_cast %parallel_loop3A_310 : vector<1x16xi32> to vector<16xi32>
        %parallel_loop3A_312 = arith.index_cast %parallel_loop3A_307 : i32 to index
        %parallel_loop3A_313 = arith.constant 0 : index
        %parallel_loop3A_314 = tpu.vector_load %arg20[%parallel_loop3A_312, %parallel_loop3A_313] {strides = array<i32>} : memref<80x64xi32, #tpu.memory_space<vmem>>, vector<1x16xi32>,
        %parallel_loop3A_315 = vector.shape_cast %parallel_loop3A_314 : vector<1x16xi32> to vector<16xi32>
        %parallel_loop3A_316 = arith.constant 16 : i32
        %parallel_loop3A_317 = vector.broadcast %parallel_loop3A_316 : i32 to vector<16xi32>
        %parallel_loop3A_318 = arith.shli %parallel_loop3A_311, %parallel_loop3A_317 : vector<16xi32>
        %parallel_loop3A_319 = tpu.bitcast %parallel_loop3A_318 : vector<16xi32> -> vector<16xf32>
        %parallel_loop3A_320 = tpu.bitcast %parallel_loop3A_311 : vector<16xi32> -> vector<16xf32>
        %parallel_loop3A_321 = arith.constant 16 : i32
        %parallel_loop3A_322 = vector.broadcast %parallel_loop3A_321 : i32 to vector<16xi32>
        %parallel_loop3A_323 = arith.shli %parallel_loop3A_315, %parallel_loop3A_322 : vector<16xi32>
        %parallel_loop3A_324 = tpu.bitcast %parallel_loop3A_323 : vector<16xi32> -> vector<16xf32>
        %parallel_loop3A_325 = tpu.bitcast %parallel_loop3A_315 : vector<16xi32> -> vector<16xf32>
        %parallel_loop3A_326 = arith.mulf %parallel_loop3A_319, %parallel_loop3A_324 : vector<16xf32>
        %parallel_loop3A_327 = arith.mulf %parallel_loop3A_320, %parallel_loop3A_325 : vector<16xf32>
        %parallel_loop3A_328 = arith.addf %parallel_loop3A_326, %parallel_loop3A_327 : vector<16xf32>
        %parallel_loop3A_329 = arith.index_cast %parallel_loop3A_307 : i32 to index
        %parallel_loop3A_330 = arith.constant 16 : index
        %parallel_loop3A_331 = tpu.vector_load %arg19[%parallel_loop3A_329, %parallel_loop3A_330] {strides = array<i32>} : memref<80x64xi32, #tpu.memory_space<vmem>>, vector<1x16xi32>,
        %parallel_loop3A_332 = vector.shape_cast %parallel_loop3A_331 : vector<1x16xi32> to vector<16xi32>
        %parallel_loop3A_333 = arith.index_cast %parallel_loop3A_307 : i32 to index
        %parallel_loop3A_334 = arith.constant 16 : index
        %parallel_loop3A_335 = tpu.vector_load %arg20[%parallel_loop3A_333, %parallel_loop3A_334] {strides = array<i32>} : memref<80x64xi32, #tpu.memory_space<vmem>>, vector<1x16xi32>,
        %parallel_loop3A_336 = vector.shape_cast %parallel_loop3A_335 : vector<1x16xi32> to vector<16xi32>
        %parallel_loop3A_337 = arith.constant 16 : i32
        %parallel_loop3A_338 = vector.broadcast %parallel_loop3A_337 : i32 to vector<16xi32>
        %parallel_loop3A_339 = arith.shli %parallel_loop3A_332, %parallel_loop3A_338 : vector<16xi32>
        %parallel_loop3A_340 = tpu.bitcast %parallel_loop3A_339 : vector<16xi32> -> vector<16xf32>
        %parallel_loop3A_341 = tpu.bitcast %parallel_loop3A_332 : vector<16xi32> -> vector<16xf32>
        %parallel_loop3A_342 = arith.constant 16 : i32
        %parallel_loop3A_343 = vector.broadcast %parallel_loop3A_342 : i32 to vector<16xi32>
        %parallel_loop3A_344 = arith.shli %parallel_loop3A_336, %parallel_loop3A_343 : vector<16xi32>
        %parallel_loop3A_345 = tpu.bitcast %parallel_loop3A_344 : vector<16xi32> -> vector<16xf32>
        %parallel_loop3A_346 = tpu.bitcast %parallel_loop3A_336 : vector<16xi32> -> vector<16xf32>
        %parallel_loop3A_347 = arith.mulf %parallel_loop3A_340, %parallel_loop3A_345 : vector<16xf32>
        %parallel_loop3A_348 = arith.mulf %parallel_loop3A_341, %parallel_loop3A_346 : vector<16xf32>
        %parallel_loop3A_349 = arith.addf %parallel_loop3A_347, %parallel_loop3A_348 : vector<16xf32>
        %parallel_loop3A_350 = arith.addf %parallel_loop3A_328, %parallel_loop3A_349 : vector<16xf32>
        %parallel_loop3A_351 = arith.index_cast %parallel_loop3A_307 : i32 to index
        %parallel_loop3A_352 = arith.constant 32 : index
        %parallel_loop3A_353 = tpu.vector_load %arg19[%parallel_loop3A_351, %parallel_loop3A_352] {strides = array<i32>} : memref<80x64xi32, #tpu.memory_space<vmem>>, vector<1x16xi32>,
        %parallel_loop3A_354 = vector.shape_cast %parallel_loop3A_353 : vector<1x16xi32> to vector<16xi32>
        %parallel_loop3A_355 = arith.index_cast %parallel_loop3A_307 : i32 to index
        %parallel_loop3A_356 = arith.constant 32 : index
        %parallel_loop3A_357 = tpu.vector_load %arg20[%parallel_loop3A_355, %parallel_loop3A_356] {strides = array<i32>} : memref<80x64xi32, #tpu.memory_space<vmem>>, vector<1x16xi32>,
        %parallel_loop3A_358 = vector.shape_cast %parallel_loop3A_357 : vector<1x16xi32> to vector<16xi32>
        %parallel_loop3A_359 = arith.constant 16 : i32
        %parallel_loop3A_360 = vector.broadcast %parallel_loop3A_359 : i32 to vector<16xi32>
        %parallel_loop3A_361 = arith.shli %parallel_loop3A_354, %parallel_loop3A_360 : vector<16xi32>
        %parallel_loop3A_362 = tpu.bitcast %parallel_loop3A_361 : vector<16xi32> -> vector<16xf32>
        %parallel_loop3A_363 = tpu.bitcast %parallel_loop3A_354 : vector<16xi32> -> vector<16xf32>
        %parallel_loop3A_364 = arith.constant 16 : i32
        %parallel_loop3A_365 = vector.broadcast %parallel_loop3A_364 : i32 to vector<16xi32>
        %parallel_loop3A_366 = arith.shli %parallel_loop3A_358, %parallel_loop3A_365 : vector<16xi32>
        %parallel_loop3A_367 = tpu.bitcast %parallel_loop3A_366 : vector<16xi32> -> vector<16xf32>
        %parallel_loop3A_368 = tpu.bitcast %parallel_loop3A_358 : vector<16xi32> -> vector<16xf32>
        %parallel_loop3A_369 = arith.mulf %parallel_loop3A_362, %parallel_loop3A_367 : vector<16xf32>
        %parallel_loop3A_370 = arith.mulf %parallel_loop3A_363, %parallel_loop3A_368 : vector<16xf32>
        %parallel_loop3A_371 = arith.addf %parallel_loop3A_369, %parallel_loop3A_370 : vector<16xf32>
        %parallel_loop3A_372 = arith.addf %parallel_loop3A_350, %parallel_loop3A_371 : vector<16xf32>
        %parallel_loop3A_373 = arith.index_cast %parallel_loop3A_307 : i32 to index
        %parallel_loop3A_374 = arith.constant 48 : index
        %parallel_loop3A_375 = tpu.vector_load %arg19[%parallel_loop3A_373, %parallel_loop3A_374] {strides = array<i32>} : memref<80x64xi32, #tpu.memory_space<vmem>>, vector<1x16xi32>,
        %parallel_loop3A_376 = vector.shape_cast %parallel_loop3A_375 : vector<1x16xi32> to vector<16xi32>
        %parallel_loop3A_377 = arith.index_cast %parallel_loop3A_307 : i32 to index
        %parallel_loop3A_378 = arith.constant 48 : index
        %parallel_loop3A_379 = tpu.vector_load %arg20[%parallel_loop3A_377, %parallel_loop3A_378] {strides = array<i32>} : memref<80x64xi32, #tpu.memory_space<vmem>>, vector<1x16xi32>,
        %parallel_loop3A_380 = vector.shape_cast %parallel_loop3A_379 : vector<1x16xi32> to vector<16xi32>
        %parallel_loop3A_381 = arith.constant 16 : i32
        %parallel_loop3A_382 = vector.broadcast %parallel_loop3A_381 : i32 to vector<16xi32>
        %parallel_loop3A_383 = arith.shli %parallel_loop3A_376, %parallel_loop3A_382 : vector<16xi32>
        %parallel_loop3A_384 = tpu.bitcast %parallel_loop3A_383 : vector<16xi32> -> vector<16xf32>
        %parallel_loop3A_385 = tpu.bitcast %parallel_loop3A_376 : vector<16xi32> -> vector<16xf32>
        %parallel_loop3A_386 = arith.constant 16 : i32
        %parallel_loop3A_387 = vector.broadcast %parallel_loop3A_386 : i32 to vector<16xi32>
        %parallel_loop3A_388 = arith.shli %parallel_loop3A_380, %parallel_loop3A_387 : vector<16xi32>
        %parallel_loop3A_389 = tpu.bitcast %parallel_loop3A_388 : vector<16xi32> -> vector<16xf32>
        %parallel_loop3A_390 = tpu.bitcast %parallel_loop3A_380 : vector<16xi32> -> vector<16xf32>
        %parallel_loop3A_391 = arith.mulf %parallel_loop3A_384, %parallel_loop3A_389 : vector<16xf32>
        %parallel_loop3A_392 = arith.mulf %parallel_loop3A_385, %parallel_loop3A_390 : vector<16xf32>
        %parallel_loop3A_393 = arith.addf %parallel_loop3A_391, %parallel_loop3A_392 : vector<16xf32>
        %parallel_loop3A_394 = arith.addf %parallel_loop3A_372, %parallel_loop3A_393 : vector<16xf32>
        %parallel_loop3A_395 = arith.index_cast %parallel_loop3A_307 : i32 to index
        %parallel_loop3A_396 = arith.constant 0 : index
        %parallel_loop3A_397 = tpu.vector_load %arg27[%parallel_loop3A_395, %parallel_loop3A_396] {strides = array<i32>} : memref<80x16xf32, #tpu.memory_space<vmem>>, vector<1x16xf32>,
        %parallel_loop3A_398 = vector.shape_cast %parallel_loop3A_397 : vector<1x16xf32> to vector<16xf32>
        %parallel_loop3A_399 = vector.shape_cast %parallel_loop3A_394 : vector<16xf32> to vector<1x16xf32>
        tpu.vector_store %arg27[%parallel_loop3A_395, %parallel_loop3A_396], %parallel_loop3A_399 {strides = array<i32>} : memref<80x16xf32, #tpu.memory_space<vmem>>, vector<1x16xf32>,
      } {sc.loop_unroll_factor = 1 : i64, sc.parallel_access}
      %parallel_loop3A_256 = arith.constant 0 : i32
      %parallel_loop3A_257 = arith.constant 5 : i32
      %parallel_loop3A_258 = arith.constant 1 : i32
      scf.for %parallel_loop3A_307 = %parallel_loop3A_256 to %parallel_loop3A_257 step %parallel_loop3A_258  : i32 {
        %parallel_loop3A_308 = arith.constant 16 : i32
        %parallel_loop3A_309 = arith.muli %parallel_loop3A_307, %parallel_loop3A_308 : i32
        %parallel_loop3A_310 = arith.constant 0 : i32
        %parallel_loop3A_311 = arith.addi %parallel_loop3A_309, %parallel_loop3A_310 : i32
        %parallel_loop3A_312 = arith.index_cast %parallel_loop3A_311 : i32 to index
        %parallel_loop3A_313 = arith.constant 0 : index
        %parallel_loop3A_314 = tpu.vector_load %arg27[%parallel_loop3A_312, %parallel_loop3A_313] {strides = array<i32>} : memref<80x16xf32, #tpu.memory_space<vmem>>, vector<1x16xf32>,
        %parallel_loop3A_315 = vector.shape_cast %parallel_loop3A_314 : vector<1x16xf32> to vector<16xf32>
        %parallel_loop3A_316 = arith.constant 1 : i32
        %parallel_loop3A_317 = arith.addi %parallel_loop3A_309, %parallel_loop3A_316 : i32
        %parallel_loop3A_318 = arith.index_cast %parallel_loop3A_317 : i32 to index
        %parallel_loop3A_319 = arith.constant 0 : index
        %parallel_loop3A_320 = tpu.vector_load %arg27[%parallel_loop3A_318, %parallel_loop3A_319] {strides = array<i32>} : memref<80x16xf32, #tpu.memory_space<vmem>>, vector<1x16xf32>,
        %parallel_loop3A_321 = vector.shape_cast %parallel_loop3A_320 : vector<1x16xf32> to vector<16xf32>
        %parallel_loop3A_322 = vector.shape_cast %xor3A_4 : vector<16xi32> to vector<16x1xi32>
        %parallel_loop3A_323 = vector.shape_cast %parallel_loop3A_322 : vector<16x1xi32> to vector<16xi32>
        %parallel_loop3A_324 = tpu.dynamic_gather %parallel_loop3A_315[%parallel_loop3A_323] in [0] : vector<16xf32>, vector<16xi32> -> vector<16xf32>
        %parallel_loop3A_325 = arith.addf %parallel_loop3A_315, %parallel_loop3A_324 : vector<16xf32>
        %parallel_loop3A_326 = vector.shape_cast %xor3A_4 : vector<16xi32> to vector<16x1xi32>
        %parallel_loop3A_327 = vector.shape_cast %parallel_loop3A_326 : vector<16x1xi32> to vector<16xi32>
        %parallel_loop3A_328 = tpu.dynamic_gather %parallel_loop3A_321[%parallel_loop3A_327] in [0] : vector<16xf32>, vector<16xi32> -> vector<16xf32>
        %parallel_loop3A_329 = arith.addf %parallel_loop3A_321, %parallel_loop3A_328 : vector<16xf32>
        %parallel_loop3A_330 = arith.select %eq3A_17, %parallel_loop3A_325, %parallel_loop3A_329 : vector<16xi1>, vector<16xf32>
        %parallel_loop3A_331 = arith.constant 2 : i32
        %parallel_loop3A_332 = arith.addi %parallel_loop3A_309, %parallel_loop3A_331 : i32
        %parallel_loop3A_333 = arith.index_cast %parallel_loop3A_332 : i32 to index
        %parallel_loop3A_334 = arith.constant 0 : index
        %parallel_loop3A_335 = tpu.vector_load %arg27[%parallel_loop3A_333, %parallel_loop3A_334] {strides = array<i32>} : memref<80x16xf32, #tpu.memory_space<vmem>>, vector<1x16xf32>,
        %parallel_loop3A_336 = vector.shape_cast %parallel_loop3A_335 : vector<1x16xf32> to vector<16xf32>
        %parallel_loop3A_337 = arith.constant 3 : i32
        %parallel_loop3A_338 = arith.addi %parallel_loop3A_309, %parallel_loop3A_337 : i32
        %parallel_loop3A_339 = arith.index_cast %parallel_loop3A_338 : i32 to index
        %parallel_loop3A_340 = arith.constant 0 : index
        %parallel_loop3A_341 = tpu.vector_load %arg27[%parallel_loop3A_339, %parallel_loop3A_340] {strides = array<i32>} : memref<80x16xf32, #tpu.memory_space<vmem>>, vector<1x16xf32>,
        %parallel_loop3A_342 = vector.shape_cast %parallel_loop3A_341 : vector<1x16xf32> to vector<16xf32>
        %parallel_loop3A_343 = vector.shape_cast %xor3A_4 : vector<16xi32> to vector<16x1xi32>
        %parallel_loop3A_344 = vector.shape_cast %parallel_loop3A_343 : vector<16x1xi32> to vector<16xi32>
        %parallel_loop3A_345 = tpu.dynamic_gather %parallel_loop3A_336[%parallel_loop3A_344] in [0] : vector<16xf32>, vector<16xi32> -> vector<16xf32>
        %parallel_loop3A_346 = arith.addf %parallel_loop3A_336, %parallel_loop3A_345 : vector<16xf32>
        %parallel_loop3A_347 = vector.shape_cast %xor3A_4 : vector<16xi32> to vector<16x1xi32>
        %parallel_loop3A_348 = vector.shape_cast %parallel_loop3A_347 : vector<16x1xi32> to vector<16xi32>
        %parallel_loop3A_349 = tpu.dynamic_gather %parallel_loop3A_342[%parallel_loop3A_348] in [0] : vector<16xf32>, vector<16xi32> -> vector<16xf32>
        %parallel_loop3A_350 = arith.addf %parallel_loop3A_342, %parallel_loop3A_349 : vector<16xf32>
        %parallel_loop3A_351 = arith.select %eq3A_17, %parallel_loop3A_346, %parallel_loop3A_350 : vector<16xi1>, vector<16xf32>
        %parallel_loop3A_352 = vector.shape_cast %xor3A_7 : vector<16xi32> to vector<16x1xi32>
        %parallel_loop3A_353 = vector.shape_cast %parallel_loop3A_352 : vector<16x1xi32> to vector<16xi32>
        %parallel_loop3A_354 = tpu.dynamic_gather %parallel_loop3A_330[%parallel_loop3A_353] in [0] : vector<16xf32>, vector<16xi32> -> vector<16xf32>
        %parallel_loop3A_355 = arith.addf %parallel_loop3A_330, %parallel_loop3A_354 : vector<16xf32>
        %parallel_loop3A_356 = vector.shape_cast %xor3A_7 : vector<16xi32> to vector<16x1xi32>
        %parallel_loop3A_357 = vector.shape_cast %parallel_loop3A_356 : vector<16x1xi32> to vector<16xi32>
        %parallel_loop3A_358 = tpu.dynamic_gather %parallel_loop3A_351[%parallel_loop3A_357] in [0] : vector<16xf32>, vector<16xi32> -> vector<16xf32>
        %parallel_loop3A_359 = arith.addf %parallel_loop3A_351, %parallel_loop3A_358 : vector<16xf32>
        %parallel_loop3A_360 = arith.select %eq3A_23, %parallel_loop3A_355, %parallel_loop3A_359 : vector<16xi1>, vector<16xf32>
        %parallel_loop3A_361 = arith.constant 4 : i32
        %parallel_loop3A_362 = arith.addi %parallel_loop3A_309, %parallel_loop3A_361 : i32
        %parallel_loop3A_363 = arith.index_cast %parallel_loop3A_362 : i32 to index
        %parallel_loop3A_364 = arith.constant 0 : index
        %parallel_loop3A_365 = tpu.vector_load %arg27[%parallel_loop3A_363, %parallel_loop3A_364] {strides = array<i32>} : memref<80x16xf32, #tpu.memory_space<vmem>>, vector<1x16xf32>,
        %parallel_loop3A_366 = vector.shape_cast %parallel_loop3A_365 : vector<1x16xf32> to vector<16xf32>
        %parallel_loop3A_367 = arith.constant 5 : i32
        %parallel_loop3A_368 = arith.addi %parallel_loop3A_309, %parallel_loop3A_367 : i32
        %parallel_loop3A_369 = arith.index_cast %parallel_loop3A_368 : i32 to index
        %parallel_loop3A_370 = arith.constant 0 : index
        %parallel_loop3A_371 = tpu.vector_load %arg27[%parallel_loop3A_369, %parallel_loop3A_370] {strides = array<i32>} : memref<80x16xf32, #tpu.memory_space<vmem>>, vector<1x16xf32>,
        %parallel_loop3A_372 = vector.shape_cast %parallel_loop3A_371 : vector<1x16xf32> to vector<16xf32>
        %parallel_loop3A_373 = vector.shape_cast %xor3A_4 : vector<16xi32> to vector<16x1xi32>
        %parallel_loop3A_374 = vector.shape_cast %parallel_loop3A_373 : vector<16x1xi32> to vector<16xi32>
        %parallel_loop3A_375 = tpu.dynamic_gather %parallel_loop3A_366[%parallel_loop3A_374] in [0] : vector<16xf32>, vector<16xi32> -> vector<16xf32>
        %parallel_loop3A_376 = arith.addf %parallel_loop3A_366, %parallel_loop3A_375 : vector<16xf32>
        %parallel_loop3A_377 = vector.shape_cast %xor3A_4 : vector<16xi32> to vector<16x1xi32>
        %parallel_loop3A_378 = vector.shape_cast %parallel_loop3A_377 : vector<16x1xi32> to vector<16xi32>
        %parallel_loop3A_379 = tpu.dynamic_gather %parallel_loop3A_372[%parallel_loop3A_378] in [0] : vector<16xf32>, vector<16xi32> -> vector<16xf32>
        %parallel_loop3A_380 = arith.addf %parallel_loop3A_372, %parallel_loop3A_379 : vector<16xf32>
        %parallel_loop3A_381 = arith.select %eq3A_17, %parallel_loop3A_376, %parallel_loop3A_380 : vector<16xi1>, vector<16xf32>
        %parallel_loop3A_382 = arith.constant 6 : i32
        %parallel_loop3A_383 = arith.addi %parallel_loop3A_309, %parallel_loop3A_382 : i32
        %parallel_loop3A_384 = arith.index_cast %parallel_loop3A_383 : i32 to index
        %parallel_loop3A_385 = arith.constant 0 : index
        %parallel_loop3A_386 = tpu.vector_load %arg27[%parallel_loop3A_384, %parallel_loop3A_385] {strides = array<i32>} : memref<80x16xf32, #tpu.memory_space<vmem>>, vector<1x16xf32>,
        %parallel_loop3A_387 = vector.shape_cast %parallel_loop3A_386 : vector<1x16xf32> to vector<16xf32>
        %parallel_loop3A_388 = arith.constant 7 : i32
        %parallel_loop3A_389 = arith.addi %parallel_loop3A_309, %parallel_loop3A_388 : i32
        %parallel_loop3A_390 = arith.index_cast %parallel_loop3A_389 : i32 to index
        %parallel_loop3A_391 = arith.constant 0 : index
        %parallel_loop3A_392 = tpu.vector_load %arg27[%parallel_loop3A_390, %parallel_loop3A_391] {strides = array<i32>} : memref<80x16xf32, #tpu.memory_space<vmem>>, vector<1x16xf32>,
        %parallel_loop3A_393 = vector.shape_cast %parallel_loop3A_392 : vector<1x16xf32> to vector<16xf32>
        %parallel_loop3A_394 = vector.shape_cast %xor3A_4 : vector<16xi32> to vector<16x1xi32>
        %parallel_loop3A_395 = vector.shape_cast %parallel_loop3A_394 : vector<16x1xi32> to vector<16xi32>
        %parallel_loop3A_396 = tpu.dynamic_gather %parallel_loop3A_387[%parallel_loop3A_395] in [0] : vector<16xf32>, vector<16xi32> -> vector<16xf32>
        %parallel_loop3A_397 = arith.addf %parallel_loop3A_387, %parallel_loop3A_396 : vector<16xf32>
        %parallel_loop3A_398 = vector.shape_cast %xor3A_4 : vector<16xi32> to vector<16x1xi32>
        %parallel_loop3A_399 = vector.shape_cast %parallel_loop3A_398 : vector<16x1xi32> to vector<16xi32>
        %parallel_loop3A_400 = tpu.dynamic_gather %parallel_loop3A_393[%parallel_loop3A_399] in [0] : vector<16xf32>, vector<16xi32> -> vector<16xf32>
        %parallel_loop3A_401 = arith.addf %parallel_loop3A_393, %parallel_loop3A_400 : vector<16xf32>
        %parallel_loop3A_402 = arith.select %eq3A_17, %parallel_loop3A_397, %parallel_loop3A_401 : vector<16xi1>, vector<16xf32>
        %parallel_loop3A_403 = vector.shape_cast %xor3A_7 : vector<16xi32> to vector<16x1xi32>
        %parallel_loop3A_404 = vector.shape_cast %parallel_loop3A_403 : vector<16x1xi32> to vector<16xi32>
        %parallel_loop3A_405 = tpu.dynamic_gather %parallel_loop3A_381[%parallel_loop3A_404] in [0] : vector<16xf32>, vector<16xi32> -> vector<16xf32>
        %parallel_loop3A_406 = arith.addf %parallel_loop3A_381, %parallel_loop3A_405 : vector<16xf32>
        %parallel_loop3A_407 = vector.shape_cast %xor3A_7 : vector<16xi32> to vector<16x1xi32>
        %parallel_loop3A_408 = vector.shape_cast %parallel_loop3A_407 : vector<16x1xi32> to vector<16xi32>
        %parallel_loop3A_409 = tpu.dynamic_gather %parallel_loop3A_402[%parallel_loop3A_408] in [0] : vector<16xf32>, vector<16xi32> -> vector<16xf32>
        %parallel_loop3A_410 = arith.addf %parallel_loop3A_402, %parallel_loop3A_409 : vector<16xf32>
        %parallel_loop3A_411 = arith.select %eq3A_23, %parallel_loop3A_406, %parallel_loop3A_410 : vector<16xi1>, vector<16xf32>
        %parallel_loop3A_412 = vector.shape_cast %xor3A_10 : vector<16xi32> to vector<16x1xi32>
        %parallel_loop3A_413 = vector.shape_cast %parallel_loop3A_412 : vector<16x1xi32> to vector<16xi32>
        %parallel_loop3A_414 = tpu.dynamic_gather %parallel_loop3A_360[%parallel_loop3A_413] in [0] : vector<16xf32>, vector<16xi32> -> vector<16xf32>
        %parallel_loop3A_415 = arith.addf %parallel_loop3A_360, %parallel_loop3A_414 : vector<16xf32>
        %parallel_loop3A_416 = vector.shape_cast %xor3A_10 : vector<16xi32> to vector<16x1xi32>
        %parallel_loop3A_417 = vector.shape_cast %parallel_loop3A_416 : vector<16x1xi32> to vector<16xi32>
        %parallel_loop3A_418 = tpu.dynamic_gather %parallel_loop3A_411[%parallel_loop3A_417] in [0] : vector<16xf32>, vector<16xi32> -> vector<16xf32>
        %parallel_loop3A_419 = arith.addf %parallel_loop3A_411, %parallel_loop3A_418 : vector<16xf32>
        %parallel_loop3A_420 = arith.select %eq3A_29, %parallel_loop3A_415, %parallel_loop3A_419 : vector<16xi1>, vector<16xf32>
        %parallel_loop3A_421 = arith.constant 8 : i32
        %parallel_loop3A_422 = arith.addi %parallel_loop3A_309, %parallel_loop3A_421 : i32
        %parallel_loop3A_423 = arith.index_cast %parallel_loop3A_422 : i32 to index
        %parallel_loop3A_424 = arith.constant 0 : index
        %parallel_loop3A_425 = tpu.vector_load %arg27[%parallel_loop3A_423, %parallel_loop3A_424] {strides = array<i32>} : memref<80x16xf32, #tpu.memory_space<vmem>>, vector<1x16xf32>,
        %parallel_loop3A_426 = vector.shape_cast %parallel_loop3A_425 : vector<1x16xf32> to vector<16xf32>
        %parallel_loop3A_427 = arith.constant 9 : i32
        %parallel_loop3A_428 = arith.addi %parallel_loop3A_309, %parallel_loop3A_427 : i32
        %parallel_loop3A_429 = arith.index_cast %parallel_loop3A_428 : i32 to index
        %parallel_loop3A_430 = arith.constant 0 : index
        %parallel_loop3A_431 = tpu.vector_load %arg27[%parallel_loop3A_429, %parallel_loop3A_430] {strides = array<i32>} : memref<80x16xf32, #tpu.memory_space<vmem>>, vector<1x16xf32>,
        %parallel_loop3A_432 = vector.shape_cast %parallel_loop3A_431 : vector<1x16xf32> to vector<16xf32>
        %parallel_loop3A_433 = vector.shape_cast %xor3A_4 : vector<16xi32> to vector<16x1xi32>
        %parallel_loop3A_434 = vector.shape_cast %parallel_loop3A_433 : vector<16x1xi32> to vector<16xi32>
        %parallel_loop3A_435 = tpu.dynamic_gather %parallel_loop3A_426[%parallel_loop3A_434] in [0] : vector<16xf32>, vector<16xi32> -> vector<16xf32>
        %parallel_loop3A_436 = arith.addf %parallel_loop3A_426, %parallel_loop3A_435 : vector<16xf32>
        %parallel_loop3A_437 = vector.shape_cast %xor3A_4 : vector<16xi32> to vector<16x1xi32>
        %parallel_loop3A_438 = vector.shape_cast %parallel_loop3A_437 : vector<16x1xi32> to vector<16xi32>
        %parallel_loop3A_439 = tpu.dynamic_gather %parallel_loop3A_432[%parallel_loop3A_438] in [0] : vector<16xf32>, vector<16xi32> -> vector<16xf32>
        %parallel_loop3A_440 = arith.addf %parallel_loop3A_432, %parallel_loop3A_439 : vector<16xf32>
        %parallel_loop3A_441 = arith.select %eq3A_17, %parallel_loop3A_436, %parallel_loop3A_440 : vector<16xi1>, vector<16xf32>
        %parallel_loop3A_442 = arith.constant 10 : i32
        %parallel_loop3A_443 = arith.addi %parallel_loop3A_309, %parallel_loop3A_442 : i32
        %parallel_loop3A_444 = arith.index_cast %parallel_loop3A_443 : i32 to index
        %parallel_loop3A_445 = arith.constant 0 : index
        %parallel_loop3A_446 = tpu.vector_load %arg27[%parallel_loop3A_444, %parallel_loop3A_445] {strides = array<i32>} : memref<80x16xf32, #tpu.memory_space<vmem>>, vector<1x16xf32>,
        %parallel_loop3A_447 = vector.shape_cast %parallel_loop3A_446 : vector<1x16xf32> to vector<16xf32>
        %parallel_loop3A_448 = arith.constant 11 : i32
        %parallel_loop3A_449 = arith.addi %parallel_loop3A_309, %parallel_loop3A_448 : i32
        %parallel_loop3A_450 = arith.index_cast %parallel_loop3A_449 : i32 to index
        %parallel_loop3A_451 = arith.constant 0 : index
        %parallel_loop3A_452 = tpu.vector_load %arg27[%parallel_loop3A_450, %parallel_loop3A_451] {strides = array<i32>} : memref<80x16xf32, #tpu.memory_space<vmem>>, vector<1x16xf32>,
        %parallel_loop3A_453 = vector.shape_cast %parallel_loop3A_452 : vector<1x16xf32> to vector<16xf32>
        %parallel_loop3A_454 = vector.shape_cast %xor3A_4 : vector<16xi32> to vector<16x1xi32>
        %parallel_loop3A_455 = vector.shape_cast %parallel_loop3A_454 : vector<16x1xi32> to vector<16xi32>
        %parallel_loop3A_456 = tpu.dynamic_gather %parallel_loop3A_447[%parallel_loop3A_455] in [0] : vector<16xf32>, vector<16xi32> -> vector<16xf32>
        %parallel_loop3A_457 = arith.addf %parallel_loop3A_447, %parallel_loop3A_456 : vector<16xf32>
        %parallel_loop3A_458 = vector.shape_cast %xor3A_4 : vector<16xi32> to vector<16x1xi32>
        %parallel_loop3A_459 = vector.shape_cast %parallel_loop3A_458 : vector<16x1xi32> to vector<16xi32>
        %parallel_loop3A_460 = tpu.dynamic_gather %parallel_loop3A_453[%parallel_loop3A_459] in [0] : vector<16xf32>, vector<16xi32> -> vector<16xf32>
        %parallel_loop3A_461 = arith.addf %parallel_loop3A_453, %parallel_loop3A_460 : vector<16xf32>
        %parallel_loop3A_462 = arith.select %eq3A_17, %parallel_loop3A_457, %parallel_loop3A_461 : vector<16xi1>, vector<16xf32>
        %parallel_loop3A_463 = vector.shape_cast %xor3A_7 : vector<16xi32> to vector<16x1xi32>
        %parallel_loop3A_464 = vector.shape_cast %parallel_loop3A_463 : vector<16x1xi32> to vector<16xi32>
        %parallel_loop3A_465 = tpu.dynamic_gather %parallel_loop3A_441[%parallel_loop3A_464] in [0] : vector<16xf32>, vector<16xi32> -> vector<16xf32>
        %parallel_loop3A_466 = arith.addf %parallel_loop3A_441, %parallel_loop3A_465 : vector<16xf32>
        %parallel_loop3A_467 = vector.shape_cast %xor3A_7 : vector<16xi32> to vector<16x1xi32>
        %parallel_loop3A_468 = vector.shape_cast %parallel_loop3A_467 : vector<16x1xi32> to vector<16xi32>
        %parallel_loop3A_469 = tpu.dynamic_gather %parallel_loop3A_462[%parallel_loop3A_468] in [0] : vector<16xf32>, vector<16xi32> -> vector<16xf32>
        %parallel_loop3A_470 = arith.addf %parallel_loop3A_462, %parallel_loop3A_469 : vector<16xf32>
        %parallel_loop3A_471 = arith.select %eq3A_23, %parallel_loop3A_466, %parallel_loop3A_470 : vector<16xi1>, vector<16xf32>
        %parallel_loop3A_472 = arith.constant 12 : i32
        %parallel_loop3A_473 = arith.addi %parallel_loop3A_309, %parallel_loop3A_472 : i32
        %parallel_loop3A_474 = arith.index_cast %parallel_loop3A_473 : i32 to index
        %parallel_loop3A_475 = arith.constant 0 : index
        %parallel_loop3A_476 = tpu.vector_load %arg27[%parallel_loop3A_474, %parallel_loop3A_475] {strides = array<i32>} : memref<80x16xf32, #tpu.memory_space<vmem>>, vector<1x16xf32>,
        %parallel_loop3A_477 = vector.shape_cast %parallel_loop3A_476 : vector<1x16xf32> to vector<16xf32>
        %parallel_loop3A_478 = arith.constant 13 : i32
        %parallel_loop3A_479 = arith.addi %parallel_loop3A_309, %parallel_loop3A_478 : i32
        %parallel_loop3A_480 = arith.index_cast %parallel_loop3A_479 : i32 to index
        %parallel_loop3A_481 = arith.constant 0 : index
        %parallel_loop3A_482 = tpu.vector_load %arg27[%parallel_loop3A_480, %parallel_loop3A_481] {strides = array<i32>} : memref<80x16xf32, #tpu.memory_space<vmem>>, vector<1x16xf32>,
        %parallel_loop3A_483 = vector.shape_cast %parallel_loop3A_482 : vector<1x16xf32> to vector<16xf32>
        %parallel_loop3A_484 = vector.shape_cast %xor3A_4 : vector<16xi32> to vector<16x1xi32>
        %parallel_loop3A_485 = vector.shape_cast %parallel_loop3A_484 : vector<16x1xi32> to vector<16xi32>
        %parallel_loop3A_486 = tpu.dynamic_gather %parallel_loop3A_477[%parallel_loop3A_485] in [0] : vector<16xf32>, vector<16xi32> -> vector<16xf32>
        %parallel_loop3A_487 = arith.addf %parallel_loop3A_477, %parallel_loop3A_486 : vector<16xf32>
        %parallel_loop3A_488 = vector.shape_cast %xor3A_4 : vector<16xi32> to vector<16x1xi32>
        %parallel_loop3A_489 = vector.shape_cast %parallel_loop3A_488 : vector<16x1xi32> to vector<16xi32>
        %parallel_loop3A_490 = tpu.dynamic_gather %parallel_loop3A_483[%parallel_loop3A_489] in [0] : vector<16xf32>, vector<16xi32> -> vector<16xf32>
        %parallel_loop3A_491 = arith.addf %parallel_loop3A_483, %parallel_loop3A_490 : vector<16xf32>
        %parallel_loop3A_492 = arith.select %eq3A_17, %parallel_loop3A_487, %parallel_loop3A_491 : vector<16xi1>, vector<16xf32>
        %parallel_loop3A_493 = arith.constant 14 : i32
        %parallel_loop3A_494 = arith.addi %parallel_loop3A_309, %parallel_loop3A_493 : i32
        %parallel_loop3A_495 = arith.index_cast %parallel_loop3A_494 : i32 to index
        %parallel_loop3A_496 = arith.constant 0 : index
        %parallel_loop3A_497 = tpu.vector_load %arg27[%parallel_loop3A_495, %parallel_loop3A_496] {strides = array<i32>} : memref<80x16xf32, #tpu.memory_space<vmem>>, vector<1x16xf32>,
        %parallel_loop3A_498 = vector.shape_cast %parallel_loop3A_497 : vector<1x16xf32> to vector<16xf32>
        %parallel_loop3A_499 = arith.constant 15 : i32
        %parallel_loop3A_500 = arith.addi %parallel_loop3A_309, %parallel_loop3A_499 : i32
        %parallel_loop3A_501 = arith.index_cast %parallel_loop3A_500 : i32 to index
        %parallel_loop3A_502 = arith.constant 0 : index
        %parallel_loop3A_503 = tpu.vector_load %arg27[%parallel_loop3A_501, %parallel_loop3A_502] {strides = array<i32>} : memref<80x16xf32, #tpu.memory_space<vmem>>, vector<1x16xf32>,
        %parallel_loop3A_504 = vector.shape_cast %parallel_loop3A_503 : vector<1x16xf32> to vector<16xf32>
        %parallel_loop3A_505 = vector.shape_cast %xor3A_4 : vector<16xi32> to vector<16x1xi32>
        %parallel_loop3A_506 = vector.shape_cast %parallel_loop3A_505 : vector<16x1xi32> to vector<16xi32>
        %parallel_loop3A_507 = tpu.dynamic_gather %parallel_loop3A_498[%parallel_loop3A_506] in [0] : vector<16xf32>, vector<16xi32> -> vector<16xf32>
        %parallel_loop3A_508 = arith.addf %parallel_loop3A_498, %parallel_loop3A_507 : vector<16xf32>
        %parallel_loop3A_509 = vector.shape_cast %xor3A_4 : vector<16xi32> to vector<16x1xi32>
        %parallel_loop3A_510 = vector.shape_cast %parallel_loop3A_509 : vector<16x1xi32> to vector<16xi32>
        %parallel_loop3A_511 = tpu.dynamic_gather %parallel_loop3A_504[%parallel_loop3A_510] in [0] : vector<16xf32>, vector<16xi32> -> vector<16xf32>
        %parallel_loop3A_512 = arith.addf %parallel_loop3A_504, %parallel_loop3A_511 : vector<16xf32>
        %parallel_loop3A_513 = arith.select %eq3A_17, %parallel_loop3A_508, %parallel_loop3A_512 : vector<16xi1>, vector<16xf32>
        %parallel_loop3A_514 = vector.shape_cast %xor3A_7 : vector<16xi32> to vector<16x1xi32>
        %parallel_loop3A_515 = vector.shape_cast %parallel_loop3A_514 : vector<16x1xi32> to vector<16xi32>
        %parallel_loop3A_516 = tpu.dynamic_gather %parallel_loop3A_492[%parallel_loop3A_515] in [0] : vector<16xf32>, vector<16xi32> -> vector<16xf32>
        %parallel_loop3A_517 = arith.addf %parallel_loop3A_492, %parallel_loop3A_516 : vector<16xf32>
        %parallel_loop3A_518 = vector.shape_cast %xor3A_7 : vector<16xi32> to vector<16x1xi32>
        %parallel_loop3A_519 = vector.shape_cast %parallel_loop3A_518 : vector<16x1xi32> to vector<16xi32>
        %parallel_loop3A_520 = tpu.dynamic_gather %parallel_loop3A_513[%parallel_loop3A_519] in [0] : vector<16xf32>, vector<16xi32> -> vector<16xf32>
        %parallel_loop3A_521 = arith.addf %parallel_loop3A_513, %parallel_loop3A_520 : vector<16xf32>
        %parallel_loop3A_522 = arith.select %eq3A_23, %parallel_loop3A_517, %parallel_loop3A_521 : vector<16xi1>, vector<16xf32>
        %parallel_loop3A_523 = vector.shape_cast %xor3A_10 : vector<16xi32> to vector<16x1xi32>
        %parallel_loop3A_524 = vector.shape_cast %parallel_loop3A_523 : vector<16x1xi32> to vector<16xi32>
        %parallel_loop3A_525 = tpu.dynamic_gather %parallel_loop3A_471[%parallel_loop3A_524] in [0] : vector<16xf32>, vector<16xi32> -> vector<16xf32>
        %parallel_loop3A_526 = arith.addf %parallel_loop3A_471, %parallel_loop3A_525 : vector<16xf32>
        %parallel_loop3A_527 = vector.shape_cast %xor3A_10 : vector<16xi32> to vector<16x1xi32>
        %parallel_loop3A_528 = vector.shape_cast %parallel_loop3A_527 : vector<16x1xi32> to vector<16xi32>
        %parallel_loop3A_529 = tpu.dynamic_gather %parallel_loop3A_522[%parallel_loop3A_528] in [0] : vector<16xf32>, vector<16xi32> -> vector<16xf32>
        %parallel_loop3A_530 = arith.addf %parallel_loop3A_522, %parallel_loop3A_529 : vector<16xf32>
        %parallel_loop3A_531 = arith.select %eq3A_29, %parallel_loop3A_526, %parallel_loop3A_530 : vector<16xi1>, vector<16xf32>
        %parallel_loop3A_532 = vector.shape_cast %xor3A_13 : vector<16xi32> to vector<16x1xi32>
        %parallel_loop3A_533 = vector.shape_cast %parallel_loop3A_532 : vector<16x1xi32> to vector<16xi32>
        %parallel_loop3A_534 = tpu.dynamic_gather %parallel_loop3A_420[%parallel_loop3A_533] in [0] : vector<16xf32>, vector<16xi32> -> vector<16xf32>
        %parallel_loop3A_535 = arith.addf %parallel_loop3A_420, %parallel_loop3A_534 : vector<16xf32>
        %parallel_loop3A_536 = vector.shape_cast %xor3A_13 : vector<16xi32> to vector<16x1xi32>
        %parallel_loop3A_537 = vector.shape_cast %parallel_loop3A_536 : vector<16x1xi32> to vector<16xi32>
        %parallel_loop3A_538 = tpu.dynamic_gather %parallel_loop3A_531[%parallel_loop3A_537] in [0] : vector<16xf32>, vector<16xi32> -> vector<16xf32>
        %parallel_loop3A_539 = arith.addf %parallel_loop3A_531, %parallel_loop3A_538 : vector<16xf32>
        %parallel_loop3A_540 = arith.select %eq3A_35, %parallel_loop3A_535, %parallel_loop3A_539 : vector<16xi1>, vector<16xf32>
        %parallel_loop3A_541 = arith.index_cast %parallel_loop3A_309 : i32 to index
        %parallel_loop3A_542 = tpu.vector_load %arg25[%parallel_loop3A_541] {strides = array<i32>} : memref<80xf32, #tpu.memory_space<vmem>>, vector<16xf32>,
        %parallel_loop3A_543 = vector.shape_cast %parallel_loop3A_542 : vector<16xf32> to vector<16xf32>
        %parallel_loop3A_544 = vector.shape_cast %parallel_loop3A_540 : vector<16xf32> to vector<16xf32>
        tpu.vector_store %arg25[%parallel_loop3A_541], %parallel_loop3A_544 {strides = array<i32>} : memref<80xf32, #tpu.memory_space<vmem>>, vector<16xf32>,
      } {sc.loop_unroll_factor = 1 : i64, sc.parallel_access}
      %mul3A_259 = arith.constant 80 : i32
      %mul3A_260 = arith.muli %add3A_225, %mul3A_259 : i32
      %add3A_261 = arith.addi %mul3A_2, %mul3A_260 : i32
      %dma_start3A_262 = tpu.memref_slice %arg6[%add3A_261] : memref<320000xf32, #tpu.memory_space<hbm>> -> memref<80xf32, #tpu.memory_space<hbm>>
      %dma_start3A_263 = tpu.memref_slice %arg6[%add3A_261] : memref<320000xf32, #tpu.memory_space<hbm>> -> memref<80xf32, #tpu.memory_space<hbm>>
      tpu.enqueue_dma source(%arg25 : memref<80xf32, #tpu.memory_space<vmem>>) target(%dma_start3A_263 : memref<80xf32, #tpu.memory_space<hbm>>) target_semaphore(%arg46 : memref<!tpu.dma_semaphore, #tpu.memory_space<semaphore_mem>>)
      %mul3A_264 = arith.constant 4 : i32
      %mul3A_265 = arith.muli %mul3A_264, %scan3A_141 : i32
      %add3A_266 = arith.constant 3 : i32
      %add3A_267 = arith.addi %mul3A_265, %add3A_266 : i32
      %dma_wait3A_268 = arith.constant 0 : i32
      %dma_wait3A_269 = arith.constant 0 : i32
      %dma_wait3A_270 = tpu.memref_slice %arg5[%dma_wait3A_268, %dma_wait3A_269] : memref<10000x64xi32, #tpu.memory_space<hbm>> -> memref<10000x64xi32, #tpu.memory_space<hbm>>
      tpu.wait_indirect_dma semaphore(%arg42 : memref<!tpu.dma_semaphore, #tpu.memory_space<semaphore_mem>>) src(%dma_wait3A_270 : memref<10000x64xi32, #tpu.memory_space<hbm>>) dst(%arg21 : memref<80x64xi32, #tpu.memory_space<vmem>>)
      %dma_wait3A_271 = arith.constant 0 : i32
      %dma_wait3A_272 = arith.constant 0 : i32
      %dma_wait3A_273 = tpu.memref_slice %arg5[%dma_wait3A_271, %dma_wait3A_272] : memref<10000x64xi32, #tpu.memory_space<hbm>> -> memref<10000x64xi32, #tpu.memory_space<hbm>>
      tpu.wait_indirect_dma semaphore(%arg43 : memref<!tpu.dma_semaphore, #tpu.memory_space<semaphore_mem>>) src(%dma_wait3A_273 : memref<10000x64xi32, #tpu.memory_space<hbm>>) dst(%arg22 : memref<80x64xi32, #tpu.memory_space<vmem>>)
      %add3A_274 = arith.constant 4 : i32
      %add3A_275 = arith.addi %add3A_267, %add3A_274 : i32
      %sub3A_276 = arith.constant 1 : i32
      %sub3A_277 = arith.subi %add3A_275, %sub3A_276 : i32
      %lt3A_278 = arith.constant 125 : i32
      %lt3A_279 = arith.cmpi slt, %sub3A_277, %lt3A_278 : i32
      %convert_element_type3A_280 = arith.extui %lt3A_279 : i1 to i32
      %cond3A_281 = arith.constant 0 : i32
      %cond3A_282 = arith.cmpi ne, %convert_element_type3A_280, %cond3A_281 : i32
      scf.if %cond3A_282 {
        %dma_wait3A_307 = arith.constant 0 : i32
        %dma_wait3A_308 = tpu.memref_slice %arg2[%dma_wait3A_307] : memref<320000xi32, #tpu.memory_space<hbm>> -> memref<80xi32, #tpu.memory_space<hbm>>
        %dma_wait3A_309 = arith.constant 0 : i32
        %dma_wait3A_310 = tpu.memref_slice %arg2[%dma_wait3A_309] : memref<320000xi32, #tpu.memory_space<hbm>> -> memref<80xi32, #tpu.memory_space<hbm>>
        tpu.wait_dma2 semaphore(%arg32 : memref<!tpu.dma_semaphore, #tpu.memory_space<semaphore_mem>>) src(%dma_wait3A_310 : memref<80xi32, #tpu.memory_space<hbm>>) dst(%arg11 : memref<80xi32, #tpu.memory_space<vmem>>)
        %dma_wait3A_311 = arith.constant 0 : i32
        %dma_wait3A_312 = tpu.memref_slice %arg2[%dma_wait3A_311] : memref<320000xi32, #tpu.memory_space<hbm>> -> memref<80xi32, #tpu.memory_space<hbm>>
        %dma_wait3A_313 = arith.constant 0 : i32
        %dma_wait3A_314 = tpu.memref_slice %arg2[%dma_wait3A_313] : memref<320000xi32, #tpu.memory_space<hbm>> -> memref<80xi32, #tpu.memory_space<hbm>>
        tpu.wait_dma2 semaphore(%arg33 : memref<!tpu.dma_semaphore, #tpu.memory_space<semaphore_mem>>) src(%dma_wait3A_314 : memref<80xi32, #tpu.memory_space<hbm>>) dst(%arg12 : memref<80xi32, #tpu.memory_space<vmem>>)
        %dma_start3A_315 = arith.constant 0 : i32
        %dma_start3A_316 = arith.constant 0 : i32
        %dma_start3A_317 = tpu.memref_slice %arg5[%dma_start3A_315, %dma_start3A_316] : memref<10000x64xi32, #tpu.memory_space<hbm>> -> memref<10000x64xi32, #tpu.memory_space<hbm>>
        tpu.enqueue_indirect_dma source(%dma_start3A_317 : memref<10000x64xi32, #tpu.memory_space<hbm>>) target(%arg19 : memref<80x64xi32, #tpu.memory_space<vmem>>) offsets(%arg11 : memref<80xi32, #tpu.memory_space<vmem>>) semaphore(%arg40 : memref<!tpu.dma_semaphore, #tpu.memory_space<semaphore_mem>>)
        %dma_start3A_318 = arith.constant 0 : i32
        %dma_start3A_319 = arith.constant 0 : i32
        %dma_start3A_320 = tpu.memref_slice %arg5[%dma_start3A_318, %dma_start3A_319] : memref<10000x64xi32, #tpu.memory_space<hbm>> -> memref<10000x64xi32, #tpu.memory_space<hbm>>
        tpu.enqueue_indirect_dma source(%dma_start3A_320 : memref<10000x64xi32, #tpu.memory_space<hbm>>) target(%arg20 : memref<80x64xi32, #tpu.memory_space<vmem>>) offsets(%arg12 : memref<80xi32, #tpu.memory_space<vmem>>) semaphore(%arg41 : memref<!tpu.dma_semaphore, #tpu.memory_space<semaphore_mem>>)
      } else {
      }
      %add3A_283 = arith.constant 4 : i32
      %add3A_284 = arith.addi %add3A_267, %add3A_283 : i32
      %lt3A_285 = arith.constant 125 : i32
      %lt3A_286 = arith.cmpi slt, %add3A_284, %lt3A_285 : i32
      %convert_element_type3A_287 = arith.extui %lt3A_286 : i1 to i32
      %cond3A_288 = arith.constant 0 : i32
      %cond3A_289 = arith.cmpi ne, %convert_element_type3A_287, %cond3A_288 : i32
      scf.if %cond3A_289 {
        %add3A_307 = arith.constant 4 : i32
        %add3A_308 = arith.addi %add3A_267, %add3A_307 : i32
        %mul3A_309 = arith.constant 80 : i32
        %mul3A_310 = arith.muli %add3A_308, %mul3A_309 : i32
        %add3A_311 = arith.addi %mul3A_2, %mul3A_310 : i32
        %dma_start3A_312 = tpu.memref_slice %arg2[%add3A_311] : memref<320000xi32, #tpu.memory_space<hbm>> -> memref<80xi32, #tpu.memory_space<hbm>>
        %dma_start3A_313 = tpu.memref_slice %arg2[%add3A_311] : memref<320000xi32, #tpu.memory_space<hbm>> -> memref<80xi32, #tpu.memory_space<hbm>>
        tpu.enqueue_dma source(%dma_start3A_313 : memref<80xi32, #tpu.memory_space<hbm>>) target(%arg13 : memref<80xi32, #tpu.memory_space<vmem>>) target_semaphore(%arg34 : memref<!tpu.dma_semaphore, #tpu.memory_space<semaphore_mem>>)
        %dma_start3A_314 = tpu.memref_slice %arg3[%add3A_311] : memref<320000xi32, #tpu.memory_space<hbm>> -> memref<80xi32, #tpu.memory_space<hbm>>
        %dma_start3A_315 = tpu.memref_slice %arg3[%add3A_311] : memref<320000xi32, #tpu.memory_space<hbm>> -> memref<80xi32, #tpu.memory_space<hbm>>
        tpu.enqueue_dma source(%dma_start3A_315 : memref<80xi32, #tpu.memory_space<hbm>>) target(%arg14 : memref<80xi32, #tpu.memory_space<vmem>>) target_semaphore(%arg35 : memref<!tpu.dma_semaphore, #tpu.memory_space<semaphore_mem>>)
      } else {
      }
      %ge3A_290 = arith.constant 4 : i32
      %ge3A_291 = arith.cmpi sge, %add3A_267, %ge3A_290 : i32
      %convert_element_type3A_292 = arith.extui %ge3A_291 : i1 to i32
      %cond3A_293 = arith.constant 0 : i32
      %cond3A_294 = arith.cmpi ne, %convert_element_type3A_292, %cond3A_293 : i32
      scf.if %cond3A_294 {
        %dma_wait3A_307 = arith.constant 0 : i32
        %dma_wait3A_308 = tpu.memref_slice %arg6[%dma_wait3A_307] : memref<320000xf32, #tpu.memory_space<hbm>> -> memref<80xf32, #tpu.memory_space<hbm>>
        %dma_wait3A_309 = arith.constant 0 : i32
        %dma_wait3A_310 = tpu.memref_slice %arg6[%dma_wait3A_309] : memref<320000xf32, #tpu.memory_space<hbm>> -> memref<80xf32, #tpu.memory_space<hbm>>
        tpu.wait_dma2 semaphore(%arg47 : memref<!tpu.dma_semaphore, #tpu.memory_space<semaphore_mem>>) src(%arg26 : memref<80xf32, #tpu.memory_space<vmem>>) dst(%dma_wait3A_310 : memref<80xf32, #tpu.memory_space<hbm>>)
      } else {
      }
      %parallel_loop3A_295 = arith.constant 0 : i32
      %parallel_loop3A_296 = arith.constant 80 : i32
      %parallel_loop3A_297 = arith.constant 1 : i32
      scf.for %parallel_loop3A_307 = %parallel_loop3A_295 to %parallel_loop3A_296 step %parallel_loop3A_297  : i32 {
        %parallel_loop3A_308 = arith.index_cast %parallel_loop3A_307 : i32 to index
        %parallel_loop3A_309 = arith.constant 0 : index
        %parallel_loop3A_310 = tpu.vector_load %arg21[%parallel_loop3A_308, %parallel_loop3A_309] {strides = array<i32>} : memref<80x64xi32, #tpu.memory_space<vmem>>, vector<1x16xi32>,
        %parallel_loop3A_311 = vector.shape_cast %parallel_loop3A_310 : vector<1x16xi32> to vector<16xi32>
        %parallel_loop3A_312 = arith.index_cast %parallel_loop3A_307 : i32 to index
        %parallel_loop3A_313 = arith.constant 0 : index
        %parallel_loop3A_314 = tpu.vector_load %arg22[%parallel_loop3A_312, %parallel_loop3A_313] {strides = array<i32>} : memref<80x64xi32, #tpu.memory_space<vmem>>, vector<1x16xi32>,
        %parallel_loop3A_315 = vector.shape_cast %parallel_loop3A_314 : vector<1x16xi32> to vector<16xi32>
        %parallel_loop3A_316 = arith.constant 16 : i32
        %parallel_loop3A_317 = vector.broadcast %parallel_loop3A_316 : i32 to vector<16xi32>
        %parallel_loop3A_318 = arith.shli %parallel_loop3A_311, %parallel_loop3A_317 : vector<16xi32>
        %parallel_loop3A_319 = tpu.bitcast %parallel_loop3A_318 : vector<16xi32> -> vector<16xf32>
        %parallel_loop3A_320 = tpu.bitcast %parallel_loop3A_311 : vector<16xi32> -> vector<16xf32>
        %parallel_loop3A_321 = arith.constant 16 : i32
        %parallel_loop3A_322 = vector.broadcast %parallel_loop3A_321 : i32 to vector<16xi32>
        %parallel_loop3A_323 = arith.shli %parallel_loop3A_315, %parallel_loop3A_322 : vector<16xi32>
        %parallel_loop3A_324 = tpu.bitcast %parallel_loop3A_323 : vector<16xi32> -> vector<16xf32>
        %parallel_loop3A_325 = tpu.bitcast %parallel_loop3A_315 : vector<16xi32> -> vector<16xf32>
        %parallel_loop3A_326 = arith.mulf %parallel_loop3A_319, %parallel_loop3A_324 : vector<16xf32>
        %parallel_loop3A_327 = arith.mulf %parallel_loop3A_320, %parallel_loop3A_325 : vector<16xf32>
        %parallel_loop3A_328 = arith.addf %parallel_loop3A_326, %parallel_loop3A_327 : vector<16xf32>
        %parallel_loop3A_329 = arith.index_cast %parallel_loop3A_307 : i32 to index
        %parallel_loop3A_330 = arith.constant 16 : index
        %parallel_loop3A_331 = tpu.vector_load %arg21[%parallel_loop3A_329, %parallel_loop3A_330] {strides = array<i32>} : memref<80x64xi32, #tpu.memory_space<vmem>>, vector<1x16xi32>,
        %parallel_loop3A_332 = vector.shape_cast %parallel_loop3A_331 : vector<1x16xi32> to vector<16xi32>
        %parallel_loop3A_333 = arith.index_cast %parallel_loop3A_307 : i32 to index
        %parallel_loop3A_334 = arith.constant 16 : index
        %parallel_loop3A_335 = tpu.vector_load %arg22[%parallel_loop3A_333, %parallel_loop3A_334] {strides = array<i32>} : memref<80x64xi32, #tpu.memory_space<vmem>>, vector<1x16xi32>,
        %parallel_loop3A_336 = vector.shape_cast %parallel_loop3A_335 : vector<1x16xi32> to vector<16xi32>
        %parallel_loop3A_337 = arith.constant 16 : i32
        %parallel_loop3A_338 = vector.broadcast %parallel_loop3A_337 : i32 to vector<16xi32>
        %parallel_loop3A_339 = arith.shli %parallel_loop3A_332, %parallel_loop3A_338 : vector<16xi32>
        %parallel_loop3A_340 = tpu.bitcast %parallel_loop3A_339 : vector<16xi32> -> vector<16xf32>
        %parallel_loop3A_341 = tpu.bitcast %parallel_loop3A_332 : vector<16xi32> -> vector<16xf32>
        %parallel_loop3A_342 = arith.constant 16 : i32
        %parallel_loop3A_343 = vector.broadcast %parallel_loop3A_342 : i32 to vector<16xi32>
        %parallel_loop3A_344 = arith.shli %parallel_loop3A_336, %parallel_loop3A_343 : vector<16xi32>
        %parallel_loop3A_345 = tpu.bitcast %parallel_loop3A_344 : vector<16xi32> -> vector<16xf32>
        %parallel_loop3A_346 = tpu.bitcast %parallel_loop3A_336 : vector<16xi32> -> vector<16xf32>
        %parallel_loop3A_347 = arith.mulf %parallel_loop3A_340, %parallel_loop3A_345 : vector<16xf32>
        %parallel_loop3A_348 = arith.mulf %parallel_loop3A_341, %parallel_loop3A_346 : vector<16xf32>
        %parallel_loop3A_349 = arith.addf %parallel_loop3A_347, %parallel_loop3A_348 : vector<16xf32>
        %parallel_loop3A_350 = arith.addf %parallel_loop3A_328, %parallel_loop3A_349 : vector<16xf32>
        %parallel_loop3A_351 = arith.index_cast %parallel_loop3A_307 : i32 to index
        %parallel_loop3A_352 = arith.constant 32 : index
        %parallel_loop3A_353 = tpu.vector_load %arg21[%parallel_loop3A_351, %parallel_loop3A_352] {strides = array<i32>} : memref<80x64xi32, #tpu.memory_space<vmem>>, vector<1x16xi32>,
        %parallel_loop3A_354 = vector.shape_cast %parallel_loop3A_353 : vector<1x16xi32> to vector<16xi32>
        %parallel_loop3A_355 = arith.index_cast %parallel_loop3A_307 : i32 to index
        %parallel_loop3A_356 = arith.constant 32 : index
        %parallel_loop3A_357 = tpu.vector_load %arg22[%parallel_loop3A_355, %parallel_loop3A_356] {strides = array<i32>} : memref<80x64xi32, #tpu.memory_space<vmem>>, vector<1x16xi32>,
        %parallel_loop3A_358 = vector.shape_cast %parallel_loop3A_357 : vector<1x16xi32> to vector<16xi32>
        %parallel_loop3A_359 = arith.constant 16 : i32
        %parallel_loop3A_360 = vector.broadcast %parallel_loop3A_359 : i32 to vector<16xi32>
        %parallel_loop3A_361 = arith.shli %parallel_loop3A_354, %parallel_loop3A_360 : vector<16xi32>
        %parallel_loop3A_362 = tpu.bitcast %parallel_loop3A_361 : vector<16xi32> -> vector<16xf32>
        %parallel_loop3A_363 = tpu.bitcast %parallel_loop3A_354 : vector<16xi32> -> vector<16xf32>
        %parallel_loop3A_364 = arith.constant 16 : i32
        %parallel_loop3A_365 = vector.broadcast %parallel_loop3A_364 : i32 to vector<16xi32>
        %parallel_loop3A_366 = arith.shli %parallel_loop3A_358, %parallel_loop3A_365 : vector<16xi32>
        %parallel_loop3A_367 = tpu.bitcast %parallel_loop3A_366 : vector<16xi32> -> vector<16xf32>
        %parallel_loop3A_368 = tpu.bitcast %parallel_loop3A_358 : vector<16xi32> -> vector<16xf32>
        %parallel_loop3A_369 = arith.mulf %parallel_loop3A_362, %parallel_loop3A_367 : vector<16xf32>
        %parallel_loop3A_370 = arith.mulf %parallel_loop3A_363, %parallel_loop3A_368 : vector<16xf32>
        %parallel_loop3A_371 = arith.addf %parallel_loop3A_369, %parallel_loop3A_370 : vector<16xf32>
        %parallel_loop3A_372 = arith.addf %parallel_loop3A_350, %parallel_loop3A_371 : vector<16xf32>
        %parallel_loop3A_373 = arith.index_cast %parallel_loop3A_307 : i32 to index
        %parallel_loop3A_374 = arith.constant 48 : index
        %parallel_loop3A_375 = tpu.vector_load %arg21[%parallel_loop3A_373, %parallel_loop3A_374] {strides = array<i32>} : memref<80x64xi32, #tpu.memory_space<vmem>>, vector<1x16xi32>,
        %parallel_loop3A_376 = vector.shape_cast %parallel_loop3A_375 : vector<1x16xi32> to vector<16xi32>
        %parallel_loop3A_377 = arith.index_cast %parallel_loop3A_307 : i32 to index
        %parallel_loop3A_378 = arith.constant 48 : index
        %parallel_loop3A_379 = tpu.vector_load %arg22[%parallel_loop3A_377, %parallel_loop3A_378] {strides = array<i32>} : memref<80x64xi32, #tpu.memory_space<vmem>>, vector<1x16xi32>,
        %parallel_loop3A_380 = vector.shape_cast %parallel_loop3A_379 : vector<1x16xi32> to vector<16xi32>
        %parallel_loop3A_381 = arith.constant 16 : i32
        %parallel_loop3A_382 = vector.broadcast %parallel_loop3A_381 : i32 to vector<16xi32>
        %parallel_loop3A_383 = arith.shli %parallel_loop3A_376, %parallel_loop3A_382 : vector<16xi32>
        %parallel_loop3A_384 = tpu.bitcast %parallel_loop3A_383 : vector<16xi32> -> vector<16xf32>
        %parallel_loop3A_385 = tpu.bitcast %parallel_loop3A_376 : vector<16xi32> -> vector<16xf32>
        %parallel_loop3A_386 = arith.constant 16 : i32
        %parallel_loop3A_387 = vector.broadcast %parallel_loop3A_386 : i32 to vector<16xi32>
        %parallel_loop3A_388 = arith.shli %parallel_loop3A_380, %parallel_loop3A_387 : vector<16xi32>
        %parallel_loop3A_389 = tpu.bitcast %parallel_loop3A_388 : vector<16xi32> -> vector<16xf32>
        %parallel_loop3A_390 = tpu.bitcast %parallel_loop3A_380 : vector<16xi32> -> vector<16xf32>
        %parallel_loop3A_391 = arith.mulf %parallel_loop3A_384, %parallel_loop3A_389 : vector<16xf32>
        %parallel_loop3A_392 = arith.mulf %parallel_loop3A_385, %parallel_loop3A_390 : vector<16xf32>
        %parallel_loop3A_393 = arith.addf %parallel_loop3A_391, %parallel_loop3A_392 : vector<16xf32>
        %parallel_loop3A_394 = arith.addf %parallel_loop3A_372, %parallel_loop3A_393 : vector<16xf32>
        %parallel_loop3A_395 = arith.index_cast %parallel_loop3A_307 : i32 to index
        %parallel_loop3A_396 = arith.constant 0 : index
        %parallel_loop3A_397 = tpu.vector_load %arg27[%parallel_loop3A_395, %parallel_loop3A_396] {strides = array<i32>} : memref<80x16xf32, #tpu.memory_space<vmem>>, vector<1x16xf32>,
        %parallel_loop3A_398 = vector.shape_cast %parallel_loop3A_397 : vector<1x16xf32> to vector<16xf32>
        %parallel_loop3A_399 = vector.shape_cast %parallel_loop3A_394 : vector<16xf32> to vector<1x16xf32>
        tpu.vector_store %arg27[%parallel_loop3A_395, %parallel_loop3A_396], %parallel_loop3A_399 {strides = array<i32>} : memref<80x16xf32, #tpu.memory_space<vmem>>, vector<1x16xf32>,
      } {sc.loop_unroll_factor = 1 : i64, sc.parallel_access}
      %parallel_loop3A_298 = arith.constant 0 : i32
      %parallel_loop3A_299 = arith.constant 5 : i32
      %parallel_loop3A_300 = arith.constant 1 : i32
      scf.for %parallel_loop3A_307 = %parallel_loop3A_298 to %parallel_loop3A_299 step %parallel_loop3A_300  : i32 {
        %parallel_loop3A_308 = arith.constant 16 : i32
        %parallel_loop3A_309 = arith.muli %parallel_loop3A_307, %parallel_loop3A_308 : i32
        %parallel_loop3A_310 = arith.constant 0 : i32
        %parallel_loop3A_311 = arith.addi %parallel_loop3A_309, %parallel_loop3A_310 : i32
        %parallel_loop3A_312 = arith.index_cast %parallel_loop3A_311 : i32 to index
        %parallel_loop3A_313 = arith.constant 0 : index
        %parallel_loop3A_314 = tpu.vector_load %arg27[%parallel_loop3A_312, %parallel_loop3A_313] {strides = array<i32>} : memref<80x16xf32, #tpu.memory_space<vmem>>, vector<1x16xf32>,
        %parallel_loop3A_315 = vector.shape_cast %parallel_loop3A_314 : vector<1x16xf32> to vector<16xf32>
        %parallel_loop3A_316 = arith.constant 1 : i32
        %parallel_loop3A_317 = arith.addi %parallel_loop3A_309, %parallel_loop3A_316 : i32
        %parallel_loop3A_318 = arith.index_cast %parallel_loop3A_317 : i32 to index
        %parallel_loop3A_319 = arith.constant 0 : index
        %parallel_loop3A_320 = tpu.vector_load %arg27[%parallel_loop3A_318, %parallel_loop3A_319] {strides = array<i32>} : memref<80x16xf32, #tpu.memory_space<vmem>>, vector<1x16xf32>,
        %parallel_loop3A_321 = vector.shape_cast %parallel_loop3A_320 : vector<1x16xf32> to vector<16xf32>
        %parallel_loop3A_322 = vector.shape_cast %xor3A_4 : vector<16xi32> to vector<16x1xi32>
        %parallel_loop3A_323 = vector.shape_cast %parallel_loop3A_322 : vector<16x1xi32> to vector<16xi32>
        %parallel_loop3A_324 = tpu.dynamic_gather %parallel_loop3A_315[%parallel_loop3A_323] in [0] : vector<16xf32>, vector<16xi32> -> vector<16xf32>
        %parallel_loop3A_325 = arith.addf %parallel_loop3A_315, %parallel_loop3A_324 : vector<16xf32>
        %parallel_loop3A_326 = vector.shape_cast %xor3A_4 : vector<16xi32> to vector<16x1xi32>
        %parallel_loop3A_327 = vector.shape_cast %parallel_loop3A_326 : vector<16x1xi32> to vector<16xi32>
        %parallel_loop3A_328 = tpu.dynamic_gather %parallel_loop3A_321[%parallel_loop3A_327] in [0] : vector<16xf32>, vector<16xi32> -> vector<16xf32>
        %parallel_loop3A_329 = arith.addf %parallel_loop3A_321, %parallel_loop3A_328 : vector<16xf32>
        %parallel_loop3A_330 = arith.select %eq3A_17, %parallel_loop3A_325, %parallel_loop3A_329 : vector<16xi1>, vector<16xf32>
        %parallel_loop3A_331 = arith.constant 2 : i32
        %parallel_loop3A_332 = arith.addi %parallel_loop3A_309, %parallel_loop3A_331 : i32
        %parallel_loop3A_333 = arith.index_cast %parallel_loop3A_332 : i32 to index
        %parallel_loop3A_334 = arith.constant 0 : index
        %parallel_loop3A_335 = tpu.vector_load %arg27[%parallel_loop3A_333, %parallel_loop3A_334] {strides = array<i32>} : memref<80x16xf32, #tpu.memory_space<vmem>>, vector<1x16xf32>,
        %parallel_loop3A_336 = vector.shape_cast %parallel_loop3A_335 : vector<1x16xf32> to vector<16xf32>
        %parallel_loop3A_337 = arith.constant 3 : i32
        %parallel_loop3A_338 = arith.addi %parallel_loop3A_309, %parallel_loop3A_337 : i32
        %parallel_loop3A_339 = arith.index_cast %parallel_loop3A_338 : i32 to index
        %parallel_loop3A_340 = arith.constant 0 : index
        %parallel_loop3A_341 = tpu.vector_load %arg27[%parallel_loop3A_339, %parallel_loop3A_340] {strides = array<i32>} : memref<80x16xf32, #tpu.memory_space<vmem>>, vector<1x16xf32>,
        %parallel_loop3A_342 = vector.shape_cast %parallel_loop3A_341 : vector<1x16xf32> to vector<16xf32>
        %parallel_loop3A_343 = vector.shape_cast %xor3A_4 : vector<16xi32> to vector<16x1xi32>
        %parallel_loop3A_344 = vector.shape_cast %parallel_loop3A_343 : vector<16x1xi32> to vector<16xi32>
        %parallel_loop3A_345 = tpu.dynamic_gather %parallel_loop3A_336[%parallel_loop3A_344] in [0] : vector<16xf32>, vector<16xi32> -> vector<16xf32>
        %parallel_loop3A_346 = arith.addf %parallel_loop3A_336, %parallel_loop3A_345 : vector<16xf32>
        %parallel_loop3A_347 = vector.shape_cast %xor3A_4 : vector<16xi32> to vector<16x1xi32>
        %parallel_loop3A_348 = vector.shape_cast %parallel_loop3A_347 : vector<16x1xi32> to vector<16xi32>
        %parallel_loop3A_349 = tpu.dynamic_gather %parallel_loop3A_342[%parallel_loop3A_348] in [0] : vector<16xf32>, vector<16xi32> -> vector<16xf32>
        %parallel_loop3A_350 = arith.addf %parallel_loop3A_342, %parallel_loop3A_349 : vector<16xf32>
        %parallel_loop3A_351 = arith.select %eq3A_17, %parallel_loop3A_346, %parallel_loop3A_350 : vector<16xi1>, vector<16xf32>
        %parallel_loop3A_352 = vector.shape_cast %xor3A_7 : vector<16xi32> to vector<16x1xi32>
        %parallel_loop3A_353 = vector.shape_cast %parallel_loop3A_352 : vector<16x1xi32> to vector<16xi32>
        %parallel_loop3A_354 = tpu.dynamic_gather %parallel_loop3A_330[%parallel_loop3A_353] in [0] : vector<16xf32>, vector<16xi32> -> vector<16xf32>
        %parallel_loop3A_355 = arith.addf %parallel_loop3A_330, %parallel_loop3A_354 : vector<16xf32>
        %parallel_loop3A_356 = vector.shape_cast %xor3A_7 : vector<16xi32> to vector<16x1xi32>
        %parallel_loop3A_357 = vector.shape_cast %parallel_loop3A_356 : vector<16x1xi32> to vector<16xi32>
        %parallel_loop3A_358 = tpu.dynamic_gather %parallel_loop3A_351[%parallel_loop3A_357] in [0] : vector<16xf32>, vector<16xi32> -> vector<16xf32>
        %parallel_loop3A_359 = arith.addf %parallel_loop3A_351, %parallel_loop3A_358 : vector<16xf32>
        %parallel_loop3A_360 = arith.select %eq3A_23, %parallel_loop3A_355, %parallel_loop3A_359 : vector<16xi1>, vector<16xf32>
        %parallel_loop3A_361 = arith.constant 4 : i32
        %parallel_loop3A_362 = arith.addi %parallel_loop3A_309, %parallel_loop3A_361 : i32
        %parallel_loop3A_363 = arith.index_cast %parallel_loop3A_362 : i32 to index
        %parallel_loop3A_364 = arith.constant 0 : index
        %parallel_loop3A_365 = tpu.vector_load %arg27[%parallel_loop3A_363, %parallel_loop3A_364] {strides = array<i32>} : memref<80x16xf32, #tpu.memory_space<vmem>>, vector<1x16xf32>,
        %parallel_loop3A_366 = vector.shape_cast %parallel_loop3A_365 : vector<1x16xf32> to vector<16xf32>
        %parallel_loop3A_367 = arith.constant 5 : i32
        %parallel_loop3A_368 = arith.addi %parallel_loop3A_309, %parallel_loop3A_367 : i32
        %parallel_loop3A_369 = arith.index_cast %parallel_loop3A_368 : i32 to index
        %parallel_loop3A_370 = arith.constant 0 : index
        %parallel_loop3A_371 = tpu.vector_load %arg27[%parallel_loop3A_369, %parallel_loop3A_370] {strides = array<i32>} : memref<80x16xf32, #tpu.memory_space<vmem>>, vector<1x16xf32>,
        %parallel_loop3A_372 = vector.shape_cast %parallel_loop3A_371 : vector<1x16xf32> to vector<16xf32>
        %parallel_loop3A_373 = vector.shape_cast %xor3A_4 : vector<16xi32> to vector<16x1xi32>
        %parallel_loop3A_374 = vector.shape_cast %parallel_loop3A_373 : vector<16x1xi32> to vector<16xi32>
        %parallel_loop3A_375 = tpu.dynamic_gather %parallel_loop3A_366[%parallel_loop3A_374] in [0] : vector<16xf32>, vector<16xi32> -> vector<16xf32>
        %parallel_loop3A_376 = arith.addf %parallel_loop3A_366, %parallel_loop3A_375 : vector<16xf32>
        %parallel_loop3A_377 = vector.shape_cast %xor3A_4 : vector<16xi32> to vector<16x1xi32>
        %parallel_loop3A_378 = vector.shape_cast %parallel_loop3A_377 : vector<16x1xi32> to vector<16xi32>
        %parallel_loop3A_379 = tpu.dynamic_gather %parallel_loop3A_372[%parallel_loop3A_378] in [0] : vector<16xf32>, vector<16xi32> -> vector<16xf32>
        %parallel_loop3A_380 = arith.addf %parallel_loop3A_372, %parallel_loop3A_379 : vector<16xf32>
        %parallel_loop3A_381 = arith.select %eq3A_17, %parallel_loop3A_376, %parallel_loop3A_380 : vector<16xi1>, vector<16xf32>
        %parallel_loop3A_382 = arith.constant 6 : i32
        %parallel_loop3A_383 = arith.addi %parallel_loop3A_309, %parallel_loop3A_382 : i32
        %parallel_loop3A_384 = arith.index_cast %parallel_loop3A_383 : i32 to index
        %parallel_loop3A_385 = arith.constant 0 : index
        %parallel_loop3A_386 = tpu.vector_load %arg27[%parallel_loop3A_384, %parallel_loop3A_385] {strides = array<i32>} : memref<80x16xf32, #tpu.memory_space<vmem>>, vector<1x16xf32>,
        %parallel_loop3A_387 = vector.shape_cast %parallel_loop3A_386 : vector<1x16xf32> to vector<16xf32>
        %parallel_loop3A_388 = arith.constant 7 : i32
        %parallel_loop3A_389 = arith.addi %parallel_loop3A_309, %parallel_loop3A_388 : i32
        %parallel_loop3A_390 = arith.index_cast %parallel_loop3A_389 : i32 to index
        %parallel_loop3A_391 = arith.constant 0 : index
        %parallel_loop3A_392 = tpu.vector_load %arg27[%parallel_loop3A_390, %parallel_loop3A_391] {strides = array<i32>} : memref<80x16xf32, #tpu.memory_space<vmem>>, vector<1x16xf32>,
        %parallel_loop3A_393 = vector.shape_cast %parallel_loop3A_392 : vector<1x16xf32> to vector<16xf32>
        %parallel_loop3A_394 = vector.shape_cast %xor3A_4 : vector<16xi32> to vector<16x1xi32>
        %parallel_loop3A_395 = vector.shape_cast %parallel_loop3A_394 : vector<16x1xi32> to vector<16xi32>
        %parallel_loop3A_396 = tpu.dynamic_gather %parallel_loop3A_387[%parallel_loop3A_395] in [0] : vector<16xf32>, vector<16xi32> -> vector<16xf32>
        %parallel_loop3A_397 = arith.addf %parallel_loop3A_387, %parallel_loop3A_396 : vector<16xf32>
        %parallel_loop3A_398 = vector.shape_cast %xor3A_4 : vector<16xi32> to vector<16x1xi32>
        %parallel_loop3A_399 = vector.shape_cast %parallel_loop3A_398 : vector<16x1xi32> to vector<16xi32>
        %parallel_loop3A_400 = tpu.dynamic_gather %parallel_loop3A_393[%parallel_loop3A_399] in [0] : vector<16xf32>, vector<16xi32> -> vector<16xf32>
        %parallel_loop3A_401 = arith.addf %parallel_loop3A_393, %parallel_loop3A_400 : vector<16xf32>
        %parallel_loop3A_402 = arith.select %eq3A_17, %parallel_loop3A_397, %parallel_loop3A_401 : vector<16xi1>, vector<16xf32>
        %parallel_loop3A_403 = vector.shape_cast %xor3A_7 : vector<16xi32> to vector<16x1xi32>
        %parallel_loop3A_404 = vector.shape_cast %parallel_loop3A_403 : vector<16x1xi32> to vector<16xi32>
        %parallel_loop3A_405 = tpu.dynamic_gather %parallel_loop3A_381[%parallel_loop3A_404] in [0] : vector<16xf32>, vector<16xi32> -> vector<16xf32>
        %parallel_loop3A_406 = arith.addf %parallel_loop3A_381, %parallel_loop3A_405 : vector<16xf32>
        %parallel_loop3A_407 = vector.shape_cast %xor3A_7 : vector<16xi32> to vector<16x1xi32>
        %parallel_loop3A_408 = vector.shape_cast %parallel_loop3A_407 : vector<16x1xi32> to vector<16xi32>
        %parallel_loop3A_409 = tpu.dynamic_gather %parallel_loop3A_402[%parallel_loop3A_408] in [0] : vector<16xf32>, vector<16xi32> -> vector<16xf32>
        %parallel_loop3A_410 = arith.addf %parallel_loop3A_402, %parallel_loop3A_409 : vector<16xf32>
        %parallel_loop3A_411 = arith.select %eq3A_23, %parallel_loop3A_406, %parallel_loop3A_410 : vector<16xi1>, vector<16xf32>
        %parallel_loop3A_412 = vector.shape_cast %xor3A_10 : vector<16xi32> to vector<16x1xi32>
        %parallel_loop3A_413 = vector.shape_cast %parallel_loop3A_412 : vector<16x1xi32> to vector<16xi32>
        %parallel_loop3A_414 = tpu.dynamic_gather %parallel_loop3A_360[%parallel_loop3A_413] in [0] : vector<16xf32>, vector<16xi32> -> vector<16xf32>
        %parallel_loop3A_415 = arith.addf %parallel_loop3A_360, %parallel_loop3A_414 : vector<16xf32>
        %parallel_loop3A_416 = vector.shape_cast %xor3A_10 : vector<16xi32> to vector<16x1xi32>
        %parallel_loop3A_417 = vector.shape_cast %parallel_loop3A_416 : vector<16x1xi32> to vector<16xi32>
        %parallel_loop3A_418 = tpu.dynamic_gather %parallel_loop3A_411[%parallel_loop3A_417] in [0] : vector<16xf32>, vector<16xi32> -> vector<16xf32>
        %parallel_loop3A_419 = arith.addf %parallel_loop3A_411, %parallel_loop3A_418 : vector<16xf32>
        %parallel_loop3A_420 = arith.select %eq3A_29, %parallel_loop3A_415, %parallel_loop3A_419 : vector<16xi1>, vector<16xf32>
        %parallel_loop3A_421 = arith.constant 8 : i32
        %parallel_loop3A_422 = arith.addi %parallel_loop3A_309, %parallel_loop3A_421 : i32
        %parallel_loop3A_423 = arith.index_cast %parallel_loop3A_422 : i32 to index
        %parallel_loop3A_424 = arith.constant 0 : index
        %parallel_loop3A_425 = tpu.vector_load %arg27[%parallel_loop3A_423, %parallel_loop3A_424] {strides = array<i32>} : memref<80x16xf32, #tpu.memory_space<vmem>>, vector<1x16xf32>,
        %parallel_loop3A_426 = vector.shape_cast %parallel_loop3A_425 : vector<1x16xf32> to vector<16xf32>
        %parallel_loop3A_427 = arith.constant 9 : i32
        %parallel_loop3A_428 = arith.addi %parallel_loop3A_309, %parallel_loop3A_427 : i32
        %parallel_loop3A_429 = arith.index_cast %parallel_loop3A_428 : i32 to index
        %parallel_loop3A_430 = arith.constant 0 : index
        %parallel_loop3A_431 = tpu.vector_load %arg27[%parallel_loop3A_429, %parallel_loop3A_430] {strides = array<i32>} : memref<80x16xf32, #tpu.memory_space<vmem>>, vector<1x16xf32>,
        %parallel_loop3A_432 = vector.shape_cast %parallel_loop3A_431 : vector<1x16xf32> to vector<16xf32>
        %parallel_loop3A_433 = vector.shape_cast %xor3A_4 : vector<16xi32> to vector<16x1xi32>
        %parallel_loop3A_434 = vector.shape_cast %parallel_loop3A_433 : vector<16x1xi32> to vector<16xi32>
        %parallel_loop3A_435 = tpu.dynamic_gather %parallel_loop3A_426[%parallel_loop3A_434] in [0] : vector<16xf32>, vector<16xi32> -> vector<16xf32>
        %parallel_loop3A_436 = arith.addf %parallel_loop3A_426, %parallel_loop3A_435 : vector<16xf32>
        %parallel_loop3A_437 = vector.shape_cast %xor3A_4 : vector<16xi32> to vector<16x1xi32>
        %parallel_loop3A_438 = vector.shape_cast %parallel_loop3A_437 : vector<16x1xi32> to vector<16xi32>
        %parallel_loop3A_439 = tpu.dynamic_gather %parallel_loop3A_432[%parallel_loop3A_438] in [0] : vector<16xf32>, vector<16xi32> -> vector<16xf32>
        %parallel_loop3A_440 = arith.addf %parallel_loop3A_432, %parallel_loop3A_439 : vector<16xf32>
        %parallel_loop3A_441 = arith.select %eq3A_17, %parallel_loop3A_436, %parallel_loop3A_440 : vector<16xi1>, vector<16xf32>
        %parallel_loop3A_442 = arith.constant 10 : i32
        %parallel_loop3A_443 = arith.addi %parallel_loop3A_309, %parallel_loop3A_442 : i32
        %parallel_loop3A_444 = arith.index_cast %parallel_loop3A_443 : i32 to index
        %parallel_loop3A_445 = arith.constant 0 : index
        %parallel_loop3A_446 = tpu.vector_load %arg27[%parallel_loop3A_444, %parallel_loop3A_445] {strides = array<i32>} : memref<80x16xf32, #tpu.memory_space<vmem>>, vector<1x16xf32>,
        %parallel_loop3A_447 = vector.shape_cast %parallel_loop3A_446 : vector<1x16xf32> to vector<16xf32>
        %parallel_loop3A_448 = arith.constant 11 : i32
        %parallel_loop3A_449 = arith.addi %parallel_loop3A_309, %parallel_loop3A_448 : i32
        %parallel_loop3A_450 = arith.index_cast %parallel_loop3A_449 : i32 to index
        %parallel_loop3A_451 = arith.constant 0 : index
        %parallel_loop3A_452 = tpu.vector_load %arg27[%parallel_loop3A_450, %parallel_loop3A_451] {strides = array<i32>} : memref<80x16xf32, #tpu.memory_space<vmem>>, vector<1x16xf32>,
        %parallel_loop3A_453 = vector.shape_cast %parallel_loop3A_452 : vector<1x16xf32> to vector<16xf32>
        %parallel_loop3A_454 = vector.shape_cast %xor3A_4 : vector<16xi32> to vector<16x1xi32>
        %parallel_loop3A_455 = vector.shape_cast %parallel_loop3A_454 : vector<16x1xi32> to vector<16xi32>
        %parallel_loop3A_456 = tpu.dynamic_gather %parallel_loop3A_447[%parallel_loop3A_455] in [0] : vector<16xf32>, vector<16xi32> -> vector<16xf32>
        %parallel_loop3A_457 = arith.addf %parallel_loop3A_447, %parallel_loop3A_456 : vector<16xf32>
        %parallel_loop3A_458 = vector.shape_cast %xor3A_4 : vector<16xi32> to vector<16x1xi32>
        %parallel_loop3A_459 = vector.shape_cast %parallel_loop3A_458 : vector<16x1xi32> to vector<16xi32>
        %parallel_loop3A_460 = tpu.dynamic_gather %parallel_loop3A_453[%parallel_loop3A_459] in [0] : vector<16xf32>, vector<16xi32> -> vector<16xf32>
        %parallel_loop3A_461 = arith.addf %parallel_loop3A_453, %parallel_loop3A_460 : vector<16xf32>
        %parallel_loop3A_462 = arith.select %eq3A_17, %parallel_loop3A_457, %parallel_loop3A_461 : vector<16xi1>, vector<16xf32>
        %parallel_loop3A_463 = vector.shape_cast %xor3A_7 : vector<16xi32> to vector<16x1xi32>
        %parallel_loop3A_464 = vector.shape_cast %parallel_loop3A_463 : vector<16x1xi32> to vector<16xi32>
        %parallel_loop3A_465 = tpu.dynamic_gather %parallel_loop3A_441[%parallel_loop3A_464] in [0] : vector<16xf32>, vector<16xi32> -> vector<16xf32>
        %parallel_loop3A_466 = arith.addf %parallel_loop3A_441, %parallel_loop3A_465 : vector<16xf32>
        %parallel_loop3A_467 = vector.shape_cast %xor3A_7 : vector<16xi32> to vector<16x1xi32>
        %parallel_loop3A_468 = vector.shape_cast %parallel_loop3A_467 : vector<16x1xi32> to vector<16xi32>
        %parallel_loop3A_469 = tpu.dynamic_gather %parallel_loop3A_462[%parallel_loop3A_468] in [0] : vector<16xf32>, vector<16xi32> -> vector<16xf32>
        %parallel_loop3A_470 = arith.addf %parallel_loop3A_462, %parallel_loop3A_469 : vector<16xf32>
        %parallel_loop3A_471 = arith.select %eq3A_23, %parallel_loop3A_466, %parallel_loop3A_470 : vector<16xi1>, vector<16xf32>
        %parallel_loop3A_472 = arith.constant 12 : i32
        %parallel_loop3A_473 = arith.addi %parallel_loop3A_309, %parallel_loop3A_472 : i32
        %parallel_loop3A_474 = arith.index_cast %parallel_loop3A_473 : i32 to index
        %parallel_loop3A_475 = arith.constant 0 : index
        %parallel_loop3A_476 = tpu.vector_load %arg27[%parallel_loop3A_474, %parallel_loop3A_475] {strides = array<i32>} : memref<80x16xf32, #tpu.memory_space<vmem>>, vector<1x16xf32>,
        %parallel_loop3A_477 = vector.shape_cast %parallel_loop3A_476 : vector<1x16xf32> to vector<16xf32>
        %parallel_loop3A_478 = arith.constant 13 : i32
        %parallel_loop3A_479 = arith.addi %parallel_loop3A_309, %parallel_loop3A_478 : i32
        %parallel_loop3A_480 = arith.index_cast %parallel_loop3A_479 : i32 to index
        %parallel_loop3A_481 = arith.constant 0 : index
        %parallel_loop3A_482 = tpu.vector_load %arg27[%parallel_loop3A_480, %parallel_loop3A_481] {strides = array<i32>} : memref<80x16xf32, #tpu.memory_space<vmem>>, vector<1x16xf32>,
        %parallel_loop3A_483 = vector.shape_cast %parallel_loop3A_482 : vector<1x16xf32> to vector<16xf32>
        %parallel_loop3A_484 = vector.shape_cast %xor3A_4 : vector<16xi32> to vector<16x1xi32>
        %parallel_loop3A_485 = vector.shape_cast %parallel_loop3A_484 : vector<16x1xi32> to vector<16xi32>
        %parallel_loop3A_486 = tpu.dynamic_gather %parallel_loop3A_477[%parallel_loop3A_485] in [0] : vector<16xf32>, vector<16xi32> -> vector<16xf32>
        %parallel_loop3A_487 = arith.addf %parallel_loop3A_477, %parallel_loop3A_486 : vector<16xf32>
        %parallel_loop3A_488 = vector.shape_cast %xor3A_4 : vector<16xi32> to vector<16x1xi32>
        %parallel_loop3A_489 = vector.shape_cast %parallel_loop3A_488 : vector<16x1xi32> to vector<16xi32>
        %parallel_loop3A_490 = tpu.dynamic_gather %parallel_loop3A_483[%parallel_loop3A_489] in [0] : vector<16xf32>, vector<16xi32> -> vector<16xf32>
        %parallel_loop3A_491 = arith.addf %parallel_loop3A_483, %parallel_loop3A_490 : vector<16xf32>
        %parallel_loop3A_492 = arith.select %eq3A_17, %parallel_loop3A_487, %parallel_loop3A_491 : vector<16xi1>, vector<16xf32>
        %parallel_loop3A_493 = arith.constant 14 : i32
        %parallel_loop3A_494 = arith.addi %parallel_loop3A_309, %parallel_loop3A_493 : i32
        %parallel_loop3A_495 = arith.index_cast %parallel_loop3A_494 : i32 to index
        %parallel_loop3A_496 = arith.constant 0 : index
        %parallel_loop3A_497 = tpu.vector_load %arg27[%parallel_loop3A_495, %parallel_loop3A_496] {strides = array<i32>} : memref<80x16xf32, #tpu.memory_space<vmem>>, vector<1x16xf32>,
        %parallel_loop3A_498 = vector.shape_cast %parallel_loop3A_497 : vector<1x16xf32> to vector<16xf32>
        %parallel_loop3A_499 = arith.constant 15 : i32
        %parallel_loop3A_500 = arith.addi %parallel_loop3A_309, %parallel_loop3A_499 : i32
        %parallel_loop3A_501 = arith.index_cast %parallel_loop3A_500 : i32 to index
        %parallel_loop3A_502 = arith.constant 0 : index
        %parallel_loop3A_503 = tpu.vector_load %arg27[%parallel_loop3A_501, %parallel_loop3A_502] {strides = array<i32>} : memref<80x16xf32, #tpu.memory_space<vmem>>, vector<1x16xf32>,
        %parallel_loop3A_504 = vector.shape_cast %parallel_loop3A_503 : vector<1x16xf32> to vector<16xf32>
        %parallel_loop3A_505 = vector.shape_cast %xor3A_4 : vector<16xi32> to vector<16x1xi32>
        %parallel_loop3A_506 = vector.shape_cast %parallel_loop3A_505 : vector<16x1xi32> to vector<16xi32>
        %parallel_loop3A_507 = tpu.dynamic_gather %parallel_loop3A_498[%parallel_loop3A_506] in [0] : vector<16xf32>, vector<16xi32> -> vector<16xf32>
        %parallel_loop3A_508 = arith.addf %parallel_loop3A_498, %parallel_loop3A_507 : vector<16xf32>
        %parallel_loop3A_509 = vector.shape_cast %xor3A_4 : vector<16xi32> to vector<16x1xi32>
        %parallel_loop3A_510 = vector.shape_cast %parallel_loop3A_509 : vector<16x1xi32> to vector<16xi32>
        %parallel_loop3A_511 = tpu.dynamic_gather %parallel_loop3A_504[%parallel_loop3A_510] in [0] : vector<16xf32>, vector<16xi32> -> vector<16xf32>
        %parallel_loop3A_512 = arith.addf %parallel_loop3A_504, %parallel_loop3A_511 : vector<16xf32>
        %parallel_loop3A_513 = arith.select %eq3A_17, %parallel_loop3A_508, %parallel_loop3A_512 : vector<16xi1>, vector<16xf32>
        %parallel_loop3A_514 = vector.shape_cast %xor3A_7 : vector<16xi32> to vector<16x1xi32>
        %parallel_loop3A_515 = vector.shape_cast %parallel_loop3A_514 : vector<16x1xi32> to vector<16xi32>
        %parallel_loop3A_516 = tpu.dynamic_gather %parallel_loop3A_492[%parallel_loop3A_515] in [0] : vector<16xf32>, vector<16xi32> -> vector<16xf32>
        %parallel_loop3A_517 = arith.addf %parallel_loop3A_492, %parallel_loop3A_516 : vector<16xf32>
        %parallel_loop3A_518 = vector.shape_cast %xor3A_7 : vector<16xi32> to vector<16x1xi32>
        %parallel_loop3A_519 = vector.shape_cast %parallel_loop3A_518 : vector<16x1xi32> to vector<16xi32>
        %parallel_loop3A_520 = tpu.dynamic_gather %parallel_loop3A_513[%parallel_loop3A_519] in [0] : vector<16xf32>, vector<16xi32> -> vector<16xf32>
        %parallel_loop3A_521 = arith.addf %parallel_loop3A_513, %parallel_loop3A_520 : vector<16xf32>
        %parallel_loop3A_522 = arith.select %eq3A_23, %parallel_loop3A_517, %parallel_loop3A_521 : vector<16xi1>, vector<16xf32>
        %parallel_loop3A_523 = vector.shape_cast %xor3A_10 : vector<16xi32> to vector<16x1xi32>
        %parallel_loop3A_524 = vector.shape_cast %parallel_loop3A_523 : vector<16x1xi32> to vector<16xi32>
        %parallel_loop3A_525 = tpu.dynamic_gather %parallel_loop3A_471[%parallel_loop3A_524] in [0] : vector<16xf32>, vector<16xi32> -> vector<16xf32>
        %parallel_loop3A_526 = arith.addf %parallel_loop3A_471, %parallel_loop3A_525 : vector<16xf32>
        %parallel_loop3A_527 = vector.shape_cast %xor3A_10 : vector<16xi32> to vector<16x1xi32>
        %parallel_loop3A_528 = vector.shape_cast %parallel_loop3A_527 : vector<16x1xi32> to vector<16xi32>
        %parallel_loop3A_529 = tpu.dynamic_gather %parallel_loop3A_522[%parallel_loop3A_528] in [0] : vector<16xf32>, vector<16xi32> -> vector<16xf32>
        %parallel_loop3A_530 = arith.addf %parallel_loop3A_522, %parallel_loop3A_529 : vector<16xf32>
        %parallel_loop3A_531 = arith.select %eq3A_29, %parallel_loop3A_526, %parallel_loop3A_530 : vector<16xi1>, vector<16xf32>
        %parallel_loop3A_532 = vector.shape_cast %xor3A_13 : vector<16xi32> to vector<16x1xi32>
        %parallel_loop3A_533 = vector.shape_cast %parallel_loop3A_532 : vector<16x1xi32> to vector<16xi32>
        %parallel_loop3A_534 = tpu.dynamic_gather %parallel_loop3A_420[%parallel_loop3A_533] in [0] : vector<16xf32>, vector<16xi32> -> vector<16xf32>
        %parallel_loop3A_535 = arith.addf %parallel_loop3A_420, %parallel_loop3A_534 : vector<16xf32>
        %parallel_loop3A_536 = vector.shape_cast %xor3A_13 : vector<16xi32> to vector<16x1xi32>
        %parallel_loop3A_537 = vector.shape_cast %parallel_loop3A_536 : vector<16x1xi32> to vector<16xi32>
        %parallel_loop3A_538 = tpu.dynamic_gather %parallel_loop3A_531[%parallel_loop3A_537] in [0] : vector<16xf32>, vector<16xi32> -> vector<16xf32>
        %parallel_loop3A_539 = arith.addf %parallel_loop3A_531, %parallel_loop3A_538 : vector<16xf32>
        %parallel_loop3A_540 = arith.select %eq3A_35, %parallel_loop3A_535, %parallel_loop3A_539 : vector<16xi1>, vector<16xf32>
        %parallel_loop3A_541 = arith.index_cast %parallel_loop3A_309 : i32 to index
        %parallel_loop3A_542 = tpu.vector_load %arg26[%parallel_loop3A_541] {strides = array<i32>} : memref<80xf32, #tpu.memory_space<vmem>>, vector<16xf32>,
        %parallel_loop3A_543 = vector.shape_cast %parallel_loop3A_542 : vector<16xf32> to vector<16xf32>
        %parallel_loop3A_544 = vector.shape_cast %parallel_loop3A_540 : vector<16xf32> to vector<16xf32>
        tpu.vector_store %arg26[%parallel_loop3A_541], %parallel_loop3A_544 {strides = array<i32>} : memref<80xf32, #tpu.memory_space<vmem>>, vector<16xf32>,
      } {sc.loop_unroll_factor = 1 : i64, sc.parallel_access}
      %mul3A_301 = arith.constant 80 : i32
      %mul3A_302 = arith.muli %add3A_267, %mul3A_301 : i32
      %add3A_303 = arith.addi %mul3A_2, %mul3A_302 : i32
      %dma_start3A_304 = tpu.memref_slice %arg6[%add3A_303] : memref<320000xf32, #tpu.memory_space<hbm>> -> memref<80xf32, #tpu.memory_space<hbm>>
      %dma_start3A_305 = tpu.memref_slice %arg6[%add3A_303] : memref<320000xf32, #tpu.memory_space<hbm>> -> memref<80xf32, #tpu.memory_space<hbm>>
      tpu.enqueue_dma source(%arg26 : memref<80xf32, #tpu.memory_space<vmem>>) target(%dma_start3A_305 : memref<80xf32, #tpu.memory_space<hbm>>) target_semaphore(%arg47 : memref<!tpu.dma_semaphore, #tpu.memory_space<semaphore_mem>>)
      %scan3A_306 = arith.constant 0 : i32
      scf.yield %scan3A_306 : i32
    }
    %scan3A_105 = arith.constant 31 : i32
    %dma_wait3A_106 = arith.constant 0 : i32
    %dma_wait3A_107 = arith.constant 0 : i32
    %dma_wait3A_108 = tpu.memref_slice %arg5[%dma_wait3A_106, %dma_wait3A_107] : memref<10000x64xi32, #tpu.memory_space<hbm>> -> memref<10000x64xi32, #tpu.memory_space<hbm>>
    tpu.wait_indirect_dma semaphore(%arg36 : memref<!tpu.dma_semaphore, #tpu.memory_space<semaphore_mem>>) src(%dma_wait3A_108 : memref<10000x64xi32, #tpu.memory_space<hbm>>) dst(%arg15 : memref<80x64xi32, #tpu.memory_space<vmem>>)
    %dma_wait3A_109 = arith.constant 0 : i32
    %dma_wait3A_110 = arith.constant 0 : i32
    %dma_wait3A_111 = tpu.memref_slice %arg5[%dma_wait3A_109, %dma_wait3A_110] : memref<10000x64xi32, #tpu.memory_space<hbm>> -> memref<10000x64xi32, #tpu.memory_space<hbm>>
    tpu.wait_indirect_dma semaphore(%arg37 : memref<!tpu.dma_semaphore, #tpu.memory_space<semaphore_mem>>) src(%dma_wait3A_111 : memref<10000x64xi32, #tpu.memory_space<hbm>>) dst(%arg16 : memref<80x64xi32, #tpu.memory_space<vmem>>)
    %dma_wait3A_112 = arith.constant 0 : i32
    %dma_wait3A_113 = tpu.memref_slice %arg6[%dma_wait3A_112] : memref<320000xf32, #tpu.memory_space<hbm>> -> memref<80xf32, #tpu.memory_space<hbm>>
    %dma_wait3A_114 = arith.constant 0 : i32
    %dma_wait3A_115 = tpu.memref_slice %arg6[%dma_wait3A_114] : memref<320000xf32, #tpu.memory_space<hbm>> -> memref<80xf32, #tpu.memory_space<hbm>>
    tpu.wait_dma2 semaphore(%arg44 : memref<!tpu.dma_semaphore, #tpu.memory_space<semaphore_mem>>) src(%arg23 : memref<80xf32, #tpu.memory_space<vmem>>) dst(%dma_wait3A_115 : memref<80xf32, #tpu.memory_space<hbm>>)
    %parallel_loop3A = arith.constant 0 : i32
    %parallel_loop3A_116 = arith.constant 80 : i32
    %parallel_loop3A_117 = arith.constant 1 : i32
    scf.for %parallel_loop3A_141 = %parallel_loop3A to %parallel_loop3A_116 step %parallel_loop3A_117  : i32 {
      %parallel_loop3A_142 = arith.index_cast %parallel_loop3A_141 : i32 to index
      %parallel_loop3A_143 = arith.constant 0 : index
      %parallel_loop3A_144 = tpu.vector_load %arg15[%parallel_loop3A_142, %parallel_loop3A_143] {strides = array<i32>} : memref<80x64xi32, #tpu.memory_space<vmem>>, vector<1x16xi32>,
      %parallel_loop3A_145 = vector.shape_cast %parallel_loop3A_144 : vector<1x16xi32> to vector<16xi32>
      %parallel_loop3A_146 = arith.index_cast %parallel_loop3A_141 : i32 to index
      %parallel_loop3A_147 = arith.constant 0 : index
      %parallel_loop3A_148 = tpu.vector_load %arg16[%parallel_loop3A_146, %parallel_loop3A_147] {strides = array<i32>} : memref<80x64xi32, #tpu.memory_space<vmem>>, vector<1x16xi32>,
      %parallel_loop3A_149 = vector.shape_cast %parallel_loop3A_148 : vector<1x16xi32> to vector<16xi32>
      %parallel_loop3A_150 = arith.constant 16 : i32
      %parallel_loop3A_151 = vector.broadcast %parallel_loop3A_150 : i32 to vector<16xi32>
      %parallel_loop3A_152 = arith.shli %parallel_loop3A_145, %parallel_loop3A_151 : vector<16xi32>
      %parallel_loop3A_153 = tpu.bitcast %parallel_loop3A_152 : vector<16xi32> -> vector<16xf32>
      %parallel_loop3A_154 = tpu.bitcast %parallel_loop3A_145 : vector<16xi32> -> vector<16xf32>
      %parallel_loop3A_155 = arith.constant 16 : i32
      %parallel_loop3A_156 = vector.broadcast %parallel_loop3A_155 : i32 to vector<16xi32>
      %parallel_loop3A_157 = arith.shli %parallel_loop3A_149, %parallel_loop3A_156 : vector<16xi32>
      %parallel_loop3A_158 = tpu.bitcast %parallel_loop3A_157 : vector<16xi32> -> vector<16xf32>
      %parallel_loop3A_159 = tpu.bitcast %parallel_loop3A_149 : vector<16xi32> -> vector<16xf32>
      %parallel_loop3A_160 = arith.mulf %parallel_loop3A_153, %parallel_loop3A_158 : vector<16xf32>
      %parallel_loop3A_161 = arith.mulf %parallel_loop3A_154, %parallel_loop3A_159 : vector<16xf32>
      %parallel_loop3A_162 = arith.addf %parallel_loop3A_160, %parallel_loop3A_161 : vector<16xf32>
      %parallel_loop3A_163 = arith.index_cast %parallel_loop3A_141 : i32 to index
      %parallel_loop3A_164 = arith.constant 16 : index
      %parallel_loop3A_165 = tpu.vector_load %arg15[%parallel_loop3A_163, %parallel_loop3A_164] {strides = array<i32>} : memref<80x64xi32, #tpu.memory_space<vmem>>, vector<1x16xi32>,
      %parallel_loop3A_166 = vector.shape_cast %parallel_loop3A_165 : vector<1x16xi32> to vector<16xi32>
      %parallel_loop3A_167 = arith.index_cast %parallel_loop3A_141 : i32 to index
      %parallel_loop3A_168 = arith.constant 16 : index
      %parallel_loop3A_169 = tpu.vector_load %arg16[%parallel_loop3A_167, %parallel_loop3A_168] {strides = array<i32>} : memref<80x64xi32, #tpu.memory_space<vmem>>, vector<1x16xi32>,
      %parallel_loop3A_170 = vector.shape_cast %parallel_loop3A_169 : vector<1x16xi32> to vector<16xi32>
      %parallel_loop3A_171 = arith.constant 16 : i32
      %parallel_loop3A_172 = vector.broadcast %parallel_loop3A_171 : i32 to vector<16xi32>
      %parallel_loop3A_173 = arith.shli %parallel_loop3A_166, %parallel_loop3A_172 : vector<16xi32>
      %parallel_loop3A_174 = tpu.bitcast %parallel_loop3A_173 : vector<16xi32> -> vector<16xf32>
      %parallel_loop3A_175 = tpu.bitcast %parallel_loop3A_166 : vector<16xi32> -> vector<16xf32>
      %parallel_loop3A_176 = arith.constant 16 : i32
      %parallel_loop3A_177 = vector.broadcast %parallel_loop3A_176 : i32 to vector<16xi32>
      %parallel_loop3A_178 = arith.shli %parallel_loop3A_170, %parallel_loop3A_177 : vector<16xi32>
      %parallel_loop3A_179 = tpu.bitcast %parallel_loop3A_178 : vector<16xi32> -> vector<16xf32>
      %parallel_loop3A_180 = tpu.bitcast %parallel_loop3A_170 : vector<16xi32> -> vector<16xf32>
      %parallel_loop3A_181 = arith.mulf %parallel_loop3A_174, %parallel_loop3A_179 : vector<16xf32>
      %parallel_loop3A_182 = arith.mulf %parallel_loop3A_175, %parallel_loop3A_180 : vector<16xf32>
      %parallel_loop3A_183 = arith.addf %parallel_loop3A_181, %parallel_loop3A_182 : vector<16xf32>
      %parallel_loop3A_184 = arith.addf %parallel_loop3A_162, %parallel_loop3A_183 : vector<16xf32>
      %parallel_loop3A_185 = arith.index_cast %parallel_loop3A_141 : i32 to index
      %parallel_loop3A_186 = arith.constant 32 : index
      %parallel_loop3A_187 = tpu.vector_load %arg15[%parallel_loop3A_185, %parallel_loop3A_186] {strides = array<i32>} : memref<80x64xi32, #tpu.memory_space<vmem>>, vector<1x16xi32>,
      %parallel_loop3A_188 = vector.shape_cast %parallel_loop3A_187 : vector<1x16xi32> to vector<16xi32>
      %parallel_loop3A_189 = arith.index_cast %parallel_loop3A_141 : i32 to index
      %parallel_loop3A_190 = arith.constant 32 : index
      %parallel_loop3A_191 = tpu.vector_load %arg16[%parallel_loop3A_189, %parallel_loop3A_190] {strides = array<i32>} : memref<80x64xi32, #tpu.memory_space<vmem>>, vector<1x16xi32>,
      %parallel_loop3A_192 = vector.shape_cast %parallel_loop3A_191 : vector<1x16xi32> to vector<16xi32>
      %parallel_loop3A_193 = arith.constant 16 : i32
      %parallel_loop3A_194 = vector.broadcast %parallel_loop3A_193 : i32 to vector<16xi32>
      %parallel_loop3A_195 = arith.shli %parallel_loop3A_188, %parallel_loop3A_194 : vector<16xi32>
      %parallel_loop3A_196 = tpu.bitcast %parallel_loop3A_195 : vector<16xi32> -> vector<16xf32>
      %parallel_loop3A_197 = tpu.bitcast %parallel_loop3A_188 : vector<16xi32> -> vector<16xf32>
      %parallel_loop3A_198 = arith.constant 16 : i32
      %parallel_loop3A_199 = vector.broadcast %parallel_loop3A_198 : i32 to vector<16xi32>
      %parallel_loop3A_200 = arith.shli %parallel_loop3A_192, %parallel_loop3A_199 : vector<16xi32>
      %parallel_loop3A_201 = tpu.bitcast %parallel_loop3A_200 : vector<16xi32> -> vector<16xf32>
      %parallel_loop3A_202 = tpu.bitcast %parallel_loop3A_192 : vector<16xi32> -> vector<16xf32>
      %parallel_loop3A_203 = arith.mulf %parallel_loop3A_196, %parallel_loop3A_201 : vector<16xf32>
      %parallel_loop3A_204 = arith.mulf %parallel_loop3A_197, %parallel_loop3A_202 : vector<16xf32>
      %parallel_loop3A_205 = arith.addf %parallel_loop3A_203, %parallel_loop3A_204 : vector<16xf32>
      %parallel_loop3A_206 = arith.addf %parallel_loop3A_184, %parallel_loop3A_205 : vector<16xf32>
      %parallel_loop3A_207 = arith.index_cast %parallel_loop3A_141 : i32 to index
      %parallel_loop3A_208 = arith.constant 48 : index
      %parallel_loop3A_209 = tpu.vector_load %arg15[%parallel_loop3A_207, %parallel_loop3A_208] {strides = array<i32>} : memref<80x64xi32, #tpu.memory_space<vmem>>, vector<1x16xi32>,
      %parallel_loop3A_210 = vector.shape_cast %parallel_loop3A_209 : vector<1x16xi32> to vector<16xi32>
      %parallel_loop3A_211 = arith.index_cast %parallel_loop3A_141 : i32 to index
      %parallel_loop3A_212 = arith.constant 48 : index
      %parallel_loop3A_213 = tpu.vector_load %arg16[%parallel_loop3A_211, %parallel_loop3A_212] {strides = array<i32>} : memref<80x64xi32, #tpu.memory_space<vmem>>, vector<1x16xi32>,
      %parallel_loop3A_214 = vector.shape_cast %parallel_loop3A_213 : vector<1x16xi32> to vector<16xi32>
      %parallel_loop3A_215 = arith.constant 16 : i32
      %parallel_loop3A_216 = vector.broadcast %parallel_loop3A_215 : i32 to vector<16xi32>
      %parallel_loop3A_217 = arith.shli %parallel_loop3A_210, %parallel_loop3A_216 : vector<16xi32>
      %parallel_loop3A_218 = tpu.bitcast %parallel_loop3A_217 : vector<16xi32> -> vector<16xf32>
      %parallel_loop3A_219 = tpu.bitcast %parallel_loop3A_210 : vector<16xi32> -> vector<16xf32>
      %parallel_loop3A_220 = arith.constant 16 : i32
      %parallel_loop3A_221 = vector.broadcast %parallel_loop3A_220 : i32 to vector<16xi32>
      %parallel_loop3A_222 = arith.shli %parallel_loop3A_214, %parallel_loop3A_221 : vector<16xi32>
      %parallel_loop3A_223 = tpu.bitcast %parallel_loop3A_222 : vector<16xi32> -> vector<16xf32>
      %parallel_loop3A_224 = tpu.bitcast %parallel_loop3A_214 : vector<16xi32> -> vector<16xf32>
      %parallel_loop3A_225 = arith.mulf %parallel_loop3A_218, %parallel_loop3A_223 : vector<16xf32>
      %parallel_loop3A_226 = arith.mulf %parallel_loop3A_219, %parallel_loop3A_224 : vector<16xf32>
      %parallel_loop3A_227 = arith.addf %parallel_loop3A_225, %parallel_loop3A_226 : vector<16xf32>
      %parallel_loop3A_228 = arith.addf %parallel_loop3A_206, %parallel_loop3A_227 : vector<16xf32>
      %parallel_loop3A_229 = arith.index_cast %parallel_loop3A_141 : i32 to index
      %parallel_loop3A_230 = arith.constant 0 : index
      %parallel_loop3A_231 = tpu.vector_load %arg27[%parallel_loop3A_229, %parallel_loop3A_230] {strides = array<i32>} : memref<80x16xf32, #tpu.memory_space<vmem>>, vector<1x16xf32>,
      %parallel_loop3A_232 = vector.shape_cast %parallel_loop3A_231 : vector<1x16xf32> to vector<16xf32>
      %parallel_loop3A_233 = vector.shape_cast %parallel_loop3A_228 : vector<16xf32> to vector<1x16xf32>
      tpu.vector_store %arg27[%parallel_loop3A_229, %parallel_loop3A_230], %parallel_loop3A_233 {strides = array<i32>} : memref<80x16xf32, #tpu.memory_space<vmem>>, vector<1x16xf32>,
    } {sc.loop_unroll_factor = 1 : i64, sc.parallel_access}
    %parallel_loop3A_118 = arith.constant 0 : i32
    %parallel_loop3A_119 = arith.constant 5 : i32
    %parallel_loop3A_120 = arith.constant 1 : i32
    scf.for %parallel_loop3A_141 = %parallel_loop3A_118 to %parallel_loop3A_119 step %parallel_loop3A_120  : i32 {
      %parallel_loop3A_142 = arith.constant 16 : i32
      %parallel_loop3A_143 = arith.muli %parallel_loop3A_141, %parallel_loop3A_142 : i32
      %parallel_loop3A_144 = arith.constant 0 : i32
      %parallel_loop3A_145 = arith.addi %parallel_loop3A_143, %parallel_loop3A_144 : i32
      %parallel_loop3A_146 = arith.index_cast %parallel_loop3A_145 : i32 to index
      %parallel_loop3A_147 = arith.constant 0 : index
      %parallel_loop3A_148 = tpu.vector_load %arg27[%parallel_loop3A_146, %parallel_loop3A_147] {strides = array<i32>} : memref<80x16xf32, #tpu.memory_space<vmem>>, vector<1x16xf32>,
      %parallel_loop3A_149 = vector.shape_cast %parallel_loop3A_148 : vector<1x16xf32> to vector<16xf32>
      %parallel_loop3A_150 = arith.constant 1 : i32
      %parallel_loop3A_151 = arith.addi %parallel_loop3A_143, %parallel_loop3A_150 : i32
      %parallel_loop3A_152 = arith.index_cast %parallel_loop3A_151 : i32 to index
      %parallel_loop3A_153 = arith.constant 0 : index
      %parallel_loop3A_154 = tpu.vector_load %arg27[%parallel_loop3A_152, %parallel_loop3A_153] {strides = array<i32>} : memref<80x16xf32, #tpu.memory_space<vmem>>, vector<1x16xf32>,
      %parallel_loop3A_155 = vector.shape_cast %parallel_loop3A_154 : vector<1x16xf32> to vector<16xf32>
      %parallel_loop3A_156 = vector.shape_cast %xor3A_4 : vector<16xi32> to vector<16x1xi32>
      %parallel_loop3A_157 = vector.shape_cast %parallel_loop3A_156 : vector<16x1xi32> to vector<16xi32>
      %parallel_loop3A_158 = tpu.dynamic_gather %parallel_loop3A_149[%parallel_loop3A_157] in [0] : vector<16xf32>, vector<16xi32> -> vector<16xf32>
      %parallel_loop3A_159 = arith.addf %parallel_loop3A_149, %parallel_loop3A_158 : vector<16xf32>
      %parallel_loop3A_160 = vector.shape_cast %xor3A_4 : vector<16xi32> to vector<16x1xi32>
      %parallel_loop3A_161 = vector.shape_cast %parallel_loop3A_160 : vector<16x1xi32> to vector<16xi32>
      %parallel_loop3A_162 = tpu.dynamic_gather %parallel_loop3A_155[%parallel_loop3A_161] in [0] : vector<16xf32>, vector<16xi32> -> vector<16xf32>
      %parallel_loop3A_163 = arith.addf %parallel_loop3A_155, %parallel_loop3A_162 : vector<16xf32>
      %parallel_loop3A_164 = arith.select %eq3A_17, %parallel_loop3A_159, %parallel_loop3A_163 : vector<16xi1>, vector<16xf32>
      %parallel_loop3A_165 = arith.constant 2 : i32
      %parallel_loop3A_166 = arith.addi %parallel_loop3A_143, %parallel_loop3A_165 : i32
      %parallel_loop3A_167 = arith.index_cast %parallel_loop3A_166 : i32 to index
      %parallel_loop3A_168 = arith.constant 0 : index
      %parallel_loop3A_169 = tpu.vector_load %arg27[%parallel_loop3A_167, %parallel_loop3A_168] {strides = array<i32>} : memref<80x16xf32, #tpu.memory_space<vmem>>, vector<1x16xf32>,
      %parallel_loop3A_170 = vector.shape_cast %parallel_loop3A_169 : vector<1x16xf32> to vector<16xf32>
      %parallel_loop3A_171 = arith.constant 3 : i32
      %parallel_loop3A_172 = arith.addi %parallel_loop3A_143, %parallel_loop3A_171 : i32
      %parallel_loop3A_173 = arith.index_cast %parallel_loop3A_172 : i32 to index
      %parallel_loop3A_174 = arith.constant 0 : index
      %parallel_loop3A_175 = tpu.vector_load %arg27[%parallel_loop3A_173, %parallel_loop3A_174] {strides = array<i32>} : memref<80x16xf32, #tpu.memory_space<vmem>>, vector<1x16xf32>,
      %parallel_loop3A_176 = vector.shape_cast %parallel_loop3A_175 : vector<1x16xf32> to vector<16xf32>
      %parallel_loop3A_177 = vector.shape_cast %xor3A_4 : vector<16xi32> to vector<16x1xi32>
      %parallel_loop3A_178 = vector.shape_cast %parallel_loop3A_177 : vector<16x1xi32> to vector<16xi32>
      %parallel_loop3A_179 = tpu.dynamic_gather %parallel_loop3A_170[%parallel_loop3A_178] in [0] : vector<16xf32>, vector<16xi32> -> vector<16xf32>
      %parallel_loop3A_180 = arith.addf %parallel_loop3A_170, %parallel_loop3A_179 : vector<16xf32>
      %parallel_loop3A_181 = vector.shape_cast %xor3A_4 : vector<16xi32> to vector<16x1xi32>
      %parallel_loop3A_182 = vector.shape_cast %parallel_loop3A_181 : vector<16x1xi32> to vector<16xi32>
      %parallel_loop3A_183 = tpu.dynamic_gather %parallel_loop3A_176[%parallel_loop3A_182] in [0] : vector<16xf32>, vector<16xi32> -> vector<16xf32>
      %parallel_loop3A_184 = arith.addf %parallel_loop3A_176, %parallel_loop3A_183 : vector<16xf32>
      %parallel_loop3A_185 = arith.select %eq3A_17, %parallel_loop3A_180, %parallel_loop3A_184 : vector<16xi1>, vector<16xf32>
      %parallel_loop3A_186 = vector.shape_cast %xor3A_7 : vector<16xi32> to vector<16x1xi32>
      %parallel_loop3A_187 = vector.shape_cast %parallel_loop3A_186 : vector<16x1xi32> to vector<16xi32>
      %parallel_loop3A_188 = tpu.dynamic_gather %parallel_loop3A_164[%parallel_loop3A_187] in [0] : vector<16xf32>, vector<16xi32> -> vector<16xf32>
      %parallel_loop3A_189 = arith.addf %parallel_loop3A_164, %parallel_loop3A_188 : vector<16xf32>
      %parallel_loop3A_190 = vector.shape_cast %xor3A_7 : vector<16xi32> to vector<16x1xi32>
      %parallel_loop3A_191 = vector.shape_cast %parallel_loop3A_190 : vector<16x1xi32> to vector<16xi32>
      %parallel_loop3A_192 = tpu.dynamic_gather %parallel_loop3A_185[%parallel_loop3A_191] in [0] : vector<16xf32>, vector<16xi32> -> vector<16xf32>
      %parallel_loop3A_193 = arith.addf %parallel_loop3A_185, %parallel_loop3A_192 : vector<16xf32>
      %parallel_loop3A_194 = arith.select %eq3A_23, %parallel_loop3A_189, %parallel_loop3A_193 : vector<16xi1>, vector<16xf32>
      %parallel_loop3A_195 = arith.constant 4 : i32
      %parallel_loop3A_196 = arith.addi %parallel_loop3A_143, %parallel_loop3A_195 : i32
      %parallel_loop3A_197 = arith.index_cast %parallel_loop3A_196 : i32 to index
      %parallel_loop3A_198 = arith.constant 0 : index
      %parallel_loop3A_199 = tpu.vector_load %arg27[%parallel_loop3A_197, %parallel_loop3A_198] {strides = array<i32>} : memref<80x16xf32, #tpu.memory_space<vmem>>, vector<1x16xf32>,
      %parallel_loop3A_200 = vector.shape_cast %parallel_loop3A_199 : vector<1x16xf32> to vector<16xf32>
      %parallel_loop3A_201 = arith.constant 5 : i32
      %parallel_loop3A_202 = arith.addi %parallel_loop3A_143, %parallel_loop3A_201 : i32
      %parallel_loop3A_203 = arith.index_cast %parallel_loop3A_202 : i32 to index
      %parallel_loop3A_204 = arith.constant 0 : index
      %parallel_loop3A_205 = tpu.vector_load %arg27[%parallel_loop3A_203, %parallel_loop3A_204] {strides = array<i32>} : memref<80x16xf32, #tpu.memory_space<vmem>>, vector<1x16xf32>,
      %parallel_loop3A_206 = vector.shape_cast %parallel_loop3A_205 : vector<1x16xf32> to vector<16xf32>
      %parallel_loop3A_207 = vector.shape_cast %xor3A_4 : vector<16xi32> to vector<16x1xi32>
      %parallel_loop3A_208 = vector.shape_cast %parallel_loop3A_207 : vector<16x1xi32> to vector<16xi32>
      %parallel_loop3A_209 = tpu.dynamic_gather %parallel_loop3A_200[%parallel_loop3A_208] in [0] : vector<16xf32>, vector<16xi32> -> vector<16xf32>
      %parallel_loop3A_210 = arith.addf %parallel_loop3A_200, %parallel_loop3A_209 : vector<16xf32>
      %parallel_loop3A_211 = vector.shape_cast %xor3A_4 : vector<16xi32> to vector<16x1xi32>
      %parallel_loop3A_212 = vector.shape_cast %parallel_loop3A_211 : vector<16x1xi32> to vector<16xi32>
      %parallel_loop3A_213 = tpu.dynamic_gather %parallel_loop3A_206[%parallel_loop3A_212] in [0] : vector<16xf32>, vector<16xi32> -> vector<16xf32>
      %parallel_loop3A_214 = arith.addf %parallel_loop3A_206, %parallel_loop3A_213 : vector<16xf32>
      %parallel_loop3A_215 = arith.select %eq3A_17, %parallel_loop3A_210, %parallel_loop3A_214 : vector<16xi1>, vector<16xf32>
      %parallel_loop3A_216 = arith.constant 6 : i32
      %parallel_loop3A_217 = arith.addi %parallel_loop3A_143, %parallel_loop3A_216 : i32
      %parallel_loop3A_218 = arith.index_cast %parallel_loop3A_217 : i32 to index
      %parallel_loop3A_219 = arith.constant 0 : index
      %parallel_loop3A_220 = tpu.vector_load %arg27[%parallel_loop3A_218, %parallel_loop3A_219] {strides = array<i32>} : memref<80x16xf32, #tpu.memory_space<vmem>>, vector<1x16xf32>,
      %parallel_loop3A_221 = vector.shape_cast %parallel_loop3A_220 : vector<1x16xf32> to vector<16xf32>
      %parallel_loop3A_222 = arith.constant 7 : i32
      %parallel_loop3A_223 = arith.addi %parallel_loop3A_143, %parallel_loop3A_222 : i32
      %parallel_loop3A_224 = arith.index_cast %parallel_loop3A_223 : i32 to index
      %parallel_loop3A_225 = arith.constant 0 : index
      %parallel_loop3A_226 = tpu.vector_load %arg27[%parallel_loop3A_224, %parallel_loop3A_225] {strides = array<i32>} : memref<80x16xf32, #tpu.memory_space<vmem>>, vector<1x16xf32>,
      %parallel_loop3A_227 = vector.shape_cast %parallel_loop3A_226 : vector<1x16xf32> to vector<16xf32>
      %parallel_loop3A_228 = vector.shape_cast %xor3A_4 : vector<16xi32> to vector<16x1xi32>
      %parallel_loop3A_229 = vector.shape_cast %parallel_loop3A_228 : vector<16x1xi32> to vector<16xi32>
      %parallel_loop3A_230 = tpu.dynamic_gather %parallel_loop3A_221[%parallel_loop3A_229] in [0] : vector<16xf32>, vector<16xi32> -> vector<16xf32>
      %parallel_loop3A_231 = arith.addf %parallel_loop3A_221, %parallel_loop3A_230 : vector<16xf32>
      %parallel_loop3A_232 = vector.shape_cast %xor3A_4 : vector<16xi32> to vector<16x1xi32>
      %parallel_loop3A_233 = vector.shape_cast %parallel_loop3A_232 : vector<16x1xi32> to vector<16xi32>
      %parallel_loop3A_234 = tpu.dynamic_gather %parallel_loop3A_227[%parallel_loop3A_233] in [0] : vector<16xf32>, vector<16xi32> -> vector<16xf32>
      %parallel_loop3A_235 = arith.addf %parallel_loop3A_227, %parallel_loop3A_234 : vector<16xf32>
      %parallel_loop3A_236 = arith.select %eq3A_17, %parallel_loop3A_231, %parallel_loop3A_235 : vector<16xi1>, vector<16xf32>
      %parallel_loop3A_237 = vector.shape_cast %xor3A_7 : vector<16xi32> to vector<16x1xi32>
      %parallel_loop3A_238 = vector.shape_cast %parallel_loop3A_237 : vector<16x1xi32> to vector<16xi32>
      %parallel_loop3A_239 = tpu.dynamic_gather %parallel_loop3A_215[%parallel_loop3A_238] in [0] : vector<16xf32>, vector<16xi32> -> vector<16xf32>
      %parallel_loop3A_240 = arith.addf %parallel_loop3A_215, %parallel_loop3A_239 : vector<16xf32>
      %parallel_loop3A_241 = vector.shape_cast %xor3A_7 : vector<16xi32> to vector<16x1xi32>
      %parallel_loop3A_242 = vector.shape_cast %parallel_loop3A_241 : vector<16x1xi32> to vector<16xi32>
      %parallel_loop3A_243 = tpu.dynamic_gather %parallel_loop3A_236[%parallel_loop3A_242] in [0] : vector<16xf32>, vector<16xi32> -> vector<16xf32>
      %parallel_loop3A_244 = arith.addf %parallel_loop3A_236, %parallel_loop3A_243 : vector<16xf32>
      %parallel_loop3A_245 = arith.select %eq3A_23, %parallel_loop3A_240, %parallel_loop3A_244 : vector<16xi1>, vector<16xf32>
      %parallel_loop3A_246 = vector.shape_cast %xor3A_10 : vector<16xi32> to vector<16x1xi32>
      %parallel_loop3A_247 = vector.shape_cast %parallel_loop3A_246 : vector<16x1xi32> to vector<16xi32>
      %parallel_loop3A_248 = tpu.dynamic_gather %parallel_loop3A_194[%parallel_loop3A_247] in [0] : vector<16xf32>, vector<16xi32> -> vector<16xf32>
      %parallel_loop3A_249 = arith.addf %parallel_loop3A_194, %parallel_loop3A_248 : vector<16xf32>
      %parallel_loop3A_250 = vector.shape_cast %xor3A_10 : vector<16xi32> to vector<16x1xi32>
      %parallel_loop3A_251 = vector.shape_cast %parallel_loop3A_250 : vector<16x1xi32> to vector<16xi32>
      %parallel_loop3A_252 = tpu.dynamic_gather %parallel_loop3A_245[%parallel_loop3A_251] in [0] : vector<16xf32>, vector<16xi32> -> vector<16xf32>
      %parallel_loop3A_253 = arith.addf %parallel_loop3A_245, %parallel_loop3A_252 : vector<16xf32>
      %parallel_loop3A_254 = arith.select %eq3A_29, %parallel_loop3A_249, %parallel_loop3A_253 : vector<16xi1>, vector<16xf32>
      %parallel_loop3A_255 = arith.constant 8 : i32
      %parallel_loop3A_256 = arith.addi %parallel_loop3A_143, %parallel_loop3A_255 : i32
      %parallel_loop3A_257 = arith.index_cast %parallel_loop3A_256 : i32 to index
      %parallel_loop3A_258 = arith.constant 0 : index
      %parallel_loop3A_259 = tpu.vector_load %arg27[%parallel_loop3A_257, %parallel_loop3A_258] {strides = array<i32>} : memref<80x16xf32, #tpu.memory_space<vmem>>, vector<1x16xf32>,
      %parallel_loop3A_260 = vector.shape_cast %parallel_loop3A_259 : vector<1x16xf32> to vector<16xf32>
      %parallel_loop3A_261 = arith.constant 9 : i32
      %parallel_loop3A_262 = arith.addi %parallel_loop3A_143, %parallel_loop3A_261 : i32
      %parallel_loop3A_263 = arith.index_cast %parallel_loop3A_262 : i32 to index
      %parallel_loop3A_264 = arith.constant 0 : index
      %parallel_loop3A_265 = tpu.vector_load %arg27[%parallel_loop3A_263, %parallel_loop3A_264] {strides = array<i32>} : memref<80x16xf32, #tpu.memory_space<vmem>>, vector<1x16xf32>,
      %parallel_loop3A_266 = vector.shape_cast %parallel_loop3A_265 : vector<1x16xf32> to vector<16xf32>
      %parallel_loop3A_267 = vector.shape_cast %xor3A_4 : vector<16xi32> to vector<16x1xi32>
      %parallel_loop3A_268 = vector.shape_cast %parallel_loop3A_267 : vector<16x1xi32> to vector<16xi32>
      %parallel_loop3A_269 = tpu.dynamic_gather %parallel_loop3A_260[%parallel_loop3A_268] in [0] : vector<16xf32>, vector<16xi32> -> vector<16xf32>
      %parallel_loop3A_270 = arith.addf %parallel_loop3A_260, %parallel_loop3A_269 : vector<16xf32>
      %parallel_loop3A_271 = vector.shape_cast %xor3A_4 : vector<16xi32> to vector<16x1xi32>
      %parallel_loop3A_272 = vector.shape_cast %parallel_loop3A_271 : vector<16x1xi32> to vector<16xi32>
      %parallel_loop3A_273 = tpu.dynamic_gather %parallel_loop3A_266[%parallel_loop3A_272] in [0] : vector<16xf32>, vector<16xi32> -> vector<16xf32>
      %parallel_loop3A_274 = arith.addf %parallel_loop3A_266, %parallel_loop3A_273 : vector<16xf32>
      %parallel_loop3A_275 = arith.select %eq3A_17, %parallel_loop3A_270, %parallel_loop3A_274 : vector<16xi1>, vector<16xf32>
      %parallel_loop3A_276 = arith.constant 10 : i32
      %parallel_loop3A_277 = arith.addi %parallel_loop3A_143, %parallel_loop3A_276 : i32
      %parallel_loop3A_278 = arith.index_cast %parallel_loop3A_277 : i32 to index
      %parallel_loop3A_279 = arith.constant 0 : index
      %parallel_loop3A_280 = tpu.vector_load %arg27[%parallel_loop3A_278, %parallel_loop3A_279] {strides = array<i32>} : memref<80x16xf32, #tpu.memory_space<vmem>>, vector<1x16xf32>,
      %parallel_loop3A_281 = vector.shape_cast %parallel_loop3A_280 : vector<1x16xf32> to vector<16xf32>
      %parallel_loop3A_282 = arith.constant 11 : i32
      %parallel_loop3A_283 = arith.addi %parallel_loop3A_143, %parallel_loop3A_282 : i32
      %parallel_loop3A_284 = arith.index_cast %parallel_loop3A_283 : i32 to index
      %parallel_loop3A_285 = arith.constant 0 : index
      %parallel_loop3A_286 = tpu.vector_load %arg27[%parallel_loop3A_284, %parallel_loop3A_285] {strides = array<i32>} : memref<80x16xf32, #tpu.memory_space<vmem>>, vector<1x16xf32>,
      %parallel_loop3A_287 = vector.shape_cast %parallel_loop3A_286 : vector<1x16xf32> to vector<16xf32>
      %parallel_loop3A_288 = vector.shape_cast %xor3A_4 : vector<16xi32> to vector<16x1xi32>
      %parallel_loop3A_289 = vector.shape_cast %parallel_loop3A_288 : vector<16x1xi32> to vector<16xi32>
      %parallel_loop3A_290 = tpu.dynamic_gather %parallel_loop3A_281[%parallel_loop3A_289] in [0] : vector<16xf32>, vector<16xi32> -> vector<16xf32>
      %parallel_loop3A_291 = arith.addf %parallel_loop3A_281, %parallel_loop3A_290 : vector<16xf32>
      %parallel_loop3A_292 = vector.shape_cast %xor3A_4 : vector<16xi32> to vector<16x1xi32>
      %parallel_loop3A_293 = vector.shape_cast %parallel_loop3A_292 : vector<16x1xi32> to vector<16xi32>
      %parallel_loop3A_294 = tpu.dynamic_gather %parallel_loop3A_287[%parallel_loop3A_293] in [0] : vector<16xf32>, vector<16xi32> -> vector<16xf32>
      %parallel_loop3A_295 = arith.addf %parallel_loop3A_287, %parallel_loop3A_294 : vector<16xf32>
      %parallel_loop3A_296 = arith.select %eq3A_17, %parallel_loop3A_291, %parallel_loop3A_295 : vector<16xi1>, vector<16xf32>
      %parallel_loop3A_297 = vector.shape_cast %xor3A_7 : vector<16xi32> to vector<16x1xi32>
      %parallel_loop3A_298 = vector.shape_cast %parallel_loop3A_297 : vector<16x1xi32> to vector<16xi32>
      %parallel_loop3A_299 = tpu.dynamic_gather %parallel_loop3A_275[%parallel_loop3A_298] in [0] : vector<16xf32>, vector<16xi32> -> vector<16xf32>
      %parallel_loop3A_300 = arith.addf %parallel_loop3A_275, %parallel_loop3A_299 : vector<16xf32>
      %parallel_loop3A_301 = vector.shape_cast %xor3A_7 : vector<16xi32> to vector<16x1xi32>
      %parallel_loop3A_302 = vector.shape_cast %parallel_loop3A_301 : vector<16x1xi32> to vector<16xi32>
      %parallel_loop3A_303 = tpu.dynamic_gather %parallel_loop3A_296[%parallel_loop3A_302] in [0] : vector<16xf32>, vector<16xi32> -> vector<16xf32>
      %parallel_loop3A_304 = arith.addf %parallel_loop3A_296, %parallel_loop3A_303 : vector<16xf32>
      %parallel_loop3A_305 = arith.select %eq3A_23, %parallel_loop3A_300, %parallel_loop3A_304 : vector<16xi1>, vector<16xf32>
      %parallel_loop3A_306 = arith.constant 12 : i32
      %parallel_loop3A_307 = arith.addi %parallel_loop3A_143, %parallel_loop3A_306 : i32
      %parallel_loop3A_308 = arith.index_cast %parallel_loop3A_307 : i32 to index
      %parallel_loop3A_309 = arith.constant 0 : index
      %parallel_loop3A_310 = tpu.vector_load %arg27[%parallel_loop3A_308, %parallel_loop3A_309] {strides = array<i32>} : memref<80x16xf32, #tpu.memory_space<vmem>>, vector<1x16xf32>,
      %parallel_loop3A_311 = vector.shape_cast %parallel_loop3A_310 : vector<1x16xf32> to vector<16xf32>
      %parallel_loop3A_312 = arith.constant 13 : i32
      %parallel_loop3A_313 = arith.addi %parallel_loop3A_143, %parallel_loop3A_312 : i32
      %parallel_loop3A_314 = arith.index_cast %parallel_loop3A_313 : i32 to index
      %parallel_loop3A_315 = arith.constant 0 : index
      %parallel_loop3A_316 = tpu.vector_load %arg27[%parallel_loop3A_314, %parallel_loop3A_315] {strides = array<i32>} : memref<80x16xf32, #tpu.memory_space<vmem>>, vector<1x16xf32>,
      %parallel_loop3A_317 = vector.shape_cast %parallel_loop3A_316 : vector<1x16xf32> to vector<16xf32>
      %parallel_loop3A_318 = vector.shape_cast %xor3A_4 : vector<16xi32> to vector<16x1xi32>
      %parallel_loop3A_319 = vector.shape_cast %parallel_loop3A_318 : vector<16x1xi32> to vector<16xi32>
      %parallel_loop3A_320 = tpu.dynamic_gather %parallel_loop3A_311[%parallel_loop3A_319] in [0] : vector<16xf32>, vector<16xi32> -> vector<16xf32>
      %parallel_loop3A_321 = arith.addf %parallel_loop3A_311, %parallel_loop3A_320 : vector<16xf32>
      %parallel_loop3A_322 = vector.shape_cast %xor3A_4 : vector<16xi32> to vector<16x1xi32>
      %parallel_loop3A_323 = vector.shape_cast %parallel_loop3A_322 : vector<16x1xi32> to vector<16xi32>
      %parallel_loop3A_324 = tpu.dynamic_gather %parallel_loop3A_317[%parallel_loop3A_323] in [0] : vector<16xf32>, vector<16xi32> -> vector<16xf32>
      %parallel_loop3A_325 = arith.addf %parallel_loop3A_317, %parallel_loop3A_324 : vector<16xf32>
      %parallel_loop3A_326 = arith.select %eq3A_17, %parallel_loop3A_321, %parallel_loop3A_325 : vector<16xi1>, vector<16xf32>
      %parallel_loop3A_327 = arith.constant 14 : i32
      %parallel_loop3A_328 = arith.addi %parallel_loop3A_143, %parallel_loop3A_327 : i32
      %parallel_loop3A_329 = arith.index_cast %parallel_loop3A_328 : i32 to index
      %parallel_loop3A_330 = arith.constant 0 : index
      %parallel_loop3A_331 = tpu.vector_load %arg27[%parallel_loop3A_329, %parallel_loop3A_330] {strides = array<i32>} : memref<80x16xf32, #tpu.memory_space<vmem>>, vector<1x16xf32>,
      %parallel_loop3A_332 = vector.shape_cast %parallel_loop3A_331 : vector<1x16xf32> to vector<16xf32>
      %parallel_loop3A_333 = arith.constant 15 : i32
      %parallel_loop3A_334 = arith.addi %parallel_loop3A_143, %parallel_loop3A_333 : i32
      %parallel_loop3A_335 = arith.index_cast %parallel_loop3A_334 : i32 to index
      %parallel_loop3A_336 = arith.constant 0 : index
      %parallel_loop3A_337 = tpu.vector_load %arg27[%parallel_loop3A_335, %parallel_loop3A_336] {strides = array<i32>} : memref<80x16xf32, #tpu.memory_space<vmem>>, vector<1x16xf32>,
      %parallel_loop3A_338 = vector.shape_cast %parallel_loop3A_337 : vector<1x16xf32> to vector<16xf32>
      %parallel_loop3A_339 = vector.shape_cast %xor3A_4 : vector<16xi32> to vector<16x1xi32>
      %parallel_loop3A_340 = vector.shape_cast %parallel_loop3A_339 : vector<16x1xi32> to vector<16xi32>
      %parallel_loop3A_341 = tpu.dynamic_gather %parallel_loop3A_332[%parallel_loop3A_340] in [0] : vector<16xf32>, vector<16xi32> -> vector<16xf32>
      %parallel_loop3A_342 = arith.addf %parallel_loop3A_332, %parallel_loop3A_341 : vector<16xf32>
      %parallel_loop3A_343 = vector.shape_cast %xor3A_4 : vector<16xi32> to vector<16x1xi32>
      %parallel_loop3A_344 = vector.shape_cast %parallel_loop3A_343 : vector<16x1xi32> to vector<16xi32>
      %parallel_loop3A_345 = tpu.dynamic_gather %parallel_loop3A_338[%parallel_loop3A_344] in [0] : vector<16xf32>, vector<16xi32> -> vector<16xf32>
      %parallel_loop3A_346 = arith.addf %parallel_loop3A_338, %parallel_loop3A_345 : vector<16xf32>
      %parallel_loop3A_347 = arith.select %eq3A_17, %parallel_loop3A_342, %parallel_loop3A_346 : vector<16xi1>, vector<16xf32>
      %parallel_loop3A_348 = vector.shape_cast %xor3A_7 : vector<16xi32> to vector<16x1xi32>
      %parallel_loop3A_349 = vector.shape_cast %parallel_loop3A_348 : vector<16x1xi32> to vector<16xi32>
      %parallel_loop3A_350 = tpu.dynamic_gather %parallel_loop3A_326[%parallel_loop3A_349] in [0] : vector<16xf32>, vector<16xi32> -> vector<16xf32>
      %parallel_loop3A_351 = arith.addf %parallel_loop3A_326, %parallel_loop3A_350 : vector<16xf32>
      %parallel_loop3A_352 = vector.shape_cast %xor3A_7 : vector<16xi32> to vector<16x1xi32>
      %parallel_loop3A_353 = vector.shape_cast %parallel_loop3A_352 : vector<16x1xi32> to vector<16xi32>
      %parallel_loop3A_354 = tpu.dynamic_gather %parallel_loop3A_347[%parallel_loop3A_353] in [0] : vector<16xf32>, vector<16xi32> -> vector<16xf32>
      %parallel_loop3A_355 = arith.addf %parallel_loop3A_347, %parallel_loop3A_354 : vector<16xf32>
      %parallel_loop3A_356 = arith.select %eq3A_23, %parallel_loop3A_351, %parallel_loop3A_355 : vector<16xi1>, vector<16xf32>
      %parallel_loop3A_357 = vector.shape_cast %xor3A_10 : vector<16xi32> to vector<16x1xi32>
      %parallel_loop3A_358 = vector.shape_cast %parallel_loop3A_357 : vector<16x1xi32> to vector<16xi32>
      %parallel_loop3A_359 = tpu.dynamic_gather %parallel_loop3A_305[%parallel_loop3A_358] in [0] : vector<16xf32>, vector<16xi32> -> vector<16xf32>
      %parallel_loop3A_360 = arith.addf %parallel_loop3A_305, %parallel_loop3A_359 : vector<16xf32>
      %parallel_loop3A_361 = vector.shape_cast %xor3A_10 : vector<16xi32> to vector<16x1xi32>
      %parallel_loop3A_362 = vector.shape_cast %parallel_loop3A_361 : vector<16x1xi32> to vector<16xi32>
      %parallel_loop3A_363 = tpu.dynamic_gather %parallel_loop3A_356[%parallel_loop3A_362] in [0] : vector<16xf32>, vector<16xi32> -> vector<16xf32>
      %parallel_loop3A_364 = arith.addf %parallel_loop3A_356, %parallel_loop3A_363 : vector<16xf32>
      %parallel_loop3A_365 = arith.select %eq3A_29, %parallel_loop3A_360, %parallel_loop3A_364 : vector<16xi1>, vector<16xf32>
      %parallel_loop3A_366 = vector.shape_cast %xor3A_13 : vector<16xi32> to vector<16x1xi32>
      %parallel_loop3A_367 = vector.shape_cast %parallel_loop3A_366 : vector<16x1xi32> to vector<16xi32>
      %parallel_loop3A_368 = tpu.dynamic_gather %parallel_loop3A_254[%parallel_loop3A_367] in [0] : vector<16xf32>, vector<16xi32> -> vector<16xf32>
      %parallel_loop3A_369 = arith.addf %parallel_loop3A_254, %parallel_loop3A_368 : vector<16xf32>
      %parallel_loop3A_370 = vector.shape_cast %xor3A_13 : vector<16xi32> to vector<16x1xi32>
      %parallel_loop3A_371 = vector.shape_cast %parallel_loop3A_370 : vector<16x1xi32> to vector<16xi32>
      %parallel_loop3A_372 = tpu.dynamic_gather %parallel_loop3A_365[%parallel_loop3A_371] in [0] : vector<16xf32>, vector<16xi32> -> vector<16xf32>
      %parallel_loop3A_373 = arith.addf %parallel_loop3A_365, %parallel_loop3A_372 : vector<16xf32>
      %parallel_loop3A_374 = arith.select %eq3A_35, %parallel_loop3A_369, %parallel_loop3A_373 : vector<16xi1>, vector<16xf32>
      %parallel_loop3A_375 = arith.index_cast %parallel_loop3A_143 : i32 to index
      %parallel_loop3A_376 = tpu.vector_load %arg23[%parallel_loop3A_375] {strides = array<i32>} : memref<80xf32, #tpu.memory_space<vmem>>, vector<16xf32>,
      %parallel_loop3A_377 = vector.shape_cast %parallel_loop3A_376 : vector<16xf32> to vector<16xf32>
      %parallel_loop3A_378 = vector.shape_cast %parallel_loop3A_374 : vector<16xf32> to vector<16xf32>
      tpu.vector_store %arg23[%parallel_loop3A_375], %parallel_loop3A_378 {strides = array<i32>} : memref<80xf32, #tpu.memory_space<vmem>>, vector<16xf32>,
    } {sc.loop_unroll_factor = 1 : i64, sc.parallel_access}
    %add3A_121 = arith.constant 9920 : i32
    %add3A_122 = arith.addi %mul3A_2, %add3A_121 : i32
    %dma_start3A_123 = tpu.memref_slice %arg6[%add3A_122] : memref<320000xf32, #tpu.memory_space<hbm>> -> memref<80xf32, #tpu.memory_space<hbm>>
    %dma_start3A_124 = tpu.memref_slice %arg6[%add3A_122] : memref<320000xf32, #tpu.memory_space<hbm>> -> memref<80xf32, #tpu.memory_space<hbm>>
    tpu.enqueue_dma source(%arg23 : memref<80xf32, #tpu.memory_space<vmem>>) target(%dma_start3A_124 : memref<80xf32, #tpu.memory_space<hbm>>) target_semaphore(%arg44 : memref<!tpu.dma_semaphore, #tpu.memory_space<semaphore_mem>>)
    %dma_wait3A_125 = arith.constant 0 : i32
    %dma_wait3A_126 = tpu.memref_slice %arg6[%dma_wait3A_125] : memref<320000xf32, #tpu.memory_space<hbm>> -> memref<80xf32, #tpu.memory_space<hbm>>
    %dma_wait3A_127 = arith.constant 0 : i32
    %dma_wait3A_128 = tpu.memref_slice %arg6[%dma_wait3A_127] : memref<320000xf32, #tpu.memory_space<hbm>> -> memref<80xf32, #tpu.memory_space<hbm>>
    tpu.wait_dma2 semaphore(%arg45 : memref<!tpu.dma_semaphore, #tpu.memory_space<semaphore_mem>>) src(%arg24 : memref<80xf32, #tpu.memory_space<vmem>>) dst(%dma_wait3A_128 : memref<80xf32, #tpu.memory_space<hbm>>)
    %dma_wait3A_129 = arith.constant 0 : i32
    %dma_wait3A_130 = tpu.memref_slice %arg6[%dma_wait3A_129] : memref<320000xf32, #tpu.memory_space<hbm>> -> memref<80xf32, #tpu.memory_space<hbm>>
    %dma_wait3A_131 = arith.constant 0 : i32
    %dma_wait3A_132 = tpu.memref_slice %arg6[%dma_wait3A_131] : memref<320000xf32, #tpu.memory_space<hbm>> -> memref<80xf32, #tpu.memory_space<hbm>>
    tpu.wait_dma2 semaphore(%arg46 : memref<!tpu.dma_semaphore, #tpu.memory_space<semaphore_mem>>) src(%arg25 : memref<80xf32, #tpu.memory_space<vmem>>) dst(%dma_wait3A_132 : memref<80xf32, #tpu.memory_space<hbm>>)
    %dma_wait3A_133 = arith.constant 0 : i32
    %dma_wait3A_134 = tpu.memref_slice %arg6[%dma_wait3A_133] : memref<320000xf32, #tpu.memory_space<hbm>> -> memref<80xf32, #tpu.memory_space<hbm>>
    %dma_wait3A_135 = arith.constant 0 : i32
    %dma_wait3A_136 = tpu.memref_slice %arg6[%dma_wait3A_135] : memref<320000xf32, #tpu.memory_space<hbm>> -> memref<80xf32, #tpu.memory_space<hbm>>
    tpu.wait_dma2 semaphore(%arg47 : memref<!tpu.dma_semaphore, #tpu.memory_space<semaphore_mem>>) src(%arg26 : memref<80xf32, #tpu.memory_space<vmem>>) dst(%dma_wait3A_136 : memref<80xf32, #tpu.memory_space<hbm>>)
    %dma_wait3A_137 = arith.constant 0 : i32
    %dma_wait3A_138 = tpu.memref_slice %arg6[%dma_wait3A_137] : memref<320000xf32, #tpu.memory_space<hbm>> -> memref<80xf32, #tpu.memory_space<hbm>>
    %dma_wait3A_139 = arith.constant 0 : i32
    %dma_wait3A_140 = tpu.memref_slice %arg6[%dma_wait3A_139] : memref<320000xf32, #tpu.memory_space<hbm>> -> memref<80xf32, #tpu.memory_space<hbm>>
    tpu.wait_dma2 semaphore(%arg44 : memref<!tpu.dma_semaphore, #tpu.memory_space<semaphore_mem>>) src(%arg23 : memref<80xf32, #tpu.memory_space<vmem>>) dst(%dma_wait3A_140 : memref<80xf32, #tpu.memory_space<hbm>>)
    return
  }
}

</mosaic_0001>

<sc_bundles>
// kernel: kernel.3.cloned.1.call-start
scs
__scs_entry_jumppad:
0x0: {  	(pc) =	sbr.rel $0x88, $3  }
0x1: {  	(tag) =	ssettag $0x0;
	lr =	simm.s32 $0x1  }
0x2: {  	[smem:$0x3F9F] =	sst lr;
	_ =	strace $0xD0000000  }
0x3: {  	_ = 	snop  }
0x4: {  	_ = 	snop  }
0x5: {  	_ = 	snop  }
0x6: {  	_ = 	snop  }
0x7: {  	_ = 	snop  }
__scs_overlays_trampoline_lowered:
0x8: {  	[smem:$0x3FAE] =	sst s0  }
0x9: {  	[smem:$0x3FAF] =	sst s1  }
0xa: {  	[smem:$0x3FB0] =	sst s2  }
0xb: {  	[smem:$0x3FB1] =	sst s3  }
0xc: {  	[smem:$0x3FB2] =	sst s4  }
0xd: {  	[smem:$0x3FB3] =	sst s5  }
0xe: {  	[smem:$0x3FB4] =	sst s6  }
0xf: {  	[smem:$0x3FB5] =	sst s7  }
0x10: {  	[smem:$0x3FB6] =	sst s8  }
0x11: {  	[smem:$0x3FB7] =	sst s9;
	s0 =	simm.s32 @!p0 $0x0  }
0x12: {  	s1 =	sld [smem:$0x3F9D];
	s0 =	simm.s32 @p0 $0x1  }
0x13: {  	[smem:$0x3FB8] =	sst s0;
	s0 =	simm.s32 @!p1 $0x0  }
0x14: {  	s2 =	sld [smem:$0x3F9C];
	s0 =	simm.s32 @p1 $0x1  }
0x15: {  	[smem:$0x3FB9] =	sst s0;
	s0 =	simm.s32 @!p2 $0x0  }
0x16: {  	s3 =	sld [smem:$0x3FDB];
	s0 =	simm.s32 @p2 $0x1  }
0x17: {  	s4 =	simm.s32 $0x1BF5;
	[smem:$0x3FBB] =	sst s0  }
0x18: {  	s0 =	sld [smem:$0x3F9E];
	_ =	swait.ge [sflag:s4], $0x0  }
0x19: {  	s7 =	sld [smem:$0x3F9F]  }
0x1a: {  	s8 =	sadd.s32 $0xFFFFE003, lr  }
0x1b: {  	s9 =	sadd.s32 $0xFFFFFEF7, lr;
	s5 =	simm.s32 $0xFFFFFFFF;
	p2 =	slt.u32 s8, $0xFFFFF086  }
0x1c: {  	p1 =	slt.u32 s9, $0xF7A;
	s5 =	simm.s32 @!p2 $0x0  }
0x1d: {  	s5 =	simm.s32 @p1 $0x1;
	p0 =	seq.s32 s7, s2  }
0x1e: {  	s7 =	smul.u32 @!p0 $0xF7A, s2;
	p2 =	seq.s32 @!p0 s5, $0x0  }
0x1f: {  	s9 =	smul.u32 $0xF7A, s1;
	s8 =	simm.s32 @!p0 $0x1BF5;
	p2 =	por !p2, p0  }
0x20: {  	[sflag:s8] =	ssyncset.s32 @!p0 $0xFFFFF086;
	s6 =	sadd.s32 @!p0 s3, s7;
	s7 =	simm.s32 @!p0 $0x108  }
0x21: {  	s3 =	sadd.s32 s3, s9;
	s6 =	sadd.s32 @!p0 $0x88, s6;
	s7 =	simm.s32 @p2 $0x1082  }
0x22: {  	[simem:s7], [sflag:s8] =	dma.local @!p0 [hbm:s6], $0xF7A  }
0x23: {  	s9 =	sor.u32 $0xD0000000, s2;
	s6 =	simm.s32 $0x108;
	_ =	swait.ge @!p0 [sflag:s8], $0x0  }
0x24: {  	s3 =	sadd.s32 $0x88, s3;
	s6 =	simm.s32 @!p1 $0x1082;
	[sflag:s4] =	ssyncset.s32 $0xFFFFF086  }
0x25: {  	[simem:s6], [sflag:s4] =	dma.local [hbm:s3], $0xF7A  }
0x26: {  	[smem:$0x3F9F] =	sst s1;
	(tag) =	ssettag s2;
	_ =	strace s9  }
0x27: {  	s1 =	sld [smem:$0x3FAF]  }
0x28: {  	s2 =	sld [smem:$0x3FB0]  }
0x29: {  	s4 =	sld [smem:$0x3FB2]  }
0x2a: {  	p0 =	seq.s32 s5, $0x0;
	s5 =	sld [smem:$0x3FB3]  }
0x2b: {  	s6 =	sld [smem:$0x3FB4]  }
0x2c: {  	s7 =	sld [smem:$0x3FB5]  }
0x2d: {  	s3 =	simm.s32 $0x108;
	s8 =	sld [smem:$0x3FB6]  }
0x2e: {  	s3 =	simm.s32 @!p0 $0x1082;
	s9 =	sld [smem:$0x3FB7]  }
0x2f: {  	lr =	sadd.s32 s0, s3;
	s0 =	sld [smem:$0x3FAE]  }
0x30: {  	s3 =	sld [smem:$0x3FB1]  }
0x31: {  	[smem:$0x3FBA] =	sst s10  }
0x32: {  	s10 =	sld [smem:$0x3FB8];
	_ =	sdelay $0x3  }
0x33: {  	p0 =	seq.s32 s10, $0x1;
	s10 =	sld [smem:$0x3FBA];
	_ =	sdelay $0x3  }
0x34: {  	[smem:$0x3FBA] =	sst s10  }
0x35: {  	s10 =	sld [smem:$0x3FB9];
	_ =	sdelay $0x3  }
0x36: {  	p1 =	seq.s32 s10, $0x1;
	s10 =	sld [smem:$0x3FBA];
	_ =	sdelay $0x3  }
0x37: {  	[smem:$0x3FBA] =	sst s10  }
0x38: {  	s10 =	sld [smem:$0x3FBB]  }
0x39: {  	_ = 	snop;
	(pc) =	sbr.ind lr, $3  }
0x3a: {  	_ = 	snop  }
0x3b: {  	_ = 	snop  }
0x3c: {  	p2 =	seq.s32 s10, $0x1;
	s10 =	sld [smem:$0x3FBA]  }
0x3d: {  	_ =	shalt  }
0x3e: {  	_ =	shalt  }
0x3f: {  	_ =	shalt  }
0x40: {  	_ =	shalt  }
0x41: {  	_ =	shalt  }
0x42: {  	_ =	shalt  }
0x43: {  	_ =	shalt  }
0x44: {  	_ =	shalt  }
0x45: {  	_ =	shalt  }
0x46: {  	_ =	shalt  }
0x47: {  	_ =	shalt  }
0x48: {  	_ =	shalt  }
0x49: {  	_ =	shalt  }
0x4a: {  	_ =	shalt  }
0x4b: {  	_ =	shalt  }
0x4c: {  	_ =	shalt  }
0x4d: {  	_ =	shalt  }
0x4e: {  	_ =	shalt  }
0x4f: {  	_ =	shalt  }
0x50: {  	_ =	shalt  }
0x51: {  	_ =	shalt  }
0x52: {  	_ =	shalt  }
0x53: {  	_ =	shalt  }
0x54: {  	_ =	shalt  }
0x55: {  	_ =	shalt  }
0x56: {  	_ =	shalt  }
0x57: {  	_ =	shalt  }
0x58: {  	_ =	shalt  }
0x59: {  	_ =	shalt  }
0x5a: {  	_ =	shalt  }
0x5b: {  	_ =	shalt  }
0x5c: {  	_ =	shalt  }
0x5d: {  	_ =	shalt  }
0x5e: {  	_ =	shalt  }
0x5f: {  	_ =	shalt  }
0x60: {  	_ =	shalt  }
0x61: {  	_ =	shalt  }
0x62: {  	_ =	shalt  }
0x63: {  	_ =	shalt  }
0x64: {  	_ =	shalt  }
0x65: {  	_ =	shalt  }
0x66: {  	_ =	shalt  }
0x67: {  	_ =	shalt  }
0x68: {  	_ =	shalt  }
0x69: {  	_ =	shalt  }
0x6a: {  	_ =	shalt  }
0x6b: {  	_ =	shalt  }
0x6c: {  	_ =	shalt  }
0x6d: {  	_ =	shalt  }
0x6e: {  	_ =	shalt  }
0x6f: {  	_ =	shalt  }
0x70: {  	_ =	shalt  }
0x71: {  	_ =	shalt  }
0x72: {  	_ =	shalt  }
0x73: {  	_ =	shalt  }
0x74: {  	_ =	shalt  }
0x75: {  	_ =	shalt  }
0x76: {  	_ =	shalt  }
0x77: {  	_ =	shalt  }
0x78: {  	_ =	shalt  }
0x79: {  	_ =	shalt  }
0x7a: {  	_ =	shalt  }
0x7b: {  	_ =	shalt  }
0x7c: {  	_ =	shalt  }
0x7d: {  	_ =	shalt  }
0x7e: {  	_ =	shalt  }
0x7f: {  	_ =	shalt  }
0x80: {  	_ =	shalt  }
0x81: {  	_ =	shalt  }
0x82: {  	_ =	shalt  }
0x83: {  	_ =	shalt  }
0x84: {  	_ =	shalt  }
0x85: {  	_ =	shalt  }
0x86: {  	_ =	shalt  }
0x87: {  	_ =	shalt  }
.Lfunc_end0:
.L_simem_size_0:
called_computation_lowered:
.L_overlay_start_0:
0x88: {  	s2 =	sld [smem:$0x3FD9]  }
0x89: {  	s3 =	sld [smem:$0x3FFE];
	_ =	sdelay $0x1  }
0x8a: {  	s1 =	srdreg.scid  }
0x8b: {  	s0 =	sand.u32 $0x1, s1  }
0x8c: {  	s17 =	sshll.u32 s0, $0xA;
	s2 =	sadd.s32 s3, s2  }
0x8d: {  	s2 =	sadd.s32 s2, s17  }
0x8e: {  	[smem:$0x3FC6] =	sst s2  }
0x8f: {  	_ = 	snop  }
0x90: {  	s2 =	sld [smem:$0x3FD0];
	(tm) =	ssettm $0x1  }
0x91: {  	s18 =	sld [smem:$0x3FFB];
	_ =	sdelay $0x3  }
0x92: {  	_ =	strace s18  }
0x93: {  	s3 =	sld [smem:$0x3FFC];
	_ =	sdelay $0x3  }
0x94: {  	_ =	strace s3  }
0x95: {  	s3 =	sld [smem:$0x3FFD];
	_ =	sdelay $0x3  }
0x96: {  	_ =	strace s3  }
0x97: {  	_ =	strace $0x8FFFFFFF  }
0x98: {  	s19 =	sld [smem:$0x3FDB];
	_ =	sdelay $0x1  }
0x99: {  	s4 =	simm.s32 $_scs_section_size  }
0x9a: {  	s5 =	simm.s32 $_size__tile_overlayer_lowered;
	s6 =	simm.s32 $_tile_overlayer_lowered  }
0x9b: {  	s22 =	simm.s32 $0x1BFF;
	s21 =	sshll.u32 s6, $0x1;
	s3 =	sadd.s32 s4, s19  }
0x9c: {  	s7 =	simm.s32 $0x0;
	s20 =	sshll.u32 s5, $0x1;
	s5 =	sadd.s32 s21, s3  }
0x9d: {  	[timem:s7], [sflag:s22] =	dma.local [hbm:s5], s20  }
0x9e: {  	_ =	swait.ge [sflag:s22], s20  }
0x9f: {  	s4 =	ssub.s32 $0x0, s20;
	[sflag:s22] =	ssyncset.done $0x0  }
0xa0: {  	[sflag:s22] =	ssyncadd.s32 s4;
	_ =	sdelay $0x1  }
0xa1: {  	s23 =	simm.s32 $0x1B8B  }
0xa2: {  	_ =	swait.ge [sflag:s23], $0x1  }
0xa3: {  	[sflag:s23] =	ssyncset.done $0x0  }
0xa4: {  	s25 =	simm.s32 $0x1B8E;
	s24 =	sld [smem:$0x3FFE];
	[sflag:s23] =	ssyncadd.s32 $0xFFFFFFFF  }
0xa5: {  	s26 =	simm.s32 $execute0_lowered;
	[smem:$0x3FD2] =	sst s25  }
0xa6: {  	s5 =	sshll.u32 s26, $0x1;
	_ =	strace $0x80000046;
	[dreg:$0x1] =	wrdreg $0xFFFFFFFF  }
0xa7: {  	s28 =	simm.s32 $_size_execute0_lowered;
	s3 =	sadd.s32 s3, s5;
	[dreg:$0x0] =	wrdreg $0x0  }
0xa8: {  	s5 =	sshll.u32 s28, $0x1;
	[dreg:$0x2] =	wrdreg s3  }
0xa9: {  	[dreg:$0x3] =	wrdreg s5  }
0xaa: {  	[dreg:$0x4] =	wrdreg $0xC0  }
0xab: {  	_ =	task [dreg:s7], $0x5FFFF  }
0xac: {  	[dreg:$0x1] =	wrdreg $0xFFFFFFFF  }
0xad: {  	[dreg:$0x0] =	wrdreg $0x60  }
0xae: {  	[dreg:$0x2] =	wrdreg s24  }
0xaf: {  	[dreg:$0x3] =	wrdreg s2  }
0xb0: {  	[dreg:$0x4] =	wrdreg $0x9  }
0xb1: {  	_ =	task.clear_ibuf [dreg:s7], $0x5FFFF;
	_ =	strace $0x90000046  }
0xb2: {  	s29 =	simm.s32 $0x9;
	_ =	strace $0x80000048  }
0xb3: {  	_ =	swait.ge [sflag:s29], $0x1  }
0xb4: {  	[sflag:s29] =	ssyncadd.s32 $0xFFFFFFFF  }
0xb5: {  	_ =	strace $0x90000048  }
0xb6: {  	_ =	sfence  }
0xb7: {  	s30 =	sld [smem:$0x0];
	_ =	sdelay $0x2  }
0xb8: {  	s31 =	sshll.u32 s1, $0xD;
	s1 =	sshrl.u32 s1, $0x2  }
0xb9: {  	s3 =	sand.u32 $0x4000, s31;
	s1 =	sadd.s32 s1, s30  }
0xba: {  	s0 =	sor.u32 s3, s0;
	s1 =	sshll.u32 s1, $0x11  }
0xbb: {  	s0 =	sor.u32 s1, s0  }
0xbc: {  	s0 =	sadd.s32 $0x8F2B, s0  }
0xbd: {  	[sflag:s0] =	ssyncadd.remote.s32 $0x1  }
0xbe: {  	_ =	sfence.sel $0xFFFF  }
0xbf: {  	[dreg:$0x0] =	wrdreg $0xFFFFFFFF;
	(pc) =	sbr.abs _section_cstart, $3  }
0xc0: {  	[dreg:$0x1] =	wrdreg $0xFFFFFFFF  }
0xc1: {  	_ =	task.clear_ibuf [dreg:s7], $0x2FFFF;
	_ =	strace $0x9FFFFFFF  }
0xc2: {  	(tm) =	ssettm $0x7FFFFFFF  }
0xc3: {  	_ =	shalt  }
tec
execute0_lowered:
.L_overlay_start_1:
0x0: {  	(tag) =	ssettag $0x1  }
0x1: {  	s2 =	rddreg [dreg:$0x0]  }
0x2: {  	s3 =	rddreg [dreg:$0x1]  }
0x3: {  	s0 =	srdreg.scid;
	s1 =	stileid.u32  }
0x4: {  	s4 =	simm.s32 $0x0;
	s28 =	simm.s32 $0xB;
	s29 =	simm.s32 $0xC  }
0x5: {  	s30 =	simm.s32 $0xD;
	s0 =	sand.u32 $0x1, s0;
	s1 =	sshll.u32 s1, $0x1  }
0x6: {  	vm0 =	vcmask $0xB08;
	s11 =	simm.s32 $0xF;
	s31 =	simm.s32 $0x12;
	s1 =	sor.u32 s0, s1  }
0x7: {  	v0 =	vimm.s32 $0xEFCDAB89;
	v1 =	vimm.s32 $0x67452301;
	[smem:$0x7FF] =	sst s4;
	s0 =	ssub.s32 $0x2, s0;
	s9 =	smul.u32 $0x2710, s1  }
0x8: {  	v2 =	vimm.s32 $0xDCFE98BA;
	v3 =	vimm.s32 $0x54761032;
	s6 =	sadd.s32 $0x1D800, s2;
	s7 =	sadd.s32 $0x13A00, s2;
	s12 =	sshrl.u32 s0, $0x1  }
0x9: {  	vm1 =	vcmask $0x300;
	vm2 =	vcmask $0x700;
	v4 =	vimm.s32 $0xFEDCBA98;
	_ =	strace $0x80000047;
	s0 =	ssub.s32 s0, s12;
	s13 =	sshrl.u32 s9, $0x3  }
0xa: {  	vm3 =	vcmask $0x3730;
	v5 =	vimm.s32 $0x76543210;
	s5 =	sadd.s32 $0x50, s9;
	s16 =	sadd.s32 $0xA0, s9;
	s10 =	sadd.s32 $0xF0, s9  }
0xb: {  	vm0 =	vmor vm1, vm0;
	vm1 =	vcmask $0x1310;
	v0 =	vunpack.c.l.s4.s8 v0;
	s23 =	sadd.s32 $0x140, s9;
	s24 =	sadd.s32 $0x190, s9;
	[dreg:$0x3] =	wrdreg s5  }
0xc: {  	v1 =	vunpack.c.l.s4.s8 v1;
	v2 =	vunpack.c.l.s4.s8 v2;
	v3 =	vunpack.c.l.s4.s8 v3;
	s25 =	sadd.s32 $0x1E0, s9;
	s26 =	sadd.s32 $0x230, s9;
	[dreg:$0x7] =	wrdreg s16  }
0xd: {  	v4 =	vunpack.c.l.s4.s8 v4;
	vm0 =	vmor vm0, vm1;
	vm1 =	vcmask $0x1B18;
	s0 =	smax.u32 s0, $0x1;
	s8 =	sadd.s32 s6, s13;
	[dreg:$0xd] =	wrdreg s23  }
0xe: {  	v5 =	vunpack.c.l.s4.s8 v5;
	vm0 =	vmor vm0, vm1;
	vm1 =	vcmask $0x2320;
	s14 =	sadd.s32 s7, s13;
	s5 =	sshrl.u32 s5, $0x3;
	[dreg:$0xe] =	wrdreg s24  }
0xf: {  	v0 =	vunpack.c.0.s8.s32 v0;
	v1 =	vunpack.c.0.s8.s32 v1;
	v2 =	vunpack.c.0.s8.s32 v2;
	s17 =	sshrl.u32 s16, $0x3;
	s22 =	smov.u32 s10;
	[dreg:$0xf] =	wrdreg s25  }
0x10: {  	v3 =	vunpack.c.0.s8.s32 v3;
	vm0 =	vmor vm0, vm1;
	vm1 =	vcmask $0x2B28;
	s18 =	sshrl.u32 s10, $0x3;
	[dreg:$0x10] =	wrdreg s26;
	s1 =	sadd.s32 s3, s13  }
0x11: {  	vm0 =	vmor vm0, vm1;
	vm1 =	vcmask $0x3330;
	v0 =	vcombine.low v1, v0;
	[dreg:$0x12] =	wrdreg s0;
	s25 =	simm.s32 $0x50;
	s16 =	simm.s32 $0x7  }
0x12: {  	v1 =	vcombine.low v3, v2;
	v2 =	vimm.s32 $0xBA98FEDC;
	v3 =	vimm.s32 $0x32107654;
	s23 =	simm.s32 $0x10;
	s0 =	simm.s32 $0x13;
	[dreg:$0x4] =	wrdreg s8  }
0x13: {  	vm0 =	vmor vm0, vm1;
	vm1 =	vcmask $0x3B38;
	v2 =	vunpack.c.l.s4.s8 v2;
	s10 =	simm.s32 $0x14;
	[dreg:$0x5] =	wrdreg s14;
	s15 =	sadd.s32 s6, s5  }
0x14: {  	v3 =	vunpack.c.l.s4.s8 v3;
	s5 =	sadd.s32 s7, s5;
	s19 =	sadd.s32 s6, s17;
	vm0 =	vmor vm0, vm1;
	vm1 =	vcmask $0x1710;
	[dreg:$0x6] =	wrdreg s15  }
0x15: {  	v4 =	vunpack.c.0.s8.s32 v4;
	s20 =	sadd.s32 s6, s18;
	s21 =	sadd.s32 s7, s18;
	[dreg:$0x8] =	wrdreg s5;
	vm1 =	vmor vm2, vm1;
	vm2 =	vcmask $0x2720  }
0x16: {  	s1 =	sadd.s32 $0x4D8, s1;
	s14 =	simm.s32 $0x9;
	[dreg:$0x9] =	wrdreg s19;
	v2 =	vunpack.c.0.s8.s32 v2;
	v3 =	vunpack.c.0.s8.s32 v3;
	vm1 =	vmor vm1, vm2  }
0x17: {  	v4 =	vand.u32 $0xF, v4;
	s18 =	simm.s32 $0xE;
	s8 =	simm.s32 $0x0;
	[dreg:$0xb] =	wrdreg s20;
	vm2 =	vcmask $0x2F20;
	vm1 =	vmor vm1, vm3  }
0x18: {  	s5 =	sadd.s32 s7, s17;
	[dreg:$0xc] =	wrdreg s21;
	s21 =	smov.u32 s9;
	vm3 =	vcmask $0xF00;
	v2 =	vcombine.low v3, v2;
	v3 =	vunpack.c.0.s8.s32 v5  }
0x19: {  	v0 =	vand.u32 $0xF, v0;
	v1 =	vand.u32 $0xF, v1;
	[dreg:$0x11] =	wrdreg s1;
	s1 =	simm.s32 $0x1;
	s9 =	simm.s32 $0x2;
	vm2 =	vmor vm3, vm2  }
0x1a: {  	s15 =	simm.s32 $0xA;
	s17 =	simm.s32 $0x8;
	[dreg:$0xa] =	wrdreg s5;
	vm3 =	vmmov $0xff;
	v2 =	vand.u32 $0xF, v2;
	v3 =	vcombine.low v4, v3  }
.LBB2_1:
0x1b: {  	[dreg:$0x13] =	wrdreg s8  }
0x1c: {  	s5 =	rddreg [dreg:$0x4]  }
0x1d: {  	[tilespmem:s4], [sflag:$0x1] =	stream.linear.gather [hbm4b:s5+s4], $0x50, $0x38;
	[tilespmem:$0xA8C0] =	vst v63  }
0x1e: {  	s12 =	rddreg [dreg:$0x5]  }
0x1f: {  	[tilespmem:s25], [sflag:$0x2] =	stream.linear.gather [hbm4b:s12+s4], $0x50, $0x38;
	[tilespmem:$0xA8C0] =	vst v63  }
0x20: {  	s13 =	rddreg [dreg:$0x6];
	s8 =	simm.s32 $0xA0  }
0x21: {  	[tilespmem:s8], [sflag:$0x3] =	stream.linear.gather [hbm4b:s13+s4], $0x50, $0x38;
	[tilespmem:$0xA8C0] =	vst v63  }
0x22: {  	s19 =	rddreg [dreg:$0x8];
	s12 =	simm.s32 $0xF0  }
0x23: {  	[tilespmem:s12], [sflag:$0x4] =	stream.linear.gather [hbm4b:s19+s4], $0x50, $0x38;
	[tilespmem:$0xA8C0] =	vst v63  }
0x24: {  	s20 =	rddreg [dreg:$0x9];
	s13 =	simm.s32 $0x140  }
0x25: {  	[tilespmem:s13], [sflag:$0x5] =	stream.linear.gather [hbm4b:s20+s4], $0x50, $0x38;
	[tilespmem:$0xA8C0] =	vst v63  }
0x26: {  	s24 =	rddreg [dreg:$0xa];
	s19 =	simm.s32 $0x190  }
0x27: {  	[tilespmem:s19], [sflag:$0x6] =	stream.linear.gather [hbm4b:s24+s4], $0x50, $0x38;
	[tilespmem:$0xA8C0] =	vst v63  }
0x28: {  	s26 =	rddreg [dreg:$0xb];
	s20 =	simm.s32 $0x1E0  }
0x29: {  	[tilespmem:s20], [sflag:$0x7] =	stream.linear.gather [hbm4b:s26+s4], $0x50, $0x38;
	[tilespmem:$0xA8C0] =	vst v63  }
0x2a: {  	s24 =	rddreg [dreg:$0xc];
	s26 =	simm.s32 $0x230  }
0x2b: {  	[tilespmem:s26], [sflag:$0x8] =	stream.linear.gather [hbm4b:s24+s4], $0x50, $0x38;
	[tilespmem:$0xA8C0] =	vst v63  }
0x2c: {  	_ =	swait.ge [sflag:s1], $0x50  }
0x2d: {  	[sflag:s1] =	ssyncset.done $0x0  }
0x2e: {  	[sflag:s1] =	ssyncadd.s32 $0xFFFFFFB0  }
0x2f: {  	_ =	swait.ge [sflag:s9], $0x50  }
0x30: {  	[sflag:s9] =	ssyncset.done $0x0  }
0x31: {  	s24 =	simm.s32 $0x280;
	[sflag:s9] =	ssyncadd.s32 $0xFFFFFFB0  }
0x32: {  	[tilespmem:s24], [sflag:$0x9] =	stream.indirect.gather [hbm4b:s2+s25], $0x40, s4, s25, $0xb8;
	[tilespmem:$0xA8C0] =	vst v63  }
0x33: {  	s20 =	simm.s32 $0x3;
	s26 =	simm.s32 $0x1680  }
0x34: {  	[tilespmem:s26], [sflag:$0xA] =	stream.indirect.gather [hbm4b:s2+s25], $0x40, s25, s25, $0xb8;
	[tilespmem:$0xA8C0] =	vst v63  }
0x35: {  	_ =	swait.ge [sflag:s20], $0x50  }
0x36: {  	[sflag:s20] =	ssyncset.done $0x0  }
0x37: {  	s24 =	simm.s32 $0x4;
	[sflag:s20] =	ssyncadd.s32 $0xFFFFFFB0  }
0x38: {  	_ =	swait.ge [sflag:s24], $0x50  }
0x39: {  	[sflag:s24] =	ssyncset.done $0x0  }
0x3a: {  	s26 =	simm.s32 $0x2A80;
	[sflag:s24] =	ssyncadd.s32 $0xFFFFFFB0  }
0x3b: {  	[tilespmem:s26], [sflag:$0xB] =	stream.indirect.gather [hbm4b:s2+s25], $0x40, s8, s25, $0xb8;
	[tilespmem:$0xA8C0] =	vst v63  }
0x3c: {  	s8 =	simm.s32 $0x3E80  }
0x3d: {  	[tilespmem:s8], [sflag:$0xC] =	stream.indirect.gather [hbm4b:s2+s25], $0x40, s12, s25, $0xb8;
	[tilespmem:$0xA8C0] =	vst v63  }
0x3e: {  	s12 =	simm.s32 $0x5  }
0x3f: {  	_ =	swait.ge [sflag:s12], $0x50  }
0x40: {  	[sflag:s12] =	ssyncset.done $0x0  }
0x41: {  	s20 =	simm.s32 $0x6;
	[sflag:s12] =	ssyncadd.s32 $0xFFFFFFB0  }
0x42: {  	_ =	swait.ge [sflag:s20], $0x50  }
0x43: {  	[sflag:s20] =	ssyncset.done $0x0  }
0x44: {  	s24 =	simm.s32 $0x5280;
	[sflag:s20] =	ssyncadd.s32 $0xFFFFFFB0  }
0x45: {  	[tilespmem:s24], [sflag:$0xD] =	stream.indirect.gather [hbm4b:s2+s25], $0x40, s13, s25, $0xb8;
	[tilespmem:$0xA8C0] =	vst v63  }
0x46: {  	s26 =	simm.s32 $0x6680  }
0x47: {  	[tilespmem:s26], [sflag:$0xE] =	stream.indirect.gather [hbm4b:s2+s25], $0x40, s19, s25, $0xb8;
	[tilespmem:$0xA8C0] =	vst v63  }
0x48: {  	s26 =	simm.s32 $0x0  }
.LBB2_2:
0x49: {  	_ =	swait.ge [sflag:s14], $0x1400  }
0x4a: {  	[sflag:s14] =	ssyncset.done $0x0  }
0x4b: {  	[sflag:s14] =	ssyncadd.s32 $0xFFFFEC00  }
0x4c: {  	_ =	swait.ge [sflag:s15], $0x1400  }
0x4d: {  	[sflag:s15] =	ssyncset.done $0x0  }
0x4e: {  	[sflag:s15] =	ssyncadd.s32 $0xFFFFEC00  }
0x4f: {  	_ =	swait.ge [sflag:s16], $0x50  }
0x50: {  	[sflag:s16] =	ssyncset.done $0x0  }
0x51: {  	[sflag:s16] =	ssyncadd.s32 $0xFFFFFFB0  }
0x52: {  	_ =	swait.ge [sflag:s17], $0x50  }
0x53: {  	s5 =	simm.s32 $0x1E0;
	s8 =	simm.s32 $0x7A80;
	[sflag:s17] =	ssyncset.done $0x0  }
0x54: {  	s24 =	smul.u32 $0x140, s26;
	s12 =	rddreg [dreg:$0xd];
	[sflag:s17] =	ssyncadd.s32 $0xFFFFFFB0  }
0x55: {  	[tilespmem:s8], [sflag:$0xF] =	stream.indirect.gather [hbm4b:s2+s25], $0x40, s5, s25, $0xb8;
	[tilespmem:$0xA8C0] =	vst v63  }
0x56: {  	s5 =	sadd.s32 s24, s12  }
0x57: {  	s19 =	simm.s32 $0x230;
	s20 =	simm.s32 $0x8E80;
	s5 =	sshrl.u32 s5, $0x3  }
0x58: {  	[tilespmem:s20], [sflag:$0x10] =	stream.indirect.gather [hbm4b:s2+s25], $0x40, s19, s25, $0xb8;
	[tilespmem:$0xA8C0] =	vst v63  }
0x59: {  	s13 =	sadd.s32 s6, s5  }
0x5a: {  	[tilespmem:s4], [sflag:$0x1] =	stream.linear.gather [hbm4b:s13+s4], $0x50, $0x38;
	[tilespmem:$0xA8C0] =	vst v63  }
0x5b: {  	p0 =	seq.s32 s26, $0x0;
	s5 =	sadd.s32 s7, s5  }
0x5c: {  	[tilespmem:s25], [sflag:$0x2] =	stream.linear.gather [hbm4b:s5+s4], $0x50, $0x38;
	[tilespmem:$0xA8C0] =	vst v63  }
0x5d: {  	s5 =	simm.s32 @!p0 $0x11  }
0x5e: {  	_ =	swait.ge @!p0 [sflag:s5], $0x50  }
0x5f: {  	[sflag:s5] =	ssyncset.done @!p0 $0x0  }
0x60: {  	s19 =	simm.s32 $0x0;
	[sflag:s5] =	ssyncadd.s32 @!p0 $0xFFFFFFB0  }
0x61: {  	v4 =	vld [tilespmem:s19+$0x280]  }
0x62: {  	v5 =	vld [tilespmem:s19+$0x1680]  }
0x63: {  	v6 =	vld [tilespmem:s19+$0x290]  }
0x64: {  	v7 =	vld [tilespmem:s19+$0x1690]  }
0x65: {  	v8 =	vld [tilespmem:s19+$0x2B0]  }
0x66: {  	v9 =	vld [tilespmem:s19+$0x16B0]  }
0x67: {  	v10 =	vld [tilespmem:s19+$0x2A0]  }
0x68: {  	s20 =	simm.s32 $0x40;
	v11 =	vld [tilespmem:s19+$0x16A0]  }
0x69: {  	v14 =	vld [tilespmem:s20+$0x280]  }
0x6a: {  	v15 =	vld [tilespmem:s20+$0x1680];
	v12 =	vmul.f32 v5, v4;
	v13 =	vmul.f32 v7, v6;
	v4 =	vshll.u32 v4, $0x10  }
0x6b: {  	v16 =	vld [tilespmem:s20+$0x290];
	v5 =	vshll.u32 v5, $0x10;
	v6 =	vshll.u32 v6, $0x10;
	v7 =	vshll.u32 v7, $0x10  }
0x6c: {  	v17 =	vld [tilespmem:s20+$0x1690];
	v4 =	vmul.f32 v5, v4;
	v6 =	vmul.f32 v7, v6  }
0x6d: {  	v19 =	vld [tilespmem:s20+$0x2A0];
	v18 =	vshll.u32 v11, $0x10;
	v11 =	vmul.f32 v11, v10;
	v7 =	vshll.u32 v10, $0x10  }
0x6e: {  	v20 =	vld [tilespmem:s20+$0x16A0];
	v7 =	vmul.f32 v18, v7;
	v4 =	vadd.f32 v4, v12;
	v6 =	vadd.f32 v6, v13  }
0x6f: {  	v5 =	vld [tilespmem:s20+$0x2B0];
	v12 =	vshll.u32 v8, $0x10;
	v13 =	vshll.u32 v9, $0x10;
	v9 =	vmul.f32 v9, v8  }
0x70: {  	s12 =	simm.s32 $0x80;
	v10 =	vld [tilespmem:s20+$0x16B0];
	v7 =	vadd.f32 v7, v11;
	v11 =	vmul.f32 v13, v12;
	v4 =	vadd.f32 v6, v4  }
0x71: {  	v8 =	vld [tilespmem:s12+$0x1680];
	v12 =	vmul.f32 v15, v14;
	v13 =	vmul.f32 v17, v16  }
0x72: {  	v14 =	vshll.u32 v14, $0x10;
	v6 =	vld [tilespmem:s12+$0x280];
	v9 =	vadd.f32 v11, v9;
	v18 =	vadd.f32 v7, v4  }
0x73: {  	v16 =	vshll.u32 v16, $0x10;
	v17 =	vshll.u32 v17, $0x10;
	v11 =	vshll.u32 v15, $0x10;
	v4 =	vld [tilespmem:s12+$0x290]  }
0x74: {  	v16 =	vmul.f32 v17, v16;
	v7 =	vld [tilespmem:s12+$0x1690];
	v15 =	vmul.f32 v11, v14;
	v11 =	vadd.f32 v9, v18  }
0x75: {  	s8 =	simm.s32 $0x0;
	s13 =	simm.s32 $0x300;
	s5 =	simm.s32 $0xA3C0;
	v17 =	vshll.u32 v19, $0x10;
	v14 =	vmul.f32 v20, v19;
	v9 =	vld [tilespmem:s12+$0x2B0];
	v18 =	vshll.u32 v20, $0x10  }
.LBB2_3:
0x76: {  	p0 =	sne.s32 s13, $0x4F00;
	v19 =	vld [tilespmem:s12+$0x16B0];
	v12 =	vadd.f32 v15, v12;
	v13 =	vadd.f32 v16, v13;
	v15 =	vmul.f32 v18, v17;
	[tilespmem:s5+$0x0] =	vst v11  }
0x77: {  	v11 =	vshll.u32 v5, $0x10;
	v16 =	vshll.u32 v10, $0x10;
	v22 =	vmul.f32 v10, v5;
	v10 =	vmovc v6;
	v20 =	vld [tilespmem:s12+$0x2A0];
	v17 =	vmovc v8  }
0x78: {  	v11 =	vmul.f32 v16, v11;
	v21 =	vld [tilespmem:s12+$0x16A0];
	s12 =	sshra.s32 s13, $0x2;
	v18 =	vadd.f32 v13, v12;
	v14 =	vadd.f32 v15, v14  }
.Ltmp0:
0x79: {  	v12 =	vmul.f32 v17, v10;
	v6 =	vld [tilespmem:s12+$0x280];
	v13 =	vmul.f32 v7, v4;
	(pc) =	sbr.rel @p0 .LBB2_3-.Ltmp0, $4  }
0x7a: {  	v15 =	vshll.u32 v10, $0x10;
	v11 =	vadd.f32 v11, v22;
	v8 =	vld [tilespmem:s12+$0x1680];
	v14 =	vadd.f32 v14, v18;
	v5 =	vmovc v9  }
0x7b: {  	v16 =	vshll.u32 v4, $0x10;
	v9 =	vshll.u32 v17, $0x10;
	v17 =	vshll.u32 v7, $0x10;
	v4 =	vld [tilespmem:s12+$0x290];
	v10 =	vmovc v19  }
0x7c: {  	v15 =	vmul.f32 v9, v15;
	v16 =	vmul.f32 v17, v16;
	v7 =	vld [tilespmem:s12+$0x1690];
	v11 =	vadd.f32 v11, v14  }
0x7d: {  	s5 =	sadd.s32 $0x10, s5;
	s13 =	sadd.s32 $0x100, s13;
	v17 =	vshll.u32 v20, $0x10;
	v9 =	vld [tilespmem:s12+$0x2B0];
	v18 =	vshll.u32 v21, $0x10;
	v14 =	vmul.f32 v21, v20  }
0x7e: {  	v12 =	vadd.f32 v15, v12;
	v13 =	vadd.f32 v16, v13;
	v15 =	vld [tilespmem:s12+$0x2A0]  }
0x7f: {  	v16 =	vmul.f32 v18, v17;
	v17 =	vshll.u32 v5, $0x10;
	v18 =	vshll.u32 v10, $0x10;
	v19 =	vld [tilespmem:s12+$0x16A0]  }
0x80: {  	v5 =	vmul.f32 v10, v5;
	v10 =	vadd.f32 v13, v12;
	v12 =	vmul.f32 v18, v17  }
0x81: {  	v13 =	vld [tilespmem:s12+$0x16B0];
	v17 =	vmul.f32 v8, v6;
	v6 =	vshll.u32 v6, $0x10;
	v8 =	vshll.u32 v8, $0x10  }
0x82: {  	v18 =	vmul.f32 v7, v4;
	v4 =	vshll.u32 v4, $0x10;
	v7 =	vshll.u32 v7, $0x10  }
0x83: {  	v14 =	vadd.f32 v16, v14;
	v6 =	vmul.f32 v8, v6;
	v4 =	vmul.f32 v7, v4  }
0x84: {  	v7 =	vshll.u32 v15, $0x10;
	v8 =	vshll.u32 v19, $0x10;
	v15 =	vmul.f32 v19, v15  }
0x85: {  	v6 =	vadd.f32 v6, v17;
	v4 =	vadd.f32 v4, v18;
	v7 =	vmul.f32 v8, v7  }
0x86: {  	v8 =	vshll.u32 v9, $0x10;
	v16 =	vshll.u32 v13, $0x10;
	v9 =	vmul.f32 v13, v9  }
0x87: {  	v4 =	vadd.f32 v4, v6;
	v6 =	vadd.f32 v7, v15;
	v7 =	vmul.f32 v16, v8  }
0x88: {  	v5 =	vadd.f32 v12, v5;
	v8 =	vadd.f32 v14, v10  }
0x89: {  	v4 =	vadd.f32 v6, v4;
	v6 =	vadd.f32 v7, v9  }
0x8a: {  	v5 =	vadd.f32 v5, v8  }
0x8b: {  	[tilespmem:s5+$0x0] =	vst v11;
	s13 =	sadd.s32 $0x10, s5;
	v4 =	vadd.f32 v6, v4  }
0x8c: {  	s5 =	sadd.s32 $0x10, s13;
	[tilespmem:s13+$0x0] =	vst v5  }
0x8d: {  	s19 =	simm.s32 $0xA440;
	[tilespmem:s5+$0x0] =	vst v4  }
0x8e: {  	v4 =	vld [tilespmem:s19+$0xFFFFFFE0]  }
0x8f: {  	v5 =	vld [tilespmem:s19+$0x40]  }
0x90: {  	v6 =	vld [tilespmem:s19+$0x70]  }
0x91: {  	v7 =	vld [tilespmem:s19+$0x60]  }
0x92: {  	v8 =	vld [tilespmem:s19+$0x50]  }
0x93: {  	s20 =	simm.s32 $0xA540;
	v19 =	vld [tilespmem:s19+$0xFFFFFFB0]  }
0x94: {  	v25 =	vld [tilespmem:s20+$0x30]  }
0x95: {  	v9 =	vld [tilespmem:s19+$0x30]  }
0x96: {  	v11 =	vld [tilespmem:s19+$0xFFFFFF90]  }
0x97: {  	v10 =	vld [tilespmem:s19+$0x20];
	v13 =	vperm.xlane v4, v0;
	v15 =	vperm.xlane v7, v0  }
0x98: {  	v14 =	vld [tilespmem:s19+$0xFFFFFFD0];
	v16 =	vperm.xlane v6, v0;
	v18 =	vperm.xlane v5, v0  }
0x99: {  	v12 =	vld [tilespmem:s19+$0xFFFFFFF0];
	v21 =	vperm.xlane v19, v0;
	v26 =	vperm.xlane v25, v0  }
0x9a: {  	v17 =	vld [tilespmem:s19+$0xFFFFFF80];
	v4 =	vadd.f32 v13, v4;
	v13 =	vperm.xlane v8, v0;
	v7 =	vadd.f32 v15, v7  }
0x9b: {  	v6 =	vadd.f32 v16, v6;
	v5 =	vadd.f32 v18, v5;
	v18 =	vperm.xlane v11, v0  }
0x9c: {  	v20 =	vld [tilespmem:s19+$0xFFFFFFA0];
	v15 =	vperm.xlane v10, v0;
	v16 =	vperm.xlane v9, v0;
	v8 =	vadd.f32 v13, v8  }
0x9d: {  	v6 =	vsel vm0, v7, v6;
	v7 =	vld [tilespmem:s19+$0xFFFFFFC0];
	v11 =	vadd.f32 v18, v11;
	v18 =	vperm.xlane v14, v0  }
0x9e: {  	v10 =	vadd.f32 v15, v10;
	v13 =	vld [tilespmem:s19+$0x0];
	v15 =	vperm.xlane v12, v0;
	v9 =	vadd.f32 v16, v9  }
0x9f: {  	v5 =	vsel vm0, v5, v8;
	v8 =	vperm.xlane v17, v0;
	v14 =	vadd.f32 v18, v14  }
0xa0: {  	v18 =	vperm.xlane v6, v1;
	v12 =	vadd.f32 v15, v12;
	v9 =	vsel vm0, v10, v9  }
0xa1: {  	v28 =	vld [tilespmem:s20+$0xFFFFFFB0];
	v22 =	vperm.xlane v5, v1;
	v8 =	vadd.f32 v8, v17;
	v17 =	vadd.f32 v21, v19  }
0xa2: {  	v19 =	vperm.xlane v20, v0;
	v21 =	vld [tilespmem:s19+$0x10];
	v6 =	vadd.f32 v18, v6;
	v12 =	vsel vm0, v4, v12  }
0xa3: {  	v15 =	vld [tilespmem:s20+$0xFFFFFFE0];
	v23 =	vperm.xlane v7, v0;
	v16 =	vperm.xlane v13, v0;
	v5 =	vadd.f32 v22, v5  }
0xa4: {  	v22 =	vld [tilespmem:s20+$0x50];
	v18 =	vadd.f32 v19, v20;
	v19 =	vperm.xlane v9, v1;
	v8 =	vsel vm0, v8, v11  }
0xa5: {  	v10 =	vadd.f32 v23, v7;
	v7 =	vld [tilespmem:s20+$0x40];
	v5 =	vsel vm1, v5, v6;
	v13 =	vadd.f32 v16, v13  }
0xa6: {  	v11 =	vld [tilespmem:s20+$0x70];
	v17 =	vsel vm0, v18, v17;
	v18 =	vperm.xlane v8, v1;
	v4 =	vperm.xlane v5, v2  }
0xa7: {  	v6 =	vld [tilespmem:s20+$0x60];
	v19 =	vadd.f32 v19, v9;
	v20 =	vperm.xlane v17, v1;
	v23 =	vperm.xlane v21, v0  }
0xa8: {  	v24 =	vperm.xlane v15, v0;
	v8 =	vadd.f32 v18, v8;
	v4 =	vadd.f32 v4, v5;
	v18 =	vld [tilespmem:s20+$0x20]  }
0xa9: {  	v31 =	vperm.xlane v28, v0;
	v5 =	vld [tilespmem:s20+$0x0];
	v17 =	vadd.f32 v20, v17;
	v21 =	vadd.f32 v23, v21  }
0xaa: {  	v10 =	vsel vm0, v10, v14;
	v23 =	vadd.f32 v24, v15;
	v15 =	vld [tilespmem:s20+$0xFFFFFF90];
	v20 =	vperm.xlane v7, v0  }
0xab: {  	v58 =	vperm.xlane v11, v0;
	v8 =	vsel vm1, v8, v17;
	v13 =	vsel vm0, v13, v21  }
0xac: {  	v16 =	vadd.f32 v20, v7;
	v7 =	vperm.xlane v6, v0;
	v17 =	vperm.xlane v8, v2  }
0xad: {  	v21 =	vld [tilespmem:s20+$0xFFFFFFF0];
	v11 =	vadd.f32 v58, v11;
	v20 =	vperm.xlane v22, v0;
	v14 =	vperm.xlane v13, v1  }
0xae: {  	v27 =	vadd.f32 v7, v6;
	v6 =	vadd.f32 v17, v8;
	v8 =	vld [tilespmem:s20+$0xFFFFFFD0];
	v17 =	vperm.xlane v18, v0  }
0xaf: {  	v20 =	vadd.f32 v20, v22;
	v22 =	vld [tilespmem:s20+$0xFFFFFF80];
	v7 =	vperm.xlane v5, v0;
	v59 =	vperm.xlane v15, v0  }
0xb0: {  	v60 =	vld [tilespmem:s20+$0xFFFFFFC0];
	v13 =	vadd.f32 v14, v13;
	v29 =	vadd.f32 v17, v18;
	v17 =	vperm.xlane v10, v1  }
0xb1: {  	v18 =	vperm.xlane v12, v1;
	v14 =	vadd.f32 v59, v15;
	v20 =	vsel vm0, v16, v20  }
0xb2: {  	v61 =	vperm.xlane v21, v0;
	v19 =	vsel vm1, v13, v19;
	v30 =	vperm.xlane v20, v1  }
0xb3: {  	v15 =	vld [tilespmem:s20+$0xFFFFFFA0];
	v63 =	vperm.xlane v19, v2;
	v10 =	vadd.f32 v17, v10;
	v12 =	vadd.f32 v18, v12  }
0xb4: {  	v11 =	vsel vm0, v27, v11;
	v16 =	vperm.xlane v8, v0;
	v17 =	vperm.xlane v22, v0  }
0xb5: {  	v19 =	vadd.f32 v63, v19;
	v32 =	vsel vm1, v10, v12;
	v10 =	vperm.xlane v60, v0  }
0xb6: {  	v12 =	vadd.f32 v26, v25;
	v9 =	vadd.f32 v16, v8;
	v8 =	vperm.xlane v11, v1  }
0xb7: {  	v18 =	vadd.f32 v17, v22;
	v16 =	vadd.f32 v31, v28;
	v62 =	vperm.xlane v32, v2  }
0xb8: {  	v22 =	vperm.xlane v15, v0;
	v17 =	vadd.f32 v8, v11;
	v11 =	vadd.f32 v61, v21  }
0xb9: {  	v13 =	vadd.f32 v10, v60;
	v8 =	vsel vm0, v29, v12;
	v21 =	vadd.f32 v30, v20  }
0xba: {  	s12 =	simm.s32 $0x40;
	s13 =	simm.s32 $0x80;
	s5 =	simm.s32 $0xA640;
	v12 =	vld [tilespmem:s20+$0x10];
	v20 =	vadd.f32 v62, v32;
	v10 =	vperm.xlane v8, v1;
	v11 =	vsel vm0, v23, v11  }
.LBB2_5:
0xbb: {  	v23 =	vld [tilespmem:s5+$0xFFFFFFE0];
	p0 =	sne.s32 s13, $0x100;
	v14 =	vsel vm0, v18, v14;
	v15 =	vadd.f32 v22, v15;
	v17 =	vsel vm1, v21, v17;
	s19 =	smov.u32 s13;
	s13 =	sadd.s32 $0x40, s13  }
0xbc: {  	v18 =	vld [tilespmem:s5+$0x40];
	v21 =	vperm.xlane v17, v2;
	v6 =	vsel vm2, v6, v20;
	v19 =	vsel vm2, v19, v4  }
0xbd: {  	v20 =	vld [tilespmem:s5+$0x70];
	v15 =	vsel vm0, v15, v16;
	v16 =	vperm.xlane v6, v3;
	v22 =	vperm.xlane v19, v3  }
0xbe: {  	v25 =	vperm.xlane v14, v1;
	v24 =	vld [tilespmem:s5+$0x60];
	v26 =	vperm.xlane v15, v1;
	v4 =	vadd.f32 v21, v17  }
0xbf: {  	v21 =	vperm.xlane v12, v0;
	v17 =	vld [tilespmem:s5+$0x50];
	v6 =	vadd.f32 v16, v6;
	v16 =	vadd.f32 v22, v19  }
0xc0: {  	v14 =	vadd.f32 v25, v14;
	v19 =	vperm.xlane v23, v0;
	v22 =	vld [tilespmem:s5+$0x30];
	v15 =	vadd.f32 v26, v15  }
0xc1: {  	s20 =	sshra.s32 s8, $0x2;
	s8 =	smov.u32 s12;
	s12 =	smov.u32 s19;
	v21 =	vadd.f32 v21, v12;
	v25 =	vld [tilespmem:s5+$0x20];
	v26 =	vperm.xlane v18, v0;
	v6 =	vsel vm3, v6, v16  }
0xc2: {  	v7 =	vadd.f32 v7, v5;
	v19 =	vadd.f32 v19, v23;
	v14 =	vsel vm1, v14, v15;
	v5 =	vld [tilespmem:s5+$0x0];
	[tilespmem:s20+$0xA280] =	vst v6  }
0xc3: {  	v15 =	vld [tilespmem:s5+$0xFFFFFF90];
	v16 =	vadd.f32 v26, v18;
	v6 =	vperm.xlane v24, v0;
	v18 =	vperm.xlane v14, v2  }
0xc4: {  	v21 =	vsel vm0, v7, v21;
	v26 =	vperm.xlane v20, v0;
	v12 =	vld [tilespmem:s5+$0x10];
	v23 =	vperm.xlane v17, v0  }
0xc5: {  	v27 =	vld [tilespmem:s5+$0xFFFFFFF0];
	v28 =	vperm.xlane v22, v0;
	v24 =	vadd.f32 v6, v24;
	v6 =	vadd.f32 v18, v14  }
0xc6: {  	v20 =	vadd.f32 v26, v20;
	v18 =	vld [tilespmem:s5+$0xFFFFFFD0];
	v14 =	vperm.xlane v25, v0;
	v17 =	vadd.f32 v23, v17  }
0xc7: {  	v9 =	vsel vm0, v13, v9;
	v13 =	vperm.xlane v21, v1;
	v23 =	vld [tilespmem:s5+$0xFFFFFF80];
	v7 =	vperm.xlane v5, v0  }
0xc8: {  	v20 =	vsel vm0, v24, v20;
	v26 =	vperm.xlane v15, v0;
	v29 =	vld [tilespmem:s5+$0xFFFFFFB0];
	v25 =	vadd.f32 v14, v25  }
0xc9: {  	v30 =	vperm.xlane v11, v1;
	v13 =	vadd.f32 v13, v21;
	v24 =	vperm.xlane v9, v1  }
0xca: {  	v31 =	vsel vm0, v16, v17;
	v14 =	vadd.f32 v26, v15;
	v21 =	vld [tilespmem:s5+$0xFFFFFFC0];
	v26 =	vperm.xlane v27, v0  }
0xcb: {  	v32 =	vperm.xlane v31, v1;
	v17 =	vadd.f32 v24, v9;
	v16 =	vperm.xlane v18, v0  }
0xcc: {  	v8 =	vadd.f32 v10, v8;
	v11 =	vadd.f32 v30, v11;
	v24 =	vperm.xlane v23, v0;
	v15 =	vld [tilespmem:s5+$0xFFFFFFA0]  }
0xcd: {  	v30 =	vperm.xlane v20, v1;
	v10 =	vperm.xlane v29, v0;
	v9 =	vadd.f32 v16, v18  }
0xce: {  	v18 =	vadd.f32 v24, v23;
	v23 =	vsel vm1, v17, v11;
	v24 =	vsel vm1, v13, v8  }
.Ltmp1:
0xcf: {  	v8 =	vadd.f32 v28, v22;
	v16 =	vadd.f32 v10, v29;
	v10 =	vperm.xlane v21, v0;
	(pc) =	sbr.rel @p0 .LBB2_5-.Ltmp1, $4  }
0xd0: {  	v17 =	vadd.f32 v30, v20;
	v20 =	vperm.xlane v23, v2;
	v28 =	vperm.xlane v24, v2  }
0xd1: {  	v11 =	vadd.f32 v26, v27;
	v8 =	vsel vm0, v25, v8;
	v22 =	vperm.xlane v15, v0  }
0xd2: {  	v13 =	vadd.f32 v10, v21;
	v10 =	vperm.xlane v8, v1;
	v21 =	vadd.f32 v32, v31  }
0xd3: {  	s5 =	sadd.s32 $0x100, s5;
	v11 =	vsel vm0, v19, v11;
	v20 =	vadd.f32 v20, v23;
	v19 =	vadd.f32 v28, v24  }
0xd4: {  	v23 =	vperm.xlane v12, v0  }
0xd5: {  	v15 =	vadd.f32 v22, v15;
	v14 =	vsel vm0, v18, v14  }
0xd6: {  	v5 =	vadd.f32 v7, v5;
	v9 =	vsel vm0, v13, v9;
	v12 =	vadd.f32 v23, v12  }
0xd7: {  	v8 =	vadd.f32 v10, v8;
	v7 =	vsel vm0, v15, v16;
	v15 =	vperm.xlane v14, v1  }
0xd8: {  	v13 =	vperm.xlane v9, v1;
	v16 =	vperm.xlane v7, v1;
	v5 =	vsel vm0, v5, v12  }
0xd9: {  	v14 =	vadd.f32 v15, v14;
	v15 =	vperm.xlane v11, v1;
	v12 =	vperm.xlane v5, v1  }
0xda: {  	v9 =	vadd.f32 v13, v9;
	v7 =	vadd.f32 v16, v7  }
0xdb: {  	v11 =	vadd.f32 v15, v11;
	v5 =	vadd.f32 v12, v5;
	v12 =	vsel vm1, v21, v17  }
0xdc: {  	v7 =	vsel vm1, v14, v7;
	v10 =	vperm.xlane v12, v2  }
0xdd: {  	v13 =	vperm.xlane v7, v2;
	v9 =	vsel vm1, v9, v11;
	v5 =	vsel vm1, v5, v8  }
0xde: {  	v8 =	vperm.xlane v9, v2;
	v11 =	vperm.xlane v5, v2  }
0xdf: {  	v10 =	vadd.f32 v10, v12;
	v7 =	vadd.f32 v13, v7  }
0xe0: {  	v6 =	vsel vm2, v6, v20;
	v8 =	vadd.f32 v8, v9;
	v5 =	vadd.f32 v11, v5  }
0xe1: {  	v4 =	vsel vm2, v19, v4;
	v9 =	vperm.xlane v6, v3  }
0xe2: {  	v11 =	vperm.xlane v4, v3;
	v7 =	vsel vm2, v7, v8;
	v5 =	vsel vm2, v5, v10  }
0xe3: {  	v8 =	vperm.xlane v7, v3;
	v10 =	vperm.xlane v5, v3  }
0xe4: {  	v6 =	vadd.f32 v9, v6;
	v4 =	vadd.f32 v11, v4  }
0xe5: {  	v7 =	vadd.f32 v8, v7;
	v5 =	vadd.f32 v10, v5  }
0xe6: {  	s5 =	sshra.s32 s8, $0x2;
	s20 =	sadd.s32 s21, s24;
	v4 =	vsel vm3, v6, v4  }
0xe7: {  	s13 =	sshra.s32 s12, $0x2;
	s8 =	sshrl.u32 s20, $0x3;
	[tilespmem:s5+$0xA280] =	vst v4;
	v4 =	vsel vm3, v7, v5  }
0xe8: {  	s20 =	simm.s32 $0xA280;
	s19 =	sadd.s32 s3, s8;
	[tilespmem:s13+$0xA280] =	vst v4  }
0xe9: {  	[hbm4b:s19+s4] =	stream.linear.scatter [tilespmem:s20], [sflag:$0x11], $0x50, $0x38;
	[tilespmem:$0xA8C0] =	vst v63  }
0xea: {  	_ =	swait.ge [sflag:s28], $0x1400  }
0xeb: {  	[sflag:s28] =	ssyncset.done $0x0  }
0xec: {  	[sflag:s28] =	ssyncadd.s32 $0xFFFFEC00  }
0xed: {  	_ =	swait.ge [sflag:s29], $0x1400  }
0xee: {  	[sflag:s29] =	ssyncset.done $0x0  }
0xef: {  	[sflag:s29] =	ssyncadd.s32 $0xFFFFEC00  }
0xf0: {  	_ =	swait.ge [sflag:s1], $0x50  }
0xf1: {  	[sflag:s1] =	ssyncset.done $0x0  }
0xf2: {  	[sflag:s1] =	ssyncadd.s32 $0xFFFFFFB0  }
0xf3: {  	_ =	swait.ge [sflag:s9], $0x50  }
0xf4: {  	p0 =	seq.s32 s26, $0x1E;
	[sflag:s9] =	ssyncset.done $0x0;
	s5 =	rddreg [dreg:$0xe]  }
0xf5: {  	s12 =	simm.s32 $0x280;
	[sflag:s9] =	ssyncadd.s32 $0xFFFFFFB0;
	s5 =	sadd.s32 @!p0 s24, s5  }
0xf6: {  	[tilespmem:s12], [sflag:$0x9] =	stream.indirect.gather [hbm4b:s2+s25], $0x40, s4, s25, $0xb8;
	[tilespmem:$0xA8C0] =	vst v63  }
0xf7: {  	p1 =	seq.s32 @!p0 s26, $0x0;
	s13 =	simm.s32 $0x1680;
	s5 =	sshrl.u32 @!p0 s5, $0x3  }
0xf8: {  	[tilespmem:s13], [sflag:$0xA] =	stream.indirect.gather [hbm4b:s2+s25], $0x40, s25, s25, $0xb8;
	[tilespmem:$0xA8C0] =	vst v63  }
0xf9: {  	s12 =	simm.s32 @!p0 $0x0;
	s8 =	sadd.s32 @!p0 s6, s5;
	s13 =	simm.s32 @!p0 $0xA0  }
0xfa: {  	[tilespmem:s13], [sflag:$0x3] =	stream.linear.gather @!p0 [hbm4b:s8+s12], $0x50, $0x38;
	[tilespmem:$0xA8C0] =	vst v63  }
0xfb: {  	p1 =	por p0, !p1;
	s5 =	sadd.s32 @!p0 s7, s5;
	s8 =	simm.s32 @!p0 $0xF0  }
0xfc: {  	[tilespmem:s8], [sflag:$0x4] =	stream.linear.gather @!p0 [hbm4b:s5+s12], $0x50, $0x38;
	[tilespmem:$0xA8C0] =	vst v63  }
0xfd: {  	_ =	swait.ge @p1 [sflag:s31], $0x50  }
0xfe: {  	[sflag:s31] =	ssyncset.done @p1 $0x0  }
0xff: {  	s19 =	simm.s32 $0x0;
	[sflag:s31] =	ssyncadd.s32 @p1 $0xFFFFFFB0  }
0x100: {  	v4 =	vld [tilespmem:s19+$0x2A80]  }
0x101: {  	v5 =	vld [tilespmem:s19+$0x3E80]  }
0x102: {  	v6 =	vld [tilespmem:s19+$0x2A90]  }
0x103: {  	v7 =	vld [tilespmem:s19+$0x3E90]  }
0x104: {  	v8 =	vld [tilespmem:s19+$0x2AB0]  }
0x105: {  	v9 =	vld [tilespmem:s19+$0x3EB0]  }
0x106: {  	v10 =	vld [tilespmem:s19+$0x2AA0]  }
0x107: {  	s20 =	simm.s32 $0x40;
	v11 =	vld [tilespmem:s19+$0x3EA0]  }
0x108: {  	v14 =	vld [tilespmem:s20+$0x2A80]  }
0x109: {  	v15 =	vld [tilespmem:s20+$0x3E80];
	v12 =	vmul.f32 v5, v4;
	v13 =	vmul.f32 v7, v6;
	v4 =	vshll.u32 v4, $0x10  }
0x10a: {  	v16 =	vld [tilespmem:s20+$0x2A90];
	v5 =	vshll.u32 v5, $0x10;
	v6 =	vshll.u32 v6, $0x10;
	v7 =	vshll.u32 v7, $0x10  }
0x10b: {  	v17 =	vld [tilespmem:s20+$0x3E90];
	v4 =	vmul.f32 v5, v4;
	v6 =	vmul.f32 v7, v6  }
0x10c: {  	v19 =	vld [tilespmem:s20+$0x2AA0];
	v18 =	vshll.u32 v11, $0x10;
	v11 =	vmul.f32 v11, v10;
	v7 =	vshll.u32 v10, $0x10  }
0x10d: {  	v20 =	vld [tilespmem:s20+$0x3EA0];
	v7 =	vmul.f32 v18, v7;
	v4 =	vadd.f32 v4, v12;
	v6 =	vadd.f32 v6, v13  }
0x10e: {  	v5 =	vld [tilespmem:s20+$0x2AB0];
	v12 =	vshll.u32 v8, $0x10;
	v13 =	vshll.u32 v9, $0x10;
	v9 =	vmul.f32 v9, v8  }
0x10f: {  	s12 =	simm.s32 $0x80;
	v10 =	vld [tilespmem:s20+$0x3EB0];
	v7 =	vadd.f32 v7, v11;
	v11 =	vmul.f32 v13, v12;
	v4 =	vadd.f32 v6, v4  }
0x110: {  	v8 =	vld [tilespmem:s12+$0x3E80];
	v12 =	vmul.f32 v15, v14;
	v13 =	vmul.f32 v17, v16  }
0x111: {  	v14 =	vshll.u32 v14, $0x10;
	v6 =	vld [tilespmem:s12+$0x2A80];
	v9 =	vadd.f32 v11, v9;
	v18 =	vadd.f32 v7, v4  }
0x112: {  	v16 =	vshll.u32 v16, $0x10;
	v17 =	vshll.u32 v17, $0x10;
	v11 =	vshll.u32 v15, $0x10;
	v4 =	vld [tilespmem:s12+$0x2A90]  }
0x113: {  	v16 =	vmul.f32 v17, v16;
	v7 =	vld [tilespmem:s12+$0x3E90];
	v15 =	vmul.f32 v11, v14;
	v11 =	vadd.f32 v9, v18  }
0x114: {  	s13 =	simm.s32 $0x300;
	s8 =	simm.s32 $0x0;
	s5 =	simm.s32 $0xA3C0;
	v17 =	vshll.u32 v19, $0x10;
	v14 =	vmul.f32 v20, v19;
	v9 =	vld [tilespmem:s12+$0x2AB0];
	v18 =	vshll.u32 v20, $0x10  }
.LBB2_7:
0x115: {  	p2 =	sne.s32 s13, $0x4F00;
	v19 =	vld [tilespmem:s12+$0x3EB0];
	v12 =	vadd.f32 v15, v12;
	v13 =	vadd.f32 v16, v13;
	v15 =	vmul.f32 v18, v17;
	[tilespmem:s5+$0x0] =	vst v11  }
0x116: {  	v11 =	vshll.u32 v5, $0x10;
	v16 =	vshll.u32 v10, $0x10;
	v22 =	vmul.f32 v10, v5;
	v10 =	vmovc v6;
	v20 =	vld [tilespmem:s12+$0x2AA0];
	v17 =	vmovc v8  }
0x117: {  	v11 =	vmul.f32 v16, v11;
	v21 =	vld [tilespmem:s12+$0x3EA0];
	s12 =	sshra.s32 s13, $0x2;
	v18 =	vadd.f32 v13, v12;
	v14 =	vadd.f32 v15, v14  }
.Ltmp2:
0x118: {  	v12 =	vmul.f32 v17, v10;
	v6 =	vld [tilespmem:s12+$0x2A80];
	v13 =	vmul.f32 v7, v4;
	(pc) =	sbr.rel @p2 .LBB2_7-.Ltmp2, $4  }
0x119: {  	v15 =	vshll.u32 v10, $0x10;
	v11 =	vadd.f32 v11, v22;
	v8 =	vld [tilespmem:s12+$0x3E80];
	v14 =	vadd.f32 v14, v18;
	v5 =	vmovc v9  }
0x11a: {  	v16 =	vshll.u32 v4, $0x10;
	v9 =	vshll.u32 v17, $0x10;
	v17 =	vshll.u32 v7, $0x10;
	v4 =	vld [tilespmem:s12+$0x2A90];
	v10 =	vmovc v19  }
0x11b: {  	v15 =	vmul.f32 v9, v15;
	v16 =	vmul.f32 v17, v16;
	v7 =	vld [tilespmem:s12+$0x3E90];
	v11 =	vadd.f32 v11, v14  }
0x11c: {  	s5 =	sadd.s32 $0x10, s5;
	s13 =	sadd.s32 $0x100, s13;
	v17 =	vshll.u32 v20, $0x10;
	v9 =	vld [tilespmem:s12+$0x2AB0];
	v18 =	vshll.u32 v21, $0x10;
	v14 =	vmul.f32 v21, v20  }
0x11d: {  	v12 =	vadd.f32 v15, v12;
	v13 =	vadd.f32 v16, v13;
	v15 =	vld [tilespmem:s12+$0x2AA0]  }
0x11e: {  	v16 =	vmul.f32 v18, v17;
	v17 =	vshll.u32 v5, $0x10;
	v18 =	vshll.u32 v10, $0x10;
	v19 =	vld [tilespmem:s12+$0x3EA0]  }
0x11f: {  	v5 =	vmul.f32 v10, v5;
	v10 =	vadd.f32 v13, v12;
	v12 =	vmul.f32 v18, v17  }
0x120: {  	v13 =	vld [tilespmem:s12+$0x3EB0];
	v17 =	vmul.f32 v8, v6;
	v6 =	vshll.u32 v6, $0x10;
	v8 =	vshll.u32 v8, $0x10  }
0x121: {  	v18 =	vmul.f32 v7, v4;
	v4 =	vshll.u32 v4, $0x10;
	v7 =	vshll.u32 v7, $0x10  }
0x122: {  	v14 =	vadd.f32 v16, v14;
	v6 =	vmul.f32 v8, v6;
	v4 =	vmul.f32 v7, v4  }
0x123: {  	v7 =	vshll.u32 v15, $0x10;
	v8 =	vshll.u32 v19, $0x10;
	v15 =	vmul.f32 v19, v15  }
0x124: {  	v6 =	vadd.f32 v6, v17;
	v4 =	vadd.f32 v4, v18;
	v7 =	vmul.f32 v8, v7  }
0x125: {  	v8 =	vshll.u32 v9, $0x10;
	v16 =	vshll.u32 v13, $0x10;
	v9 =	vmul.f32 v13, v9  }
0x126: {  	v4 =	vadd.f32 v4, v6;
	v6 =	vadd.f32 v7, v15;
	v7 =	vmul.f32 v16, v8  }
0x127: {  	v5 =	vadd.f32 v12, v5;
	v8 =	vadd.f32 v14, v10  }
0x128: {  	v4 =	vadd.f32 v6, v4;
	v6 =	vadd.f32 v7, v9  }
0x129: {  	v5 =	vadd.f32 v5, v8  }
0x12a: {  	[tilespmem:s5+$0x0] =	vst v11;
	s13 =	sadd.s32 $0x10, s5;
	v4 =	vadd.f32 v6, v4  }
0x12b: {  	s5 =	sadd.s32 $0x10, s13;
	[tilespmem:s13+$0x0] =	vst v5  }
0x12c: {  	s19 =	simm.s32 $0xA440;
	[tilespmem:s5+$0x0] =	vst v4  }
0x12d: {  	v4 =	vld [tilespmem:s19+$0xFFFFFFE0]  }
0x12e: {  	v5 =	vld [tilespmem:s19+$0x40]  }
0x12f: {  	v6 =	vld [tilespmem:s19+$0x70]  }
0x130: {  	v7 =	vld [tilespmem:s19+$0x60]  }
0x131: {  	v8 =	vld [tilespmem:s19+$0x50]  }
0x132: {  	s20 =	simm.s32 $0xA540;
	v19 =	vld [tilespmem:s19+$0xFFFFFFB0]  }
0x133: {  	v25 =	vld [tilespmem:s20+$0x30]  }
0x134: {  	v9 =	vld [tilespmem:s19+$0x30]  }
0x135: {  	v11 =	vld [tilespmem:s19+$0xFFFFFF90]  }
0x136: {  	v10 =	vld [tilespmem:s19+$0x20];
	v13 =	vperm.xlane v4, v0;
	v15 =	vperm.xlane v7, v0  }
0x137: {  	v14 =	vld [tilespmem:s19+$0xFFFFFFD0];
	v16 =	vperm.xlane v6, v0;
	v18 =	vperm.xlane v5, v0  }
0x138: {  	v12 =	vld [tilespmem:s19+$0xFFFFFFF0];
	v21 =	vperm.xlane v19, v0;
	v26 =	vperm.xlane v25, v0  }
0x139: {  	v17 =	vld [tilespmem:s19+$0xFFFFFF80];
	v4 =	vadd.f32 v13, v4;
	v13 =	vperm.xlane v8, v0;
	v7 =	vadd.f32 v15, v7  }
0x13a: {  	v6 =	vadd.f32 v16, v6;
	v5 =	vadd.f32 v18, v5;
	v18 =	vperm.xlane v11, v0  }
0x13b: {  	v20 =	vld [tilespmem:s19+$0xFFFFFFA0];
	v15 =	vperm.xlane v10, v0;
	v16 =	vperm.xlane v9, v0;
	v8 =	vadd.f32 v13, v8  }
0x13c: {  	v6 =	vsel vm0, v7, v6;
	v7 =	vld [tilespmem:s19+$0xFFFFFFC0];
	v11 =	vadd.f32 v18, v11;
	v18 =	vperm.xlane v14, v0  }
0x13d: {  	v10 =	vadd.f32 v15, v10;
	v13 =	vld [tilespmem:s19+$0x0];
	v15 =	vperm.xlane v12, v0;
	v9 =	vadd.f32 v16, v9  }
0x13e: {  	v5 =	vsel vm0, v5, v8;
	v8 =	vperm.xlane v17, v0;
	v14 =	vadd.f32 v18, v14  }
0x13f: {  	v18 =	vperm.xlane v6, v1;
	v12 =	vadd.f32 v15, v12;
	v9 =	vsel vm0, v10, v9  }
0x140: {  	v28 =	vld [tilespmem:s20+$0xFFFFFFB0];
	v22 =	vperm.xlane v5, v1;
	v8 =	vadd.f32 v8, v17;
	v17 =	vadd.f32 v21, v19  }
0x141: {  	v19 =	vperm.xlane v20, v0;
	v21 =	vld [tilespmem:s19+$0x10];
	v6 =	vadd.f32 v18, v6;
	v12 =	vsel vm0, v4, v12  }
0x142: {  	v15 =	vld [tilespmem:s20+$0xFFFFFFE0];
	v23 =	vperm.xlane v7, v0;
	v16 =	vperm.xlane v13, v0;
	v5 =	vadd.f32 v22, v5  }
0x143: {  	v22 =	vld [tilespmem:s20+$0x50];
	v18 =	vadd.f32 v19, v20;
	v19 =	vperm.xlane v9, v1;
	v8 =	vsel vm0, v8, v11  }
0x144: {  	v10 =	vadd.f32 v23, v7;
	v7 =	vld [tilespmem:s20+$0x40];
	v5 =	vsel vm1, v5, v6;
	v13 =	vadd.f32 v16, v13  }
0x145: {  	v11 =	vld [tilespmem:s20+$0x70];
	v17 =	vsel vm0, v18, v17;
	v18 =	vperm.xlane v8, v1;
	v4 =	vperm.xlane v5, v2  }
0x146: {  	v6 =	vld [tilespmem:s20+$0x60];
	v19 =	vadd.f32 v19, v9;
	v20 =	vperm.xlane v17, v1;
	v23 =	vperm.xlane v21, v0  }
0x147: {  	v24 =	vperm.xlane v15, v0;
	v8 =	vadd.f32 v18, v8;
	v4 =	vadd.f32 v4, v5;
	v18 =	vld [tilespmem:s20+$0x20]  }
0x148: {  	v31 =	vperm.xlane v28, v0;
	v5 =	vld [tilespmem:s20+$0x0];
	v17 =	vadd.f32 v20, v17;
	v21 =	vadd.f32 v23, v21  }
0x149: {  	v10 =	vsel vm0, v10, v14;
	v23 =	vadd.f32 v24, v15;
	v15 =	vld [tilespmem:s20+$0xFFFFFF90];
	v20 =	vperm.xlane v7, v0  }
0x14a: {  	v58 =	vperm.xlane v11, v0;
	v8 =	vsel vm1, v8, v17;
	v13 =	vsel vm0, v13, v21  }
0x14b: {  	v16 =	vadd.f32 v20, v7;
	v7 =	vperm.xlane v6, v0;
	v17 =	vperm.xlane v8, v2  }
0x14c: {  	v21 =	vld [tilespmem:s20+$0xFFFFFFF0];
	v11 =	vadd.f32 v58, v11;
	v20 =	vperm.xlane v22, v0;
	v14 =	vperm.xlane v13, v1  }
0x14d: {  	v27 =	vadd.f32 v7, v6;
	v6 =	vadd.f32 v17, v8;
	v8 =	vld [tilespmem:s20+$0xFFFFFFD0];
	v17 =	vperm.xlane v18, v0  }
0x14e: {  	v20 =	vadd.f32 v20, v22;
	v22 =	vld [tilespmem:s20+$0xFFFFFF80];
	v7 =	vperm.xlane v5, v0;
	v59 =	vperm.xlane v15, v0  }
0x14f: {  	v60 =	vld [tilespmem:s20+$0xFFFFFFC0];
	v13 =	vadd.f32 v14, v13;
	v29 =	vadd.f32 v17, v18;
	v17 =	vperm.xlane v10, v1  }
0x150: {  	v18 =	vperm.xlane v12, v1;
	v14 =	vadd.f32 v59, v15;
	v20 =	vsel vm0, v16, v20  }
0x151: {  	v61 =	vperm.xlane v21, v0;
	v19 =	vsel vm1, v13, v19;
	v30 =	vperm.xlane v20, v1  }
0x152: {  	v15 =	vld [tilespmem:s20+$0xFFFFFFA0];
	v63 =	vperm.xlane v19, v2;
	v10 =	vadd.f32 v17, v10;
	v12 =	vadd.f32 v18, v12  }
0x153: {  	v11 =	vsel vm0, v27, v11;
	v16 =	vperm.xlane v8, v0;
	v17 =	vperm.xlane v22, v0  }
0x154: {  	v19 =	vadd.f32 v63, v19;
	v32 =	vsel vm1, v10, v12;
	v10 =	vperm.xlane v60, v0  }
0x155: {  	v12 =	vadd.f32 v26, v25;
	v9 =	vadd.f32 v16, v8;
	v8 =	vperm.xlane v11, v1  }
0x156: {  	v18 =	vadd.f32 v17, v22;
	v16 =	vadd.f32 v31, v28;
	v62 =	vperm.xlane v32, v2  }
0x157: {  	v22 =	vperm.xlane v15, v0;
	v17 =	vadd.f32 v8, v11;
	v11 =	vadd.f32 v61, v21  }
0x158: {  	v13 =	vadd.f32 v10, v60;
	v8 =	vsel vm0, v29, v12;
	v21 =	vadd.f32 v30, v20  }
0x159: {  	s12 =	simm.s32 $0x40;
	s13 =	simm.s32 $0x80;
	s5 =	simm.s32 $0xA640;
	v12 =	vld [tilespmem:s20+$0x10];
	v20 =	vadd.f32 v62, v32;
	v10 =	vperm.xlane v8, v1;
	v11 =	vsel vm0, v23, v11  }
.LBB2_9:
0x15a: {  	v23 =	vld [tilespmem:s5+$0xFFFFFFE0];
	p2 =	sne.s32 s13, $0x100;
	v14 =	vsel vm0, v18, v14;
	v15 =	vadd.f32 v22, v15;
	v17 =	vsel vm1, v21, v17;
	s19 =	smov.u32 s13;
	s13 =	sadd.s32 $0x40, s13  }
0x15b: {  	v18 =	vld [tilespmem:s5+$0x40];
	v21 =	vperm.xlane v17, v2;
	v6 =	vsel vm2, v6, v20;
	v19 =	vsel vm2, v19, v4  }
0x15c: {  	v20 =	vld [tilespmem:s5+$0x70];
	v15 =	vsel vm0, v15, v16;
	v16 =	vperm.xlane v6, v3;
	v22 =	vperm.xlane v19, v3  }
0x15d: {  	v25 =	vperm.xlane v14, v1;
	v24 =	vld [tilespmem:s5+$0x60];
	v26 =	vperm.xlane v15, v1;
	v4 =	vadd.f32 v21, v17  }
0x15e: {  	v21 =	vperm.xlane v12, v0;
	v17 =	vld [tilespmem:s5+$0x50];
	v6 =	vadd.f32 v16, v6;
	v16 =	vadd.f32 v22, v19  }
0x15f: {  	v14 =	vadd.f32 v25, v14;
	v19 =	vperm.xlane v23, v0;
	v22 =	vld [tilespmem:s5+$0x30];
	v15 =	vadd.f32 v26, v15  }
0x160: {  	s20 =	sshra.s32 s8, $0x2;
	s8 =	smov.u32 s12;
	s12 =	smov.u32 s19;
	v21 =	vadd.f32 v21, v12;
	v25 =	vld [tilespmem:s5+$0x20];
	v26 =	vperm.xlane v18, v0;
	v6 =	vsel vm3, v6, v16  }
0x161: {  	v7 =	vadd.f32 v7, v5;
	v19 =	vadd.f32 v19, v23;
	v14 =	vsel vm1, v14, v15;
	v5 =	vld [tilespmem:s5+$0x0];
	[tilespmem:s20+$0xA2D0] =	vst v6  }
0x162: {  	v15 =	vld [tilespmem:s5+$0xFFFFFF90];
	v16 =	vadd.f32 v26, v18;
	v6 =	vperm.xlane v24, v0;
	v18 =	vperm.xlane v14, v2  }
0x163: {  	v21 =	vsel vm0, v7, v21;
	v26 =	vperm.xlane v20, v0;
	v12 =	vld [tilespmem:s5+$0x10];
	v23 =	vperm.xlane v17, v0  }
0x164: {  	v27 =	vld [tilespmem:s5+$0xFFFFFFF0];
	v28 =	vperm.xlane v22, v0;
	v24 =	vadd.f32 v6, v24;
	v6 =	vadd.f32 v18, v14  }
0x165: {  	v20 =	vadd.f32 v26, v20;
	v18 =	vld [tilespmem:s5+$0xFFFFFFD0];
	v14 =	vperm.xlane v25, v0;
	v17 =	vadd.f32 v23, v17  }
0x166: {  	v9 =	vsel vm0, v13, v9;
	v13 =	vperm.xlane v21, v1;
	v23 =	vld [tilespmem:s5+$0xFFFFFF80];
	v7 =	vperm.xlane v5, v0  }
0x167: {  	v20 =	vsel vm0, v24, v20;
	v26 =	vperm.xlane v15, v0;
	v29 =	vld [tilespmem:s5+$0xFFFFFFB0];
	v25 =	vadd.f32 v14, v25  }
0x168: {  	v30 =	vperm.xlane v11, v1;
	v13 =	vadd.f32 v13, v21;
	v24 =	vperm.xlane v9, v1  }
0x169: {  	v31 =	vsel vm0, v16, v17;
	v14 =	vadd.f32 v26, v15;
	v21 =	vld [tilespmem:s5+$0xFFFFFFC0];
	v26 =	vperm.xlane v27, v0  }
0x16a: {  	v32 =	vperm.xlane v31, v1;
	v17 =	vadd.f32 v24, v9;
	v16 =	vperm.xlane v18, v0  }
0x16b: {  	v8 =	vadd.f32 v10, v8;
	v11 =	vadd.f32 v30, v11;
	v24 =	vperm.xlane v23, v0;
	v15 =	vld [tilespmem:s5+$0xFFFFFFA0]  }
0x16c: {  	v30 =	vperm.xlane v20, v1;
	v10 =	vperm.xlane v29, v0;
	v9 =	vadd.f32 v16, v18  }
0x16d: {  	v18 =	vadd.f32 v24, v23;
	v23 =	vsel vm1, v17, v11;
	v24 =	vsel vm1, v13, v8  }
.Ltmp3:
0x16e: {  	v8 =	vadd.f32 v28, v22;
	v16 =	vadd.f32 v10, v29;
	v10 =	vperm.xlane v21, v0;
	(pc) =	sbr.rel @p2 .LBB2_9-.Ltmp3, $4  }
0x16f: {  	v17 =	vadd.f32 v30, v20;
	v20 =	vperm.xlane v23, v2;
	v28 =	vperm.xlane v24, v2  }
0x170: {  	v11 =	vadd.f32 v26, v27;
	v8 =	vsel vm0, v25, v8;
	v22 =	vperm.xlane v15, v0  }
0x171: {  	v13 =	vadd.f32 v10, v21;
	v10 =	vperm.xlane v8, v1;
	v21 =	vadd.f32 v32, v31  }
0x172: {  	s5 =	sadd.s32 $0x100, s5;
	v11 =	vsel vm0, v19, v11;
	v20 =	vadd.f32 v20, v23;
	v19 =	vadd.f32 v28, v24  }
0x173: {  	v23 =	vperm.xlane v12, v0  }
0x174: {  	v15 =	vadd.f32 v22, v15;
	v14 =	vsel vm0, v18, v14  }
0x175: {  	v5 =	vadd.f32 v7, v5;
	v9 =	vsel vm0, v13, v9;
	v12 =	vadd.f32 v23, v12  }
0x176: {  	v8 =	vadd.f32 v10, v8;
	v7 =	vsel vm0, v15, v16;
	v15 =	vperm.xlane v14, v1  }
0x177: {  	v13 =	vperm.xlane v9, v1;
	v16 =	vperm.xlane v7, v1;
	v5 =	vsel vm0, v5, v12  }
0x178: {  	v14 =	vadd.f32 v15, v14;
	v15 =	vperm.xlane v11, v1;
	v12 =	vperm.xlane v5, v1  }
0x179: {  	v9 =	vadd.f32 v13, v9;
	v7 =	vadd.f32 v16, v7  }
0x17a: {  	v11 =	vadd.f32 v15, v11;
	v5 =	vadd.f32 v12, v5;
	v12 =	vsel vm1, v21, v17  }
0x17b: {  	v7 =	vsel vm1, v14, v7;
	v10 =	vperm.xlane v12, v2  }
0x17c: {  	v13 =	vperm.xlane v7, v2;
	v9 =	vsel vm1, v9, v11;
	v5 =	vsel vm1, v5, v8  }
0x17d: {  	v8 =	vperm.xlane v9, v2;
	v11 =	vperm.xlane v5, v2  }
0x17e: {  	v10 =	vadd.f32 v10, v12;
	v7 =	vadd.f32 v13, v7  }
0x17f: {  	v6 =	vsel vm2, v6, v20;
	v8 =	vadd.f32 v8, v9;
	v5 =	vadd.f32 v11, v5  }
0x180: {  	v4 =	vsel vm2, v19, v4;
	v9 =	vperm.xlane v6, v3  }
0x181: {  	v11 =	vperm.xlane v4, v3;
	v7 =	vsel vm2, v7, v8;
	v5 =	vsel vm2, v5, v10  }
0x182: {  	v8 =	vperm.xlane v7, v3;
	v10 =	vperm.xlane v5, v3  }
0x183: {  	v6 =	vadd.f32 v9, v6;
	v4 =	vadd.f32 v11, v4  }
0x184: {  	s19 =	rddreg [dreg:$0x3];
	v7 =	vadd.f32 v8, v7;
	v5 =	vadd.f32 v10, v5  }
0x185: {  	s5 =	sshra.s32 s8, $0x2;
	s8 =	sadd.s32 s24, s19;
	v4 =	vsel vm3, v6, v4  }
0x186: {  	s20 =	sshra.s32 s12, $0x2;
	s8 =	sshrl.u32 s8, $0x3;
	[tilespmem:s5+$0xA2D0] =	vst v4;
	v4 =	vsel vm3, v7, v5  }
0x187: {  	s13 =	simm.s32 $0xA2D0;
	s12 =	sadd.s32 s3, s8;
	[tilespmem:s20+$0xA2D0] =	vst v4  }
0x188: {  	[hbm4b:s12+s4] =	stream.linear.scatter [tilespmem:s13], [sflag:$0x12], $0x50, $0x38;
	[tilespmem:$0xA8C0] =	vst v63  }
0x189: {  	_ =	swait.ge [sflag:s30], $0x1400  }
0x18a: {  	[sflag:s30] =	ssyncset.done $0x0  }
0x18b: {  	[sflag:s30] =	ssyncadd.s32 $0xFFFFEC00  }
0x18c: {  	_ =	swait.ge [sflag:s18], $0x1400  }
0x18d: {  	[sflag:s18] =	ssyncset.done $0x0  }
0x18e: {  	s5 =	simm.s32 @!p0 $0x3;
	[sflag:s18] =	ssyncadd.s32 $0xFFFFEC00  }
0x18f: {  	_ =	swait.ge @!p0 [sflag:s5], $0x50  }
0x190: {  	[sflag:s5] =	ssyncset.done @!p0 $0x0  }
0x191: {  	[sflag:s5] =	ssyncadd.s32 @!p0 $0xFFFFFFB0;
	s5 =	simm.s32 @!p0 $0x4  }
0x192: {  	_ =	swait.ge @!p0 [sflag:s5], $0x50  }
0x193: {  	s8 =	simm.s32 @!p0 $0xA0;
	[sflag:s5] =	ssyncset.done @!p0 $0x0  }
0x194: {  	s12 =	simm.s32 @!p0 $0x2A80;
	[sflag:s5] =	ssyncadd.s32 @!p0 $0xFFFFFFB0;
	s5 =	simm.s32 @!p0 $0x50  }
0x195: {  	[tilespmem:s12], [sflag:$0xB] =	stream.indirect.gather @!p0 [hbm4b:s2+s5], $0x40, s8, s5, $0xb8;
	[tilespmem:$0xA8C0] =	vst v63  }
0x196: {  	s8 =	simm.s32 @!p0 $0xF0;
	s12 =	simm.s32 @!p0 $0x3E80  }
0x197: {  	[tilespmem:s12], [sflag:$0xC] =	stream.indirect.gather @!p0 [hbm4b:s2+s5], $0x40, s8, s5, $0xb8;
	[tilespmem:$0xA8C0] =	vst v63  }
0x198: {  	s5 =	rddreg [dreg:$0xf]  }
0x199: {  	s5 =	sadd.s32 @!p0 s24, s5  }
0x19a: {  	s5 =	sshrl.u32 @!p0 s5, $0x3  }
0x19b: {  	s13 =	simm.s32 @!p0 $0x140;
	s12 =	simm.s32 @!p0 $0x0;
	s8 =	sadd.s32 @!p0 s6, s5  }
0x19c: {  	[tilespmem:s13], [sflag:$0x5] =	stream.linear.gather @!p0 [hbm4b:s8+s12], $0x50, $0x38;
	[tilespmem:$0xA8C0] =	vst v63  }
0x19d: {  	s5 =	sadd.s32 @!p0 s7, s5;
	s8 =	simm.s32 @!p0 $0x190  }
0x19e: {  	[tilespmem:s8], [sflag:$0x6] =	stream.linear.gather @!p0 [hbm4b:s5+s12], $0x50, $0x38;
	[tilespmem:$0xA8C0] =	vst v63  }
0x19f: {  	_ =	swait.ge @p1 [sflag:s0], $0x50  }
0x1a0: {  	[sflag:s0] =	ssyncset.done @p1 $0x0  }
0x1a1: {  	s19 =	simm.s32 $0x0;
	[sflag:s0] =	ssyncadd.s32 @p1 $0xFFFFFFB0  }
0x1a2: {  	v4 =	vld [tilespmem:s19+$0x5280]  }
0x1a3: {  	v5 =	vld [tilespmem:s19+$0x6680]  }
0x1a4: {  	v6 =	vld [tilespmem:s19+$0x5290]  }
0x1a5: {  	v7 =	vld [tilespmem:s19+$0x6690]  }
0x1a6: {  	v8 =	vld [tilespmem:s19+$0x52B0]  }
0x1a7: {  	v9 =	vld [tilespmem:s19+$0x66B0]  }
0x1a8: {  	v10 =	vld [tilespmem:s19+$0x52A0]  }
0x1a9: {  	s20 =	simm.s32 $0x40;
	v11 =	vld [tilespmem:s19+$0x66A0]  }
0x1aa: {  	v14 =	vld [tilespmem:s20+$0x5280]  }
0x1ab: {  	v15 =	vld [tilespmem:s20+$0x6680];
	v12 =	vmul.f32 v5, v4;
	v13 =	vmul.f32 v7, v6;
	v4 =	vshll.u32 v4, $0x10  }
0x1ac: {  	v16 =	vld [tilespmem:s20+$0x5290];
	v5 =	vshll.u32 v5, $0x10;
	v6 =	vshll.u32 v6, $0x10;
	v7 =	vshll.u32 v7, $0x10  }
0x1ad: {  	v17 =	vld [tilespmem:s20+$0x6690];
	v4 =	vmul.f32 v5, v4;
	v6 =	vmul.f32 v7, v6  }
0x1ae: {  	v19 =	vld [tilespmem:s20+$0x52A0];
	v18 =	vshll.u32 v11, $0x10;
	v11 =	vmul.f32 v11, v10;
	v7 =	vshll.u32 v10, $0x10  }
0x1af: {  	v20 =	vld [tilespmem:s20+$0x66A0];
	v7 =	vmul.f32 v18, v7;
	v4 =	vadd.f32 v4, v12;
	v6 =	vadd.f32 v6, v13  }
0x1b0: {  	v5 =	vld [tilespmem:s20+$0x52B0];
	v12 =	vshll.u32 v8, $0x10;
	v13 =	vshll.u32 v9, $0x10;
	v9 =	vmul.f32 v9, v8  }
0x1b1: {  	s12 =	simm.s32 $0x80;
	v10 =	vld [tilespmem:s20+$0x66B0];
	v7 =	vadd.f32 v7, v11;
	v11 =	vmul.f32 v13, v12;
	v4 =	vadd.f32 v6, v4  }
0x1b2: {  	v8 =	vld [tilespmem:s12+$0x6680];
	v12 =	vmul.f32 v15, v14;
	v13 =	vmul.f32 v17, v16  }
0x1b3: {  	v14 =	vshll.u32 v14, $0x10;
	v6 =	vld [tilespmem:s12+$0x5280];
	v9 =	vadd.f32 v11, v9;
	v18 =	vadd.f32 v7, v4  }
0x1b4: {  	v16 =	vshll.u32 v16, $0x10;
	v17 =	vshll.u32 v17, $0x10;
	v11 =	vshll.u32 v15, $0x10;
	v4 =	vld [tilespmem:s12+$0x5290]  }
0x1b5: {  	v16 =	vmul.f32 v17, v16;
	v7 =	vld [tilespmem:s12+$0x6690];
	v15 =	vmul.f32 v11, v14;
	v11 =	vadd.f32 v9, v18  }
0x1b6: {  	s13 =	simm.s32 $0x300;
	s8 =	simm.s32 $0x0;
	s5 =	simm.s32 $0xA3C0;
	v17 =	vshll.u32 v19, $0x10;
	v14 =	vmul.f32 v20, v19;
	v9 =	vld [tilespmem:s12+$0x52B0];
	v18 =	vshll.u32 v20, $0x10  }
.LBB2_11:
0x1b7: {  	p2 =	sne.s32 s13, $0x4F00;
	v19 =	vld [tilespmem:s12+$0x66B0];
	v12 =	vadd.f32 v15, v12;
	v13 =	vadd.f32 v16, v13;
	v15 =	vmul.f32 v18, v17;
	[tilespmem:s5+$0x0] =	vst v11  }
0x1b8: {  	v11 =	vshll.u32 v5, $0x10;
	v16 =	vshll.u32 v10, $0x10;
	v22 =	vmul.f32 v10, v5;
	v10 =	vmovc v6;
	v20 =	vld [tilespmem:s12+$0x52A0];
	v17 =	vmovc v8  }
0x1b9: {  	v11 =	vmul.f32 v16, v11;
	v21 =	vld [tilespmem:s12+$0x66A0];
	s12 =	sshra.s32 s13, $0x2;
	v18 =	vadd.f32 v13, v12;
	v14 =	vadd.f32 v15, v14  }
.Ltmp4:
0x1ba: {  	v12 =	vmul.f32 v17, v10;
	v6 =	vld [tilespmem:s12+$0x5280];
	v13 =	vmul.f32 v7, v4;
	(pc) =	sbr.rel @p2 .LBB2_11-.Ltmp4, $4  }
0x1bb: {  	v15 =	vshll.u32 v10, $0x10;
	v11 =	vadd.f32 v11, v22;
	v8 =	vld [tilespmem:s12+$0x6680];
	v14 =	vadd.f32 v14, v18;
	v5 =	vmovc v9  }
0x1bc: {  	v16 =	vshll.u32 v4, $0x10;
	v9 =	vshll.u32 v17, $0x10;
	v17 =	vshll.u32 v7, $0x10;
	v4 =	vld [tilespmem:s12+$0x5290];
	v10 =	vmovc v19  }
0x1bd: {  	v15 =	vmul.f32 v9, v15;
	v16 =	vmul.f32 v17, v16;
	v7 =	vld [tilespmem:s12+$0x6690];
	v11 =	vadd.f32 v11, v14  }
0x1be: {  	s5 =	sadd.s32 $0x10, s5;
	s13 =	sadd.s32 $0x100, s13;
	v17 =	vshll.u32 v20, $0x10;
	v9 =	vld [tilespmem:s12+$0x52B0];
	v18 =	vshll.u32 v21, $0x10;
	v14 =	vmul.f32 v21, v20  }
0x1bf: {  	v12 =	vadd.f32 v15, v12;
	v13 =	vadd.f32 v16, v13;
	v15 =	vld [tilespmem:s12+$0x52A0]  }
0x1c0: {  	v16 =	vmul.f32 v18, v17;
	v17 =	vshll.u32 v5, $0x10;
	v18 =	vshll.u32 v10, $0x10;
	v19 =	vld [tilespmem:s12+$0x66A0]  }
0x1c1: {  	v5 =	vmul.f32 v10, v5;
	v10 =	vadd.f32 v13, v12;
	v12 =	vmul.f32 v18, v17  }
0x1c2: {  	v13 =	vld [tilespmem:s12+$0x66B0];
	v17 =	vmul.f32 v8, v6;
	v6 =	vshll.u32 v6, $0x10;
	v8 =	vshll.u32 v8, $0x10  }
0x1c3: {  	v18 =	vmul.f32 v7, v4;
	v4 =	vshll.u32 v4, $0x10;
	v7 =	vshll.u32 v7, $0x10  }
0x1c4: {  	v14 =	vadd.f32 v16, v14;
	v6 =	vmul.f32 v8, v6;
	v4 =	vmul.f32 v7, v4  }
0x1c5: {  	v7 =	vshll.u32 v15, $0x10;
	v8 =	vshll.u32 v19, $0x10;
	v15 =	vmul.f32 v19, v15  }
0x1c6: {  	v6 =	vadd.f32 v6, v17;
	v4 =	vadd.f32 v4, v18;
	v7 =	vmul.f32 v8, v7  }
0x1c7: {  	v8 =	vshll.u32 v9, $0x10;
	v16 =	vshll.u32 v13, $0x10;
	v9 =	vmul.f32 v13, v9  }
0x1c8: {  	v4 =	vadd.f32 v4, v6;
	v6 =	vadd.f32 v7, v15;
	v7 =	vmul.f32 v16, v8  }
0x1c9: {  	v5 =	vadd.f32 v12, v5;
	v8 =	vadd.f32 v14, v10  }
0x1ca: {  	v4 =	vadd.f32 v6, v4;
	v6 =	vadd.f32 v7, v9  }
0x1cb: {  	v5 =	vadd.f32 v5, v8  }
0x1cc: {  	[tilespmem:s5+$0x0] =	vst v11;
	s13 =	sadd.s32 $0x10, s5;
	v4 =	vadd.f32 v6, v4  }
0x1cd: {  	s5 =	sadd.s32 $0x10, s13;
	[tilespmem:s13+$0x0] =	vst v5  }
0x1ce: {  	s19 =	simm.s32 $0xA440;
	[tilespmem:s5+$0x0] =	vst v4  }
0x1cf: {  	v4 =	vld [tilespmem:s19+$0xFFFFFFE0]  }
0x1d0: {  	v5 =	vld [tilespmem:s19+$0x40]  }
0x1d1: {  	v6 =	vld [tilespmem:s19+$0x70]  }
0x1d2: {  	v7 =	vld [tilespmem:s19+$0x60]  }
0x1d3: {  	v8 =	vld [tilespmem:s19+$0x50]  }
0x1d4: {  	s20 =	simm.s32 $0xA540;
	v19 =	vld [tilespmem:s19+$0xFFFFFFB0]  }
0x1d5: {  	v25 =	vld [tilespmem:s20+$0x30]  }
0x1d6: {  	v9 =	vld [tilespmem:s19+$0x30]  }
0x1d7: {  	v11 =	vld [tilespmem:s19+$0xFFFFFF90]  }
0x1d8: {  	v10 =	vld [tilespmem:s19+$0x20];
	v13 =	vperm.xlane v4, v0;
	v15 =	vperm.xlane v7, v0  }
0x1d9: {  	v14 =	vld [tilespmem:s19+$0xFFFFFFD0];
	v16 =	vperm.xlane v6, v0;
	v18 =	vperm.xlane v5, v0  }
0x1da: {  	v12 =	vld [tilespmem:s19+$0xFFFFFFF0];
	v21 =	vperm.xlane v19, v0;
	v26 =	vperm.xlane v25, v0  }
0x1db: {  	v17 =	vld [tilespmem:s19+$0xFFFFFF80];
	v4 =	vadd.f32 v13, v4;
	v13 =	vperm.xlane v8, v0;
	v7 =	vadd.f32 v15, v7  }
0x1dc: {  	v6 =	vadd.f32 v16, v6;
	v5 =	vadd.f32 v18, v5;
	v18 =	vperm.xlane v11, v0  }
0x1dd: {  	v20 =	vld [tilespmem:s19+$0xFFFFFFA0];
	v15 =	vperm.xlane v10, v0;
	v16 =	vperm.xlane v9, v0;
	v8 =	vadd.f32 v13, v8  }
0x1de: {  	v6 =	vsel vm0, v7, v6;
	v7 =	vld [tilespmem:s19+$0xFFFFFFC0];
	v11 =	vadd.f32 v18, v11;
	v18 =	vperm.xlane v14, v0  }
0x1df: {  	v10 =	vadd.f32 v15, v10;
	v13 =	vld [tilespmem:s19+$0x0];
	v15 =	vperm.xlane v12, v0;
	v9 =	vadd.f32 v16, v9  }
0x1e0: {  	v5 =	vsel vm0, v5, v8;
	v8 =	vperm.xlane v17, v0;
	v14 =	vadd.f32 v18, v14  }
0x1e1: {  	v18 =	vperm.xlane v6, v1;
	v12 =	vadd.f32 v15, v12;
	v9 =	vsel vm0, v10, v9  }
0x1e2: {  	v28 =	vld [tilespmem:s20+$0xFFFFFFB0];
	v22 =	vperm.xlane v5, v1;
	v8 =	vadd.f32 v8, v17;
	v17 =	vadd.f32 v21, v19  }
0x1e3: {  	v19 =	vperm.xlane v20, v0;
	v21 =	vld [tilespmem:s19+$0x10];
	v6 =	vadd.f32 v18, v6;
	v12 =	vsel vm0, v4, v12  }
0x1e4: {  	v15 =	vld [tilespmem:s20+$0xFFFFFFE0];
	v23 =	vperm.xlane v7, v0;
	v16 =	vperm.xlane v13, v0;
	v5 =	vadd.f32 v22, v5  }
0x1e5: {  	v22 =	vld [tilespmem:s20+$0x50];
	v18 =	vadd.f32 v19, v20;
	v19 =	vperm.xlane v9, v1;
	v8 =	vsel vm0, v8, v11  }
0x1e6: {  	v10 =	vadd.f32 v23, v7;
	v7 =	vld [tilespmem:s20+$0x40];
	v5 =	vsel vm1, v5, v6;
	v13 =	vadd.f32 v16, v13  }
0x1e7: {  	v11 =	vld [tilespmem:s20+$0x70];
	v17 =	vsel vm0, v18, v17;
	v18 =	vperm.xlane v8, v1;
	v4 =	vperm.xlane v5, v2  }
0x1e8: {  	v6 =	vld [tilespmem:s20+$0x60];
	v19 =	vadd.f32 v19, v9;
	v20 =	vperm.xlane v17, v1;
	v23 =	vperm.xlane v21, v0  }
0x1e9: {  	v24 =	vperm.xlane v15, v0;
	v8 =	vadd.f32 v18, v8;
	v4 =	vadd.f32 v4, v5;
	v18 =	vld [tilespmem:s20+$0x20]  }
0x1ea: {  	v31 =	vperm.xlane v28, v0;
	v5 =	vld [tilespmem:s20+$0x0];
	v17 =	vadd.f32 v20, v17;
	v21 =	vadd.f32 v23, v21  }
0x1eb: {  	v10 =	vsel vm0, v10, v14;
	v23 =	vadd.f32 v24, v15;
	v15 =	vld [tilespmem:s20+$0xFFFFFF90];
	v20 =	vperm.xlane v7, v0  }
0x1ec: {  	v58 =	vperm.xlane v11, v0;
	v8 =	vsel vm1, v8, v17;
	v13 =	vsel vm0, v13, v21  }
0x1ed: {  	v16 =	vadd.f32 v20, v7;
	v7 =	vperm.xlane v6, v0;
	v17 =	vperm.xlane v8, v2  }
0x1ee: {  	v21 =	vld [tilespmem:s20+$0xFFFFFFF0];
	v11 =	vadd.f32 v58, v11;
	v20 =	vperm.xlane v22, v0;
	v14 =	vperm.xlane v13, v1  }
0x1ef: {  	v27 =	vadd.f32 v7, v6;
	v6 =	vadd.f32 v17, v8;
	v8 =	vld [tilespmem:s20+$0xFFFFFFD0];
	v17 =	vperm.xlane v18, v0  }
0x1f0: {  	v20 =	vadd.f32 v20, v22;
	v22 =	vld [tilespmem:s20+$0xFFFFFF80];
	v7 =	vperm.xlane v5, v0;
	v59 =	vperm.xlane v15, v0  }
0x1f1: {  	v60 =	vld [tilespmem:s20+$0xFFFFFFC0];
	v13 =	vadd.f32 v14, v13;
	v29 =	vadd.f32 v17, v18;
	v17 =	vperm.xlane v10, v1  }
0x1f2: {  	v18 =	vperm.xlane v12, v1;
	v14 =	vadd.f32 v59, v15;
	v20 =	vsel vm0, v16, v20  }
0x1f3: {  	v61 =	vperm.xlane v21, v0;
	v19 =	vsel vm1, v13, v19;
	v30 =	vperm.xlane v20, v1  }
0x1f4: {  	v15 =	vld [tilespmem:s20+$0xFFFFFFA0];
	v63 =	vperm.xlane v19, v2;
	v10 =	vadd.f32 v17, v10;
	v12 =	vadd.f32 v18, v12  }
0x1f5: {  	v11 =	vsel vm0, v27, v11;
	v16 =	vperm.xlane v8, v0;
	v17 =	vperm.xlane v22, v0  }
0x1f6: {  	v19 =	vadd.f32 v63, v19;
	v32 =	vsel vm1, v10, v12;
	v10 =	vperm.xlane v60, v0  }
0x1f7: {  	v12 =	vadd.f32 v26, v25;
	v9 =	vadd.f32 v16, v8;
	v8 =	vperm.xlane v11, v1  }
0x1f8: {  	v18 =	vadd.f32 v17, v22;
	v16 =	vadd.f32 v31, v28;
	v62 =	vperm.xlane v32, v2  }
0x1f9: {  	v22 =	vperm.xlane v15, v0;
	v17 =	vadd.f32 v8, v11;
	v11 =	vadd.f32 v61, v21  }
0x1fa: {  	v13 =	vadd.f32 v10, v60;
	v8 =	vsel vm0, v29, v12;
	v21 =	vadd.f32 v30, v20  }
0x1fb: {  	s12 =	simm.s32 $0x40;
	s13 =	simm.s32 $0x80;
	s5 =	simm.s32 $0xA640;
	v12 =	vld [tilespmem:s20+$0x10];
	v20 =	vadd.f32 v62, v32;
	v10 =	vperm.xlane v8, v1;
	v11 =	vsel vm0, v23, v11  }
.LBB2_13:
0x1fc: {  	v23 =	vld [tilespmem:s5+$0xFFFFFFE0];
	p2 =	sne.s32 s13, $0x100;
	v14 =	vsel vm0, v18, v14;
	v15 =	vadd.f32 v22, v15;
	v17 =	vsel vm1, v21, v17;
	s19 =	smov.u32 s13;
	s13 =	sadd.s32 $0x40, s13  }
0x1fd: {  	v18 =	vld [tilespmem:s5+$0x40];
	v21 =	vperm.xlane v17, v2;
	v6 =	vsel vm2, v6, v20;
	v19 =	vsel vm2, v19, v4  }
0x1fe: {  	v20 =	vld [tilespmem:s5+$0x70];
	v15 =	vsel vm0, v15, v16;
	v16 =	vperm.xlane v6, v3;
	v22 =	vperm.xlane v19, v3  }
0x1ff: {  	v25 =	vperm.xlane v14, v1;
	v24 =	vld [tilespmem:s5+$0x60];
	v26 =	vperm.xlane v15, v1;
	v4 =	vadd.f32 v21, v17  }
0x200: {  	v21 =	vperm.xlane v12, v0;
	v17 =	vld [tilespmem:s5+$0x50];
	v6 =	vadd.f32 v16, v6;
	v16 =	vadd.f32 v22, v19  }
0x201: {  	v14 =	vadd.f32 v25, v14;
	v19 =	vperm.xlane v23, v0;
	v22 =	vld [tilespmem:s5+$0x30];
	v15 =	vadd.f32 v26, v15  }
0x202: {  	s20 =	sshra.s32 s8, $0x2;
	s8 =	smov.u32 s12;
	s12 =	smov.u32 s19;
	v21 =	vadd.f32 v21, v12;
	v25 =	vld [tilespmem:s5+$0x20];
	v26 =	vperm.xlane v18, v0;
	v6 =	vsel vm3, v6, v16  }
0x203: {  	v7 =	vadd.f32 v7, v5;
	v19 =	vadd.f32 v19, v23;
	v14 =	vsel vm1, v14, v15;
	v5 =	vld [tilespmem:s5+$0x0];
	[tilespmem:s20+$0xA320] =	vst v6  }
0x204: {  	v15 =	vld [tilespmem:s5+$0xFFFFFF90];
	v16 =	vadd.f32 v26, v18;
	v6 =	vperm.xlane v24, v0;
	v18 =	vperm.xlane v14, v2  }
0x205: {  	v21 =	vsel vm0, v7, v21;
	v26 =	vperm.xlane v20, v0;
	v12 =	vld [tilespmem:s5+$0x10];
	v23 =	vperm.xlane v17, v0  }
0x206: {  	v27 =	vld [tilespmem:s5+$0xFFFFFFF0];
	v28 =	vperm.xlane v22, v0;
	v24 =	vadd.f32 v6, v24;
	v6 =	vadd.f32 v18, v14  }
0x207: {  	v20 =	vadd.f32 v26, v20;
	v18 =	vld [tilespmem:s5+$0xFFFFFFD0];
	v14 =	vperm.xlane v25, v0;
	v17 =	vadd.f32 v23, v17  }
0x208: {  	v9 =	vsel vm0, v13, v9;
	v13 =	vperm.xlane v21, v1;
	v23 =	vld [tilespmem:s5+$0xFFFFFF80];
	v7 =	vperm.xlane v5, v0  }
0x209: {  	v20 =	vsel vm0, v24, v20;
	v26 =	vperm.xlane v15, v0;
	v29 =	vld [tilespmem:s5+$0xFFFFFFB0];
	v25 =	vadd.f32 v14, v25  }
0x20a: {  	v30 =	vperm.xlane v11, v1;
	v13 =	vadd.f32 v13, v21;
	v24 =	vperm.xlane v9, v1  }
0x20b: {  	v31 =	vsel vm0, v16, v17;
	v14 =	vadd.f32 v26, v15;
	v21 =	vld [tilespmem:s5+$0xFFFFFFC0];
	v26 =	vperm.xlane v27, v0  }
0x20c: {  	v32 =	vperm.xlane v31, v1;
	v17 =	vadd.f32 v24, v9;
	v16 =	vperm.xlane v18, v0  }
0x20d: {  	v8 =	vadd.f32 v10, v8;
	v11 =	vadd.f32 v30, v11;
	v24 =	vperm.xlane v23, v0;
	v15 =	vld [tilespmem:s5+$0xFFFFFFA0]  }
0x20e: {  	v30 =	vperm.xlane v20, v1;
	v10 =	vperm.xlane v29, v0;
	v9 =	vadd.f32 v16, v18  }
0x20f: {  	v18 =	vadd.f32 v24, v23;
	v23 =	vsel vm1, v17, v11;
	v24 =	vsel vm1, v13, v8  }
.Ltmp5:
0x210: {  	v8 =	vadd.f32 v28, v22;
	v16 =	vadd.f32 v10, v29;
	v10 =	vperm.xlane v21, v0;
	(pc) =	sbr.rel @p2 .LBB2_13-.Ltmp5, $4  }
0x211: {  	v17 =	vadd.f32 v30, v20;
	v20 =	vperm.xlane v23, v2;
	v28 =	vperm.xlane v24, v2  }
0x212: {  	v11 =	vadd.f32 v26, v27;
	v8 =	vsel vm0, v25, v8;
	v22 =	vperm.xlane v15, v0  }
0x213: {  	v13 =	vadd.f32 v10, v21;
	v10 =	vperm.xlane v8, v1;
	v21 =	vadd.f32 v32, v31  }
0x214: {  	s5 =	sadd.s32 $0x100, s5;
	v11 =	vsel vm0, v19, v11;
	v20 =	vadd.f32 v20, v23;
	v19 =	vadd.f32 v28, v24  }
0x215: {  	v23 =	vperm.xlane v12, v0  }
0x216: {  	v15 =	vadd.f32 v22, v15;
	v14 =	vsel vm0, v18, v14  }
0x217: {  	v5 =	vadd.f32 v7, v5;
	v9 =	vsel vm0, v13, v9;
	v12 =	vadd.f32 v23, v12  }
0x218: {  	v8 =	vadd.f32 v10, v8;
	v7 =	vsel vm0, v15, v16;
	v15 =	vperm.xlane v14, v1  }
0x219: {  	v13 =	vperm.xlane v9, v1;
	v16 =	vperm.xlane v7, v1;
	v5 =	vsel vm0, v5, v12  }
0x21a: {  	v14 =	vadd.f32 v15, v14;
	v15 =	vperm.xlane v11, v1;
	v12 =	vperm.xlane v5, v1  }
0x21b: {  	v9 =	vadd.f32 v13, v9;
	v7 =	vadd.f32 v16, v7  }
0x21c: {  	v11 =	vadd.f32 v15, v11;
	v5 =	vadd.f32 v12, v5;
	v12 =	vsel vm1, v21, v17  }
0x21d: {  	v7 =	vsel vm1, v14, v7;
	v10 =	vperm.xlane v12, v2  }
0x21e: {  	v13 =	vperm.xlane v7, v2;
	v9 =	vsel vm1, v9, v11;
	v5 =	vsel vm1, v5, v8  }
0x21f: {  	v8 =	vperm.xlane v9, v2;
	v11 =	vperm.xlane v5, v2  }
0x220: {  	v10 =	vadd.f32 v10, v12;
	v7 =	vadd.f32 v13, v7  }
0x221: {  	v6 =	vsel vm2, v6, v20;
	v8 =	vadd.f32 v8, v9;
	v5 =	vadd.f32 v11, v5  }
0x222: {  	v4 =	vsel vm2, v19, v4;
	v9 =	vperm.xlane v6, v3  }
0x223: {  	v11 =	vperm.xlane v4, v3;
	v7 =	vsel vm2, v7, v8;
	v5 =	vsel vm2, v5, v10  }
0x224: {  	v8 =	vperm.xlane v7, v3;
	v10 =	vperm.xlane v5, v3  }
0x225: {  	v6 =	vadd.f32 v9, v6;
	v4 =	vadd.f32 v11, v4  }
0x226: {  	s19 =	rddreg [dreg:$0x7];
	v7 =	vadd.f32 v8, v7;
	v5 =	vadd.f32 v10, v5  }
0x227: {  	s5 =	sshra.s32 s8, $0x2;
	s8 =	sadd.s32 s24, s19;
	v4 =	vsel vm3, v6, v4  }
0x228: {  	s20 =	sshra.s32 s12, $0x2;
	s8 =	sshrl.u32 s8, $0x3;
	[tilespmem:s5+$0xA320] =	vst v4;
	v4 =	vsel vm3, v7, v5  }
0x229: {  	s13 =	simm.s32 $0xA320;
	s12 =	sadd.s32 s3, s8;
	[tilespmem:s20+$0xA320] =	vst v4  }
0x22a: {  	[hbm4b:s12+s4] =	stream.linear.scatter [tilespmem:s13], [sflag:$0x13], $0x50, $0x38;
	[tilespmem:$0xA8C0] =	vst v63  }
0x22b: {  	_ =	swait.ge [sflag:s11], $0x1400  }
0x22c: {  	[sflag:s11] =	ssyncset.done $0x0  }
0x22d: {  	[sflag:s11] =	ssyncadd.s32 $0xFFFFEC00  }
0x22e: {  	_ =	swait.ge [sflag:s23], $0x1400  }
0x22f: {  	[sflag:s23] =	ssyncset.done $0x0  }
0x230: {  	s5 =	simm.s32 @!p0 $0x5;
	[sflag:s23] =	ssyncadd.s32 $0xFFFFEC00  }
0x231: {  	_ =	swait.ge @!p0 [sflag:s5], $0x50  }
0x232: {  	[sflag:s5] =	ssyncset.done @!p0 $0x0  }
0x233: {  	[sflag:s5] =	ssyncadd.s32 @!p0 $0xFFFFFFB0;
	s5 =	simm.s32 @!p0 $0x6  }
0x234: {  	_ =	swait.ge @!p0 [sflag:s5], $0x50  }
0x235: {  	s8 =	simm.s32 @!p0 $0x140;
	[sflag:s5] =	ssyncset.done @!p0 $0x0  }
0x236: {  	s12 =	simm.s32 @!p0 $0x5280;
	[sflag:s5] =	ssyncadd.s32 @!p0 $0xFFFFFFB0;
	s5 =	simm.s32 @!p0 $0x50  }
0x237: {  	[tilespmem:s12], [sflag:$0xD] =	stream.indirect.gather @!p0 [hbm4b:s2+s5], $0x40, s8, s5, $0xb8;
	[tilespmem:$0xA8C0] =	vst v63  }
0x238: {  	s8 =	simm.s32 @!p0 $0x190;
	s12 =	simm.s32 @!p0 $0x6680  }
0x239: {  	[tilespmem:s12], [sflag:$0xE] =	stream.indirect.gather @!p0 [hbm4b:s2+s5], $0x40, s8, s5, $0xb8;
	[tilespmem:$0xA8C0] =	vst v63  }
0x23a: {  	s5 =	rddreg [dreg:$0x10]  }
0x23b: {  	s5 =	sadd.s32 @!p0 s24, s5  }
0x23c: {  	s5 =	sshrl.u32 @!p0 s5, $0x3  }
0x23d: {  	s13 =	simm.s32 @!p0 $0x1E0;
	s12 =	simm.s32 @!p0 $0x0;
	s8 =	sadd.s32 @!p0 s6, s5  }
0x23e: {  	[tilespmem:s13], [sflag:$0x7] =	stream.linear.gather @!p0 [hbm4b:s8+s12], $0x50, $0x38;
	[tilespmem:$0xA8C0] =	vst v63  }
0x23f: {  	s5 =	sadd.s32 @!p0 s7, s5;
	s8 =	simm.s32 @!p0 $0x230  }
0x240: {  	[tilespmem:s8], [sflag:$0x8] =	stream.linear.gather @!p0 [hbm4b:s5+s12], $0x50, $0x38;
	[tilespmem:$0xA8C0] =	vst v63  }
0x241: {  	_ =	swait.ge @p1 [sflag:s10], $0x50  }
0x242: {  	[sflag:s10] =	ssyncset.done @p1 $0x0  }
0x243: {  	s19 =	simm.s32 $0x0;
	[sflag:s10] =	ssyncadd.s32 @p1 $0xFFFFFFB0  }
0x244: {  	v4 =	vld [tilespmem:s19+$0x7A80]  }
0x245: {  	v5 =	vld [tilespmem:s19+$0x8E80]  }
0x246: {  	v6 =	vld [tilespmem:s19+$0x7A90]  }
0x247: {  	v7 =	vld [tilespmem:s19+$0x8E90]  }
0x248: {  	v8 =	vld [tilespmem:s19+$0x7AB0]  }
0x249: {  	v9 =	vld [tilespmem:s19+$0x8EB0]  }
0x24a: {  	v10 =	vld [tilespmem:s19+$0x7AA0]  }
0x24b: {  	s20 =	simm.s32 $0x40;
	v11 =	vld [tilespmem:s19+$0x8EA0]  }
0x24c: {  	v14 =	vld [tilespmem:s20+$0x7A80]  }
0x24d: {  	v15 =	vld [tilespmem:s20+$0x8E80];
	v12 =	vmul.f32 v5, v4;
	v13 =	vmul.f32 v7, v6;
	v4 =	vshll.u32 v4, $0x10  }
0x24e: {  	v16 =	vld [tilespmem:s20+$0x7A90];
	v5 =	vshll.u32 v5, $0x10;
	v6 =	vshll.u32 v6, $0x10;
	v7 =	vshll.u32 v7, $0x10  }
0x24f: {  	v17 =	vld [tilespmem:s20+$0x8E90];
	v4 =	vmul.f32 v5, v4;
	v6 =	vmul.f32 v7, v6  }
0x250: {  	v19 =	vld [tilespmem:s20+$0x7AA0];
	v18 =	vshll.u32 v11, $0x10;
	v11 =	vmul.f32 v11, v10;
	v7 =	vshll.u32 v10, $0x10  }
0x251: {  	v20 =	vld [tilespmem:s20+$0x8EA0];
	v7 =	vmul.f32 v18, v7;
	v4 =	vadd.f32 v4, v12;
	v6 =	vadd.f32 v6, v13  }
0x252: {  	v5 =	vld [tilespmem:s20+$0x7AB0];
	v12 =	vshll.u32 v8, $0x10;
	v13 =	vshll.u32 v9, $0x10;
	v9 =	vmul.f32 v9, v8  }
0x253: {  	s12 =	simm.s32 $0x80;
	v10 =	vld [tilespmem:s20+$0x8EB0];
	v7 =	vadd.f32 v7, v11;
	v11 =	vmul.f32 v13, v12;
	v4 =	vadd.f32 v6, v4  }
0x254: {  	v8 =	vld [tilespmem:s12+$0x8E80];
	v12 =	vmul.f32 v15, v14;
	v13 =	vmul.f32 v17, v16  }
0x255: {  	v14 =	vshll.u32 v14, $0x10;
	v6 =	vld [tilespmem:s12+$0x7A80];
	v9 =	vadd.f32 v11, v9;
	v18 =	vadd.f32 v7, v4  }
0x256: {  	v16 =	vshll.u32 v16, $0x10;
	v17 =	vshll.u32 v17, $0x10;
	v11 =	vshll.u32 v15, $0x10;
	v4 =	vld [tilespmem:s12+$0x7A90]  }
0x257: {  	v16 =	vmul.f32 v17, v16;
	v7 =	vld [tilespmem:s12+$0x8E90];
	v15 =	vmul.f32 v11, v14;
	v11 =	vadd.f32 v9, v18  }
0x258: {  	s13 =	simm.s32 $0x300;
	s8 =	simm.s32 $0x0;
	s5 =	simm.s32 $0xA3C0;
	v17 =	vshll.u32 v19, $0x10;
	v14 =	vmul.f32 v20, v19;
	v9 =	vld [tilespmem:s12+$0x7AB0];
	v18 =	vshll.u32 v20, $0x10  }
.LBB2_15:
0x259: {  	p0 =	sne.s32 s13, $0x4F00;
	v19 =	vld [tilespmem:s12+$0x8EB0];
	v12 =	vadd.f32 v15, v12;
	v13 =	vadd.f32 v16, v13;
	v15 =	vmul.f32 v18, v17;
	[tilespmem:s5+$0x0] =	vst v11  }
0x25a: {  	v11 =	vshll.u32 v5, $0x10;
	v16 =	vshll.u32 v10, $0x10;
	v22 =	vmul.f32 v10, v5;
	v10 =	vmovc v6;
	v20 =	vld [tilespmem:s12+$0x7AA0];
	v17 =	vmovc v8  }
0x25b: {  	v11 =	vmul.f32 v16, v11;
	v21 =	vld [tilespmem:s12+$0x8EA0];
	s12 =	sshra.s32 s13, $0x2;
	v18 =	vadd.f32 v13, v12;
	v14 =	vadd.f32 v15, v14  }
.Ltmp6:
0x25c: {  	v12 =	vmul.f32 v17, v10;
	v6 =	vld [tilespmem:s12+$0x7A80];
	v13 =	vmul.f32 v7, v4;
	(pc) =	sbr.rel @p0 .LBB2_15-.Ltmp6, $4  }
0x25d: {  	v15 =	vshll.u32 v10, $0x10;
	v11 =	vadd.f32 v11, v22;
	v8 =	vld [tilespmem:s12+$0x8E80];
	v14 =	vadd.f32 v14, v18;
	v5 =	vmovc v9  }
0x25e: {  	v16 =	vshll.u32 v4, $0x10;
	v9 =	vshll.u32 v17, $0x10;
	v17 =	vshll.u32 v7, $0x10;
	v4 =	vld [tilespmem:s12+$0x7A90];
	v10 =	vmovc v19  }
0x25f: {  	v15 =	vmul.f32 v9, v15;
	v16 =	vmul.f32 v17, v16;
	v7 =	vld [tilespmem:s12+$0x8E90];
	v11 =	vadd.f32 v11, v14  }
0x260: {  	s5 =	sadd.s32 $0x10, s5;
	s13 =	sadd.s32 $0x100, s13;
	v17 =	vshll.u32 v20, $0x10;
	v9 =	vld [tilespmem:s12+$0x7AB0];
	v18 =	vshll.u32 v21, $0x10;
	v14 =	vmul.f32 v21, v20  }
0x261: {  	v12 =	vadd.f32 v15, v12;
	v13 =	vadd.f32 v16, v13;
	v15 =	vld [tilespmem:s12+$0x7AA0]  }
0x262: {  	v16 =	vmul.f32 v18, v17;
	v17 =	vshll.u32 v5, $0x10;
	v18 =	vshll.u32 v10, $0x10;
	v19 =	vld [tilespmem:s12+$0x8EA0]  }
0x263: {  	v5 =	vmul.f32 v10, v5;
	v10 =	vadd.f32 v13, v12;
	v12 =	vmul.f32 v18, v17  }
0x264: {  	v13 =	vld [tilespmem:s12+$0x8EB0];
	v17 =	vmul.f32 v8, v6;
	v6 =	vshll.u32 v6, $0x10;
	v8 =	vshll.u32 v8, $0x10  }
0x265: {  	v18 =	vmul.f32 v7, v4;
	v4 =	vshll.u32 v4, $0x10;
	v7 =	vshll.u32 v7, $0x10  }
0x266: {  	v14 =	vadd.f32 v16, v14;
	v6 =	vmul.f32 v8, v6;
	v4 =	vmul.f32 v7, v4  }
0x267: {  	v7 =	vshll.u32 v15, $0x10;
	v8 =	vshll.u32 v19, $0x10;
	v15 =	vmul.f32 v19, v15  }
0x268: {  	v6 =	vadd.f32 v6, v17;
	v4 =	vadd.f32 v4, v18;
	v7 =	vmul.f32 v8, v7  }
0x269: {  	v8 =	vshll.u32 v9, $0x10;
	v16 =	vshll.u32 v13, $0x10;
	v9 =	vmul.f32 v13, v9  }
0x26a: {  	v4 =	vadd.f32 v4, v6;
	v6 =	vadd.f32 v7, v15;
	v7 =	vmul.f32 v16, v8  }
0x26b: {  	v5 =	vadd.f32 v12, v5;
	v8 =	vadd.f32 v14, v10  }
0x26c: {  	v4 =	vadd.f32 v6, v4;
	v6 =	vadd.f32 v7, v9  }
0x26d: {  	v5 =	vadd.f32 v5, v8  }
0x26e: {  	[tilespmem:s5+$0x0] =	vst v11;
	s13 =	sadd.s32 $0x10, s5;
	v4 =	vadd.f32 v6, v4  }
0x26f: {  	s5 =	sadd.s32 $0x10, s13;
	[tilespmem:s13+$0x0] =	vst v5  }
0x270: {  	s19 =	simm.s32 $0xA440;
	[tilespmem:s5+$0x0] =	vst v4  }
0x271: {  	v4 =	vld [tilespmem:s19+$0xFFFFFFE0]  }
0x272: {  	v5 =	vld [tilespmem:s19+$0x40]  }
0x273: {  	v6 =	vld [tilespmem:s19+$0x70]  }
0x274: {  	v7 =	vld [tilespmem:s19+$0x60]  }
0x275: {  	v8 =	vld [tilespmem:s19+$0x50]  }
0x276: {  	s20 =	simm.s32 $0xA540;
	v19 =	vld [tilespmem:s19+$0xFFFFFFB0]  }
0x277: {  	v25 =	vld [tilespmem:s20+$0x30]  }
0x278: {  	v9 =	vld [tilespmem:s19+$0x30]  }
0x279: {  	v11 =	vld [tilespmem:s19+$0xFFFFFF90]  }
0x27a: {  	v10 =	vld [tilespmem:s19+$0x20];
	v13 =	vperm.xlane v4, v0;
	v15 =	vperm.xlane v7, v0  }
0x27b: {  	v14 =	vld [tilespmem:s19+$0xFFFFFFD0];
	v16 =	vperm.xlane v6, v0;
	v18 =	vperm.xlane v5, v0  }
0x27c: {  	v12 =	vld [tilespmem:s19+$0xFFFFFFF0];
	v21 =	vperm.xlane v19, v0;
	v26 =	vperm.xlane v25, v0  }
0x27d: {  	v17 =	vld [tilespmem:s19+$0xFFFFFF80];
	v4 =	vadd.f32 v13, v4;
	v13 =	vperm.xlane v8, v0;
	v7 =	vadd.f32 v15, v7  }
0x27e: {  	v6 =	vadd.f32 v16, v6;
	v5 =	vadd.f32 v18, v5;
	v18 =	vperm.xlane v11, v0  }
0x27f: {  	v20 =	vld [tilespmem:s19+$0xFFFFFFA0];
	v15 =	vperm.xlane v10, v0;
	v16 =	vperm.xlane v9, v0;
	v8 =	vadd.f32 v13, v8  }
0x280: {  	v6 =	vsel vm0, v7, v6;
	v7 =	vld [tilespmem:s19+$0xFFFFFFC0];
	v11 =	vadd.f32 v18, v11;
	v18 =	vperm.xlane v14, v0  }
0x281: {  	v10 =	vadd.f32 v15, v10;
	v13 =	vld [tilespmem:s19+$0x0];
	v15 =	vperm.xlane v12, v0;
	v9 =	vadd.f32 v16, v9  }
0x282: {  	v5 =	vsel vm0, v5, v8;
	v8 =	vperm.xlane v17, v0;
	v14 =	vadd.f32 v18, v14  }
0x283: {  	v18 =	vperm.xlane v6, v1;
	v12 =	vadd.f32 v15, v12;
	v9 =	vsel vm0, v10, v9  }
0x284: {  	v28 =	vld [tilespmem:s20+$0xFFFFFFB0];
	v22 =	vperm.xlane v5, v1;
	v8 =	vadd.f32 v8, v17;
	v17 =	vadd.f32 v21, v19  }
0x285: {  	v19 =	vperm.xlane v20, v0;
	v21 =	vld [tilespmem:s19+$0x10];
	v6 =	vadd.f32 v18, v6;
	v12 =	vsel vm0, v4, v12  }
0x286: {  	v15 =	vld [tilespmem:s20+$0xFFFFFFE0];
	v23 =	vperm.xlane v7, v0;
	v16 =	vperm.xlane v13, v0;
	v5 =	vadd.f32 v22, v5  }
0x287: {  	v22 =	vld [tilespmem:s20+$0x50];
	v18 =	vadd.f32 v19, v20;
	v19 =	vperm.xlane v9, v1;
	v8 =	vsel vm0, v8, v11  }
0x288: {  	v10 =	vadd.f32 v23, v7;
	v7 =	vld [tilespmem:s20+$0x40];
	v5 =	vsel vm1, v5, v6;
	v13 =	vadd.f32 v16, v13  }
0x289: {  	v11 =	vld [tilespmem:s20+$0x70];
	v17 =	vsel vm0, v18, v17;
	v18 =	vperm.xlane v8, v1;
	v4 =	vperm.xlane v5, v2  }
0x28a: {  	v6 =	vld [tilespmem:s20+$0x60];
	v19 =	vadd.f32 v19, v9;
	v20 =	vperm.xlane v17, v1;
	v23 =	vperm.xlane v21, v0  }
0x28b: {  	v24 =	vperm.xlane v15, v0;
	v8 =	vadd.f32 v18, v8;
	v4 =	vadd.f32 v4, v5;
	v18 =	vld [tilespmem:s20+$0x20]  }
0x28c: {  	v31 =	vperm.xlane v28, v0;
	v5 =	vld [tilespmem:s20+$0x0];
	v17 =	vadd.f32 v20, v17;
	v21 =	vadd.f32 v23, v21  }
0x28d: {  	v10 =	vsel vm0, v10, v14;
	v23 =	vadd.f32 v24, v15;
	v15 =	vld [tilespmem:s20+$0xFFFFFF90];
	v20 =	vperm.xlane v7, v0  }
0x28e: {  	v58 =	vperm.xlane v11, v0;
	v8 =	vsel vm1, v8, v17;
	v13 =	vsel vm0, v13, v21  }
0x28f: {  	v16 =	vadd.f32 v20, v7;
	v7 =	vperm.xlane v6, v0;
	v17 =	vperm.xlane v8, v2  }
0x290: {  	v21 =	vld [tilespmem:s20+$0xFFFFFFF0];
	v11 =	vadd.f32 v58, v11;
	v20 =	vperm.xlane v22, v0;
	v14 =	vperm.xlane v13, v1  }
0x291: {  	v27 =	vadd.f32 v7, v6;
	v6 =	vadd.f32 v17, v8;
	v8 =	vld [tilespmem:s20+$0xFFFFFFD0];
	v17 =	vperm.xlane v18, v0  }
0x292: {  	v20 =	vadd.f32 v20, v22;
	v22 =	vld [tilespmem:s20+$0xFFFFFF80];
	v7 =	vperm.xlane v5, v0;
	v59 =	vperm.xlane v15, v0  }
0x293: {  	v60 =	vld [tilespmem:s20+$0xFFFFFFC0];
	v13 =	vadd.f32 v14, v13;
	v29 =	vadd.f32 v17, v18;
	v17 =	vperm.xlane v10, v1  }
0x294: {  	v18 =	vperm.xlane v12, v1;
	v14 =	vadd.f32 v59, v15;
	v20 =	vsel vm0, v16, v20  }
0x295: {  	v61 =	vperm.xlane v21, v0;
	v19 =	vsel vm1, v13, v19;
	v30 =	vperm.xlane v20, v1  }
0x296: {  	v15 =	vld [tilespmem:s20+$0xFFFFFFA0];
	v63 =	vperm.xlane v19, v2;
	v10 =	vadd.f32 v17, v10;
	v12 =	vadd.f32 v18, v12  }
0x297: {  	v11 =	vsel vm0, v27, v11;
	v16 =	vperm.xlane v8, v0;
	v17 =	vperm.xlane v22, v0  }
0x298: {  	v19 =	vadd.f32 v63, v19;
	v32 =	vsel vm1, v10, v12;
	v10 =	vperm.xlane v60, v0  }
0x299: {  	v12 =	vadd.f32 v26, v25;
	v9 =	vadd.f32 v16, v8;
	v8 =	vperm.xlane v11, v1  }
0x29a: {  	v18 =	vadd.f32 v17, v22;
	v16 =	vadd.f32 v31, v28;
	v62 =	vperm.xlane v32, v2  }
0x29b: {  	v22 =	vperm.xlane v15, v0;
	v17 =	vadd.f32 v8, v11;
	v11 =	vadd.f32 v61, v21  }
0x29c: {  	v13 =	vadd.f32 v10, v60;
	v8 =	vsel vm0, v29, v12;
	v21 =	vadd.f32 v30, v20  }
0x29d: {  	s12 =	simm.s32 $0x40;
	s13 =	simm.s32 $0x80;
	s5 =	simm.s32 $0xA640;
	v12 =	vld [tilespmem:s20+$0x10];
	v20 =	vadd.f32 v62, v32;
	v10 =	vperm.xlane v8, v1;
	v11 =	vsel vm0, v23, v11  }
.LBB2_17:
0x29e: {  	v23 =	vld [tilespmem:s5+$0xFFFFFFE0];
	p0 =	sne.s32 s13, $0x100;
	v14 =	vsel vm0, v18, v14;
	v15 =	vadd.f32 v22, v15;
	v17 =	vsel vm1, v21, v17;
	s19 =	smov.u32 s13;
	s13 =	sadd.s32 $0x40, s13  }
0x29f: {  	v18 =	vld [tilespmem:s5+$0x40];
	v21 =	vperm.xlane v17, v2;
	v6 =	vsel vm2, v6, v20;
	v19 =	vsel vm2, v19, v4  }
0x2a0: {  	v20 =	vld [tilespmem:s5+$0x70];
	v15 =	vsel vm0, v15, v16;
	v16 =	vperm.xlane v6, v3;
	v22 =	vperm.xlane v19, v3  }
0x2a1: {  	v25 =	vperm.xlane v14, v1;
	v24 =	vld [tilespmem:s5+$0x60];
	v26 =	vperm.xlane v15, v1;
	v4 =	vadd.f32 v21, v17  }
0x2a2: {  	v21 =	vperm.xlane v12, v0;
	v17 =	vld [tilespmem:s5+$0x50];
	v6 =	vadd.f32 v16, v6;
	v16 =	vadd.f32 v22, v19  }
0x2a3: {  	v14 =	vadd.f32 v25, v14;
	v19 =	vperm.xlane v23, v0;
	v22 =	vld [tilespmem:s5+$0x30];
	v15 =	vadd.f32 v26, v15  }
0x2a4: {  	s20 =	sshra.s32 s8, $0x2;
	s8 =	smov.u32 s12;
	s12 =	smov.u32 s19;
	v21 =	vadd.f32 v21, v12;
	v25 =	vld [tilespmem:s5+$0x20];
	v26 =	vperm.xlane v18, v0;
	v6 =	vsel vm3, v6, v16  }
0x2a5: {  	v7 =	vadd.f32 v7, v5;
	v19 =	vadd.f32 v19, v23;
	v14 =	vsel vm1, v14, v15;
	v5 =	vld [tilespmem:s5+$0x0];
	[tilespmem:s20+$0xA370] =	vst v6  }
0x2a6: {  	v15 =	vld [tilespmem:s5+$0xFFFFFF90];
	v16 =	vadd.f32 v26, v18;
	v6 =	vperm.xlane v24, v0;
	v18 =	vperm.xlane v14, v2  }
0x2a7: {  	v21 =	vsel vm0, v7, v21;
	v26 =	vperm.xlane v20, v0;
	v12 =	vld [tilespmem:s5+$0x10];
	v23 =	vperm.xlane v17, v0  }
0x2a8: {  	v27 =	vld [tilespmem:s5+$0xFFFFFFF0];
	v28 =	vperm.xlane v22, v0;
	v24 =	vadd.f32 v6, v24;
	v6 =	vadd.f32 v18, v14  }
0x2a9: {  	v20 =	vadd.f32 v26, v20;
	v18 =	vld [tilespmem:s5+$0xFFFFFFD0];
	v14 =	vperm.xlane v25, v0;
	v17 =	vadd.f32 v23, v17  }
0x2aa: {  	v9 =	vsel vm0, v13, v9;
	v13 =	vperm.xlane v21, v1;
	v23 =	vld [tilespmem:s5+$0xFFFFFF80];
	v7 =	vperm.xlane v5, v0  }
0x2ab: {  	v20 =	vsel vm0, v24, v20;
	v26 =	vperm.xlane v15, v0;
	v29 =	vld [tilespmem:s5+$0xFFFFFFB0];
	v25 =	vadd.f32 v14, v25  }
0x2ac: {  	v30 =	vperm.xlane v11, v1;
	v13 =	vadd.f32 v13, v21;
	v24 =	vperm.xlane v9, v1  }
0x2ad: {  	v31 =	vsel vm0, v16, v17;
	v14 =	vadd.f32 v26, v15;
	v21 =	vld [tilespmem:s5+$0xFFFFFFC0];
	v26 =	vperm.xlane v27, v0  }
0x2ae: {  	v32 =	vperm.xlane v31, v1;
	v17 =	vadd.f32 v24, v9;
	v16 =	vperm.xlane v18, v0  }
0x2af: {  	v8 =	vadd.f32 v10, v8;
	v11 =	vadd.f32 v30, v11;
	v24 =	vperm.xlane v23, v0;
	v15 =	vld [tilespmem:s5+$0xFFFFFFA0]  }
0x2b0: {  	v30 =	vperm.xlane v20, v1;
	v10 =	vperm.xlane v29, v0;
	v9 =	vadd.f32 v16, v18  }
0x2b1: {  	v18 =	vadd.f32 v24, v23;
	v23 =	vsel vm1, v17, v11;
	v24 =	vsel vm1, v13, v8  }
.Ltmp7:
0x2b2: {  	v8 =	vadd.f32 v28, v22;
	v16 =	vadd.f32 v10, v29;
	v10 =	vperm.xlane v21, v0;
	(pc) =	sbr.rel @p0 .LBB2_17-.Ltmp7, $4  }
0x2b3: {  	v17 =	vadd.f32 v30, v20;
	v20 =	vperm.xlane v23, v2;
	v28 =	vperm.xlane v24, v2  }
0x2b4: {  	v11 =	vadd.f32 v26, v27;
	v8 =	vsel vm0, v25, v8;
	v22 =	vperm.xlane v15, v0  }
0x2b5: {  	v13 =	vadd.f32 v10, v21;
	v10 =	vperm.xlane v8, v1;
	v21 =	vadd.f32 v32, v31  }
0x2b6: {  	s5 =	sadd.s32 $0x100, s5;
	v11 =	vsel vm0, v19, v11;
	v20 =	vadd.f32 v20, v23;
	v19 =	vadd.f32 v28, v24  }
0x2b7: {  	v23 =	vperm.xlane v12, v0  }
0x2b8: {  	v15 =	vadd.f32 v22, v15;
	v14 =	vsel vm0, v18, v14  }
0x2b9: {  	v5 =	vadd.f32 v7, v5;
	v9 =	vsel vm0, v13, v9;
	v12 =	vadd.f32 v23, v12  }
0x2ba: {  	v56 =	vperm.xlane v11, v1;
	v8 =	vadd.f32 v10, v8;
	v55 =	vperm.xlane v14, v1  }
0x2bb: {  	v13 =	vperm.xlane v9, v1;
	v54 =	vsel vm0, v15, v16;
	v5 =	vsel vm0, v5, v12  }
0x2bc: {  	v11 =	vadd.f32 v56, v11;
	v16 =	vperm.xlane v54, v1;
	v12 =	vperm.xlane v5, v1  }
0x2bd: {  	v14 =	vadd.f32 v55, v14;
	v9 =	vadd.f32 v13, v9  }
0x2be: {  	v57 =	vsel vm1, v21, v17;
	v7 =	vadd.f32 v16, v54;
	v5 =	vadd.f32 v12, v5  }
0x2bf: {  	v58 =	vperm.xlane v57, v2;
	v9 =	vsel vm1, v9, v11  }
0x2c0: {  	v60 =	vperm.xlane v9, v2;
	v7 =	vsel vm1, v14, v7;
	v5 =	vsel vm1, v5, v8  }
0x2c1: {  	v59 =	vperm.xlane v7, v2;
	v61 =	vperm.xlane v5, v2  }
0x2c2: {  	v10 =	vadd.f32 v58, v57;
	v8 =	vadd.f32 v60, v9  }
0x2c3: {  	v6 =	vsel vm2, v6, v20;
	v7 =	vadd.f32 v59, v7;
	v5 =	vadd.f32 v61, v5  }
0x2c4: {  	v4 =	vsel vm2, v19, v4;
	v62 =	vperm.xlane v6, v3  }
0x2c5: {  	v63 =	vperm.xlane v4, v3;
	v7 =	vsel vm2, v7, v8;
	v5 =	vsel vm2, v5, v10  }
0x2c6: {  	s26 =	sadd.s32 $0x1, s26;
	v8 =	vperm.xlane v7, v3;
	v10 =	vperm.xlane v5, v3  }
0x2c7: {  	p0 =	sne.s32 s26, $0x1F;
	v6 =	vadd.f32 v62, v6;
	v4 =	vadd.f32 v63, v4  }
.Ltmp8:
0x2c8: {  	v7 =	vadd.f32 v8, v7;
	v5 =	vadd.f32 v10, v5;
	(pc) =	sbr.rel @p0 .LBB2_2-.Ltmp8, $4  }
0x2c9: {  	s5 =	sshra.s32 s8, $0x2;
	s13 =	sadd.s32 s24, s22;
	v4 =	vsel vm3, v6, v4  }
0x2ca: {  	s19 =	sshra.s32 s12, $0x2;
	s8 =	sshrl.u32 s13, $0x3;
	[tilespmem:s5+$0xA370] =	vst v4;
	v4 =	vsel vm3, v7, v5  }
0x2cb: {  	s24 =	simm.s32 $0xA370;
	s20 =	sadd.s32 s3, s8;
	[tilespmem:s19+$0xA370] =	vst v4  }
0x2cc: {  	[hbm4b:s20+s4] =	stream.linear.scatter [tilespmem:s24], [sflag:$0x14], $0x50, $0x38;
	[tilespmem:$0xA8C0] =	vst v63  }
0x2cd: {  	_ =	swait.ge [sflag:s14], $0x1400  }
0x2ce: {  	[sflag:s14] =	ssyncset.done $0x0  }
0x2cf: {  	[sflag:s14] =	ssyncadd.s32 $0xFFFFEC00  }
0x2d0: {  	_ =	swait.ge [sflag:s15], $0x1400  }
0x2d1: {  	[sflag:s15] =	ssyncset.done $0x0  }
0x2d2: {  	s24 =	simm.s32 $0x11;
	[sflag:s15] =	ssyncadd.s32 $0xFFFFEC00  }
0x2d3: {  	_ =	swait.ge [sflag:s24], $0x50  }
0x2d4: {  	[sflag:s24] =	ssyncset.done $0x0  }
0x2d5: {  	s5 =	simm.s32 $0x0;
	[sflag:s24] =	ssyncadd.s32 $0xFFFFFFB0  }
0x2d6: {  	v4 =	vld [tilespmem:s5+$0x280]  }
0x2d7: {  	v5 =	vld [tilespmem:s5+$0x1680]  }
0x2d8: {  	v6 =	vld [tilespmem:s5+$0x290]  }
0x2d9: {  	v7 =	vld [tilespmem:s5+$0x1690]  }
0x2da: {  	v8 =	vld [tilespmem:s5+$0x2B0]  }
0x2db: {  	v9 =	vld [tilespmem:s5+$0x16B0]  }
0x2dc: {  	v10 =	vld [tilespmem:s5+$0x2A0]  }
0x2dd: {  	s8 =	simm.s32 $0x40;
	v11 =	vld [tilespmem:s5+$0x16A0]  }
0x2de: {  	v14 =	vld [tilespmem:s8+$0x280]  }
0x2df: {  	v15 =	vld [tilespmem:s8+$0x1680];
	v12 =	vmul.f32 v5, v4;
	v13 =	vmul.f32 v7, v6;
	v4 =	vshll.u32 v4, $0x10  }
0x2e0: {  	v16 =	vld [tilespmem:s8+$0x290];
	v5 =	vshll.u32 v5, $0x10;
	v6 =	vshll.u32 v6, $0x10;
	v7 =	vshll.u32 v7, $0x10  }
0x2e1: {  	v17 =	vld [tilespmem:s8+$0x1690];
	v4 =	vmul.f32 v5, v4;
	v6 =	vmul.f32 v7, v6  }
0x2e2: {  	v19 =	vld [tilespmem:s8+$0x2A0];
	v18 =	vshll.u32 v11, $0x10;
	v11 =	vmul.f32 v11, v10;
	v7 =	vshll.u32 v10, $0x10  }
0x2e3: {  	v20 =	vld [tilespmem:s8+$0x16A0];
	v7 =	vmul.f32 v18, v7;
	v4 =	vadd.f32 v4, v12;
	v6 =	vadd.f32 v6, v13  }
0x2e4: {  	v5 =	vld [tilespmem:s8+$0x2B0];
	v12 =	vshll.u32 v8, $0x10;
	v13 =	vshll.u32 v9, $0x10;
	v9 =	vmul.f32 v9, v8  }
0x2e5: {  	s12 =	simm.s32 $0x80;
	v10 =	vld [tilespmem:s8+$0x16B0];
	v7 =	vadd.f32 v7, v11;
	v11 =	vmul.f32 v13, v12;
	v4 =	vadd.f32 v6, v4  }
0x2e6: {  	v8 =	vld [tilespmem:s12+$0x1680];
	v12 =	vmul.f32 v15, v14;
	v13 =	vmul.f32 v17, v16  }
0x2e7: {  	v14 =	vshll.u32 v14, $0x10;
	v6 =	vld [tilespmem:s12+$0x280];
	v9 =	vadd.f32 v11, v9;
	v18 =	vadd.f32 v7, v4  }
0x2e8: {  	v16 =	vshll.u32 v16, $0x10;
	v17 =	vshll.u32 v17, $0x10;
	v11 =	vshll.u32 v15, $0x10;
	v4 =	vld [tilespmem:s12+$0x290]  }
0x2e9: {  	v16 =	vmul.f32 v17, v16;
	v7 =	vld [tilespmem:s12+$0x1690];
	v15 =	vmul.f32 v11, v14;
	v11 =	vadd.f32 v9, v18  }
0x2ea: {  	s13 =	simm.s32 $0x300;
	s5 =	simm.s32 $0xA3C0;
	s8 =	simm.s32 $0x0;
	v17 =	vshll.u32 v19, $0x10;
	v14 =	vmul.f32 v20, v19;
	v9 =	vld [tilespmem:s12+$0x2B0];
	v18 =	vshll.u32 v20, $0x10  }
.LBB2_20:
0x2eb: {  	p0 =	sne.s32 s13, $0x4F00;
	v19 =	vld [tilespmem:s12+$0x16B0];
	v12 =	vadd.f32 v15, v12;
	v13 =	vadd.f32 v16, v13;
	v15 =	vmul.f32 v18, v17;
	[tilespmem:s5+$0x0] =	vst v11  }
0x2ec: {  	v11 =	vshll.u32 v5, $0x10;
	v16 =	vshll.u32 v10, $0x10;
	v22 =	vmul.f32 v10, v5;
	v10 =	vmovc v6;
	v20 =	vld [tilespmem:s12+$0x2A0];
	v17 =	vmovc v8  }
0x2ed: {  	v11 =	vmul.f32 v16, v11;
	v21 =	vld [tilespmem:s12+$0x16A0];
	s12 =	sshra.s32 s13, $0x2;
	v18 =	vadd.f32 v13, v12;
	v14 =	vadd.f32 v15, v14  }
.Ltmp9:
0x2ee: {  	v12 =	vmul.f32 v17, v10;
	v6 =	vld [tilespmem:s12+$0x280];
	v13 =	vmul.f32 v7, v4;
	(pc) =	sbr.rel @p0 .LBB2_20-.Ltmp9, $4  }
0x2ef: {  	v15 =	vshll.u32 v10, $0x10;
	v11 =	vadd.f32 v11, v22;
	v8 =	vld [tilespmem:s12+$0x1680];
	v14 =	vadd.f32 v14, v18;
	v5 =	vmovc v9  }
0x2f0: {  	v16 =	vshll.u32 v4, $0x10;
	v9 =	vshll.u32 v17, $0x10;
	v17 =	vshll.u32 v7, $0x10;
	v4 =	vld [tilespmem:s12+$0x290];
	v10 =	vmovc v19  }
0x2f1: {  	v15 =	vmul.f32 v9, v15;
	v16 =	vmul.f32 v17, v16;
	v7 =	vld [tilespmem:s12+$0x1690];
	v11 =	vadd.f32 v11, v14  }
0x2f2: {  	s5 =	sadd.s32 $0x10, s5;
	s13 =	sadd.s32 $0x100, s13;
	v17 =	vshll.u32 v20, $0x10;
	v9 =	vld [tilespmem:s12+$0x2B0];
	v18 =	vshll.u32 v21, $0x10;
	v14 =	vmul.f32 v21, v20  }
0x2f3: {  	v12 =	vadd.f32 v15, v12;
	v13 =	vadd.f32 v16, v13;
	v15 =	vld [tilespmem:s12+$0x2A0]  }
0x2f4: {  	v16 =	vmul.f32 v18, v17;
	v17 =	vshll.u32 v5, $0x10;
	v18 =	vshll.u32 v10, $0x10;
	v19 =	vld [tilespmem:s12+$0x16A0]  }
0x2f5: {  	v5 =	vmul.f32 v10, v5;
	v10 =	vadd.f32 v13, v12;
	v12 =	vmul.f32 v18, v17  }
0x2f6: {  	v13 =	vld [tilespmem:s12+$0x16B0];
	v17 =	vmul.f32 v8, v6;
	v6 =	vshll.u32 v6, $0x10;
	v8 =	vshll.u32 v8, $0x10  }
0x2f7: {  	v18 =	vmul.f32 v7, v4;
	v4 =	vshll.u32 v4, $0x10;
	v7 =	vshll.u32 v7, $0x10  }
0x2f8: {  	v14 =	vadd.f32 v16, v14;
	v6 =	vmul.f32 v8, v6;
	v4 =	vmul.f32 v7, v4  }
0x2f9: {  	v7 =	vshll.u32 v15, $0x10;
	v8 =	vshll.u32 v19, $0x10;
	v15 =	vmul.f32 v19, v15  }
0x2fa: {  	v6 =	vadd.f32 v6, v17;
	v4 =	vadd.f32 v4, v18;
	v7 =	vmul.f32 v8, v7  }
0x2fb: {  	v8 =	vshll.u32 v9, $0x10;
	v16 =	vshll.u32 v13, $0x10;
	v9 =	vmul.f32 v13, v9  }
0x2fc: {  	v4 =	vadd.f32 v4, v6;
	v6 =	vadd.f32 v7, v15;
	v7 =	vmul.f32 v16, v8  }
0x2fd: {  	v5 =	vadd.f32 v12, v5;
	v8 =	vadd.f32 v14, v10  }
0x2fe: {  	v4 =	vadd.f32 v6, v4;
	v6 =	vadd.f32 v7, v9  }
0x2ff: {  	v5 =	vadd.f32 v5, v8  }
0x300: {  	[tilespmem:s5+$0x0] =	vst v11;
	s19 =	sadd.s32 $0x10, s5;
	v4 =	vadd.f32 v6, v4  }
0x301: {  	s5 =	sadd.s32 $0x10, s19;
	[tilespmem:s19+$0x0] =	vst v5  }
0x302: {  	s20 =	simm.s32 $0xA440;
	[tilespmem:s5+$0x0] =	vst v4  }
0x303: {  	v4 =	vld [tilespmem:s20+$0xFFFFFFE0]  }
0x304: {  	v5 =	vld [tilespmem:s20+$0x40]  }
0x305: {  	v6 =	vld [tilespmem:s20+$0x70]  }
0x306: {  	v7 =	vld [tilespmem:s20+$0x60]  }
0x307: {  	v8 =	vld [tilespmem:s20+$0x50]  }
0x308: {  	s26 =	simm.s32 $0xA540;
	v19 =	vld [tilespmem:s20+$0xFFFFFFB0]  }
0x309: {  	v25 =	vld [tilespmem:s26+$0x30]  }
0x30a: {  	v9 =	vld [tilespmem:s20+$0x30]  }
0x30b: {  	v11 =	vld [tilespmem:s20+$0xFFFFFF90]  }
0x30c: {  	v10 =	vld [tilespmem:s20+$0x20];
	v13 =	vperm.xlane v4, v0;
	v15 =	vperm.xlane v7, v0  }
0x30d: {  	v14 =	vld [tilespmem:s20+$0xFFFFFFD0];
	v16 =	vperm.xlane v6, v0;
	v18 =	vperm.xlane v5, v0  }
0x30e: {  	v12 =	vld [tilespmem:s20+$0xFFFFFFF0];
	v21 =	vperm.xlane v19, v0;
	v26 =	vperm.xlane v25, v0  }
0x30f: {  	v17 =	vld [tilespmem:s20+$0xFFFFFF80];
	v4 =	vadd.f32 v13, v4;
	v13 =	vperm.xlane v8, v0;
	v7 =	vadd.f32 v15, v7  }
0x310: {  	v6 =	vadd.f32 v16, v6;
	v5 =	vadd.f32 v18, v5;
	v18 =	vperm.xlane v11, v0  }
0x311: {  	v20 =	vld [tilespmem:s20+$0xFFFFFFA0];
	v15 =	vperm.xlane v10, v0;
	v16 =	vperm.xlane v9, v0;
	v8 =	vadd.f32 v13, v8  }
0x312: {  	v6 =	vsel vm0, v7, v6;
	v7 =	vld [tilespmem:s20+$0xFFFFFFC0];
	v11 =	vadd.f32 v18, v11;
	v18 =	vperm.xlane v14, v0  }
0x313: {  	v10 =	vadd.f32 v15, v10;
	v13 =	vld [tilespmem:s20+$0x0];
	v15 =	vperm.xlane v12, v0;
	v9 =	vadd.f32 v16, v9  }
0x314: {  	v5 =	vsel vm0, v5, v8;
	v8 =	vperm.xlane v17, v0;
	v14 =	vadd.f32 v18, v14  }
0x315: {  	v18 =	vperm.xlane v6, v1;
	v12 =	vadd.f32 v15, v12;
	v9 =	vsel vm0, v10, v9  }
0x316: {  	v28 =	vld [tilespmem:s26+$0xFFFFFFB0];
	v22 =	vperm.xlane v5, v1;
	v8 =	vadd.f32 v8, v17;
	v17 =	vadd.f32 v21, v19  }
0x317: {  	v19 =	vperm.xlane v20, v0;
	v21 =	vld [tilespmem:s20+$0x10];
	v6 =	vadd.f32 v18, v6;
	v12 =	vsel vm0, v4, v12  }
0x318: {  	v15 =	vld [tilespmem:s26+$0xFFFFFFE0];
	v23 =	vperm.xlane v7, v0;
	v16 =	vperm.xlane v13, v0;
	v5 =	vadd.f32 v22, v5  }
0x319: {  	v22 =	vld [tilespmem:s26+$0x50];
	v18 =	vadd.f32 v19, v20;
	v19 =	vperm.xlane v9, v1;
	v8 =	vsel vm0, v8, v11  }
0x31a: {  	v10 =	vadd.f32 v23, v7;
	v7 =	vld [tilespmem:s26+$0x40];
	v5 =	vsel vm1, v5, v6;
	v13 =	vadd.f32 v16, v13  }
0x31b: {  	v11 =	vld [tilespmem:s26+$0x70];
	v17 =	vsel vm0, v18, v17;
	v18 =	vperm.xlane v8, v1;
	v4 =	vperm.xlane v5, v2  }
0x31c: {  	v6 =	vld [tilespmem:s26+$0x60];
	v19 =	vadd.f32 v19, v9;
	v20 =	vperm.xlane v17, v1;
	v23 =	vperm.xlane v21, v0  }
0x31d: {  	v24 =	vperm.xlane v15, v0;
	v8 =	vadd.f32 v18, v8;
	v4 =	vadd.f32 v4, v5;
	v18 =	vld [tilespmem:s26+$0x20]  }
0x31e: {  	v31 =	vperm.xlane v28, v0;
	v5 =	vld [tilespmem:s26+$0x0];
	v17 =	vadd.f32 v20, v17;
	v21 =	vadd.f32 v23, v21  }
0x31f: {  	v10 =	vsel vm0, v10, v14;
	v23 =	vadd.f32 v24, v15;
	v15 =	vld [tilespmem:s26+$0xFFFFFF90];
	v20 =	vperm.xlane v7, v0  }
0x320: {  	v58 =	vperm.xlane v11, v0;
	v8 =	vsel vm1, v8, v17;
	v13 =	vsel vm0, v13, v21  }
0x321: {  	v16 =	vadd.f32 v20, v7;
	v7 =	vperm.xlane v6, v0;
	v17 =	vperm.xlane v8, v2  }
0x322: {  	v21 =	vld [tilespmem:s26+$0xFFFFFFF0];
	v11 =	vadd.f32 v58, v11;
	v20 =	vperm.xlane v22, v0;
	v14 =	vperm.xlane v13, v1  }
0x323: {  	v27 =	vadd.f32 v7, v6;
	v6 =	vadd.f32 v17, v8;
	v8 =	vld [tilespmem:s26+$0xFFFFFFD0];
	v17 =	vperm.xlane v18, v0  }
0x324: {  	v20 =	vadd.f32 v20, v22;
	v22 =	vld [tilespmem:s26+$0xFFFFFF80];
	v7 =	vperm.xlane v5, v0;
	v59 =	vperm.xlane v15, v0  }
0x325: {  	v60 =	vld [tilespmem:s26+$0xFFFFFFC0];
	v13 =	vadd.f32 v14, v13;
	v29 =	vadd.f32 v17, v18;
	v17 =	vperm.xlane v10, v1  }
0x326: {  	v18 =	vperm.xlane v12, v1;
	v14 =	vadd.f32 v59, v15;
	v20 =	vsel vm0, v16, v20  }
0x327: {  	v61 =	vperm.xlane v21, v0;
	v19 =	vsel vm1, v13, v19;
	v30 =	vperm.xlane v20, v1  }
0x328: {  	v15 =	vld [tilespmem:s26+$0xFFFFFFA0];
	v63 =	vperm.xlane v19, v2;
	v10 =	vadd.f32 v17, v10;
	v12 =	vadd.f32 v18, v12  }
0x329: {  	v11 =	vsel vm0, v27, v11;
	v16 =	vperm.xlane v8, v0;
	v17 =	vperm.xlane v22, v0  }
0x32a: {  	v19 =	vadd.f32 v63, v19;
	v32 =	vsel vm1, v10, v12;
	v10 =	vperm.xlane v60, v0  }
0x32b: {  	v12 =	vadd.f32 v26, v25;
	v9 =	vadd.f32 v16, v8;
	v8 =	vperm.xlane v11, v1  }
0x32c: {  	v18 =	vadd.f32 v17, v22;
	v16 =	vadd.f32 v31, v28;
	v62 =	vperm.xlane v32, v2  }
0x32d: {  	v22 =	vperm.xlane v15, v0;
	v17 =	vadd.f32 v8, v11;
	v11 =	vadd.f32 v61, v21  }
0x32e: {  	v13 =	vadd.f32 v10, v60;
	v8 =	vsel vm0, v29, v12;
	v21 =	vadd.f32 v30, v20  }
0x32f: {  	s13 =	simm.s32 $0x80;
	s12 =	simm.s32 $0x40;
	s5 =	simm.s32 $0xA640;
	v12 =	vld [tilespmem:s26+$0x10];
	v20 =	vadd.f32 v62, v32;
	v10 =	vperm.xlane v8, v1;
	v11 =	vsel vm0, v23, v11  }
.LBB2_22:
0x330: {  	v23 =	vld [tilespmem:s5+$0xFFFFFFE0];
	p0 =	sne.s32 s13, $0x100;
	v14 =	vsel vm0, v18, v14;
	v15 =	vadd.f32 v22, v15;
	v17 =	vsel vm1, v21, v17;
	s19 =	smov.u32 s13;
	s13 =	sadd.s32 $0x40, s13  }
0x331: {  	v18 =	vld [tilespmem:s5+$0x40];
	v21 =	vperm.xlane v17, v2;
	v6 =	vsel vm2, v6, v20;
	v19 =	vsel vm2, v19, v4  }
0x332: {  	v20 =	vld [tilespmem:s5+$0x70];
	v15 =	vsel vm0, v15, v16;
	v16 =	vperm.xlane v6, v3;
	v22 =	vperm.xlane v19, v3  }
0x333: {  	v25 =	vperm.xlane v14, v1;
	v24 =	vld [tilespmem:s5+$0x60];
	v26 =	vperm.xlane v15, v1;
	v4 =	vadd.f32 v21, v17  }
0x334: {  	v21 =	vperm.xlane v12, v0;
	v17 =	vld [tilespmem:s5+$0x50];
	v6 =	vadd.f32 v16, v6;
	v16 =	vadd.f32 v22, v19  }
0x335: {  	v14 =	vadd.f32 v25, v14;
	v19 =	vperm.xlane v23, v0;
	v22 =	vld [tilespmem:s5+$0x30];
	v15 =	vadd.f32 v26, v15  }
0x336: {  	s20 =	sshra.s32 s8, $0x2;
	s8 =	smov.u32 s12;
	s12 =	smov.u32 s19;
	v21 =	vadd.f32 v21, v12;
	v25 =	vld [tilespmem:s5+$0x20];
	v26 =	vperm.xlane v18, v0;
	v6 =	vsel vm3, v6, v16  }
0x337: {  	v7 =	vadd.f32 v7, v5;
	v19 =	vadd.f32 v19, v23;
	v14 =	vsel vm1, v14, v15;
	v5 =	vld [tilespmem:s5+$0x0];
	[tilespmem:s20+$0xA280] =	vst v6  }
0x338: {  	v15 =	vld [tilespmem:s5+$0xFFFFFF90];
	v16 =	vadd.f32 v26, v18;
	v6 =	vperm.xlane v24, v0;
	v18 =	vperm.xlane v14, v2  }
0x339: {  	v21 =	vsel vm0, v7, v21;
	v26 =	vperm.xlane v20, v0;
	v12 =	vld [tilespmem:s5+$0x10];
	v23 =	vperm.xlane v17, v0  }
0x33a: {  	v27 =	vld [tilespmem:s5+$0xFFFFFFF0];
	v28 =	vperm.xlane v22, v0;
	v24 =	vadd.f32 v6, v24;
	v6 =	vadd.f32 v18, v14  }
0x33b: {  	v20 =	vadd.f32 v26, v20;
	v18 =	vld [tilespmem:s5+$0xFFFFFFD0];
	v14 =	vperm.xlane v25, v0;
	v17 =	vadd.f32 v23, v17  }
0x33c: {  	v9 =	vsel vm0, v13, v9;
	v13 =	vperm.xlane v21, v1;
	v23 =	vld [tilespmem:s5+$0xFFFFFF80];
	v7 =	vperm.xlane v5, v0  }
0x33d: {  	v20 =	vsel vm0, v24, v20;
	v26 =	vperm.xlane v15, v0;
	v29 =	vld [tilespmem:s5+$0xFFFFFFB0];
	v25 =	vadd.f32 v14, v25  }
0x33e: {  	v30 =	vperm.xlane v11, v1;
	v13 =	vadd.f32 v13, v21;
	v24 =	vperm.xlane v9, v1  }
0x33f: {  	v31 =	vsel vm0, v16, v17;
	v14 =	vadd.f32 v26, v15;
	v21 =	vld [tilespmem:s5+$0xFFFFFFC0];
	v26 =	vperm.xlane v27, v0  }
0x340: {  	v32 =	vperm.xlane v31, v1;
	v17 =	vadd.f32 v24, v9;
	v16 =	vperm.xlane v18, v0  }
0x341: {  	v8 =	vadd.f32 v10, v8;
	v11 =	vadd.f32 v30, v11;
	v24 =	vperm.xlane v23, v0;
	v15 =	vld [tilespmem:s5+$0xFFFFFFA0]  }
0x342: {  	v30 =	vperm.xlane v20, v1;
	v10 =	vperm.xlane v29, v0;
	v9 =	vadd.f32 v16, v18  }
0x343: {  	v18 =	vadd.f32 v24, v23;
	v23 =	vsel vm1, v17, v11;
	v24 =	vsel vm1, v13, v8  }
.Ltmp10:
0x344: {  	v8 =	vadd.f32 v28, v22;
	v16 =	vadd.f32 v10, v29;
	v10 =	vperm.xlane v21, v0;
	(pc) =	sbr.rel @p0 .LBB2_22-.Ltmp10, $4  }
0x345: {  	v17 =	vadd.f32 v30, v20;
	v20 =	vperm.xlane v23, v2;
	v28 =	vperm.xlane v24, v2  }
0x346: {  	v11 =	vadd.f32 v26, v27;
	v8 =	vsel vm0, v25, v8;
	v22 =	vperm.xlane v15, v0  }
0x347: {  	v13 =	vadd.f32 v10, v21;
	v10 =	vperm.xlane v8, v1;
	v21 =	vadd.f32 v32, v31  }
0x348: {  	s5 =	sadd.s32 $0x100, s5;
	v11 =	vsel vm0, v19, v11;
	v20 =	vadd.f32 v20, v23;
	v19 =	vadd.f32 v28, v24  }
0x349: {  	v23 =	vperm.xlane v12, v0  }
0x34a: {  	v15 =	vadd.f32 v22, v15;
	v14 =	vsel vm0, v18, v14  }
0x34b: {  	v5 =	vadd.f32 v7, v5;
	v9 =	vsel vm0, v13, v9;
	v12 =	vadd.f32 v23, v12  }
0x34c: {  	v56 =	vperm.xlane v11, v1;
	v8 =	vadd.f32 v10, v8;
	v55 =	vperm.xlane v14, v1  }
0x34d: {  	v13 =	vperm.xlane v9, v1;
	v54 =	vsel vm0, v15, v16;
	v5 =	vsel vm0, v5, v12  }
0x34e: {  	v11 =	vadd.f32 v56, v11;
	v16 =	vperm.xlane v54, v1;
	v12 =	vperm.xlane v5, v1  }
0x34f: {  	v14 =	vadd.f32 v55, v14;
	v9 =	vadd.f32 v13, v9  }
0x350: {  	v57 =	vsel vm1, v21, v17;
	v7 =	vadd.f32 v16, v54;
	v5 =	vadd.f32 v12, v5  }
0x351: {  	v58 =	vperm.xlane v57, v2;
	v9 =	vsel vm1, v9, v11  }
0x352: {  	v60 =	vperm.xlane v9, v2;
	v7 =	vsel vm1, v14, v7;
	v5 =	vsel vm1, v5, v8  }
0x353: {  	v59 =	vperm.xlane v7, v2;
	v61 =	vperm.xlane v5, v2  }
0x354: {  	v10 =	vadd.f32 v58, v57;
	v8 =	vadd.f32 v60, v9  }
0x355: {  	v6 =	vsel vm2, v6, v20;
	v7 =	vadd.f32 v59, v7;
	v5 =	vadd.f32 v61, v5  }
0x356: {  	v4 =	vsel vm2, v19, v4;
	v62 =	vperm.xlane v6, v3  }
0x357: {  	v63 =	vperm.xlane v4, v3;
	v7 =	vsel vm2, v7, v8;
	v5 =	vsel vm2, v5, v10  }
0x358: {  	v8 =	vperm.xlane v7, v3;
	v10 =	vperm.xlane v5, v3  }
0x359: {  	v6 =	vadd.f32 v62, v6;
	v4 =	vadd.f32 v63, v4  }
0x35a: {  	v7 =	vadd.f32 v8, v7;
	v5 =	vadd.f32 v10, v5  }
0x35b: {  	s5 =	sshra.s32 s8, $0x2;
	v4 =	vsel vm3, v6, v4  }
0x35c: {  	s13 =	sshra.s32 s12, $0x2;
	[tilespmem:s5+$0xA280] =	vst v4;
	v4 =	vsel vm3, v7, v5  }
0x35d: {  	[tilespmem:s13+$0xA280] =	vst v4  }
0x35e: {  	s19 =	simm.s32 $0xA280;
	s5 =	rddreg [dreg:$0x11]  }
0x35f: {  	[hbm4b:s5+s4] =	stream.linear.scatter [tilespmem:s19], [sflag:$0x11], $0x50, $0x38;
	[tilespmem:$0xA8C0] =	vst v63  }
0x360: {  	_ =	swait.ge [sflag:s31], $0x50  }
0x361: {  	[sflag:s31] =	ssyncset.done $0x0  }
0x362: {  	[sflag:s31] =	ssyncadd.s32 $0xFFFFFFB0  }
0x363: {  	_ =	swait.ge [sflag:s0], $0x50  }
0x364: {  	[sflag:s0] =	ssyncset.done $0x0  }
0x365: {  	[sflag:s0] =	ssyncadd.s32 $0xFFFFFFB0  }
0x366: {  	_ =	swait.ge [sflag:s10], $0x50  }
0x367: {  	[sflag:s10] =	ssyncset.done $0x0  }
0x368: {  	[sflag:s10] =	ssyncadd.s32 $0xFFFFFFB0  }
0x369: {  	_ =	swait.ge [sflag:s24], $0x50  }
0x36a: {  	s20 =	rddreg [dreg:$0x13]  }
0x36b: {  	s26 =	rddreg [dreg:$0x12];
	s8 =	sadd.s32 $0x1, s20  }
0x36c: {  	p0 =	sne.s32 s8, s26  }
.Ltmp11:
0x36d: {  	_ = 	snop;
	(pc) =	sbr.rel @p0 .LBB2_1-.Ltmp11, $3  }
0x36e: {  	_ =	sdelay $0x1  }
0x36f: {  	[sflag:s24] =	ssyncset.done $0x0  }
0x370: {  	[sflag:s24] =	ssyncadd.s32 $0xFFFFFFB0  }
0x371: {  	_ =	sfence.sel $0x180000  }
0x372: {  	[bflag:$0x0] =	sbarrier.arrive $0xFFFF  }
0x373: {  	_ =	strace $0x90000047  }
0x374: {  	s0 =	stileid.u32;
	[bflag:$0x2] =	sbarrier.arrive $0xFFFF  }
0x375: {  	p0 =	sne.s32 s0, $0x0;
	s0 =	rddreg [dreg:$0x2]  }
0x376: {  	s0 =	sadd.s32 @!p0 $0x100000, s0  }
0x377: {  	[sflag:s0] =	ssyncadd.tile.s32 @!p0 $0x1;
	_ =	shalt  }
.Lfunc_end2:
_tile_overlayer_lowered:
.L_overlay_start_2:
0x378: {  	(tag) =	ssettag $0x2  }
0x379: {  	s0 =	rddreg [dreg:$0x0];
	s2 =	stileid.u32  }
0x37a: {  	s1 =	rddreg [dreg:$0x1];
	p0 =	sne.s32 s2, $0x0  }
0x37b: {  	s3 =	rddreg [dreg:$0x2];
	[bflag:$0x3] =	sbarrier.arrive $0xFFFF;
	s2 =	simm.s32 @!p0 $0x1C15  }
0x37c: {  	[timem:s3], [sflag:s2] =	dma.local @!p0 [hbm:s0], s1  }
0x37d: {  	s0 =	simm.s32 @!p0 $0x15  }
0x37e: {  	_ =	swait.ge @!p0 [sflag:s0], s1  }
0x37f: {  	s1 =	ssub.s32 @!p0 $0x0, s1;
	[sflag:s0] =	ssyncset.done @!p0 $0x0  }
0x380: {  	[sflag:s0] =	ssyncadd.s32 @!p0 s1  }
0x381: {  	[bflag:$0x3] =	sbarrier.arrive $0xFFFF  }
0x382: {  	_ =	shalt  }

</sc_bundles>
